<compile_context>
chip_gen: v7x
topology: tpu7x:2x2x1
jax: 0.10.2.dev20260603
libtpu: 0.0.44.dev20260713+nightly
codegen_flags: <defaults>
</compile_context>

<pallas_src>
import functools

import jax
import jax.numpy as jnp
from jax import lax
from jax.experimental import pallas as pl
from jax.experimental.pallas import tpu as pltpu
from jax.experimental.pallas import tpu_sc as plsc

N = 10000
E = 320000
H = 128
HH = H // 2
INV = float(1.0 / (1.0 + 1e-5) ** 0.5)

NC = 2
NS = 16
NW = NC * NS
EPW = E // NW
BC = 40
NBLK = EPW // BC
NPAD = 10240
RPT = NPAD // NS

BE = 2000
BN = 1000

_mesh = plsc.VectorSubcoreMesh(core_axis_name="c", subcore_axis_name="s")



def _edge_dense_body(erp_ref, m0_ref, v0_ref, g0_ref, be0_ref, cw1_ref,
                     m1_ref, w1_ref, sig_ref, ce_ref):
    er = erp_ref[...]
    z = jnp.dot(er, m0_ref[...], preferred_element_type=jnp.float32) + v0_ref[...]
    sig_ref[...] = 1.0 / (1.0 + jnp.exp(-z))
    t = jnp.maximum(g0_ref[...] * z + be0_ref[...], 0.0)
    ce_ref[...] = (jnp.dot(t, cw1_ref[...], preferred_element_type=jnp.float32)
                   + jnp.dot(er, m1_ref[...], preferred_element_type=jnp.float32)
                   + w1_ref[...])


def _edge_dense(erp, m0, v0, g0, be0, cw1, m1, w1):
    nblk = E // BE
    full = lambda shape: pl.BlockSpec(shape, lambda i: (0, 0))
    return pl.pallas_call(
        _edge_dense_body,
        grid=(nblk,),
        in_specs=[
            pl.BlockSpec((BE, 8), lambda i: (i, 0)),
            full((8, H)), full((1, H)), full((1, H)), full((1, H)),
            full((H, H)), full((8, H)), full((1, H)),
        ],
        out_specs=[
            pl.BlockSpec((BE, H), lambda i: (i, 0)),
            pl.BlockSpec((BE, H), lambda i: (i, 0)),
        ],
        out_shape=[
            jax.ShapeDtypeStruct((E, H), jnp.float32),
            jax.ShapeDtypeStruct((E, H), jnp.float32),
        ],
    )(erp, m0, v0, g0, be0, cw1, m1, w1)


def _node_dense_body(dp_ref, sv_ref, a0_ref, b0_ref, g0_ref, bx0_ref,
                     aw_ref, ab_ref, bw_ref, bb_ref, dw_ref, db_ref,
                     ew_ref, eb_ref,
                     x1_ref, ax_ref, dx_ref, eba_ref, ebb_ref):
    den = dp_ref[0] + dp_ref[1]
    r = den / (den + 1e-6)
    x1 = sv_ref[...] + jnp.maximum(
        g0_ref[...] * (a0_ref[...] + b0_ref[...] * r) + bx0_ref[...], 0.0)
    x1_ref[...] = x1
    ax_ref[...] = jnp.dot(x1, aw_ref[...], preferred_element_type=jnp.float32) + ab_ref[...]
    dx_ref[...] = jnp.dot(x1, dw_ref[...], preferred_element_type=jnp.float32) + db_ref[...]
    ex = jnp.dot(x1, ew_ref[...], preferred_element_type=jnp.float32) + eb_ref[...]
    b = jnp.dot(x1, bw_ref[...], preferred_element_type=jnp.float32) + bb_ref[...]
    eba_ref[...] = jnp.concatenate([ex[:, :HH], b[:, :HH]], axis=-1)
    ebb_ref[...] = jnp.concatenate([ex[:, HH:], b[:, HH:]], axis=-1)


def _node_dense(dparts, svec, a0, b0, g0, bx0, aw, ab, bw, bb, dw, db, ew, eb):
    nblk = N // BN
    full = lambda shape: pl.BlockSpec(shape, lambda i: (0, 0))
    outs = [jax.ShapeDtypeStruct((N, H), jnp.float32),
            jax.ShapeDtypeStruct((N, H), jnp.float32),
            jax.ShapeDtypeStruct((NPAD, H), jnp.float32),
            jax.ShapeDtypeStruct((NPAD, H), jnp.float32),
            jax.ShapeDtypeStruct((NPAD, H), jnp.float32)]
    return pl.pallas_call(
        _node_dense_body,
        grid=(nblk,),
        in_specs=[
            pl.BlockSpec((2, BN, H), lambda i: (0, i, 0)),
            full((1, H)), full((1, H)), full((1, H)), full((1, H)), full((1, H)),
            full((H, H)), full((1, H)), full((H, H)), full((1, H)),
            full((H, H)), full((1, H)), full((H, H)), full((1, H)),
        ],
        out_specs=[pl.BlockSpec((BN, H), lambda i: (i, 0))] * 5,
        out_shape=outs,
    )(dparts, svec, a0, b0, g0, bx0, aw, ab, bw, bb, dw, db, ew, eb)


def _final_body(x1_ref, ax_ref, nda_ref, ndb_ref, g1_ref,
                bx1_ref, out_ref):
    num = jnp.concatenate([nda_ref[0, :, :HH] + nda_ref[1, :, :HH],
                           ndb_ref[0, :, :HH] + ndb_ref[1, :, :HH]], axis=-1)
    den = jnp.concatenate([nda_ref[0, :, HH:] + nda_ref[1, :, HH:],
                           ndb_ref[0, :, HH:] + ndb_ref[1, :, HH:]], axis=-1)
    out_ref[...] = x1_ref[...] + jnp.maximum(
        g1_ref[...] * (ax_ref[...] + num / (den + 1e-6)) + bx1_ref[...], 0.0)


def _final(x1, ax, nda, ndb, g1, bx1):
    nblk = N // BN
    full = lambda shape: pl.BlockSpec(shape, lambda i: (0, 0))
    comb = pl.BlockSpec((2, BN, H), lambda i: (0, i, 0))
    return pl.pallas_call(
        _final_body,
        grid=(nblk,),
        in_specs=[
            pl.BlockSpec((BN, H), lambda i: (i, 0)),
            pl.BlockSpec((BN, H), lambda i: (i, 0)),
            comb, comb,
            full((1, H)), full((1, H)),
        ],
        out_specs=pl.BlockSpec((BN, H), lambda i: (i, 0)),
        out_shape=jax.ShapeDtypeStruct((N, H), jnp.float32),
    )(x1, ax, nda, ndb, g1, bx1)



@functools.partial(
    pl.kernel,
    out_type=jax.ShapeDtypeStruct((NC, NPAD, H), jnp.float32),
    mesh=_mesh,
    scratch_types=[
        pltpu.MemorySpace.VMEM((BC,), jnp.int32),
        pltpu.MemorySpace.VMEM((2, BC, H), jnp.float32),
        pltpu.MemorySpace.VMEM_SHARED((NPAD, H), jnp.float32),
        pltpu.SemaphoreType.DMA,
        pltpu.SemaphoreType.DMA,
    ],
)
def _den0_sc(dst_hbm, sig_hbm, zero_hbm, out_hbm, idx_v, rows2, acc, sem0, sem1):
    cid = lax.axis_index("c")
    sid = lax.axis_index("s")
    wid = sid * NC + cid
    r0 = pl.multiple_of(sid * RPT, 8)
    pltpu.sync_copy(zero_hbm.at[pl.ds(r0, RPT)], acc.at[pl.ds(r0, RPT)])
    plsc.subcore_barrier()

    e0 = pl.multiple_of(wid * EPW, 8)
    pltpu.async_copy(sig_hbm.at[pl.ds(e0, BC)], rows2.at[0], sem0)

    def body(j, carry):
        p = j % 2
        base = pl.multiple_of(wid * EPW + j * BC, 8)
        nb = pl.multiple_of(wid * EPW + (j + 1) * BC, 8)
        for pp, sem, nsem in ((0, sem0, sem1), (1, sem1, sem0)):
            @pl.when(p == pp)
            def _stage():
                pltpu.make_async_copy(sig_hbm.at[pl.ds(0, BC)], rows2.at[pp], sem).wait()

                @pl.when(j + 1 < NBLK)
                def _prefetch():
                    pltpu.async_copy(sig_hbm.at[pl.ds(nb, BC)], rows2.at[1 - pp], nsem)

        pltpu.sync_copy(dst_hbm.at[pl.ds(base, BC)], idx_v)
        pltpu.sync_copy(rows2.at[p], acc.at[idx_v], add=True)
        return carry

    lax.fori_loop(0, NBLK, body, 0)
    plsc.subcore_barrier()
    pltpu.sync_copy(acc.at[pl.ds(r0, RPT)], out_hbm.at[cid, pl.ds(r0, RPT)])


def _make_agg(h):
    @functools.partial(
        pl.kernel,
        out_type=jax.ShapeDtypeStruct((NC, NPAD, H), jnp.float32),
        mesh=_mesh,
        scratch_types=[
            pltpu.MemorySpace.VMEM((2, BC), jnp.int32),
            pltpu.MemorySpace.VMEM((2, BC), jnp.int32),
            pltpu.MemorySpace.VMEM((BC,), jnp.int32),
            pltpu.MemorySpace.VMEM((2, BC, H), jnp.float32),
            pltpu.MemorySpace.VMEM((2, BC, H), jnp.float32),
            pltpu.MemorySpace.VMEM((2, BC, H), jnp.float32),
            pltpu.MemorySpace.VMEM((BC, H), jnp.float32),
            pltpu.MemorySpace.VMEM_SHARED((NPAD, H), jnp.float32),
            pltpu.SemaphoreType.DMA,
            pltpu.SemaphoreType.DMA,
        ],
    )
    def _agg_sc(src_hbm, dst_hbm, ce_hbm, d_hbm, eb_hbm, zero_hbm, nd_hbm,
                idxg_s, idxg_d, idx_scat, drows2, ebrows2, cerows2, psbuf,
                acc, sem0, sem1):
        cid = lax.axis_index("c")
        sid = lax.axis_index("s")
        wid = sid * NC + cid
        r0 = pl.multiple_of(sid * RPT, 8)
        pltpu.sync_copy(zero_hbm.at[pl.ds(r0, RPT)], acc.at[pl.ds(r0, RPT)])
        plsc.subcore_barrier()

        e0 = pl.multiple_of(wid * EPW, 8)
        pltpu.sync_copy(src_hbm.at[pl.ds(e0, BC)], idxg_s.at[0])
        pltpu.sync_copy(dst_hbm.at[pl.ds(e0, BC)], idxg_d.at[0])
        pltpu.async_copy(d_hbm.at[idxg_d.at[0]], drows2.at[0], sem0)
        pltpu.async_copy(eb_hbm.at[idxg_s.at[0]], ebrows2.at[0], sem0)
        pltpu.async_copy(ce_hbm.at[pl.ds(e0, BC)], cerows2.at[0], sem0)

        def body(j, carry):
            p = j % 2
            base = pl.multiple_of(wid * EPW + j * BC, 8)
            nb = pl.multiple_of(wid * EPW + (j + 1) * BC, 8)
            for pp, sem, nsem in ((0, sem0, sem1), (1, sem1, sem0)):
                @pl.when(p == pp)
                def _stage():
                    pltpu.make_async_copy(d_hbm.at[pl.ds(0, BC)], drows2.at[pp], sem).wait()
                    pltpu.make_async_copy(eb_hbm.at[pl.ds(0, BC)], ebrows2.at[pp], sem).wait()
                    pltpu.make_async_copy(ce_hbm.at[pl.ds(0, BC)], cerows2.at[pp], sem).wait()

                    @pl.when(j + 1 < NBLK)
                    def _prefetch():
                        pltpu.sync_copy(src_hbm.at[pl.ds(nb, BC)], idxg_s.at[1 - pp])
                        pltpu.sync_copy(dst_hbm.at[pl.ds(nb, BC)], idxg_d.at[1 - pp])
                        pltpu.async_copy(d_hbm.at[idxg_d.at[1 - pp]], drows2.at[1 - pp], nsem)
                        pltpu.async_copy(eb_hbm.at[idxg_s.at[1 - pp]], ebrows2.at[1 - pp], nsem)
                        pltpu.async_copy(ce_hbm.at[pl.ds(nb, BC)], cerows2.at[1 - pp], nsem)

                    def edge(i, ecarry):
                        for c in range(HH // 16):
                            hsl = pl.ds(h * HH + c * 16, 16)
                            z = (drows2[pp, i, hsl] + ebrows2[pp, i, pl.ds(c * 16, 16)]
                                 + cerows2[pp, i, hsl])
                            sg = 1.0 / (1.0 + jnp.exp(-z))
                            psbuf[i, pl.ds(c * 16, 16)] = sg * ebrows2[pp, i, pl.ds(HH + c * 16, 16)]
                            psbuf[i, pl.ds(HH + c * 16, 16)] = sg
                        return ecarry

                    lax.fori_loop(0, BC, edge, 0)

            pltpu.sync_copy(dst_hbm.at[pl.ds(base, BC)], idx_scat)
            pltpu.sync_copy(psbuf, acc.at[idx_scat], add=True)
            return carry

        lax.fori_loop(0, NBLK, body, 0)
        plsc.subcore_barrier()
        pltpu.sync_copy(acc.at[pl.ds(r0, RPT)], nd_hbm.at[cid, pl.ds(r0, RPT)])

    return _agg_sc


_agg_a = _make_agg(0)
_agg_b = _make_agg(1)



def kernel(edge_index_old, edge_attr_old, flow_old, num_nodes, edge_proj_w,
           edge_proj_b, A_w, A_b, B_w, B_b, C_w, C_b, D_w, D_b, E_w, E_b,
           bn_x_g, bn_x_b, bn_e_g, bn_e_b):
    src = edge_index_old[0].astype(jnp.int32)
    dst = edge_index_old[1].astype(jnp.int32)
    zero = (jnp.asarray(num_nodes) - N).astype(jnp.float32)
    s = 1.0 + zero

    erp = jnp.concatenate(
        [edge_attr_old, flow_old, jnp.zeros((E, 4), jnp.float32)], axis=-1)
    wp8 = jnp.concatenate([edge_proj_w, jnp.zeros((4, H), jnp.float32)], axis=0)

    a0 = s * A_w[0].sum(0) + A_b[0]
    b0 = s * B_w[0].sum(0) + B_b[0]
    d0 = s * D_w[0].sum(0) + D_b[0]
    ex0 = s * E_w[0].sum(0) + E_b[0]
    m0 = wp8 @ C_w[0]
    v0 = edge_proj_b @ C_w[0] + C_b[0] + d0 + ex0
    m1 = wp8 @ C_w[1]
    w1 = edge_proj_b @ C_w[1] + C_b[1]

    g0 = (bn_e_g[0] * INV)[None]
    be0 = bn_e_b[0][None]
    gx0 = (bn_x_g[0] * INV)[None]
    bx0 = bn_x_b[0][None]
    gx1 = (bn_x_g[1] * INV)[None]
    bx1 = bn_x_b[1][None]
    svec = jnp.broadcast_to(s, (1, H)).astype(jnp.float32)
    zeros128 = jnp.zeros((NPAD, H), jnp.float32)

    sig0, ce1 = _edge_dense(erp, m0, v0[None], g0, be0, C_w[1], m1, w1[None])
    dparts = _den0_sc(dst, sig0, zeros128)
    x1, ax, dx, eba, ebb = _node_dense(
        dparts, svec, a0[None], b0[None], gx0, bx0,
        A_w[1], A_b[1][None], B_w[1], B_b[1][None],
        D_w[1], D_b[1][None], E_w[1], E_b[1][None])
    nda = _agg_a(src, dst, ce1, dx, eba, zeros128)
    ndb = _agg_b(src, dst, ce1, dx, ebb, zeros128)
    return _final(x1, ax, nda, ndb, gx1, bx1)

# --- scband reference (transcript-rebuilt; emitter-appended) ---
"""Pipeline reference for scband-old-graph-encoder-6528350290168 (READ-ONLY COPY).

The authoritative reference and input builder live on the scoring server;
editing this copy changes nothing except your own understanding.
"""

import jax, jax.numpy as jnp
import numpy as np

N = 10000
E = 320000
H = 128
L = 2
BN_EPS = 1e-5


def _linear(x, w, b):
    return x @ w + b


def _gated_gcn_layer(x, e, src, dst, n, Aw, Ab, Bw, Bb, Cw, Cb, Dw, Db, Ew, Eb, gx, bx, ge, be):
    # GraphGPS GatedGCNLayer (ResGatedGCN), eval-mode BatchNorm (running_mean=0, running_var=1), dropout=0, residual=True
    x_in, e_in = x, e
    Ax = _linear(x, Aw, Ab)
    Bx = _linear(x, Bw, Bb)
    Ce = _linear(e, Cw, Cb)
    Dx = _linear(x, Dw, Db)
    Ex = _linear(x, Ew, Eb)
    e_ij = Dx[dst] + Ex[src] + Ce
    sigma = jax.nn.sigmoid(e_ij)
    num = jax.ops.segment_sum(sigma * Bx[src], dst, num_segments=n)
    den = jax.ops.segment_sum(sigma, dst, num_segments=n)
    x_new = Ax + num / (den + 1e-6)
    inv = 1.0 / jnp.sqrt(1.0 + BN_EPS)
    x_new = gx * x_new * inv + bx
    e_new = ge * e_ij * inv + be
    x_new = jax.nn.relu(x_new)
    e_new = jax.nn.relu(e_new)
    x_new = x_in + x_new
    e_new = e_in + e_new
    return x_new, e_new


def setup_inputs(seed: int = 0):
    key = jax.random.key(seed)
    ks = jax.random.split(key, 16)
    inp = {}
    inp["edge_index_old"] = jax.random.randint(ks[0], (2, E), 0, N)
    inp["edge_attr_old"] = jax.random.normal(ks[1], (E, 3), dtype=jnp.float32)
    inp["flow_old"] = jax.random.normal(ks[2], (E, 1), dtype=jnp.float32)
    inp["num_nodes"] = N
    inp["edge_proj_w"] = jax.random.normal(ks[3], (4, H), dtype=jnp.float32) * 0.1
    inp["edge_proj_b"] = jnp.zeros((H,), dtype=jnp.float32)
    inp["A_w"] = jax.random.normal(ks[4], (L, H, H), dtype=jnp.float32) * 0.05
    inp["A_b"] = jnp.zeros((L, H), dtype=jnp.float32)
    inp["B_w"] = jax.random.normal(ks[5], (L, H, H), dtype=jnp.float32) * 0.05
    inp["B_b"] = jnp.zeros((L, H), dtype=jnp.float32)
    inp["C_w"] = jax.random.normal(ks[6], (L, H, H), dtype=jnp.float32) * 0.05
    inp["C_b"] = jnp.zeros((L, H), dtype=jnp.float32)
    inp["D_w"] = jax.random.normal(ks[7], (L, H, H), dtype=jnp.float32) * 0.05
    inp["D_b"] = jnp.zeros((L, H), dtype=jnp.float32)
    inp["E_w"] = jax.random.normal(ks[8], (L, H, H), dtype=jnp.float32) * 0.05
    inp["E_b"] = jnp.zeros((L, H), dtype=jnp.float32)
    inp["bn_x_g"] = jnp.ones((L, H), dtype=jnp.float32)
    inp["bn_x_b"] = jnp.zeros((L, H), dtype=jnp.float32)
    inp["bn_e_g"] = jnp.ones((L, H), dtype=jnp.float32)
    inp["bn_e_b"] = jnp.zeros((L, H), dtype=jnp.float32)
    return inp


def reference(edge_index_old, edge_attr_old, flow_old, num_nodes, edge_proj_w, edge_proj_b, A_w, A_b, B_w, B_b, C_w, C_b, D_w, D_b, E_w, E_b, bn_x_g, bn_x_b, bn_e_g, bn_e_b):
    src = edge_index_old[0]
    dst = edge_index_old[1]
    zero = (jnp.asarray(num_nodes) - N).astype(jnp.float32)
    x = jnp.ones((N, H), dtype=jnp.float32) + zero
    e_raw = jnp.concatenate([edge_attr_old, flow_old], axis=-1)
    e = _linear(e_raw, edge_proj_w, edge_proj_b)
    for l in range(L):
        x, e = _gated_gcn_layer(x, e, src, dst, N, A_w[l], A_b[l], B_w[l], B_b[l], C_w[l], C_b[l], D_w[l], D_b[l], E_w[l], E_b[l], bn_x_g[l], bn_x_b[l], bn_e_g[l], bn_e_b[l])
    return x

if __name__ == "__main__":
    import jax
    _d = setup_inputs()
    print(jax.jit(kernel)(*tuple(_d.values())))

</pallas_src>

<mosaic_0001>
#map = affine_map<(d0, d1) -> (0)>
#map1 = affine_map<(d0, d1) -> (0, 0)>
#map2 = affine_map<(d0, d1) -> (0, 0, 0)>
module attributes {stable_mosaic.version = 14 : i64} {
  func.func @_den0_sc(%arg0: i32, %arg1: i32, %arg2: memref<320000xi32, #tpu.memory_space<hbm>>, %arg3: memref<320000x128xf32, #tpu.memory_space<hbm>>, %arg4: memref<10240x128xf32, #tpu.memory_space<hbm>>, %arg5: memref<2x10240x128xf32, #tpu.memory_space<hbm>>, %arg6: memref<40xi32, #tpu.memory_space<vmem>>, %arg7: memref<2x40x128xf32, #tpu.memory_space<vmem>>, %arg8: memref<10240x128xf32, #tpu.memory_space<vmem_shared>>, %arg9: memref<!tpu.dma_semaphore, #tpu.memory_space<semaphore_mem>>, %arg10: memref<!tpu.dma_semaphore, #tpu.memory_space<semaphore_mem>>) attributes {dimension_semantics = [#tpu.dimension_semantics<core_parallel>, #tpu.dimension_semantics<subcore_parallel>], iteration_bounds = array<i64: 2, 16>, scalar_prefetch = 0 : i64, scratch_operands = 5 : i64, tpu.core_type = #tpu.core_type<sc_vector_subcore>, window_params = [{transform_indices = #map}, {transform_indices = #map1}, {transform_indices = #map1}, {transform_indices = #map2}]} {
    %mul3A = arith.constant 2 : i32
    %mul3A_0 = arith.muli %arg1, %mul3A : i32
    %add3A = arith.addi %mul3A_0, %arg0 : i32
    %mul3A_1 = arith.constant 640 : i32
    %mul3A_2 = arith.muli %arg1, %mul3A_1 : i32
    %multiple_of3A = tpu.assume_multiple %mul3A_2, 8 : i32
    "tpu.region"() ({
      %run_scoped3A = tpu.sem_alloc : memref<!tpu.dma_semaphore, #tpu.memory_space<semaphore_mem>>
      %dma_start3A_24 = arith.constant 0 : i32
      %dma_start3A_25 = tpu.memref_slice %arg8[%multiple_of3A, %dma_start3A_24] : memref<10240x128xf32, #tpu.memory_space<vmem_shared>> -> memref<640x128xf32, #tpu.memory_space<vmem_shared>>
      %dma_start3A_26 = arith.constant 0 : i32
      %dma_start3A_27 = tpu.memref_slice %arg4[%multiple_of3A, %dma_start3A_26] : memref<10240x128xf32, #tpu.memory_space<hbm>> -> memref<640x128xf32, #tpu.memory_space<hbm>>
      tpu.enqueue_dma source(%dma_start3A_27 : memref<640x128xf32, #tpu.memory_space<hbm>>) target(%dma_start3A_25 : memref<640x128xf32, #tpu.memory_space<vmem_shared>>) target_semaphore(%run_scoped3A : memref<!tpu.dma_semaphore, #tpu.memory_space<semaphore_mem>>)
      %dma_wait3A = arith.constant 0 : i32
      %dma_wait3A_28 = tpu.memref_slice %arg8[%multiple_of3A, %dma_wait3A] : memref<10240x128xf32, #tpu.memory_space<vmem_shared>> -> memref<640x128xf32, #tpu.memory_space<vmem_shared>>
      %dma_wait3A_29 = arith.constant 0 : i32
      %dma_wait3A_30 = tpu.memref_slice %arg4[%multiple_of3A, %dma_wait3A_29] : memref<10240x128xf32, #tpu.memory_space<hbm>> -> memref<640x128xf32, #tpu.memory_space<hbm>>
      tpu.wait_dma2 semaphore(%run_scoped3A : memref<!tpu.dma_semaphore, #tpu.memory_space<semaphore_mem>>) src(%dma_wait3A_30 : memref<640x128xf32, #tpu.memory_space<hbm>>) dst(%dma_wait3A_28 : memref<640x128xf32, #tpu.memory_space<vmem_shared>>)
      tpu.yield
    }) : () -> ()
    %barrier3A = arith.constant 0 : index
    tpu.barrier barrier_id(%barrier3A)
    %mul3A_3 = arith.constant 10000 : i32
    %mul3A_4 = arith.muli %add3A, %mul3A_3 : i32
    %multiple_of3A_5 = tpu.assume_multiple %mul3A_4, 8 : i32
    %dma_start3A = arith.constant 0 : i32
    %dma_start3A_6 = arith.constant 0 : i32
    %dma_start3A_7 = arith.constant 0 : i32
    %dma_start3A_8 = tpu.memref_slice %arg7[%dma_start3A, %dma_start3A_6, %dma_start3A_7] : memref<2x40x128xf32, #tpu.memory_space<vmem>> -> memref<1x40x128xf32, #tpu.memory_space<vmem>>
    %dma_start3A_9 = tpu.memref_squeeze %dma_start3A_8 : memref<1x40x128xf32, #tpu.memory_space<vmem>> -> memref<40x128xf32, #tpu.memory_space<vmem>>
    %dma_start3A_10 = arith.constant 0 : i32
    %dma_start3A_11 = tpu.memref_slice %arg3[%multiple_of3A_5, %dma_start3A_10] : memref<320000x128xf32, #tpu.memory_space<hbm>> -> memref<40x128xf32, #tpu.memory_space<hbm>>
    %dma_start3A_12 = arith.constant 0 : i32
    %dma_start3A_13 = arith.constant 0 : i32
    %dma_start3A_14 = tpu.memref_slice %arg7[%dma_start3A, %dma_start3A_12, %dma_start3A_13] : memref<2x40x128xf32, #tpu.memory_space<vmem>> -> memref<1x40x128xf32, #tpu.memory_space<vmem>>
    %dma_start3A_15 = tpu.memref_squeeze %dma_start3A_14 : memref<1x40x128xf32, #tpu.memory_space<vmem>> -> memref<40x128xf32, #tpu.memory_space<vmem>>
    %dma_start3A_16 = arith.constant 0 : i32
    %dma_start3A_17 = tpu.memref_slice %arg3[%multiple_of3A_5, %dma_start3A_16] : memref<320000x128xf32, #tpu.memory_space<hbm>> -> memref<40x128xf32, #tpu.memory_space<hbm>>
    tpu.enqueue_dma source(%dma_start3A_17 : memref<40x128xf32, #tpu.memory_space<hbm>>) target(%dma_start3A_15 : memref<40x128xf32, #tpu.memory_space<vmem>>) target_semaphore(%arg9 : memref<!tpu.dma_semaphore, #tpu.memory_space<semaphore_mem>>)
    %scan3A = arith.constant 0 : i32
    %scan3A_18 = arith.constant 0 : i32
    %scan3A_19 = arith.constant 250 : i32
    %scan3A_20 = arith.addi %scan3A_18, %scan3A_19 : i32
    %scan3A_21 = arith.constant 1 : i32
    scf.for %scan3A_24 = %scan3A_18 to %scan3A_20 step %scan3A_21  : i32 {
      %jit3A = arith.constant 2 : i32
      %eq3A = arith.constant 0 : i32
      %eq3A_25 = arith.cmpi eq, %jit3A, %eq3A : i32
      %jit3A_26 = arith.constant 1 : i32
      %select_n3A = arith.select %eq3A_25, %jit3A_26, %jit3A : i32
      %rem3A = arith.remsi %scan3A_24, %select_n3A : i32
      %ne3A = arith.constant 0 : i32
      %ne3A_27 = arith.cmpi ne, %rem3A, %ne3A : i32
      %lt3A = arith.constant 0 : i32
      %lt3A_28 = arith.cmpi slt, %rem3A, %lt3A : i32
      %lt3A_29 = arith.constant 0 : i32
      %lt3A_30 = arith.cmpi slt, %select_n3A, %lt3A_29 : i32
      %ne3A_31 = arith.xori %lt3A_28, %lt3A_30 : i1
      %and3A = arith.andi %ne3A_31, %ne3A_27 : i1
      %add3A_32 = arith.addi %rem3A, %select_n3A : i32
      %select_n3A_33 = arith.select %and3A, %add3A_32, %rem3A : i32
      %mul3A_34 = arith.constant 10000 : i32
      %mul3A_35 = arith.muli %add3A, %mul3A_34 : i32
      %mul3A_36 = arith.constant 40 : i32
      %mul3A_37 = arith.muli %scan3A_24, %mul3A_36 : i32
      %add3A_38 = arith.addi %mul3A_35, %mul3A_37 : i32
      %multiple_of3A_39 = tpu.assume_multiple %add3A_38, 8 : i32
      %mul3A_40 = arith.constant 10000 : i32
      %mul3A_41 = arith.muli %add3A, %mul3A_40 : i32
      %add3A_42 = arith.constant 1 : i32
      %add3A_43 = arith.addi %scan3A_24, %add3A_42 : i32
      %mul3A_44 = arith.constant 40 : i32
      %mul3A_45 = arith.muli %add3A_43, %mul3A_44 : i32
      %add3A_46 = arith.addi %mul3A_41, %mul3A_45 : i32
      %multiple_of3A_47 = tpu.assume_multiple %add3A_46, 8 : i32
      %eq3A_48 = arith.constant 0 : i32
      %eq3A_49 = arith.cmpi eq, %select_n3A_33, %eq3A_48 : i32
      %convert_element_type3A = arith.extui %eq3A_49 : i1 to i32
      %cond3A = arith.constant 0 : i32
      %cond3A_50 = arith.cmpi ne, %convert_element_type3A, %cond3A : i32
      scf.if %cond3A_50 {
        %dma_wait3A = arith.constant 0 : i32
        %dma_wait3A_56 = arith.constant 0 : i32
        %dma_wait3A_57 = arith.constant 0 : i32
        %dma_wait3A_58 = tpu.memref_slice %arg7[%dma_wait3A, %dma_wait3A_56, %dma_wait3A_57] : memref<2x40x128xf32, #tpu.memory_space<vmem>> -> memref<1x40x128xf32, #tpu.memory_space<vmem>>
        %dma_wait3A_59 = tpu.memref_squeeze %dma_wait3A_58 : memref<1x40x128xf32, #tpu.memory_space<vmem>> -> memref<40x128xf32, #tpu.memory_space<vmem>>
        %dma_wait3A_60 = arith.constant 0 : i32
        %dma_wait3A_61 = arith.constant 0 : i32
        %dma_wait3A_62 = tpu.memref_slice %arg3[%dma_wait3A_60, %dma_wait3A_61] : memref<320000x128xf32, #tpu.memory_space<hbm>> -> memref<40x128xf32, #tpu.memory_space<hbm>>
        %dma_wait3A_63 = arith.constant 0 : i32
        %dma_wait3A_64 = arith.constant 0 : i32
        %dma_wait3A_65 = tpu.memref_slice %arg7[%dma_wait3A, %dma_wait3A_63, %dma_wait3A_64] : memref<2x40x128xf32, #tpu.memory_space<vmem>> -> memref<1x40x128xf32, #tpu.memory_space<vmem>>
        %dma_wait3A_66 = tpu.memref_squeeze %dma_wait3A_65 : memref<1x40x128xf32, #tpu.memory_space<vmem>> -> memref<40x128xf32, #tpu.memory_space<vmem>>
        %dma_wait3A_67 = arith.constant 0 : i32
        %dma_wait3A_68 = arith.constant 0 : i32
        %dma_wait3A_69 = tpu.memref_slice %arg3[%dma_wait3A_67, %dma_wait3A_68] : memref<320000x128xf32, #tpu.memory_space<hbm>> -> memref<40x128xf32, #tpu.memory_space<hbm>>
        tpu.wait_dma2 semaphore(%arg9 : memref<!tpu.dma_semaphore, #tpu.memory_space<semaphore_mem>>) src(%dma_wait3A_69 : memref<40x128xf32, #tpu.memory_space<hbm>>) dst(%dma_wait3A_66 : memref<40x128xf32, #tpu.memory_space<vmem>>)
        %add3A_70 = arith.constant 1 : i32
        %add3A_71 = arith.addi %scan3A_24, %add3A_70 : i32
        %lt3A_72 = arith.constant 250 : i32
        %lt3A_73 = arith.cmpi slt, %add3A_71, %lt3A_72 : i32
        %convert_element_type3A_74 = arith.extui %lt3A_73 : i1 to i32
        %cond3A_75 = arith.constant 0 : i32
        %cond3A_76 = arith.cmpi ne, %convert_element_type3A_74, %cond3A_75 : i32
        scf.if %cond3A_76 {
          %dma_start3A_77 = arith.constant 1 : i32
          %dma_start3A_78 = arith.constant 0 : i32
          %dma_start3A_79 = arith.constant 0 : i32
          %dma_start3A_80 = tpu.memref_slice %arg7[%dma_start3A_77, %dma_start3A_78, %dma_start3A_79] : memref<2x40x128xf32, #tpu.memory_space<vmem>> -> memref<1x40x128xf32, #tpu.memory_space<vmem>>
          %dma_start3A_81 = tpu.memref_squeeze %dma_start3A_80 : memref<1x40x128xf32, #tpu.memory_space<vmem>> -> memref<40x128xf32, #tpu.memory_space<vmem>>
          %dma_start3A_82 = arith.constant 0 : i32
          %dma_start3A_83 = tpu.memref_slice %arg3[%multiple_of3A_47, %dma_start3A_82] : memref<320000x128xf32, #tpu.memory_space<hbm>> -> memref<40x128xf32, #tpu.memory_space<hbm>>
          %dma_start3A_84 = arith.constant 0 : i32
          %dma_start3A_85 = arith.constant 0 : i32
          %dma_start3A_86 = tpu.memref_slice %arg7[%dma_start3A_77, %dma_start3A_84, %dma_start3A_85] : memref<2x40x128xf32, #tpu.memory_space<vmem>> -> memref<1x40x128xf32, #tpu.memory_space<vmem>>
          %dma_start3A_87 = tpu.memref_squeeze %dma_start3A_86 : memref<1x40x128xf32, #tpu.memory_space<vmem>> -> memref<40x128xf32, #tpu.memory_space<vmem>>
          %dma_start3A_88 = arith.constant 0 : i32
          %dma_start3A_89 = tpu.memref_slice %arg3[%multiple_of3A_47, %dma_start3A_88] : memref<320000x128xf32, #tpu.memory_space<hbm>> -> memref<40x128xf32, #tpu.memory_space<hbm>>
          tpu.enqueue_dma source(%dma_start3A_89 : memref<40x128xf32, #tpu.memory_space<hbm>>) target(%dma_start3A_87 : memref<40x128xf32, #tpu.memory_space<vmem>>) target_semaphore(%arg10 : memref<!tpu.dma_semaphore, #tpu.memory_space<semaphore_mem>>)
        } else {
        }
      } else {
      }
      %eq3A_51 = arith.constant 1 : i32
      %eq3A_52 = arith.cmpi eq, %select_n3A_33, %eq3A_51 : i32
      %convert_element_type3A_53 = arith.extui %eq3A_52 : i1 to i32
      %cond3A_54 = arith.constant 0 : i32
      %cond3A_55 = arith.cmpi ne, %convert_element_type3A_53, %cond3A_54 : i32
      scf.if %cond3A_55 {
        %dma_wait3A = arith.constant 1 : i32
        %dma_wait3A_56 = arith.constant 0 : i32
        %dma_wait3A_57 = arith.constant 0 : i32
        %dma_wait3A_58 = tpu.memref_slice %arg7[%dma_wait3A, %dma_wait3A_56, %dma_wait3A_57] : memref<2x40x128xf32, #tpu.memory_space<vmem>> -> memref<1x40x128xf32, #tpu.memory_space<vmem>>
        %dma_wait3A_59 = tpu.memref_squeeze %dma_wait3A_58 : memref<1x40x128xf32, #tpu.memory_space<vmem>> -> memref<40x128xf32, #tpu.memory_space<vmem>>
        %dma_wait3A_60 = arith.constant 0 : i32
        %dma_wait3A_61 = arith.constant 0 : i32
        %dma_wait3A_62 = tpu.memref_slice %arg3[%dma_wait3A_60, %dma_wait3A_61] : memref<320000x128xf32, #tpu.memory_space<hbm>> -> memref<40x128xf32, #tpu.memory_space<hbm>>
        %dma_wait3A_63 = arith.constant 0 : i32
        %dma_wait3A_64 = arith.constant 0 : i32
        %dma_wait3A_65 = tpu.memref_slice %arg7[%dma_wait3A, %dma_wait3A_63, %dma_wait3A_64] : memref<2x40x128xf32, #tpu.memory_space<vmem>> -> memref<1x40x128xf32, #tpu.memory_space<vmem>>
        %dma_wait3A_66 = tpu.memref_squeeze %dma_wait3A_65 : memref<1x40x128xf32, #tpu.memory_space<vmem>> -> memref<40x128xf32, #tpu.memory_space<vmem>>
        %dma_wait3A_67 = arith.constant 0 : i32
        %dma_wait3A_68 = arith.constant 0 : i32
        %dma_wait3A_69 = tpu.memref_slice %arg3[%dma_wait3A_67, %dma_wait3A_68] : memref<320000x128xf32, #tpu.memory_space<hbm>> -> memref<40x128xf32, #tpu.memory_space<hbm>>
        tpu.wait_dma2 semaphore(%arg10 : memref<!tpu.dma_semaphore, #tpu.memory_space<semaphore_mem>>) src(%dma_wait3A_69 : memref<40x128xf32, #tpu.memory_space<hbm>>) dst(%dma_wait3A_66 : memref<40x128xf32, #tpu.memory_space<vmem>>)
        %add3A_70 = arith.constant 1 : i32
        %add3A_71 = arith.addi %scan3A_24, %add3A_70 : i32
        %lt3A_72 = arith.constant 250 : i32
        %lt3A_73 = arith.cmpi slt, %add3A_71, %lt3A_72 : i32
        %convert_element_type3A_74 = arith.extui %lt3A_73 : i1 to i32
        %cond3A_75 = arith.constant 0 : i32
        %cond3A_76 = arith.cmpi ne, %convert_element_type3A_74, %cond3A_75 : i32
        scf.if %cond3A_76 {
          %dma_start3A_77 = arith.constant 0 : i32
          %dma_start3A_78 = arith.constant 0 : i32
          %dma_start3A_79 = arith.constant 0 : i32
          %dma_start3A_80 = tpu.memref_slice %arg7[%dma_start3A_77, %dma_start3A_78, %dma_start3A_79] : memref<2x40x128xf32, #tpu.memory_space<vmem>> -> memref<1x40x128xf32, #tpu.memory_space<vmem>>
          %dma_start3A_81 = tpu.memref_squeeze %dma_start3A_80 : memref<1x40x128xf32, #tpu.memory_space<vmem>> -> memref<40x128xf32, #tpu.memory_space<vmem>>
          %dma_start3A_82 = arith.constant 0 : i32
          %dma_start3A_83 = tpu.memref_slice %arg3[%multiple_of3A_47, %dma_start3A_82] : memref<320000x128xf32, #tpu.memory_space<hbm>> -> memref<40x128xf32, #tpu.memory_space<hbm>>
          %dma_start3A_84 = arith.constant 0 : i32
          %dma_start3A_85 = arith.constant 0 : i32
          %dma_start3A_86 = tpu.memref_slice %arg7[%dma_start3A_77, %dma_start3A_84, %dma_start3A_85] : memref<2x40x128xf32, #tpu.memory_space<vmem>> -> memref<1x40x128xf32, #tpu.memory_space<vmem>>
          %dma_start3A_87 = tpu.memref_squeeze %dma_start3A_86 : memref<1x40x128xf32, #tpu.memory_space<vmem>> -> memref<40x128xf32, #tpu.memory_space<vmem>>
          %dma_start3A_88 = arith.constant 0 : i32
          %dma_start3A_89 = tpu.memref_slice %arg3[%multiple_of3A_47, %dma_start3A_88] : memref<320000x128xf32, #tpu.memory_space<hbm>> -> memref<40x128xf32, #tpu.memory_space<hbm>>
          tpu.enqueue_dma source(%dma_start3A_89 : memref<40x128xf32, #tpu.memory_space<hbm>>) target(%dma_start3A_87 : memref<40x128xf32, #tpu.memory_space<vmem>>) target_semaphore(%arg9 : memref<!tpu.dma_semaphore, #tpu.memory_space<semaphore_mem>>)
        } else {
        }
      } else {
      }
      "tpu.region"() ({
        %run_scoped3A = tpu.sem_alloc : memref<!tpu.dma_semaphore, #tpu.memory_space<semaphore_mem>>
        %dma_start3A_56 = tpu.memref_slice %arg2[%multiple_of3A_39] : memref<320000xi32, #tpu.memory_space<hbm>> -> memref<40xi32, #tpu.memory_space<hbm>>
        %dma_start3A_57 = tpu.memref_slice %arg2[%multiple_of3A_39] : memref<320000xi32, #tpu.memory_space<hbm>> -> memref<40xi32, #tpu.memory_space<hbm>>
        tpu.enqueue_dma source(%dma_start3A_57 : memref<40xi32, #tpu.memory_space<hbm>>) target(%arg6 : memref<40xi32, #tpu.memory_space<vmem>>) target_semaphore(%run_scoped3A : memref<!tpu.dma_semaphore, #tpu.memory_space<semaphore_mem>>)
        %dma_wait3A = tpu.memref_slice %arg2[%multiple_of3A_39] : memref<320000xi32, #tpu.memory_space<hbm>> -> memref<40xi32, #tpu.memory_space<hbm>>
        %dma_wait3A_58 = tpu.memref_slice %arg2[%multiple_of3A_39] : memref<320000xi32, #tpu.memory_space<hbm>> -> memref<40xi32, #tpu.memory_space<hbm>>
        tpu.wait_dma2 semaphore(%run_scoped3A : memref<!tpu.dma_semaphore, #tpu.memory_space<semaphore_mem>>) src(%dma_wait3A_58 : memref<40xi32, #tpu.memory_space<hbm>>) dst(%arg6 : memref<40xi32, #tpu.memory_space<vmem>>)
        tpu.yield
      }) : () -> ()
      "tpu.region"() ({
        %run_scoped3A = tpu.sem_alloc : memref<!tpu.dma_semaphore, #tpu.memory_space<semaphore_mem>>
        %dma_start3A_56 = arith.constant 0 : i32
        %dma_start3A_57 = arith.constant 0 : i32
        %dma_start3A_58 = tpu.memref_slice %arg7[%select_n3A_33, %dma_start3A_56, %dma_start3A_57] : memref<2x40x128xf32, #tpu.memory_space<vmem>> -> memref<1x40x128xf32, #tpu.memory_space<vmem>>
        %dma_start3A_59 = tpu.memref_squeeze %dma_start3A_58 : memref<1x40x128xf32, #tpu.memory_space<vmem>> -> memref<40x128xf32, #tpu.memory_space<vmem>>
        %dma_start3A_60 = arith.constant 0 : i32
        %dma_start3A_61 = arith.constant 0 : i32
        %dma_start3A_62 = tpu.memref_slice %arg8[%dma_start3A_60, %dma_start3A_61] : memref<10240x128xf32, #tpu.memory_space<vmem_shared>> -> memref<10240x128xf32, #tpu.memory_space<vmem_shared>>
        tpu.enqueue_indirect_dma source(%dma_start3A_59 : memref<40x128xf32, #tpu.memory_space<vmem>>) target(%dma_start3A_62 : memref<10240x128xf32, #tpu.memory_space<vmem_shared>>) offsets(%arg6 : memref<40xi32, #tpu.memory_space<vmem>>) semaphore(%run_scoped3A : memref<!tpu.dma_semaphore, #tpu.memory_space<semaphore_mem>>) {add = true}
        %dma_wait3A = arith.constant 0 : i32
        %dma_wait3A_63 = arith.constant 0 : i32
        %dma_wait3A_64 = tpu.memref_slice %arg7[%select_n3A_33, %dma_wait3A, %dma_wait3A_63] : memref<2x40x128xf32, #tpu.memory_space<vmem>> -> memref<1x40x128xf32, #tpu.memory_space<vmem>>
        %dma_wait3A_65 = tpu.memref_squeeze %dma_wait3A_64 : memref<1x40x128xf32, #tpu.memory_space<vmem>> -> memref<40x128xf32, #tpu.memory_space<vmem>>
        %dma_wait3A_66 = arith.constant 0 : i32
        %dma_wait3A_67 = arith.constant 0 : i32
        %dma_wait3A_68 = tpu.memref_slice %arg8[%dma_wait3A_66, %dma_wait3A_67] : memref<10240x128xf32, #tpu.memory_space<vmem_shared>> -> memref<10240x128xf32, #tpu.memory_space<vmem_shared>>
        tpu.wait_indirect_dma semaphore(%run_scoped3A : memref<!tpu.dma_semaphore, #tpu.memory_space<semaphore_mem>>) src(%dma_wait3A_65 : memref<40x128xf32, #tpu.memory_space<vmem>>) dst(%dma_wait3A_68 : memref<10240x128xf32, #tpu.memory_space<vmem_shared>>)
        tpu.yield
      }) : () -> ()
    }
    %scan3A_22 = arith.constant 250 : i32
    %barrier3A_23 = arith.constant 0 : index
    tpu.barrier barrier_id(%barrier3A_23)
    "tpu.region"() ({
      %run_scoped3A = tpu.sem_alloc : memref<!tpu.dma_semaphore, #tpu.memory_space<semaphore_mem>>
      %dma_start3A_24 = arith.constant 0 : i32
      %dma_start3A_25 = tpu.memref_slice %arg5[%arg0, %multiple_of3A, %dma_start3A_24] : memref<2x10240x128xf32, #tpu.memory_space<hbm>> -> memref<1x640x128xf32, #tpu.memory_space<hbm>>
      %dma_start3A_26 = tpu.memref_squeeze %dma_start3A_25 : memref<1x640x128xf32, #tpu.memory_space<hbm>> -> memref<640x128xf32, #tpu.memory_space<hbm>>
      %dma_start3A_27 = arith.constant 0 : i32
      %dma_start3A_28 = tpu.memref_slice %arg8[%multiple_of3A, %dma_start3A_27] : memref<10240x128xf32, #tpu.memory_space<vmem_shared>> -> memref<640x128xf32, #tpu.memory_space<vmem_shared>>
      tpu.enqueue_dma source(%dma_start3A_28 : memref<640x128xf32, #tpu.memory_space<vmem_shared>>) target(%dma_start3A_26 : memref<640x128xf32, #tpu.memory_space<hbm>>) target_semaphore(%run_scoped3A : memref<!tpu.dma_semaphore, #tpu.memory_space<semaphore_mem>>)
      %dma_wait3A = arith.constant 0 : i32
      %dma_wait3A_29 = tpu.memref_slice %arg5[%arg0, %multiple_of3A, %dma_wait3A] : memref<2x10240x128xf32, #tpu.memory_space<hbm>> -> memref<1x640x128xf32, #tpu.memory_space<hbm>>
      %dma_wait3A_30 = tpu.memref_squeeze %dma_wait3A_29 : memref<1x640x128xf32, #tpu.memory_space<hbm>> -> memref<640x128xf32, #tpu.memory_space<hbm>>
      %dma_wait3A_31 = arith.constant 0 : i32
      %dma_wait3A_32 = tpu.memref_slice %arg8[%multiple_of3A, %dma_wait3A_31] : memref<10240x128xf32, #tpu.memory_space<vmem_shared>> -> memref<640x128xf32, #tpu.memory_space<vmem_shared>>
      tpu.wait_dma2 semaphore(%run_scoped3A : memref<!tpu.dma_semaphore, #tpu.memory_space<semaphore_mem>>) src(%dma_wait3A_32 : memref<640x128xf32, #tpu.memory_space<vmem_shared>>) dst(%dma_wait3A_30 : memref<640x128xf32, #tpu.memory_space<hbm>>)
      tpu.yield
    }) : () -> ()
    return
  }
}

#map = affine_map<(d0, d1) -> (0)>
#map1 = affine_map<(d0, d1) -> (0, 0)>
#map2 = affine_map<(d0, d1) -> (0, 0, 0)>
module attributes {stable_mosaic.version = 14 : i64} {
  func.func @_agg_sc(%arg0: i32, %arg1: i32, %arg2: memref<320000xi32, #tpu.memory_space<hbm>>, %arg3: memref<320000xi32, #tpu.memory_space<hbm>>, %arg4: memref<320000x128xf32, #tpu.memory_space<hbm>>, %arg5: memref<10240x128xf32, #tpu.memory_space<hbm>>, %arg6: memref<10240x128xf32, #tpu.memory_space<hbm>>, %arg7: memref<10240x128xf32, #tpu.memory_space<hbm>>, %arg8: memref<2x10240x128xf32, #tpu.memory_space<hbm>>, %arg9: memref<2x40xi32, #tpu.memory_space<vmem>>, %arg10: memref<2x40xi32, #tpu.memory_space<vmem>>, %arg11: memref<40xi32, #tpu.memory_space<vmem>>, %arg12: memref<2x40x128xf32, #tpu.memory_space<vmem>>, %arg13: memref<2x40x128xf32, #tpu.memory_space<vmem>>, %arg14: memref<2x40x128xf32, #tpu.memory_space<vmem>>, %arg15: memref<40x128xf32, #tpu.memory_space<vmem>>, %arg16: memref<10240x128xf32, #tpu.memory_space<vmem_shared>>, %arg17: memref<!tpu.dma_semaphore, #tpu.memory_space<semaphore_mem>>, %arg18: memref<!tpu.dma_semaphore, #tpu.memory_space<semaphore_mem>>) attributes {dimension_semantics = [#tpu.dimension_semantics<core_parallel>, #tpu.dimension_semantics<subcore_parallel>], iteration_bounds = array<i64: 2, 16>, scalar_prefetch = 0 : i64, scratch_operands = 10 : i64, tpu.core_type = #tpu.core_type<sc_vector_subcore>, window_params = [{transform_indices = #map}, {transform_indices = #map}, {transform_indices = #map1}, {transform_indices = #map1}, {transform_indices = #map1}, {transform_indices = #map1}, {transform_indices = #map2}]} {
    %mul3A = arith.constant 2 : i32
    %mul3A_0 = arith.muli %arg1, %mul3A : i32
    %add3A = arith.addi %mul3A_0, %arg0 : i32
    %mul3A_1 = arith.constant 640 : i32
    %mul3A_2 = arith.muli %arg1, %mul3A_1 : i32
    %multiple_of3A = tpu.assume_multiple %mul3A_2, 8 : i32
    "tpu.region"() ({
      %run_scoped3A_49 = tpu.sem_alloc : memref<!tpu.dma_semaphore, #tpu.memory_space<semaphore_mem>>
      %dma_start3A_50 = arith.constant 0 : i32
      %dma_start3A_51 = tpu.memref_slice %arg16[%multiple_of3A, %dma_start3A_50] : memref<10240x128xf32, #tpu.memory_space<vmem_shared>> -> memref<640x128xf32, #tpu.memory_space<vmem_shared>>
      %dma_start3A_52 = arith.constant 0 : i32
      %dma_start3A_53 = tpu.memref_slice %arg7[%multiple_of3A, %dma_start3A_52] : memref<10240x128xf32, #tpu.memory_space<hbm>> -> memref<640x128xf32, #tpu.memory_space<hbm>>
      tpu.enqueue_dma source(%dma_start3A_53 : memref<640x128xf32, #tpu.memory_space<hbm>>) target(%dma_start3A_51 : memref<640x128xf32, #tpu.memory_space<vmem_shared>>) target_semaphore(%run_scoped3A_49 : memref<!tpu.dma_semaphore, #tpu.memory_space<semaphore_mem>>)
      %dma_wait3A = arith.constant 0 : i32
      %dma_wait3A_54 = tpu.memref_slice %arg16[%multiple_of3A, %dma_wait3A] : memref<10240x128xf32, #tpu.memory_space<vmem_shared>> -> memref<640x128xf32, #tpu.memory_space<vmem_shared>>
      %dma_wait3A_55 = arith.constant 0 : i32
      %dma_wait3A_56 = tpu.memref_slice %arg7[%multiple_of3A, %dma_wait3A_55] : memref<10240x128xf32, #tpu.memory_space<hbm>> -> memref<640x128xf32, #tpu.memory_space<hbm>>
      tpu.wait_dma2 semaphore(%run_scoped3A_49 : memref<!tpu.dma_semaphore, #tpu.memory_space<semaphore_mem>>) src(%dma_wait3A_56 : memref<640x128xf32, #tpu.memory_space<hbm>>) dst(%dma_wait3A_54 : memref<640x128xf32, #tpu.memory_space<vmem_shared>>)
      tpu.yield
    }) : () -> ()
    %barrier3A = arith.constant 0 : index
    tpu.barrier barrier_id(%barrier3A)
    %mul3A_3 = arith.constant 10000 : i32
    %mul3A_4 = arith.muli %add3A, %mul3A_3 : i32
    %multiple_of3A_5 = tpu.assume_multiple %mul3A_4, 8 : i32
    %run_scoped3A = arith.constant 0 : i32
    "tpu.region"() ({
      %run_scoped3A_49 = tpu.sem_alloc : memref<!tpu.dma_semaphore, #tpu.memory_space<semaphore_mem>>
      %dma_start3A_50 = arith.constant 0 : i32
      %dma_start3A_51 = tpu.memref_slice %arg9[%run_scoped3A, %dma_start3A_50] : memref<2x40xi32, #tpu.memory_space<vmem>> -> memref<1x40xi32, #tpu.memory_space<vmem>>
      %dma_start3A_52 = tpu.memref_squeeze %dma_start3A_51 : memref<1x40xi32, #tpu.memory_space<vmem>> -> memref<40xi32, #tpu.memory_space<vmem>>
      %dma_start3A_53 = tpu.memref_slice %arg2[%multiple_of3A_5] : memref<320000xi32, #tpu.memory_space<hbm>> -> memref<40xi32, #tpu.memory_space<hbm>>
      %dma_start3A_54 = arith.constant 0 : i32
      %dma_start3A_55 = tpu.memref_slice %arg9[%run_scoped3A, %dma_start3A_54] : memref<2x40xi32, #tpu.memory_space<vmem>> -> memref<1x40xi32, #tpu.memory_space<vmem>>
      %dma_start3A_56 = tpu.memref_squeeze %dma_start3A_55 : memref<1x40xi32, #tpu.memory_space<vmem>> -> memref<40xi32, #tpu.memory_space<vmem>>
      %dma_start3A_57 = tpu.memref_slice %arg2[%multiple_of3A_5] : memref<320000xi32, #tpu.memory_space<hbm>> -> memref<40xi32, #tpu.memory_space<hbm>>
      tpu.enqueue_dma source(%dma_start3A_57 : memref<40xi32, #tpu.memory_space<hbm>>) target(%dma_start3A_56 : memref<40xi32, #tpu.memory_space<vmem>>) target_semaphore(%run_scoped3A_49 : memref<!tpu.dma_semaphore, #tpu.memory_space<semaphore_mem>>)
      %dma_wait3A = arith.constant 0 : i32
      %dma_wait3A_58 = tpu.memref_slice %arg9[%run_scoped3A, %dma_wait3A] : memref<2x40xi32, #tpu.memory_space<vmem>> -> memref<1x40xi32, #tpu.memory_space<vmem>>
      %dma_wait3A_59 = tpu.memref_squeeze %dma_wait3A_58 : memref<1x40xi32, #tpu.memory_space<vmem>> -> memref<40xi32, #tpu.memory_space<vmem>>
      %dma_wait3A_60 = tpu.memref_slice %arg2[%multiple_of3A_5] : memref<320000xi32, #tpu.memory_space<hbm>> -> memref<40xi32, #tpu.memory_space<hbm>>
      %dma_wait3A_61 = arith.constant 0 : i32
      %dma_wait3A_62 = tpu.memref_slice %arg9[%run_scoped3A, %dma_wait3A_61] : memref<2x40xi32, #tpu.memory_space<vmem>> -> memref<1x40xi32, #tpu.memory_space<vmem>>
      %dma_wait3A_63 = tpu.memref_squeeze %dma_wait3A_62 : memref<1x40xi32, #tpu.memory_space<vmem>> -> memref<40xi32, #tpu.memory_space<vmem>>
      %dma_wait3A_64 = tpu.memref_slice %arg2[%multiple_of3A_5] : memref<320000xi32, #tpu.memory_space<hbm>> -> memref<40xi32, #tpu.memory_space<hbm>>
      tpu.wait_dma2 semaphore(%run_scoped3A_49 : memref<!tpu.dma_semaphore, #tpu.memory_space<semaphore_mem>>) src(%dma_wait3A_64 : memref<40xi32, #tpu.memory_space<hbm>>) dst(%dma_wait3A_63 : memref<40xi32, #tpu.memory_space<vmem>>)
      tpu.yield
    }) : () -> ()
    %run_scoped3A_6 = arith.constant 0 : i32
    "tpu.region"() ({
      %run_scoped3A_49 = tpu.sem_alloc : memref<!tpu.dma_semaphore, #tpu.memory_space<semaphore_mem>>
      %dma_start3A_50 = arith.constant 0 : i32
      %dma_start3A_51 = tpu.memref_slice %arg10[%run_scoped3A_6, %dma_start3A_50] : memref<2x40xi32, #tpu.memory_space<vmem>> -> memref<1x40xi32, #tpu.memory_space<vmem>>
      %dma_start3A_52 = tpu.memref_squeeze %dma_start3A_51 : memref<1x40xi32, #tpu.memory_space<vmem>> -> memref<40xi32, #tpu.memory_space<vmem>>
      %dma_start3A_53 = tpu.memref_slice %arg3[%multiple_of3A_5] : memref<320000xi32, #tpu.memory_space<hbm>> -> memref<40xi32, #tpu.memory_space<hbm>>
      %dma_start3A_54 = arith.constant 0 : i32
      %dma_start3A_55 = tpu.memref_slice %arg10[%run_scoped3A_6, %dma_start3A_54] : memref<2x40xi32, #tpu.memory_space<vmem>> -> memref<1x40xi32, #tpu.memory_space<vmem>>
      %dma_start3A_56 = tpu.memref_squeeze %dma_start3A_55 : memref<1x40xi32, #tpu.memory_space<vmem>> -> memref<40xi32, #tpu.memory_space<vmem>>
      %dma_start3A_57 = tpu.memref_slice %arg3[%multiple_of3A_5] : memref<320000xi32, #tpu.memory_space<hbm>> -> memref<40xi32, #tpu.memory_space<hbm>>
      tpu.enqueue_dma source(%dma_start3A_57 : memref<40xi32, #tpu.memory_space<hbm>>) target(%dma_start3A_56 : memref<40xi32, #tpu.memory_space<vmem>>) target_semaphore(%run_scoped3A_49 : memref<!tpu.dma_semaphore, #tpu.memory_space<semaphore_mem>>)
      %dma_wait3A = arith.constant 0 : i32
      %dma_wait3A_58 = tpu.memref_slice %arg10[%run_scoped3A_6, %dma_wait3A] : memref<2x40xi32, #tpu.memory_space<vmem>> -> memref<1x40xi32, #tpu.memory_space<vmem>>
      %dma_wait3A_59 = tpu.memref_squeeze %dma_wait3A_58 : memref<1x40xi32, #tpu.memory_space<vmem>> -> memref<40xi32, #tpu.memory_space<vmem>>
      %dma_wait3A_60 = tpu.memref_slice %arg3[%multiple_of3A_5] : memref<320000xi32, #tpu.memory_space<hbm>> -> memref<40xi32, #tpu.memory_space<hbm>>
      %dma_wait3A_61 = arith.constant 0 : i32
      %dma_wait3A_62 = tpu.memref_slice %arg10[%run_scoped3A_6, %dma_wait3A_61] : memref<2x40xi32, #tpu.memory_space<vmem>> -> memref<1x40xi32, #tpu.memory_space<vmem>>
      %dma_wait3A_63 = tpu.memref_squeeze %dma_wait3A_62 : memref<1x40xi32, #tpu.memory_space<vmem>> -> memref<40xi32, #tpu.memory_space<vmem>>
      %dma_wait3A_64 = tpu.memref_slice %arg3[%multiple_of3A_5] : memref<320000xi32, #tpu.memory_space<hbm>> -> memref<40xi32, #tpu.memory_space<hbm>>
      tpu.wait_dma2 semaphore(%run_scoped3A_49 : memref<!tpu.dma_semaphore, #tpu.memory_space<semaphore_mem>>) src(%dma_wait3A_64 : memref<40xi32, #tpu.memory_space<hbm>>) dst(%dma_wait3A_63 : memref<40xi32, #tpu.memory_space<vmem>>)
      tpu.yield
    }) : () -> ()
    %dma_start3A = arith.constant 0 : i32
    %dma_start3A_7 = arith.constant 0 : i32
    %dma_start3A_8 = arith.constant 0 : i32
    %dma_start3A_9 = arith.constant 0 : i32
    %dma_start3A_10 = tpu.memref_slice %arg12[%dma_start3A_7, %dma_start3A_8, %dma_start3A_9] : memref<2x40x128xf32, #tpu.memory_space<vmem>> -> memref<1x40x128xf32, #tpu.memory_space<vmem>>
    %dma_start3A_11 = tpu.memref_squeeze %dma_start3A_10 : memref<1x40x128xf32, #tpu.memory_space<vmem>> -> memref<40x128xf32, #tpu.memory_space<vmem>>
    %dma_start3A_12 = arith.constant 0 : i32
    %dma_start3A_13 = tpu.memref_slice %arg10[%dma_start3A, %dma_start3A_12] : memref<2x40xi32, #tpu.memory_space<vmem>> -> memref<1x40xi32, #tpu.memory_space<vmem>>
    %dma_start3A_14 = tpu.memref_squeeze %dma_start3A_13 : memref<1x40xi32, #tpu.memory_space<vmem>> -> memref<40xi32, #tpu.memory_space<vmem>>
    %dma_start3A_15 = arith.constant 0 : i32
    %dma_start3A_16 = arith.constant 0 : i32
    %dma_start3A_17 = tpu.memref_slice %arg5[%dma_start3A_15, %dma_start3A_16] : memref<10240x128xf32, #tpu.memory_space<hbm>> -> memref<10240x128xf32, #tpu.memory_space<hbm>>
    tpu.enqueue_indirect_dma source(%dma_start3A_17 : memref<10240x128xf32, #tpu.memory_space<hbm>>) target(%dma_start3A_11 : memref<40x128xf32, #tpu.memory_space<vmem>>) offsets(%dma_start3A_14 : memref<40xi32, #tpu.memory_space<vmem>>) semaphore(%arg17 : memref<!tpu.dma_semaphore, #tpu.memory_space<semaphore_mem>>)
    %dma_start3A_18 = arith.constant 0 : i32
    %dma_start3A_19 = arith.constant 0 : i32
    %dma_start3A_20 = arith.constant 0 : i32
    %dma_start3A_21 = arith.constant 0 : i32
    %dma_start3A_22 = tpu.memref_slice %arg13[%dma_start3A_19, %dma_start3A_20, %dma_start3A_21] : memref<2x40x128xf32, #tpu.memory_space<vmem>> -> memref<1x40x128xf32, #tpu.memory_space<vmem>>
    %dma_start3A_23 = tpu.memref_squeeze %dma_start3A_22 : memref<1x40x128xf32, #tpu.memory_space<vmem>> -> memref<40x128xf32, #tpu.memory_space<vmem>>
    %dma_start3A_24 = arith.constant 0 : i32
    %dma_start3A_25 = tpu.memref_slice %arg9[%dma_start3A_18, %dma_start3A_24] : memref<2x40xi32, #tpu.memory_space<vmem>> -> memref<1x40xi32, #tpu.memory_space<vmem>>
    %dma_start3A_26 = tpu.memref_squeeze %dma_start3A_25 : memref<1x40xi32, #tpu.memory_space<vmem>> -> memref<40xi32, #tpu.memory_space<vmem>>
    %dma_start3A_27 = arith.constant 0 : i32
    %dma_start3A_28 = arith.constant 0 : i32
    %dma_start3A_29 = tpu.memref_slice %arg6[%dma_start3A_27, %dma_start3A_28] : memref<10240x128xf32, #tpu.memory_space<hbm>> -> memref<10240x128xf32, #tpu.memory_space<hbm>>
    tpu.enqueue_indirect_dma source(%dma_start3A_29 : memref<10240x128xf32, #tpu.memory_space<hbm>>) target(%dma_start3A_23 : memref<40x128xf32, #tpu.memory_space<vmem>>) offsets(%dma_start3A_26 : memref<40xi32, #tpu.memory_space<vmem>>) semaphore(%arg17 : memref<!tpu.dma_semaphore, #tpu.memory_space<semaphore_mem>>)
    %dma_start3A_30 = arith.constant 0 : i32
    %dma_start3A_31 = arith.constant 0 : i32
    %dma_start3A_32 = arith.constant 0 : i32
    %dma_start3A_33 = tpu.memref_slice %arg14[%dma_start3A_30, %dma_start3A_31, %dma_start3A_32] : memref<2x40x128xf32, #tpu.memory_space<vmem>> -> memref<1x40x128xf32, #tpu.memory_space<vmem>>
    %dma_start3A_34 = tpu.memref_squeeze %dma_start3A_33 : memref<1x40x128xf32, #tpu.memory_space<vmem>> -> memref<40x128xf32, #tpu.memory_space<vmem>>
    %dma_start3A_35 = arith.constant 0 : i32
    %dma_start3A_36 = tpu.memref_slice %arg4[%multiple_of3A_5, %dma_start3A_35] : memref<320000x128xf32, #tpu.memory_space<hbm>> -> memref<40x128xf32, #tpu.memory_space<hbm>>
    %dma_start3A_37 = arith.constant 0 : i32
    %dma_start3A_38 = arith.constant 0 : i32
    %dma_start3A_39 = tpu.memref_slice %arg14[%dma_start3A_30, %dma_start3A_37, %dma_start3A_38] : memref<2x40x128xf32, #tpu.memory_space<vmem>> -> memref<1x40x128xf32, #tpu.memory_space<vmem>>
    %dma_start3A_40 = tpu.memref_squeeze %dma_start3A_39 : memref<1x40x128xf32, #tpu.memory_space<vmem>> -> memref<40x128xf32, #tpu.memory_space<vmem>>
    %dma_start3A_41 = arith.constant 0 : i32
    %dma_start3A_42 = tpu.memref_slice %arg4[%multiple_of3A_5, %dma_start3A_41] : memref<320000x128xf32, #tpu.memory_space<hbm>> -> memref<40x128xf32, #tpu.memory_space<hbm>>
    tpu.enqueue_dma source(%dma_start3A_42 : memref<40x128xf32, #tpu.memory_space<hbm>>) target(%dma_start3A_40 : memref<40x128xf32, #tpu.memory_space<vmem>>) target_semaphore(%arg17 : memref<!tpu.dma_semaphore, #tpu.memory_space<semaphore_mem>>)
    %scan3A = arith.constant 0 : i32
    %scan3A_43 = arith.constant 0 : i32
    %scan3A_44 = arith.constant 250 : i32
    %scan3A_45 = arith.addi %scan3A_43, %scan3A_44 : i32
    %scan3A_46 = arith.constant 1 : i32
    scf.for %scan3A_49 = %scan3A_43 to %scan3A_45 step %scan3A_46  : i32 {
      %jit3A = arith.constant 2 : i32
      %eq3A = arith.constant 0 : i32
      %eq3A_50 = arith.cmpi eq, %jit3A, %eq3A : i32
      %jit3A_51 = arith.constant 1 : i32
      %select_n3A = arith.select %eq3A_50, %jit3A_51, %jit3A : i32
      %rem3A = arith.remsi %scan3A_49, %select_n3A : i32
      %ne3A = arith.constant 0 : i32
      %ne3A_52 = arith.cmpi ne, %rem3A, %ne3A : i32
      %lt3A = arith.constant 0 : i32
      %lt3A_53 = arith.cmpi slt, %rem3A, %lt3A : i32
      %lt3A_54 = arith.constant 0 : i32
      %lt3A_55 = arith.cmpi slt, %select_n3A, %lt3A_54 : i32
      %ne3A_56 = arith.xori %lt3A_53, %lt3A_55 : i1
      %and3A = arith.andi %ne3A_56, %ne3A_52 : i1
      %add3A_57 = arith.addi %rem3A, %select_n3A : i32
      %select_n3A_58 = arith.select %and3A, %add3A_57, %rem3A : i32
      %mul3A_59 = arith.constant 10000 : i32
      %mul3A_60 = arith.muli %add3A, %mul3A_59 : i32
      %mul3A_61 = arith.constant 40 : i32
      %mul3A_62 = arith.muli %scan3A_49, %mul3A_61 : i32
      %add3A_63 = arith.addi %mul3A_60, %mul3A_62 : i32
      %multiple_of3A_64 = tpu.assume_multiple %add3A_63, 8 : i32
      %mul3A_65 = arith.constant 10000 : i32
      %mul3A_66 = arith.muli %add3A, %mul3A_65 : i32
      %add3A_67 = arith.constant 1 : i32
      %add3A_68 = arith.addi %scan3A_49, %add3A_67 : i32
      %mul3A_69 = arith.constant 40 : i32
      %mul3A_70 = arith.muli %add3A_68, %mul3A_69 : i32
      %add3A_71 = arith.addi %mul3A_66, %mul3A_70 : i32
      %multiple_of3A_72 = tpu.assume_multiple %add3A_71, 8 : i32
      %eq3A_73 = arith.constant 0 : i32
      %eq3A_74 = arith.cmpi eq, %select_n3A_58, %eq3A_73 : i32
      %convert_element_type3A = arith.extui %eq3A_74 : i1 to i32
      %cond3A = arith.constant 0 : i32
      %cond3A_75 = arith.cmpi ne, %convert_element_type3A, %cond3A : i32
      scf.if %cond3A_75 {
        %dma_wait3A = arith.constant 0 : i32
        %dma_wait3A_81 = arith.constant 0 : i32
        %dma_wait3A_82 = arith.constant 0 : i32
        %dma_wait3A_83 = tpu.memref_slice %arg12[%dma_wait3A, %dma_wait3A_81, %dma_wait3A_82] : memref<2x40x128xf32, #tpu.memory_space<vmem>> -> memref<1x40x128xf32, #tpu.memory_space<vmem>>
        %dma_wait3A_84 = tpu.memref_squeeze %dma_wait3A_83 : memref<1x40x128xf32, #tpu.memory_space<vmem>> -> memref<40x128xf32, #tpu.memory_space<vmem>>
        %dma_wait3A_85 = arith.constant 0 : i32
        %dma_wait3A_86 = arith.constant 0 : i32
        %dma_wait3A_87 = tpu.memref_slice %arg5[%dma_wait3A_85, %dma_wait3A_86] : memref<10240x128xf32, #tpu.memory_space<hbm>> -> memref<40x128xf32, #tpu.memory_space<hbm>>
        %dma_wait3A_88 = arith.constant 0 : i32
        %dma_wait3A_89 = arith.constant 0 : i32
        %dma_wait3A_90 = tpu.memref_slice %arg12[%dma_wait3A, %dma_wait3A_88, %dma_wait3A_89] : memref<2x40x128xf32, #tpu.memory_space<vmem>> -> memref<1x40x128xf32, #tpu.memory_space<vmem>>
        %dma_wait3A_91 = tpu.memref_squeeze %dma_wait3A_90 : memref<1x40x128xf32, #tpu.memory_space<vmem>> -> memref<40x128xf32, #tpu.memory_space<vmem>>
        %dma_wait3A_92 = arith.constant 0 : i32
        %dma_wait3A_93 = arith.constant 0 : i32
        %dma_wait3A_94 = tpu.memref_slice %arg5[%dma_wait3A_92, %dma_wait3A_93] : memref<10240x128xf32, #tpu.memory_space<hbm>> -> memref<40x128xf32, #tpu.memory_space<hbm>>
        tpu.wait_dma2 semaphore(%arg17 : memref<!tpu.dma_semaphore, #tpu.memory_space<semaphore_mem>>) src(%dma_wait3A_94 : memref<40x128xf32, #tpu.memory_space<hbm>>) dst(%dma_wait3A_91 : memref<40x128xf32, #tpu.memory_space<vmem>>)
        %dma_wait3A_95 = arith.constant 0 : i32
        %dma_wait3A_96 = arith.constant 0 : i32
        %dma_wait3A_97 = arith.constant 0 : i32
        %dma_wait3A_98 = tpu.memref_slice %arg13[%dma_wait3A_95, %dma_wait3A_96, %dma_wait3A_97] : memref<2x40x128xf32, #tpu.memory_space<vmem>> -> memref<1x40x128xf32, #tpu.memory_space<vmem>>
        %dma_wait3A_99 = tpu.memref_squeeze %dma_wait3A_98 : memref<1x40x128xf32, #tpu.memory_space<vmem>> -> memref<40x128xf32, #tpu.memory_space<vmem>>
        %dma_wait3A_100 = arith.constant 0 : i32
        %dma_wait3A_101 = arith.constant 0 : i32
        %dma_wait3A_102 = tpu.memref_slice %arg6[%dma_wait3A_100, %dma_wait3A_101] : memref<10240x128xf32, #tpu.memory_space<hbm>> -> memref<40x128xf32, #tpu.memory_space<hbm>>
        %dma_wait3A_103 = arith.constant 0 : i32
        %dma_wait3A_104 = arith.constant 0 : i32
        %dma_wait3A_105 = tpu.memref_slice %arg13[%dma_wait3A_95, %dma_wait3A_103, %dma_wait3A_104] : memref<2x40x128xf32, #tpu.memory_space<vmem>> -> memref<1x40x128xf32, #tpu.memory_space<vmem>>
        %dma_wait3A_106 = tpu.memref_squeeze %dma_wait3A_105 : memref<1x40x128xf32, #tpu.memory_space<vmem>> -> memref<40x128xf32, #tpu.memory_space<vmem>>
        %dma_wait3A_107 = arith.constant 0 : i32
        %dma_wait3A_108 = arith.constant 0 : i32
        %dma_wait3A_109 = tpu.memref_slice %arg6[%dma_wait3A_107, %dma_wait3A_108] : memref<10240x128xf32, #tpu.memory_space<hbm>> -> memref<40x128xf32, #tpu.memory_space<hbm>>
        tpu.wait_dma2 semaphore(%arg17 : memref<!tpu.dma_semaphore, #tpu.memory_space<semaphore_mem>>) src(%dma_wait3A_109 : memref<40x128xf32, #tpu.memory_space<hbm>>) dst(%dma_wait3A_106 : memref<40x128xf32, #tpu.memory_space<vmem>>)
        %dma_wait3A_110 = arith.constant 0 : i32
        %dma_wait3A_111 = arith.constant 0 : i32
        %dma_wait3A_112 = arith.constant 0 : i32
        %dma_wait3A_113 = tpu.memref_slice %arg14[%dma_wait3A_110, %dma_wait3A_111, %dma_wait3A_112] : memref<2x40x128xf32, #tpu.memory_space<vmem>> -> memref<1x40x128xf32, #tpu.memory_space<vmem>>
        %dma_wait3A_114 = tpu.memref_squeeze %dma_wait3A_113 : memref<1x40x128xf32, #tpu.memory_space<vmem>> -> memref<40x128xf32, #tpu.memory_space<vmem>>
        %dma_wait3A_115 = arith.constant 0 : i32
        %dma_wait3A_116 = arith.constant 0 : i32
        %dma_wait3A_117 = tpu.memref_slice %arg4[%dma_wait3A_115, %dma_wait3A_116] : memref<320000x128xf32, #tpu.memory_space<hbm>> -> memref<40x128xf32, #tpu.memory_space<hbm>>
        %dma_wait3A_118 = arith.constant 0 : i32
        %dma_wait3A_119 = arith.constant 0 : i32
        %dma_wait3A_120 = tpu.memref_slice %arg14[%dma_wait3A_110, %dma_wait3A_118, %dma_wait3A_119] : memref<2x40x128xf32, #tpu.memory_space<vmem>> -> memref<1x40x128xf32, #tpu.memory_space<vmem>>
        %dma_wait3A_121 = tpu.memref_squeeze %dma_wait3A_120 : memref<1x40x128xf32, #tpu.memory_space<vmem>> -> memref<40x128xf32, #tpu.memory_space<vmem>>
        %dma_wait3A_122 = arith.constant 0 : i32
        %dma_wait3A_123 = arith.constant 0 : i32
        %dma_wait3A_124 = tpu.memref_slice %arg4[%dma_wait3A_122, %dma_wait3A_123] : memref<320000x128xf32, #tpu.memory_space<hbm>> -> memref<40x128xf32, #tpu.memory_space<hbm>>
        tpu.wait_dma2 semaphore(%arg17 : memref<!tpu.dma_semaphore, #tpu.memory_space<semaphore_mem>>) src(%dma_wait3A_124 : memref<40x128xf32, #tpu.memory_space<hbm>>) dst(%dma_wait3A_121 : memref<40x128xf32, #tpu.memory_space<vmem>>)
        %add3A_125 = arith.constant 1 : i32
        %add3A_126 = arith.addi %scan3A_49, %add3A_125 : i32
        %lt3A_127 = arith.constant 250 : i32
        %lt3A_128 = arith.cmpi slt, %add3A_126, %lt3A_127 : i32
        %convert_element_type3A_129 = arith.extui %lt3A_128 : i1 to i32
        %cond3A_130 = arith.constant 0 : i32
        %cond3A_131 = arith.cmpi ne, %convert_element_type3A_129, %cond3A_130 : i32
        scf.if %cond3A_131 {
          %run_scoped3A_138 = arith.constant 1 : i32
          "tpu.region"() ({
            %run_scoped3A_177 = tpu.sem_alloc : memref<!tpu.dma_semaphore, #tpu.memory_space<semaphore_mem>>
            %dma_start3A_178 = arith.constant 0 : i32
            %dma_start3A_179 = tpu.memref_slice %arg9[%run_scoped3A_138, %dma_start3A_178] : memref<2x40xi32, #tpu.memory_space<vmem>> -> memref<1x40xi32, #tpu.memory_space<vmem>>
            %dma_start3A_180 = tpu.memref_squeeze %dma_start3A_179 : memref<1x40xi32, #tpu.memory_space<vmem>> -> memref<40xi32, #tpu.memory_space<vmem>>
            %dma_start3A_181 = tpu.memref_slice %arg2[%multiple_of3A_72] : memref<320000xi32, #tpu.memory_space<hbm>> -> memref<40xi32, #tpu.memory_space<hbm>>
            %dma_start3A_182 = arith.constant 0 : i32
            %dma_start3A_183 = tpu.memref_slice %arg9[%run_scoped3A_138, %dma_start3A_182] : memref<2x40xi32, #tpu.memory_space<vmem>> -> memref<1x40xi32, #tpu.memory_space<vmem>>
            %dma_start3A_184 = tpu.memref_squeeze %dma_start3A_183 : memref<1x40xi32, #tpu.memory_space<vmem>> -> memref<40xi32, #tpu.memory_space<vmem>>
            %dma_start3A_185 = tpu.memref_slice %arg2[%multiple_of3A_72] : memref<320000xi32, #tpu.memory_space<hbm>> -> memref<40xi32, #tpu.memory_space<hbm>>
            tpu.enqueue_dma source(%dma_start3A_185 : memref<40xi32, #tpu.memory_space<hbm>>) target(%dma_start3A_184 : memref<40xi32, #tpu.memory_space<vmem>>) target_semaphore(%run_scoped3A_177 : memref<!tpu.dma_semaphore, #tpu.memory_space<semaphore_mem>>)
            %dma_wait3A_186 = arith.constant 0 : i32
            %dma_wait3A_187 = tpu.memref_slice %arg9[%run_scoped3A_138, %dma_wait3A_186] : memref<2x40xi32, #tpu.memory_space<vmem>> -> memref<1x40xi32, #tpu.memory_space<vmem>>
            %dma_wait3A_188 = tpu.memref_squeeze %dma_wait3A_187 : memref<1x40xi32, #tpu.memory_space<vmem>> -> memref<40xi32, #tpu.memory_space<vmem>>
            %dma_wait3A_189 = tpu.memref_slice %arg2[%multiple_of3A_72] : memref<320000xi32, #tpu.memory_space<hbm>> -> memref<40xi32, #tpu.memory_space<hbm>>
            %dma_wait3A_190 = arith.constant 0 : i32
            %dma_wait3A_191 = tpu.memref_slice %arg9[%run_scoped3A_138, %dma_wait3A_190] : memref<2x40xi32, #tpu.memory_space<vmem>> -> memref<1x40xi32, #tpu.memory_space<vmem>>
            %dma_wait3A_192 = tpu.memref_squeeze %dma_wait3A_191 : memref<1x40xi32, #tpu.memory_space<vmem>> -> memref<40xi32, #tpu.memory_space<vmem>>
            %dma_wait3A_193 = tpu.memref_slice %arg2[%multiple_of3A_72] : memref<320000xi32, #tpu.memory_space<hbm>> -> memref<40xi32, #tpu.memory_space<hbm>>
            tpu.wait_dma2 semaphore(%run_scoped3A_177 : memref<!tpu.dma_semaphore, #tpu.memory_space<semaphore_mem>>) src(%dma_wait3A_193 : memref<40xi32, #tpu.memory_space<hbm>>) dst(%dma_wait3A_192 : memref<40xi32, #tpu.memory_space<vmem>>)
            tpu.yield
          }) : () -> ()
          %run_scoped3A_139 = arith.constant 1 : i32
          "tpu.region"() ({
            %run_scoped3A_177 = tpu.sem_alloc : memref<!tpu.dma_semaphore, #tpu.memory_space<semaphore_mem>>
            %dma_start3A_178 = arith.constant 0 : i32
            %dma_start3A_179 = tpu.memref_slice %arg10[%run_scoped3A_139, %dma_start3A_178] : memref<2x40xi32, #tpu.memory_space<vmem>> -> memref<1x40xi32, #tpu.memory_space<vmem>>
            %dma_start3A_180 = tpu.memref_squeeze %dma_start3A_179 : memref<1x40xi32, #tpu.memory_space<vmem>> -> memref<40xi32, #tpu.memory_space<vmem>>
            %dma_start3A_181 = tpu.memref_slice %arg3[%multiple_of3A_72] : memref<320000xi32, #tpu.memory_space<hbm>> -> memref<40xi32, #tpu.memory_space<hbm>>
            %dma_start3A_182 = arith.constant 0 : i32
            %dma_start3A_183 = tpu.memref_slice %arg10[%run_scoped3A_139, %dma_start3A_182] : memref<2x40xi32, #tpu.memory_space<vmem>> -> memref<1x40xi32, #tpu.memory_space<vmem>>
            %dma_start3A_184 = tpu.memref_squeeze %dma_start3A_183 : memref<1x40xi32, #tpu.memory_space<vmem>> -> memref<40xi32, #tpu.memory_space<vmem>>
            %dma_start3A_185 = tpu.memref_slice %arg3[%multiple_of3A_72] : memref<320000xi32, #tpu.memory_space<hbm>> -> memref<40xi32, #tpu.memory_space<hbm>>
            tpu.enqueue_dma source(%dma_start3A_185 : memref<40xi32, #tpu.memory_space<hbm>>) target(%dma_start3A_184 : memref<40xi32, #tpu.memory_space<vmem>>) target_semaphore(%run_scoped3A_177 : memref<!tpu.dma_semaphore, #tpu.memory_space<semaphore_mem>>)
            %dma_wait3A_186 = arith.constant 0 : i32
            %dma_wait3A_187 = tpu.memref_slice %arg10[%run_scoped3A_139, %dma_wait3A_186] : memref<2x40xi32, #tpu.memory_space<vmem>> -> memref<1x40xi32, #tpu.memory_space<vmem>>
            %dma_wait3A_188 = tpu.memref_squeeze %dma_wait3A_187 : memref<1x40xi32, #tpu.memory_space<vmem>> -> memref<40xi32, #tpu.memory_space<vmem>>
            %dma_wait3A_189 = tpu.memref_slice %arg3[%multiple_of3A_72] : memref<320000xi32, #tpu.memory_space<hbm>> -> memref<40xi32, #tpu.memory_space<hbm>>
            %dma_wait3A_190 = arith.constant 0 : i32
            %dma_wait3A_191 = tpu.memref_slice %arg10[%run_scoped3A_139, %dma_wait3A_190] : memref<2x40xi32, #tpu.memory_space<vmem>> -> memref<1x40xi32, #tpu.memory_space<vmem>>
            %dma_wait3A_192 = tpu.memref_squeeze %dma_wait3A_191 : memref<1x40xi32, #tpu.memory_space<vmem>> -> memref<40xi32, #tpu.memory_space<vmem>>
            %dma_wait3A_193 = tpu.memref_slice %arg3[%multiple_of3A_72] : memref<320000xi32, #tpu.memory_space<hbm>> -> memref<40xi32, #tpu.memory_space<hbm>>
            tpu.wait_dma2 semaphore(%run_scoped3A_177 : memref<!tpu.dma_semaphore, #tpu.memory_space<semaphore_mem>>) src(%dma_wait3A_193 : memref<40xi32, #tpu.memory_space<hbm>>) dst(%dma_wait3A_192 : memref<40xi32, #tpu.memory_space<vmem>>)
            tpu.yield
          }) : () -> ()
          %dma_start3A_140 = arith.constant 1 : i32
          %dma_start3A_141 = arith.constant 1 : i32
          %dma_start3A_142 = arith.constant 0 : i32
          %dma_start3A_143 = arith.constant 0 : i32
          %dma_start3A_144 = tpu.memref_slice %arg12[%dma_start3A_141, %dma_start3A_142, %dma_start3A_143] : memref<2x40x128xf32, #tpu.memory_space<vmem>> -> memref<1x40x128xf32, #tpu.memory_space<vmem>>
          %dma_start3A_145 = tpu.memref_squeeze %dma_start3A_144 : memref<1x40x128xf32, #tpu.memory_space<vmem>> -> memref<40x128xf32, #tpu.memory_space<vmem>>
          %dma_start3A_146 = arith.constant 0 : i32
          %dma_start3A_147 = tpu.memref_slice %arg10[%dma_start3A_140, %dma_start3A_146] : memref<2x40xi32, #tpu.memory_space<vmem>> -> memref<1x40xi32, #tpu.memory_space<vmem>>
          %dma_start3A_148 = tpu.memref_squeeze %dma_start3A_147 : memref<1x40xi32, #tpu.memory_space<vmem>> -> memref<40xi32, #tpu.memory_space<vmem>>
          %dma_start3A_149 = arith.constant 0 : i32
          %dma_start3A_150 = arith.constant 0 : i32
          %dma_start3A_151 = tpu.memref_slice %arg5[%dma_start3A_149, %dma_start3A_150] : memref<10240x128xf32, #tpu.memory_space<hbm>> -> memref<10240x128xf32, #tpu.memory_space<hbm>>
          tpu.enqueue_indirect_dma source(%dma_start3A_151 : memref<10240x128xf32, #tpu.memory_space<hbm>>) target(%dma_start3A_145 : memref<40x128xf32, #tpu.memory_space<vmem>>) offsets(%dma_start3A_148 : memref<40xi32, #tpu.memory_space<vmem>>) semaphore(%arg18 : memref<!tpu.dma_semaphore, #tpu.memory_space<semaphore_mem>>)
          %dma_start3A_152 = arith.constant 1 : i32
          %dma_start3A_153 = arith.constant 1 : i32
          %dma_start3A_154 = arith.constant 0 : i32
          %dma_start3A_155 = arith.constant 0 : i32
          %dma_start3A_156 = tpu.memref_slice %arg13[%dma_start3A_153, %dma_start3A_154, %dma_start3A_155] : memref<2x40x128xf32, #tpu.memory_space<vmem>> -> memref<1x40x128xf32, #tpu.memory_space<vmem>>
          %dma_start3A_157 = tpu.memref_squeeze %dma_start3A_156 : memref<1x40x128xf32, #tpu.memory_space<vmem>> -> memref<40x128xf32, #tpu.memory_space<vmem>>
          %dma_start3A_158 = arith.constant 0 : i32
          %dma_start3A_159 = tpu.memref_slice %arg9[%dma_start3A_152, %dma_start3A_158] : memref<2x40xi32, #tpu.memory_space<vmem>> -> memref<1x40xi32, #tpu.memory_space<vmem>>
          %dma_start3A_160 = tpu.memref_squeeze %dma_start3A_159 : memref<1x40xi32, #tpu.memory_space<vmem>> -> memref<40xi32, #tpu.memory_space<vmem>>
          %dma_start3A_161 = arith.constant 0 : i32
          %dma_start3A_162 = arith.constant 0 : i32
          %dma_start3A_163 = tpu.memref_slice %arg6[%dma_start3A_161, %dma_start3A_162] : memref<10240x128xf32, #tpu.memory_space<hbm>> -> memref<10240x128xf32, #tpu.memory_space<hbm>>
          tpu.enqueue_indirect_dma source(%dma_start3A_163 : memref<10240x128xf32, #tpu.memory_space<hbm>>) target(%dma_start3A_157 : memref<40x128xf32, #tpu.memory_space<vmem>>) offsets(%dma_start3A_160 : memref<40xi32, #tpu.memory_space<vmem>>) semaphore(%arg18 : memref<!tpu.dma_semaphore, #tpu.memory_space<semaphore_mem>>)
          %dma_start3A_164 = arith.constant 1 : i32
          %dma_start3A_165 = arith.constant 0 : i32
          %dma_start3A_166 = arith.constant 0 : i32
          %dma_start3A_167 = tpu.memref_slice %arg14[%dma_start3A_164, %dma_start3A_165, %dma_start3A_166] : memref<2x40x128xf32, #tpu.memory_space<vmem>> -> memref<1x40x128xf32, #tpu.memory_space<vmem>>
          %dma_start3A_168 = tpu.memref_squeeze %dma_start3A_167 : memref<1x40x128xf32, #tpu.memory_space<vmem>> -> memref<40x128xf32, #tpu.memory_space<vmem>>
          %dma_start3A_169 = arith.constant 0 : i32
          %dma_start3A_170 = tpu.memref_slice %arg4[%multiple_of3A_72, %dma_start3A_169] : memref<320000x128xf32, #tpu.memory_space<hbm>> -> memref<40x128xf32, #tpu.memory_space<hbm>>
          %dma_start3A_171 = arith.constant 0 : i32
          %dma_start3A_172 = arith.constant 0 : i32
          %dma_start3A_173 = tpu.memref_slice %arg14[%dma_start3A_164, %dma_start3A_171, %dma_start3A_172] : memref<2x40x128xf32, #tpu.memory_space<vmem>> -> memref<1x40x128xf32, #tpu.memory_space<vmem>>
          %dma_start3A_174 = tpu.memref_squeeze %dma_start3A_173 : memref<1x40x128xf32, #tpu.memory_space<vmem>> -> memref<40x128xf32, #tpu.memory_space<vmem>>
          %dma_start3A_175 = arith.constant 0 : i32
          %dma_start3A_176 = tpu.memref_slice %arg4[%multiple_of3A_72, %dma_start3A_175] : memref<320000x128xf32, #tpu.memory_space<hbm>> -> memref<40x128xf32, #tpu.memory_space<hbm>>
          tpu.enqueue_dma source(%dma_start3A_176 : memref<40x128xf32, #tpu.memory_space<hbm>>) target(%dma_start3A_174 : memref<40x128xf32, #tpu.memory_space<vmem>>) target_semaphore(%arg18 : memref<!tpu.dma_semaphore, #tpu.memory_space<semaphore_mem>>)
        } else {
        }
        %scan3A_132 = arith.constant 0 : i32
        %scan3A_133 = arith.constant 0 : i32
        %scan3A_134 = arith.constant 40 : i32
        %scan3A_135 = arith.addi %scan3A_133, %scan3A_134 : i32
        %scan3A_136 = arith.constant 1 : i32
        scf.for %scan3A_138 = %scan3A_133 to %scan3A_135 step %scan3A_136  : i32 {
          %get3A = arith.constant 0 : i32
          %get3A_139 = arith.index_cast %get3A : i32 to index
          %get3A_140 = arith.index_cast %scan3A_138 : i32 to index
          %get3A_141 = arith.constant 0 : index
          %get3A_142 = tpu.vector_load %arg12[%get3A_139, %get3A_140, %get3A_141] {strides = array<i32>} : memref<2x40x128xf32, #tpu.memory_space<vmem>>, vector<1x1x16xf32>,
          %get3A_143 = vector.shape_cast %get3A_142 : vector<1x1x16xf32> to vector<16xf32>
          %get3A_144 = arith.constant 0 : i32
          %get3A_145 = arith.index_cast %get3A_144 : i32 to index
          %get3A_146 = arith.index_cast %scan3A_138 : i32 to index
          %get3A_147 = arith.constant 0 : index
          %get3A_148 = tpu.vector_load %arg13[%get3A_145, %get3A_146, %get3A_147] {strides = array<i32>} : memref<2x40x128xf32, #tpu.memory_space<vmem>>, vector<1x1x16xf32>,
          %get3A_149 = vector.shape_cast %get3A_148 : vector<1x1x16xf32> to vector<16xf32>
          %add3A_150 = arith.addf %get3A_143, %get3A_149 : vector<16xf32>
          %get3A_151 = arith.constant 0 : i32
          %get3A_152 = arith.index_cast %get3A_151 : i32 to index
          %get3A_153 = arith.index_cast %scan3A_138 : i32 to index
          %get3A_154 = arith.constant 0 : index
          %get3A_155 = tpu.vector_load %arg14[%get3A_152, %get3A_153, %get3A_154] {strides = array<i32>} : memref<2x40x128xf32, #tpu.memory_space<vmem>>, vector<1x1x16xf32>,
          %get3A_156 = vector.shape_cast %get3A_155 : vector<1x1x16xf32> to vector<16xf32>
          %add3A_157 = arith.addf %add3A_150, %get3A_156 : vector<16xf32>
          %neg3A = arith.constant 0.000000e+00 : f32
          %neg3A_158 = vector.broadcast %neg3A : f32 to vector<16xf32>
          %neg3A_159 = arith.subf %neg3A_158, %add3A_157 : vector<16xf32>
          %exp3A = math.exp %neg3A_159 : vector<16xf32>
          %add3A_160 = arith.constant 1.000000e+00 : f32
          %add3A_161 = vector.broadcast %add3A_160 : f32 to vector<16xf32>
          %add3A_162 = arith.addf %add3A_161, %exp3A : vector<16xf32>
          %div3A = arith.constant 1.000000e+00 : f32
          %div3A_163 = vector.broadcast %div3A : f32 to vector<16xf32>
          %div3A_164 = arith.divf %div3A_163, %add3A_162 : vector<16xf32>
          %get3A_165 = arith.constant 0 : i32
          %get3A_166 = arith.index_cast %get3A_165 : i32 to index
          %get3A_167 = arith.index_cast %scan3A_138 : i32 to index
          %get3A_168 = arith.constant 64 : index
          %get3A_169 = tpu.vector_load %arg13[%get3A_166, %get3A_167, %get3A_168] {strides = array<i32>} : memref<2x40x128xf32, #tpu.memory_space<vmem>>, vector<1x1x16xf32>,
          %get3A_170 = vector.shape_cast %get3A_169 : vector<1x1x16xf32> to vector<16xf32>
          %mul3A_171 = arith.mulf %div3A_164, %get3A_170 : vector<16xf32>
          %swap3A = arith.index_cast %scan3A_138 : i32 to index
          %swap3A_172 = arith.constant 0 : index
          %swap3A_173 = tpu.vector_load %arg15[%swap3A, %swap3A_172] {strides = array<i32>} : memref<40x128xf32, #tpu.memory_space<vmem>>, vector<1x16xf32>,
          %swap3A_174 = vector.shape_cast %swap3A_173 : vector<1x16xf32> to vector<16xf32>
          %swap3A_175 = vector.shape_cast %mul3A_171 : vector<16xf32> to vector<1x16xf32>
          tpu.vector_store %arg15[%swap3A, %swap3A_172], %swap3A_175 {strides = array<i32>} : memref<40x128xf32, #tpu.memory_space<vmem>>, vector<1x16xf32>,
          %swap3A_176 = arith.index_cast %scan3A_138 : i32 to index
          %swap3A_177 = arith.constant 64 : index
          %swap3A_178 = tpu.vector_load %arg15[%swap3A_176, %swap3A_177] {strides = array<i32>} : memref<40x128xf32, #tpu.memory_space<vmem>>, vector<1x16xf32>,
          %swap3A_179 = vector.shape_cast %swap3A_178 : vector<1x16xf32> to vector<16xf32>
          %swap3A_180 = vector.shape_cast %div3A_164 : vector<16xf32> to vector<1x16xf32>
          tpu.vector_store %arg15[%swap3A_176, %swap3A_177], %swap3A_180 {strides = array<i32>} : memref<40x128xf32, #tpu.memory_space<vmem>>, vector<1x16xf32>,
          %get3A_181 = arith.constant 0 : i32
          %get3A_182 = arith.index_cast %get3A_181 : i32 to index
          %get3A_183 = arith.index_cast %scan3A_138 : i32 to index
          %get3A_184 = arith.constant 16 : index
          %get3A_185 = tpu.vector_load %arg12[%get3A_182, %get3A_183, %get3A_184] {strides = array<i32>} : memref<2x40x128xf32, #tpu.memory_space<vmem>>, vector<1x1x16xf32>,
          %get3A_186 = vector.shape_cast %get3A_185 : vector<1x1x16xf32> to vector<16xf32>
          %get3A_187 = arith.constant 0 : i32
          %get3A_188 = arith.index_cast %get3A_187 : i32 to index
          %get3A_189 = arith.index_cast %scan3A_138 : i32 to index
          %get3A_190 = arith.constant 16 : index
          %get3A_191 = tpu.vector_load %arg13[%get3A_188, %get3A_189, %get3A_190] {strides = array<i32>} : memref<2x40x128xf32, #tpu.memory_space<vmem>>, vector<1x1x16xf32>,
          %get3A_192 = vector.shape_cast %get3A_191 : vector<1x1x16xf32> to vector<16xf32>
          %add3A_193 = arith.addf %get3A_186, %get3A_192 : vector<16xf32>
          %get3A_194 = arith.constant 0 : i32
          %get3A_195 = arith.index_cast %get3A_194 : i32 to index
          %get3A_196 = arith.index_cast %scan3A_138 : i32 to index
          %get3A_197 = arith.constant 16 : index
          %get3A_198 = tpu.vector_load %arg14[%get3A_195, %get3A_196, %get3A_197] {strides = array<i32>} : memref<2x40x128xf32, #tpu.memory_space<vmem>>, vector<1x1x16xf32>,
          %get3A_199 = vector.shape_cast %get3A_198 : vector<1x1x16xf32> to vector<16xf32>
          %add3A_200 = arith.addf %add3A_193, %get3A_199 : vector<16xf32>
          %neg3A_201 = arith.constant 0.000000e+00 : f32
          %neg3A_202 = vector.broadcast %neg3A_201 : f32 to vector<16xf32>
          %neg3A_203 = arith.subf %neg3A_202, %add3A_200 : vector<16xf32>
          %exp3A_204 = math.exp %neg3A_203 : vector<16xf32>
          %add3A_205 = arith.constant 1.000000e+00 : f32
          %add3A_206 = vector.broadcast %add3A_205 : f32 to vector<16xf32>
          %add3A_207 = arith.addf %add3A_206, %exp3A_204 : vector<16xf32>
          %div3A_208 = arith.constant 1.000000e+00 : f32
          %div3A_209 = vector.broadcast %div3A_208 : f32 to vector<16xf32>
          %div3A_210 = arith.divf %div3A_209, %add3A_207 : vector<16xf32>
          %get3A_211 = arith.constant 0 : i32
          %get3A_212 = arith.index_cast %get3A_211 : i32 to index
          %get3A_213 = arith.index_cast %scan3A_138 : i32 to index
          %get3A_214 = arith.constant 80 : index
          %get3A_215 = tpu.vector_load %arg13[%get3A_212, %get3A_213, %get3A_214] {strides = array<i32>} : memref<2x40x128xf32, #tpu.memory_space<vmem>>, vector<1x1x16xf32>,
          %get3A_216 = vector.shape_cast %get3A_215 : vector<1x1x16xf32> to vector<16xf32>
          %mul3A_217 = arith.mulf %div3A_210, %get3A_216 : vector<16xf32>
          %swap3A_218 = arith.index_cast %scan3A_138 : i32 to index
          %swap3A_219 = arith.constant 16 : index
          %swap3A_220 = tpu.vector_load %arg15[%swap3A_218, %swap3A_219] {strides = array<i32>} : memref<40x128xf32, #tpu.memory_space<vmem>>, vector<1x16xf32>,
          %swap3A_221 = vector.shape_cast %swap3A_220 : vector<1x16xf32> to vector<16xf32>
          %swap3A_222 = vector.shape_cast %mul3A_217 : vector<16xf32> to vector<1x16xf32>
          tpu.vector_store %arg15[%swap3A_218, %swap3A_219], %swap3A_222 {strides = array<i32>} : memref<40x128xf32, #tpu.memory_space<vmem>>, vector<1x16xf32>,
          %swap3A_223 = arith.index_cast %scan3A_138 : i32 to index
          %swap3A_224 = arith.constant 80 : index
          %swap3A_225 = tpu.vector_load %arg15[%swap3A_223, %swap3A_224] {strides = array<i32>} : memref<40x128xf32, #tpu.memory_space<vmem>>, vector<1x16xf32>,
          %swap3A_226 = vector.shape_cast %swap3A_225 : vector<1x16xf32> to vector<16xf32>
          %swap3A_227 = vector.shape_cast %div3A_210 : vector<16xf32> to vector<1x16xf32>
          tpu.vector_store %arg15[%swap3A_223, %swap3A_224], %swap3A_227 {strides = array<i32>} : memref<40x128xf32, #tpu.memory_space<vmem>>, vector<1x16xf32>,
          %get3A_228 = arith.constant 0 : i32
          %get3A_229 = arith.index_cast %get3A_228 : i32 to index
          %get3A_230 = arith.index_cast %scan3A_138 : i32 to index
          %get3A_231 = arith.constant 32 : index
          %get3A_232 = tpu.vector_load %arg12[%get3A_229, %get3A_230, %get3A_231] {strides = array<i32>} : memref<2x40x128xf32, #tpu.memory_space<vmem>>, vector<1x1x16xf32>,
          %get3A_233 = vector.shape_cast %get3A_232 : vector<1x1x16xf32> to vector<16xf32>
          %get3A_234 = arith.constant 0 : i32
          %get3A_235 = arith.index_cast %get3A_234 : i32 to index
          %get3A_236 = arith.index_cast %scan3A_138 : i32 to index
          %get3A_237 = arith.constant 32 : index
          %get3A_238 = tpu.vector_load %arg13[%get3A_235, %get3A_236, %get3A_237] {strides = array<i32>} : memref<2x40x128xf32, #tpu.memory_space<vmem>>, vector<1x1x16xf32>,
          %get3A_239 = vector.shape_cast %get3A_238 : vector<1x1x16xf32> to vector<16xf32>
          %add3A_240 = arith.addf %get3A_233, %get3A_239 : vector<16xf32>
          %get3A_241 = arith.constant 0 : i32
          %get3A_242 = arith.index_cast %get3A_241 : i32 to index
          %get3A_243 = arith.index_cast %scan3A_138 : i32 to index
          %get3A_244 = arith.constant 32 : index
          %get3A_245 = tpu.vector_load %arg14[%get3A_242, %get3A_243, %get3A_244] {strides = array<i32>} : memref<2x40x128xf32, #tpu.memory_space<vmem>>, vector<1x1x16xf32>,
          %get3A_246 = vector.shape_cast %get3A_245 : vector<1x1x16xf32> to vector<16xf32>
          %add3A_247 = arith.addf %add3A_240, %get3A_246 : vector<16xf32>
          %neg3A_248 = arith.constant 0.000000e+00 : f32
          %neg3A_249 = vector.broadcast %neg3A_248 : f32 to vector<16xf32>
          %neg3A_250 = arith.subf %neg3A_249, %add3A_247 : vector<16xf32>
          %exp3A_251 = math.exp %neg3A_250 : vector<16xf32>
          %add3A_252 = arith.constant 1.000000e+00 : f32
          %add3A_253 = vector.broadcast %add3A_252 : f32 to vector<16xf32>
          %add3A_254 = arith.addf %add3A_253, %exp3A_251 : vector<16xf32>
          %div3A_255 = arith.constant 1.000000e+00 : f32
          %div3A_256 = vector.broadcast %div3A_255 : f32 to vector<16xf32>
          %div3A_257 = arith.divf %div3A_256, %add3A_254 : vector<16xf32>
          %get3A_258 = arith.constant 0 : i32
          %get3A_259 = arith.index_cast %get3A_258 : i32 to index
          %get3A_260 = arith.index_cast %scan3A_138 : i32 to index
          %get3A_261 = arith.constant 96 : index
          %get3A_262 = tpu.vector_load %arg13[%get3A_259, %get3A_260, %get3A_261] {strides = array<i32>} : memref<2x40x128xf32, #tpu.memory_space<vmem>>, vector<1x1x16xf32>,
          %get3A_263 = vector.shape_cast %get3A_262 : vector<1x1x16xf32> to vector<16xf32>
          %mul3A_264 = arith.mulf %div3A_257, %get3A_263 : vector<16xf32>
          %swap3A_265 = arith.index_cast %scan3A_138 : i32 to index
          %swap3A_266 = arith.constant 32 : index
          %swap3A_267 = tpu.vector_load %arg15[%swap3A_265, %swap3A_266] {strides = array<i32>} : memref<40x128xf32, #tpu.memory_space<vmem>>, vector<1x16xf32>,
          %swap3A_268 = vector.shape_cast %swap3A_267 : vector<1x16xf32> to vector<16xf32>
          %swap3A_269 = vector.shape_cast %mul3A_264 : vector<16xf32> to vector<1x16xf32>
          tpu.vector_store %arg15[%swap3A_265, %swap3A_266], %swap3A_269 {strides = array<i32>} : memref<40x128xf32, #tpu.memory_space<vmem>>, vector<1x16xf32>,
          %swap3A_270 = arith.index_cast %scan3A_138 : i32 to index
          %swap3A_271 = arith.constant 96 : index
          %swap3A_272 = tpu.vector_load %arg15[%swap3A_270, %swap3A_271] {strides = array<i32>} : memref<40x128xf32, #tpu.memory_space<vmem>>, vector<1x16xf32>,
          %swap3A_273 = vector.shape_cast %swap3A_272 : vector<1x16xf32> to vector<16xf32>
          %swap3A_274 = vector.shape_cast %div3A_257 : vector<16xf32> to vector<1x16xf32>
          tpu.vector_store %arg15[%swap3A_270, %swap3A_271], %swap3A_274 {strides = array<i32>} : memref<40x128xf32, #tpu.memory_space<vmem>>, vector<1x16xf32>,
          %get3A_275 = arith.constant 0 : i32
          %get3A_276 = arith.index_cast %get3A_275 : i32 to index
          %get3A_277 = arith.index_cast %scan3A_138 : i32 to index
          %get3A_278 = arith.constant 48 : index
          %get3A_279 = tpu.vector_load %arg12[%get3A_276, %get3A_277, %get3A_278] {strides = array<i32>} : memref<2x40x128xf32, #tpu.memory_space<vmem>>, vector<1x1x16xf32>,
          %get3A_280 = vector.shape_cast %get3A_279 : vector<1x1x16xf32> to vector<16xf32>
          %get3A_281 = arith.constant 0 : i32
          %get3A_282 = arith.index_cast %get3A_281 : i32 to index
          %get3A_283 = arith.index_cast %scan3A_138 : i32 to index
          %get3A_284 = arith.constant 48 : index
          %get3A_285 = tpu.vector_load %arg13[%get3A_282, %get3A_283, %get3A_284] {strides = array<i32>} : memref<2x40x128xf32, #tpu.memory_space<vmem>>, vector<1x1x16xf32>,
          %get3A_286 = vector.shape_cast %get3A_285 : vector<1x1x16xf32> to vector<16xf32>
          %add3A_287 = arith.addf %get3A_280, %get3A_286 : vector<16xf32>
          %get3A_288 = arith.constant 0 : i32
          %get3A_289 = arith.index_cast %get3A_288 : i32 to index
          %get3A_290 = arith.index_cast %scan3A_138 : i32 to index
          %get3A_291 = arith.constant 48 : index
          %get3A_292 = tpu.vector_load %arg14[%get3A_289, %get3A_290, %get3A_291] {strides = array<i32>} : memref<2x40x128xf32, #tpu.memory_space<vmem>>, vector<1x1x16xf32>,
          %get3A_293 = vector.shape_cast %get3A_292 : vector<1x1x16xf32> to vector<16xf32>
          %add3A_294 = arith.addf %add3A_287, %get3A_293 : vector<16xf32>
          %neg3A_295 = arith.constant 0.000000e+00 : f32
          %neg3A_296 = vector.broadcast %neg3A_295 : f32 to vector<16xf32>
          %neg3A_297 = arith.subf %neg3A_296, %add3A_294 : vector<16xf32>
          %exp3A_298 = math.exp %neg3A_297 : vector<16xf32>
          %add3A_299 = arith.constant 1.000000e+00 : f32
          %add3A_300 = vector.broadcast %add3A_299 : f32 to vector<16xf32>
          %add3A_301 = arith.addf %add3A_300, %exp3A_298 : vector<16xf32>
          %div3A_302 = arith.constant 1.000000e+00 : f32
          %div3A_303 = vector.broadcast %div3A_302 : f32 to vector<16xf32>
          %div3A_304 = arith.divf %div3A_303, %add3A_301 : vector<16xf32>
          %get3A_305 = arith.constant 0 : i32
          %get3A_306 = arith.index_cast %get3A_305 : i32 to index
          %get3A_307 = arith.index_cast %scan3A_138 : i32 to index
          %get3A_308 = arith.constant 112 : index
          %get3A_309 = tpu.vector_load %arg13[%get3A_306, %get3A_307, %get3A_308] {strides = array<i32>} : memref<2x40x128xf32, #tpu.memory_space<vmem>>, vector<1x1x16xf32>,
          %get3A_310 = vector.shape_cast %get3A_309 : vector<1x1x16xf32> to vector<16xf32>
          %mul3A_311 = arith.mulf %div3A_304, %get3A_310 : vector<16xf32>
          %swap3A_312 = arith.index_cast %scan3A_138 : i32 to index
          %swap3A_313 = arith.constant 48 : index
          %swap3A_314 = tpu.vector_load %arg15[%swap3A_312, %swap3A_313] {strides = array<i32>} : memref<40x128xf32, #tpu.memory_space<vmem>>, vector<1x16xf32>,
          %swap3A_315 = vector.shape_cast %swap3A_314 : vector<1x16xf32> to vector<16xf32>
          %swap3A_316 = vector.shape_cast %mul3A_311 : vector<16xf32> to vector<1x16xf32>
          tpu.vector_store %arg15[%swap3A_312, %swap3A_313], %swap3A_316 {strides = array<i32>} : memref<40x128xf32, #tpu.memory_space<vmem>>, vector<1x16xf32>,
          %swap3A_317 = arith.index_cast %scan3A_138 : i32 to index
          %swap3A_318 = arith.constant 112 : index
          %swap3A_319 = tpu.vector_load %arg15[%swap3A_317, %swap3A_318] {strides = array<i32>} : memref<40x128xf32, #tpu.memory_space<vmem>>, vector<1x16xf32>,
          %swap3A_320 = vector.shape_cast %swap3A_319 : vector<1x16xf32> to vector<16xf32>
          %swap3A_321 = vector.shape_cast %div3A_304 : vector<16xf32> to vector<1x16xf32>
          tpu.vector_store %arg15[%swap3A_317, %swap3A_318], %swap3A_321 {strides = array<i32>} : memref<40x128xf32, #tpu.memory_space<vmem>>, vector<1x16xf32>,
        }
        %scan3A_137 = arith.constant 40 : i32
      } else {
      }
      %eq3A_76 = arith.constant 1 : i32
      %eq3A_77 = arith.cmpi eq, %select_n3A_58, %eq3A_76 : i32
      %convert_element_type3A_78 = arith.extui %eq3A_77 : i1 to i32
      %cond3A_79 = arith.constant 0 : i32
      %cond3A_80 = arith.cmpi ne, %convert_element_type3A_78, %cond3A_79 : i32
      scf.if %cond3A_80 {
        %dma_wait3A = arith.constant 1 : i32
        %dma_wait3A_81 = arith.constant 0 : i32
        %dma_wait3A_82 = arith.constant 0 : i32
        %dma_wait3A_83 = tpu.memref_slice %arg12[%dma_wait3A, %dma_wait3A_81, %dma_wait3A_82] : memref<2x40x128xf32, #tpu.memory_space<vmem>> -> memref<1x40x128xf32, #tpu.memory_space<vmem>>
        %dma_wait3A_84 = tpu.memref_squeeze %dma_wait3A_83 : memref<1x40x128xf32, #tpu.memory_space<vmem>> -> memref<40x128xf32, #tpu.memory_space<vmem>>
        %dma_wait3A_85 = arith.constant 0 : i32
        %dma_wait3A_86 = arith.constant 0 : i32
        %dma_wait3A_87 = tpu.memref_slice %arg5[%dma_wait3A_85, %dma_wait3A_86] : memref<10240x128xf32, #tpu.memory_space<hbm>> -> memref<40x128xf32, #tpu.memory_space<hbm>>
        %dma_wait3A_88 = arith.constant 0 : i32
        %dma_wait3A_89 = arith.constant 0 : i32
        %dma_wait3A_90 = tpu.memref_slice %arg12[%dma_wait3A, %dma_wait3A_88, %dma_wait3A_89] : memref<2x40x128xf32, #tpu.memory_space<vmem>> -> memref<1x40x128xf32, #tpu.memory_space<vmem>>
        %dma_wait3A_91 = tpu.memref_squeeze %dma_wait3A_90 : memref<1x40x128xf32, #tpu.memory_space<vmem>> -> memref<40x128xf32, #tpu.memory_space<vmem>>
        %dma_wait3A_92 = arith.constant 0 : i32
        %dma_wait3A_93 = arith.constant 0 : i32
        %dma_wait3A_94 = tpu.memref_slice %arg5[%dma_wait3A_92, %dma_wait3A_93] : memref<10240x128xf32, #tpu.memory_space<hbm>> -> memref<40x128xf32, #tpu.memory_space<hbm>>
        tpu.wait_dma2 semaphore(%arg18 : memref<!tpu.dma_semaphore, #tpu.memory_space<semaphore_mem>>) src(%dma_wait3A_94 : memref<40x128xf32, #tpu.memory_space<hbm>>) dst(%dma_wait3A_91 : memref<40x128xf32, #tpu.memory_space<vmem>>)
        %dma_wait3A_95 = arith.constant 1 : i32
        %dma_wait3A_96 = arith.constant 0 : i32
        %dma_wait3A_97 = arith.constant 0 : i32
        %dma_wait3A_98 = tpu.memref_slice %arg13[%dma_wait3A_95, %dma_wait3A_96, %dma_wait3A_97] : memref<2x40x128xf32, #tpu.memory_space<vmem>> -> memref<1x40x128xf32, #tpu.memory_space<vmem>>
        %dma_wait3A_99 = tpu.memref_squeeze %dma_wait3A_98 : memref<1x40x128xf32, #tpu.memory_space<vmem>> -> memref<40x128xf32, #tpu.memory_space<vmem>>
        %dma_wait3A_100 = arith.constant 0 : i32
        %dma_wait3A_101 = arith.constant 0 : i32
        %dma_wait3A_102 = tpu.memref_slice %arg6[%dma_wait3A_100, %dma_wait3A_101] : memref<10240x128xf32, #tpu.memory_space<hbm>> -> memref<40x128xf32, #tpu.memory_space<hbm>>
        %dma_wait3A_103 = arith.constant 0 : i32
        %dma_wait3A_104 = arith.constant 0 : i32
        %dma_wait3A_105 = tpu.memref_slice %arg13[%dma_wait3A_95, %dma_wait3A_103, %dma_wait3A_104] : memref<2x40x128xf32, #tpu.memory_space<vmem>> -> memref<1x40x128xf32, #tpu.memory_space<vmem>>
        %dma_wait3A_106 = tpu.memref_squeeze %dma_wait3A_105 : memref<1x40x128xf32, #tpu.memory_space<vmem>> -> memref<40x128xf32, #tpu.memory_space<vmem>>
        %dma_wait3A_107 = arith.constant 0 : i32
        %dma_wait3A_108 = arith.constant 0 : i32
        %dma_wait3A_109 = tpu.memref_slice %arg6[%dma_wait3A_107, %dma_wait3A_108] : memref<10240x128xf32, #tpu.memory_space<hbm>> -> memref<40x128xf32, #tpu.memory_space<hbm>>
        tpu.wait_dma2 semaphore(%arg18 : memref<!tpu.dma_semaphore, #tpu.memory_space<semaphore_mem>>) src(%dma_wait3A_109 : memref<40x128xf32, #tpu.memory_space<hbm>>) dst(%dma_wait3A_106 : memref<40x128xf32, #tpu.memory_space<vmem>>)
        %dma_wait3A_110 = arith.constant 1 : i32
        %dma_wait3A_111 = arith.constant 0 : i32
        %dma_wait3A_112 = arith.constant 0 : i32
        %dma_wait3A_113 = tpu.memref_slice %arg14[%dma_wait3A_110, %dma_wait3A_111, %dma_wait3A_112] : memref<2x40x128xf32, #tpu.memory_space<vmem>> -> memref<1x40x128xf32, #tpu.memory_space<vmem>>
        %dma_wait3A_114 = tpu.memref_squeeze %dma_wait3A_113 : memref<1x40x128xf32, #tpu.memory_space<vmem>> -> memref<40x128xf32, #tpu.memory_space<vmem>>
        %dma_wait3A_115 = arith.constant 0 : i32
        %dma_wait3A_116 = arith.constant 0 : i32
        %dma_wait3A_117 = tpu.memref_slice %arg4[%dma_wait3A_115, %dma_wait3A_116] : memref<320000x128xf32, #tpu.memory_space<hbm>> -> memref<40x128xf32, #tpu.memory_space<hbm>>
        %dma_wait3A_118 = arith.constant 0 : i32
        %dma_wait3A_119 = arith.constant 0 : i32
        %dma_wait3A_120 = tpu.memref_slice %arg14[%dma_wait3A_110, %dma_wait3A_118, %dma_wait3A_119] : memref<2x40x128xf32, #tpu.memory_space<vmem>> -> memref<1x40x128xf32, #tpu.memory_space<vmem>>
        %dma_wait3A_121 = tpu.memref_squeeze %dma_wait3A_120 : memref<1x40x128xf32, #tpu.memory_space<vmem>> -> memref<40x128xf32, #tpu.memory_space<vmem>>
        %dma_wait3A_122 = arith.constant 0 : i32
        %dma_wait3A_123 = arith.constant 0 : i32
        %dma_wait3A_124 = tpu.memref_slice %arg4[%dma_wait3A_122, %dma_wait3A_123] : memref<320000x128xf32, #tpu.memory_space<hbm>> -> memref<40x128xf32, #tpu.memory_space<hbm>>
        tpu.wait_dma2 semaphore(%arg18 : memref<!tpu.dma_semaphore, #tpu.memory_space<semaphore_mem>>) src(%dma_wait3A_124 : memref<40x128xf32, #tpu.memory_space<hbm>>) dst(%dma_wait3A_121 : memref<40x128xf32, #tpu.memory_space<vmem>>)
        %add3A_125 = arith.constant 1 : i32
        %add3A_126 = arith.addi %scan3A_49, %add3A_125 : i32
        %lt3A_127 = arith.constant 250 : i32
        %lt3A_128 = arith.cmpi slt, %add3A_126, %lt3A_127 : i32
        %convert_element_type3A_129 = arith.extui %lt3A_128 : i1 to i32
        %cond3A_130 = arith.constant 0 : i32
        %cond3A_131 = arith.cmpi ne, %convert_element_type3A_129, %cond3A_130 : i32
        scf.if %cond3A_131 {
          %run_scoped3A_138 = arith.constant 0 : i32
          "tpu.region"() ({
            %run_scoped3A_177 = tpu.sem_alloc : memref<!tpu.dma_semaphore, #tpu.memory_space<semaphore_mem>>
            %dma_start3A_178 = arith.constant 0 : i32
            %dma_start3A_179 = tpu.memref_slice %arg9[%run_scoped3A_138, %dma_start3A_178] : memref<2x40xi32, #tpu.memory_space<vmem>> -> memref<1x40xi32, #tpu.memory_space<vmem>>
            %dma_start3A_180 = tpu.memref_squeeze %dma_start3A_179 : memref<1x40xi32, #tpu.memory_space<vmem>> -> memref<40xi32, #tpu.memory_space<vmem>>
            %dma_start3A_181 = tpu.memref_slice %arg2[%multiple_of3A_72] : memref<320000xi32, #tpu.memory_space<hbm>> -> memref<40xi32, #tpu.memory_space<hbm>>
            %dma_start3A_182 = arith.constant 0 : i32
            %dma_start3A_183 = tpu.memref_slice %arg9[%run_scoped3A_138, %dma_start3A_182] : memref<2x40xi32, #tpu.memory_space<vmem>> -> memref<1x40xi32, #tpu.memory_space<vmem>>
            %dma_start3A_184 = tpu.memref_squeeze %dma_start3A_183 : memref<1x40xi32, #tpu.memory_space<vmem>> -> memref<40xi32, #tpu.memory_space<vmem>>
            %dma_start3A_185 = tpu.memref_slice %arg2[%multiple_of3A_72] : memref<320000xi32, #tpu.memory_space<hbm>> -> memref<40xi32, #tpu.memory_space<hbm>>
            tpu.enqueue_dma source(%dma_start3A_185 : memref<40xi32, #tpu.memory_space<hbm>>) target(%dma_start3A_184 : memref<40xi32, #tpu.memory_space<vmem>>) target_semaphore(%run_scoped3A_177 : memref<!tpu.dma_semaphore, #tpu.memory_space<semaphore_mem>>)
            %dma_wait3A_186 = arith.constant 0 : i32
            %dma_wait3A_187 = tpu.memref_slice %arg9[%run_scoped3A_138, %dma_wait3A_186] : memref<2x40xi32, #tpu.memory_space<vmem>> -> memref<1x40xi32, #tpu.memory_space<vmem>>
            %dma_wait3A_188 = tpu.memref_squeeze %dma_wait3A_187 : memref<1x40xi32, #tpu.memory_space<vmem>> -> memref<40xi32, #tpu.memory_space<vmem>>
            %dma_wait3A_189 = tpu.memref_slice %arg2[%multiple_of3A_72] : memref<320000xi32, #tpu.memory_space<hbm>> -> memref<40xi32, #tpu.memory_space<hbm>>
            %dma_wait3A_190 = arith.constant 0 : i32
            %dma_wait3A_191 = tpu.memref_slice %arg9[%run_scoped3A_138, %dma_wait3A_190] : memref<2x40xi32, #tpu.memory_space<vmem>> -> memref<1x40xi32, #tpu.memory_space<vmem>>
            %dma_wait3A_192 = tpu.memref_squeeze %dma_wait3A_191 : memref<1x40xi32, #tpu.memory_space<vmem>> -> memref<40xi32, #tpu.memory_space<vmem>>
            %dma_wait3A_193 = tpu.memref_slice %arg2[%multiple_of3A_72] : memref<320000xi32, #tpu.memory_space<hbm>> -> memref<40xi32, #tpu.memory_space<hbm>>
            tpu.wait_dma2 semaphore(%run_scoped3A_177 : memref<!tpu.dma_semaphore, #tpu.memory_space<semaphore_mem>>) src(%dma_wait3A_193 : memref<40xi32, #tpu.memory_space<hbm>>) dst(%dma_wait3A_192 : memref<40xi32, #tpu.memory_space<vmem>>)
            tpu.yield
          }) : () -> ()
          %run_scoped3A_139 = arith.constant 0 : i32
          "tpu.region"() ({
            %run_scoped3A_177 = tpu.sem_alloc : memref<!tpu.dma_semaphore, #tpu.memory_space<semaphore_mem>>
            %dma_start3A_178 = arith.constant 0 : i32
            %dma_start3A_179 = tpu.memref_slice %arg10[%run_scoped3A_139, %dma_start3A_178] : memref<2x40xi32, #tpu.memory_space<vmem>> -> memref<1x40xi32, #tpu.memory_space<vmem>>
            %dma_start3A_180 = tpu.memref_squeeze %dma_start3A_179 : memref<1x40xi32, #tpu.memory_space<vmem>> -> memref<40xi32, #tpu.memory_space<vmem>>
            %dma_start3A_181 = tpu.memref_slice %arg3[%multiple_of3A_72] : memref<320000xi32, #tpu.memory_space<hbm>> -> memref<40xi32, #tpu.memory_space<hbm>>
            %dma_start3A_182 = arith.constant 0 : i32
            %dma_start3A_183 = tpu.memref_slice %arg10[%run_scoped3A_139, %dma_start3A_182] : memref<2x40xi32, #tpu.memory_space<vmem>> -> memref<1x40xi32, #tpu.memory_space<vmem>>
            %dma_start3A_184 = tpu.memref_squeeze %dma_start3A_183 : memref<1x40xi32, #tpu.memory_space<vmem>> -> memref<40xi32, #tpu.memory_space<vmem>>
            %dma_start3A_185 = tpu.memref_slice %arg3[%multiple_of3A_72] : memref<320000xi32, #tpu.memory_space<hbm>> -> memref<40xi32, #tpu.memory_space<hbm>>
            tpu.enqueue_dma source(%dma_start3A_185 : memref<40xi32, #tpu.memory_space<hbm>>) target(%dma_start3A_184 : memref<40xi32, #tpu.memory_space<vmem>>) target_semaphore(%run_scoped3A_177 : memref<!tpu.dma_semaphore, #tpu.memory_space<semaphore_mem>>)
            %dma_wait3A_186 = arith.constant 0 : i32
            %dma_wait3A_187 = tpu.memref_slice %arg10[%run_scoped3A_139, %dma_wait3A_186] : memref<2x40xi32, #tpu.memory_space<vmem>> -> memref<1x40xi32, #tpu.memory_space<vmem>>
            %dma_wait3A_188 = tpu.memref_squeeze %dma_wait3A_187 : memref<1x40xi32, #tpu.memory_space<vmem>> -> memref<40xi32, #tpu.memory_space<vmem>>
            %dma_wait3A_189 = tpu.memref_slice %arg3[%multiple_of3A_72] : memref<320000xi32, #tpu.memory_space<hbm>> -> memref<40xi32, #tpu.memory_space<hbm>>
            %dma_wait3A_190 = arith.constant 0 : i32
            %dma_wait3A_191 = tpu.memref_slice %arg10[%run_scoped3A_139, %dma_wait3A_190] : memref<2x40xi32, #tpu.memory_space<vmem>> -> memref<1x40xi32, #tpu.memory_space<vmem>>
            %dma_wait3A_192 = tpu.memref_squeeze %dma_wait3A_191 : memref<1x40xi32, #tpu.memory_space<vmem>> -> memref<40xi32, #tpu.memory_space<vmem>>
            %dma_wait3A_193 = tpu.memref_slice %arg3[%multiple_of3A_72] : memref<320000xi32, #tpu.memory_space<hbm>> -> memref<40xi32, #tpu.memory_space<hbm>>
            tpu.wait_dma2 semaphore(%run_scoped3A_177 : memref<!tpu.dma_semaphore, #tpu.memory_space<semaphore_mem>>) src(%dma_wait3A_193 : memref<40xi32, #tpu.memory_space<hbm>>) dst(%dma_wait3A_192 : memref<40xi32, #tpu.memory_space<vmem>>)
            tpu.yield
          }) : () -> ()
          %dma_start3A_140 = arith.constant 0 : i32
          %dma_start3A_141 = arith.constant 0 : i32
          %dma_start3A_142 = arith.constant 0 : i32
          %dma_start3A_143 = arith.constant 0 : i32
          %dma_start3A_144 = tpu.memref_slice %arg12[%dma_start3A_141, %dma_start3A_142, %dma_start3A_143] : memref<2x40x128xf32, #tpu.memory_space<vmem>> -> memref<1x40x128xf32, #tpu.memory_space<vmem>>
          %dma_start3A_145 = tpu.memref_squeeze %dma_start3A_144 : memref<1x40x128xf32, #tpu.memory_space<vmem>> -> memref<40x128xf32, #tpu.memory_space<vmem>>
          %dma_start3A_146 = arith.constant 0 : i32
          %dma_start3A_147 = tpu.memref_slice %arg10[%dma_start3A_140, %dma_start3A_146] : memref<2x40xi32, #tpu.memory_space<vmem>> -> memref<1x40xi32, #tpu.memory_space<vmem>>
          %dma_start3A_148 = tpu.memref_squeeze %dma_start3A_147 : memref<1x40xi32, #tpu.memory_space<vmem>> -> memref<40xi32, #tpu.memory_space<vmem>>
          %dma_start3A_149 = arith.constant 0 : i32
          %dma_start3A_150 = arith.constant 0 : i32
          %dma_start3A_151 = tpu.memref_slice %arg5[%dma_start3A_149, %dma_start3A_150] : memref<10240x128xf32, #tpu.memory_space<hbm>> -> memref<10240x128xf32, #tpu.memory_space<hbm>>
          tpu.enqueue_indirect_dma source(%dma_start3A_151 : memref<10240x128xf32, #tpu.memory_space<hbm>>) target(%dma_start3A_145 : memref<40x128xf32, #tpu.memory_space<vmem>>) offsets(%dma_start3A_148 : memref<40xi32, #tpu.memory_space<vmem>>) semaphore(%arg17 : memref<!tpu.dma_semaphore, #tpu.memory_space<semaphore_mem>>)
          %dma_start3A_152 = arith.constant 0 : i32
          %dma_start3A_153 = arith.constant 0 : i32
          %dma_start3A_154 = arith.constant 0 : i32
          %dma_start3A_155 = arith.constant 0 : i32
          %dma_start3A_156 = tpu.memref_slice %arg13[%dma_start3A_153, %dma_start3A_154, %dma_start3A_155] : memref<2x40x128xf32, #tpu.memory_space<vmem>> -> memref<1x40x128xf32, #tpu.memory_space<vmem>>
          %dma_start3A_157 = tpu.memref_squeeze %dma_start3A_156 : memref<1x40x128xf32, #tpu.memory_space<vmem>> -> memref<40x128xf32, #tpu.memory_space<vmem>>
          %dma_start3A_158 = arith.constant 0 : i32
          %dma_start3A_159 = tpu.memref_slice %arg9[%dma_start3A_152, %dma_start3A_158] : memref<2x40xi32, #tpu.memory_space<vmem>> -> memref<1x40xi32, #tpu.memory_space<vmem>>
          %dma_start3A_160 = tpu.memref_squeeze %dma_start3A_159 : memref<1x40xi32, #tpu.memory_space<vmem>> -> memref<40xi32, #tpu.memory_space<vmem>>
          %dma_start3A_161 = arith.constant 0 : i32
          %dma_start3A_162 = arith.constant 0 : i32
          %dma_start3A_163 = tpu.memref_slice %arg6[%dma_start3A_161, %dma_start3A_162] : memref<10240x128xf32, #tpu.memory_space<hbm>> -> memref<10240x128xf32, #tpu.memory_space<hbm>>
          tpu.enqueue_indirect_dma source(%dma_start3A_163 : memref<10240x128xf32, #tpu.memory_space<hbm>>) target(%dma_start3A_157 : memref<40x128xf32, #tpu.memory_space<vmem>>) offsets(%dma_start3A_160 : memref<40xi32, #tpu.memory_space<vmem>>) semaphore(%arg17 : memref<!tpu.dma_semaphore, #tpu.memory_space<semaphore_mem>>)
          %dma_start3A_164 = arith.constant 0 : i32
          %dma_start3A_165 = arith.constant 0 : i32
          %dma_start3A_166 = arith.constant 0 : i32
          %dma_start3A_167 = tpu.memref_slice %arg14[%dma_start3A_164, %dma_start3A_165, %dma_start3A_166] : memref<2x40x128xf32, #tpu.memory_space<vmem>> -> memref<1x40x128xf32, #tpu.memory_space<vmem>>
          %dma_start3A_168 = tpu.memref_squeeze %dma_start3A_167 : memref<1x40x128xf32, #tpu.memory_space<vmem>> -> memref<40x128xf32, #tpu.memory_space<vmem>>
          %dma_start3A_169 = arith.constant 0 : i32
          %dma_start3A_170 = tpu.memref_slice %arg4[%multiple_of3A_72, %dma_start3A_169] : memref<320000x128xf32, #tpu.memory_space<hbm>> -> memref<40x128xf32, #tpu.memory_space<hbm>>
          %dma_start3A_171 = arith.constant 0 : i32
          %dma_start3A_172 = arith.constant 0 : i32
          %dma_start3A_173 = tpu.memref_slice %arg14[%dma_start3A_164, %dma_start3A_171, %dma_start3A_172] : memref<2x40x128xf32, #tpu.memory_space<vmem>> -> memref<1x40x128xf32, #tpu.memory_space<vmem>>
          %dma_start3A_174 = tpu.memref_squeeze %dma_start3A_173 : memref<1x40x128xf32, #tpu.memory_space<vmem>> -> memref<40x128xf32, #tpu.memory_space<vmem>>
          %dma_start3A_175 = arith.constant 0 : i32
          %dma_start3A_176 = tpu.memref_slice %arg4[%multiple_of3A_72, %dma_start3A_175] : memref<320000x128xf32, #tpu.memory_space<hbm>> -> memref<40x128xf32, #tpu.memory_space<hbm>>
          tpu.enqueue_dma source(%dma_start3A_176 : memref<40x128xf32, #tpu.memory_space<hbm>>) target(%dma_start3A_174 : memref<40x128xf32, #tpu.memory_space<vmem>>) target_semaphore(%arg17 : memref<!tpu.dma_semaphore, #tpu.memory_space<semaphore_mem>>)
        } else {
        }
        %scan3A_132 = arith.constant 0 : i32
        %scan3A_133 = arith.constant 0 : i32
        %scan3A_134 = arith.constant 40 : i32
        %scan3A_135 = arith.addi %scan3A_133, %scan3A_134 : i32
        %scan3A_136 = arith.constant 1 : i32
        scf.for %scan3A_138 = %scan3A_133 to %scan3A_135 step %scan3A_136  : i32 {
          %get3A = arith.constant 1 : i32
          %get3A_139 = arith.index_cast %get3A : i32 to index
          %get3A_140 = arith.index_cast %scan3A_138 : i32 to index
          %get3A_141 = arith.constant 0 : index
          %get3A_142 = tpu.vector_load %arg12[%get3A_139, %get3A_140, %get3A_141] {strides = array<i32>} : memref<2x40x128xf32, #tpu.memory_space<vmem>>, vector<1x1x16xf32>,
          %get3A_143 = vector.shape_cast %get3A_142 : vector<1x1x16xf32> to vector<16xf32>
          %get3A_144 = arith.constant 1 : i32
          %get3A_145 = arith.index_cast %get3A_144 : i32 to index
          %get3A_146 = arith.index_cast %scan3A_138 : i32 to index
          %get3A_147 = arith.constant 0 : index
          %get3A_148 = tpu.vector_load %arg13[%get3A_145, %get3A_146, %get3A_147] {strides = array<i32>} : memref<2x40x128xf32, #tpu.memory_space<vmem>>, vector<1x1x16xf32>,
          %get3A_149 = vector.shape_cast %get3A_148 : vector<1x1x16xf32> to vector<16xf32>
          %add3A_150 = arith.addf %get3A_143, %get3A_149 : vector<16xf32>
          %get3A_151 = arith.constant 1 : i32
          %get3A_152 = arith.index_cast %get3A_151 : i32 to index
          %get3A_153 = arith.index_cast %scan3A_138 : i32 to index
          %get3A_154 = arith.constant 0 : index
          %get3A_155 = tpu.vector_load %arg14[%get3A_152, %get3A_153, %get3A_154] {strides = array<i32>} : memref<2x40x128xf32, #tpu.memory_space<vmem>>, vector<1x1x16xf32>,
          %get3A_156 = vector.shape_cast %get3A_155 : vector<1x1x16xf32> to vector<16xf32>
          %add3A_157 = arith.addf %add3A_150, %get3A_156 : vector<16xf32>
          %neg3A = arith.constant 0.000000e+00 : f32
          %neg3A_158 = vector.broadcast %neg3A : f32 to vector<16xf32>
          %neg3A_159 = arith.subf %neg3A_158, %add3A_157 : vector<16xf32>
          %exp3A = math.exp %neg3A_159 : vector<16xf32>
          %add3A_160 = arith.constant 1.000000e+00 : f32
          %add3A_161 = vector.broadcast %add3A_160 : f32 to vector<16xf32>
          %add3A_162 = arith.addf %add3A_161, %exp3A : vector<16xf32>
          %div3A = arith.constant 1.000000e+00 : f32
          %div3A_163 = vector.broadcast %div3A : f32 to vector<16xf32>
          %div3A_164 = arith.divf %div3A_163, %add3A_162 : vector<16xf32>
          %get3A_165 = arith.constant 1 : i32
          %get3A_166 = arith.index_cast %get3A_165 : i32 to index
          %get3A_167 = arith.index_cast %scan3A_138 : i32 to index
          %get3A_168 = arith.constant 64 : index
          %get3A_169 = tpu.vector_load %arg13[%get3A_166, %get3A_167, %get3A_168] {strides = array<i32>} : memref<2x40x128xf32, #tpu.memory_space<vmem>>, vector<1x1x16xf32>,
          %get3A_170 = vector.shape_cast %get3A_169 : vector<1x1x16xf32> to vector<16xf32>
          %mul3A_171 = arith.mulf %div3A_164, %get3A_170 : vector<16xf32>
          %swap3A = arith.index_cast %scan3A_138 : i32 to index
          %swap3A_172 = arith.constant 0 : index
          %swap3A_173 = tpu.vector_load %arg15[%swap3A, %swap3A_172] {strides = array<i32>} : memref<40x128xf32, #tpu.memory_space<vmem>>, vector<1x16xf32>,
          %swap3A_174 = vector.shape_cast %swap3A_173 : vector<1x16xf32> to vector<16xf32>
          %swap3A_175 = vector.shape_cast %mul3A_171 : vector<16xf32> to vector<1x16xf32>
          tpu.vector_store %arg15[%swap3A, %swap3A_172], %swap3A_175 {strides = array<i32>} : memref<40x128xf32, #tpu.memory_space<vmem>>, vector<1x16xf32>,
          %swap3A_176 = arith.index_cast %scan3A_138 : i32 to index
          %swap3A_177 = arith.constant 64 : index
          %swap3A_178 = tpu.vector_load %arg15[%swap3A_176, %swap3A_177] {strides = array<i32>} : memref<40x128xf32, #tpu.memory_space<vmem>>, vector<1x16xf32>,
          %swap3A_179 = vector.shape_cast %swap3A_178 : vector<1x16xf32> to vector<16xf32>
          %swap3A_180 = vector.shape_cast %div3A_164 : vector<16xf32> to vector<1x16xf32>
          tpu.vector_store %arg15[%swap3A_176, %swap3A_177], %swap3A_180 {strides = array<i32>} : memref<40x128xf32, #tpu.memory_space<vmem>>, vector<1x16xf32>,
          %get3A_181 = arith.constant 1 : i32
          %get3A_182 = arith.index_cast %get3A_181 : i32 to index
          %get3A_183 = arith.index_cast %scan3A_138 : i32 to index
          %get3A_184 = arith.constant 16 : index
          %get3A_185 = tpu.vector_load %arg12[%get3A_182, %get3A_183, %get3A_184] {strides = array<i32>} : memref<2x40x128xf32, #tpu.memory_space<vmem>>, vector<1x1x16xf32>,
          %get3A_186 = vector.shape_cast %get3A_185 : vector<1x1x16xf32> to vector<16xf32>
          %get3A_187 = arith.constant 1 : i32
          %get3A_188 = arith.index_cast %get3A_187 : i32 to index
          %get3A_189 = arith.index_cast %scan3A_138 : i32 to index
          %get3A_190 = arith.constant 16 : index
          %get3A_191 = tpu.vector_load %arg13[%get3A_188, %get3A_189, %get3A_190] {strides = array<i32>} : memref<2x40x128xf32, #tpu.memory_space<vmem>>, vector<1x1x16xf32>,
          %get3A_192 = vector.shape_cast %get3A_191 : vector<1x1x16xf32> to vector<16xf32>
          %add3A_193 = arith.addf %get3A_186, %get3A_192 : vector<16xf32>
          %get3A_194 = arith.constant 1 : i32
          %get3A_195 = arith.index_cast %get3A_194 : i32 to index
          %get3A_196 = arith.index_cast %scan3A_138 : i32 to index
          %get3A_197 = arith.constant 16 : index
          %get3A_198 = tpu.vector_load %arg14[%get3A_195, %get3A_196, %get3A_197] {strides = array<i32>} : memref<2x40x128xf32, #tpu.memory_space<vmem>>, vector<1x1x16xf32>,
          %get3A_199 = vector.shape_cast %get3A_198 : vector<1x1x16xf32> to vector<16xf32>
          %add3A_200 = arith.addf %add3A_193, %get3A_199 : vector<16xf32>
          %neg3A_201 = arith.constant 0.000000e+00 : f32
          %neg3A_202 = vector.broadcast %neg3A_201 : f32 to vector<16xf32>
          %neg3A_203 = arith.subf %neg3A_202, %add3A_200 : vector<16xf32>
          %exp3A_204 = math.exp %neg3A_203 : vector<16xf32>
          %add3A_205 = arith.constant 1.000000e+00 : f32
          %add3A_206 = vector.broadcast %add3A_205 : f32 to vector<16xf32>
          %add3A_207 = arith.addf %add3A_206, %exp3A_204 : vector<16xf32>
          %div3A_208 = arith.constant 1.000000e+00 : f32
          %div3A_209 = vector.broadcast %div3A_208 : f32 to vector<16xf32>
          %div3A_210 = arith.divf %div3A_209, %add3A_207 : vector<16xf32>
          %get3A_211 = arith.constant 1 : i32
          %get3A_212 = arith.index_cast %get3A_211 : i32 to index
          %get3A_213 = arith.index_cast %scan3A_138 : i32 to index
          %get3A_214 = arith.constant 80 : index
          %get3A_215 = tpu.vector_load %arg13[%get3A_212, %get3A_213, %get3A_214] {strides = array<i32>} : memref<2x40x128xf32, #tpu.memory_space<vmem>>, vector<1x1x16xf32>,
          %get3A_216 = vector.shape_cast %get3A_215 : vector<1x1x16xf32> to vector<16xf32>
          %mul3A_217 = arith.mulf %div3A_210, %get3A_216 : vector<16xf32>
          %swap3A_218 = arith.index_cast %scan3A_138 : i32 to index
          %swap3A_219 = arith.constant 16 : index
          %swap3A_220 = tpu.vector_load %arg15[%swap3A_218, %swap3A_219] {strides = array<i32>} : memref<40x128xf32, #tpu.memory_space<vmem>>, vector<1x16xf32>,
          %swap3A_221 = vector.shape_cast %swap3A_220 : vector<1x16xf32> to vector<16xf32>
          %swap3A_222 = vector.shape_cast %mul3A_217 : vector<16xf32> to vector<1x16xf32>
          tpu.vector_store %arg15[%swap3A_218, %swap3A_219], %swap3A_222 {strides = array<i32>} : memref<40x128xf32, #tpu.memory_space<vmem>>, vector<1x16xf32>,
          %swap3A_223 = arith.index_cast %scan3A_138 : i32 to index
          %swap3A_224 = arith.constant 80 : index
          %swap3A_225 = tpu.vector_load %arg15[%swap3A_223, %swap3A_224] {strides = array<i32>} : memref<40x128xf32, #tpu.memory_space<vmem>>, vector<1x16xf32>,
          %swap3A_226 = vector.shape_cast %swap3A_225 : vector<1x16xf32> to vector<16xf32>
          %swap3A_227 = vector.shape_cast %div3A_210 : vector<16xf32> to vector<1x16xf32>
          tpu.vector_store %arg15[%swap3A_223, %swap3A_224], %swap3A_227 {strides = array<i32>} : memref<40x128xf32, #tpu.memory_space<vmem>>, vector<1x16xf32>,
          %get3A_228 = arith.constant 1 : i32
          %get3A_229 = arith.index_cast %get3A_228 : i32 to index
          %get3A_230 = arith.index_cast %scan3A_138 : i32 to index
          %get3A_231 = arith.constant 32 : index
          %get3A_232 = tpu.vector_load %arg12[%get3A_229, %get3A_230, %get3A_231] {strides = array<i32>} : memref<2x40x128xf32, #tpu.memory_space<vmem>>, vector<1x1x16xf32>,
          %get3A_233 = vector.shape_cast %get3A_232 : vector<1x1x16xf32> to vector<16xf32>
          %get3A_234 = arith.constant 1 : i32
          %get3A_235 = arith.index_cast %get3A_234 : i32 to index
          %get3A_236 = arith.index_cast %scan3A_138 : i32 to index
          %get3A_237 = arith.constant 32 : index
          %get3A_238 = tpu.vector_load %arg13[%get3A_235, %get3A_236, %get3A_237] {strides = array<i32>} : memref<2x40x128xf32, #tpu.memory_space<vmem>>, vector<1x1x16xf32>,
          %get3A_239 = vector.shape_cast %get3A_238 : vector<1x1x16xf32> to vector<16xf32>
          %add3A_240 = arith.addf %get3A_233, %get3A_239 : vector<16xf32>
          %get3A_241 = arith.constant 1 : i32
          %get3A_242 = arith.index_cast %get3A_241 : i32 to index
          %get3A_243 = arith.index_cast %scan3A_138 : i32 to index
          %get3A_244 = arith.constant 32 : index
          %get3A_245 = tpu.vector_load %arg14[%get3A_242, %get3A_243, %get3A_244] {strides = array<i32>} : memref<2x40x128xf32, #tpu.memory_space<vmem>>, vector<1x1x16xf32>,
          %get3A_246 = vector.shape_cast %get3A_245 : vector<1x1x16xf32> to vector<16xf32>
          %add3A_247 = arith.addf %add3A_240, %get3A_246 : vector<16xf32>
          %neg3A_248 = arith.constant 0.000000e+00 : f32
          %neg3A_249 = vector.broadcast %neg3A_248 : f32 to vector<16xf32>
          %neg3A_250 = arith.subf %neg3A_249, %add3A_247 : vector<16xf32>
          %exp3A_251 = math.exp %neg3A_250 : vector<16xf32>
          %add3A_252 = arith.constant 1.000000e+00 : f32
          %add3A_253 = vector.broadcast %add3A_252 : f32 to vector<16xf32>
          %add3A_254 = arith.addf %add3A_253, %exp3A_251 : vector<16xf32>
          %div3A_255 = arith.constant 1.000000e+00 : f32
          %div3A_256 = vector.broadcast %div3A_255 : f32 to vector<16xf32>
          %div3A_257 = arith.divf %div3A_256, %add3A_254 : vector<16xf32>
          %get3A_258 = arith.constant 1 : i32
          %get3A_259 = arith.index_cast %get3A_258 : i32 to index
          %get3A_260 = arith.index_cast %scan3A_138 : i32 to index
          %get3A_261 = arith.constant 96 : index
          %get3A_262 = tpu.vector_load %arg13[%get3A_259, %get3A_260, %get3A_261] {strides = array<i32>} : memref<2x40x128xf32, #tpu.memory_space<vmem>>, vector<1x1x16xf32>,
          %get3A_263 = vector.shape_cast %get3A_262 : vector<1x1x16xf32> to vector<16xf32>
          %mul3A_264 = arith.mulf %div3A_257, %get3A_263 : vector<16xf32>
          %swap3A_265 = arith.index_cast %scan3A_138 : i32 to index
          %swap3A_266 = arith.constant 32 : index
          %swap3A_267 = tpu.vector_load %arg15[%swap3A_265, %swap3A_266] {strides = array<i32>} : memref<40x128xf32, #tpu.memory_space<vmem>>, vector<1x16xf32>,
          %swap3A_268 = vector.shape_cast %swap3A_267 : vector<1x16xf32> to vector<16xf32>
          %swap3A_269 = vector.shape_cast %mul3A_264 : vector<16xf32> to vector<1x16xf32>
          tpu.vector_store %arg15[%swap3A_265, %swap3A_266], %swap3A_269 {strides = array<i32>} : memref<40x128xf32, #tpu.memory_space<vmem>>, vector<1x16xf32>,
          %swap3A_270 = arith.index_cast %scan3A_138 : i32 to index
          %swap3A_271 = arith.constant 96 : index
          %swap3A_272 = tpu.vector_load %arg15[%swap3A_270, %swap3A_271] {strides = array<i32>} : memref<40x128xf32, #tpu.memory_space<vmem>>, vector<1x16xf32>,
          %swap3A_273 = vector.shape_cast %swap3A_272 : vector<1x16xf32> to vector<16xf32>
          %swap3A_274 = vector.shape_cast %div3A_257 : vector<16xf32> to vector<1x16xf32>
          tpu.vector_store %arg15[%swap3A_270, %swap3A_271], %swap3A_274 {strides = array<i32>} : memref<40x128xf32, #tpu.memory_space<vmem>>, vector<1x16xf32>,
          %get3A_275 = arith.constant 1 : i32
          %get3A_276 = arith.index_cast %get3A_275 : i32 to index
          %get3A_277 = arith.index_cast %scan3A_138 : i32 to index
          %get3A_278 = arith.constant 48 : index
          %get3A_279 = tpu.vector_load %arg12[%get3A_276, %get3A_277, %get3A_278] {strides = array<i32>} : memref<2x40x128xf32, #tpu.memory_space<vmem>>, vector<1x1x16xf32>,
          %get3A_280 = vector.shape_cast %get3A_279 : vector<1x1x16xf32> to vector<16xf32>
          %get3A_281 = arith.constant 1 : i32
          %get3A_282 = arith.index_cast %get3A_281 : i32 to index
          %get3A_283 = arith.index_cast %scan3A_138 : i32 to index
          %get3A_284 = arith.constant 48 : index
          %get3A_285 = tpu.vector_load %arg13[%get3A_282, %get3A_283, %get3A_284] {strides = array<i32>} : memref<2x40x128xf32, #tpu.memory_space<vmem>>, vector<1x1x16xf32>,
          %get3A_286 = vector.shape_cast %get3A_285 : vector<1x1x16xf32> to vector<16xf32>
          %add3A_287 = arith.addf %get3A_280, %get3A_286 : vector<16xf32>
          %get3A_288 = arith.constant 1 : i32
          %get3A_289 = arith.index_cast %get3A_288 : i32 to index
          %get3A_290 = arith.index_cast %scan3A_138 : i32 to index
          %get3A_291 = arith.constant 48 : index
          %get3A_292 = tpu.vector_load %arg14[%get3A_289, %get3A_290, %get3A_291] {strides = array<i32>} : memref<2x40x128xf32, #tpu.memory_space<vmem>>, vector<1x1x16xf32>,
          %get3A_293 = vector.shape_cast %get3A_292 : vector<1x1x16xf32> to vector<16xf32>
          %add3A_294 = arith.addf %add3A_287, %get3A_293 : vector<16xf32>
          %neg3A_295 = arith.constant 0.000000e+00 : f32
          %neg3A_296 = vector.broadcast %neg3A_295 : f32 to vector<16xf32>
          %neg3A_297 = arith.subf %neg3A_296, %add3A_294 : vector<16xf32>
          %exp3A_298 = math.exp %neg3A_297 : vector<16xf32>
          %add3A_299 = arith.constant 1.000000e+00 : f32
          %add3A_300 = vector.broadcast %add3A_299 : f32 to vector<16xf32>
          %add3A_301 = arith.addf %add3A_300, %exp3A_298 : vector<16xf32>
          %div3A_302 = arith.constant 1.000000e+00 : f32
          %div3A_303 = vector.broadcast %div3A_302 : f32 to vector<16xf32>
          %div3A_304 = arith.divf %div3A_303, %add3A_301 : vector<16xf32>
          %get3A_305 = arith.constant 1 : i32
          %get3A_306 = arith.index_cast %get3A_305 : i32 to index
          %get3A_307 = arith.index_cast %scan3A_138 : i32 to index
          %get3A_308 = arith.constant 112 : index
          %get3A_309 = tpu.vector_load %arg13[%get3A_306, %get3A_307, %get3A_308] {strides = array<i32>} : memref<2x40x128xf32, #tpu.memory_space<vmem>>, vector<1x1x16xf32>,
          %get3A_310 = vector.shape_cast %get3A_309 : vector<1x1x16xf32> to vector<16xf32>
          %mul3A_311 = arith.mulf %div3A_304, %get3A_310 : vector<16xf32>
          %swap3A_312 = arith.index_cast %scan3A_138 : i32 to index
          %swap3A_313 = arith.constant 48 : index
          %swap3A_314 = tpu.vector_load %arg15[%swap3A_312, %swap3A_313] {strides = array<i32>} : memref<40x128xf32, #tpu.memory_space<vmem>>, vector<1x16xf32>,
          %swap3A_315 = vector.shape_cast %swap3A_314 : vector<1x16xf32> to vector<16xf32>
          %swap3A_316 = vector.shape_cast %mul3A_311 : vector<16xf32> to vector<1x16xf32>
          tpu.vector_store %arg15[%swap3A_312, %swap3A_313], %swap3A_316 {strides = array<i32>} : memref<40x128xf32, #tpu.memory_space<vmem>>, vector<1x16xf32>,
          %swap3A_317 = arith.index_cast %scan3A_138 : i32 to index
          %swap3A_318 = arith.constant 112 : index
          %swap3A_319 = tpu.vector_load %arg15[%swap3A_317, %swap3A_318] {strides = array<i32>} : memref<40x128xf32, #tpu.memory_space<vmem>>, vector<1x16xf32>,
          %swap3A_320 = vector.shape_cast %swap3A_319 : vector<1x16xf32> to vector<16xf32>
          %swap3A_321 = vector.shape_cast %div3A_304 : vector<16xf32> to vector<1x16xf32>
          tpu.vector_store %arg15[%swap3A_317, %swap3A_318], %swap3A_321 {strides = array<i32>} : memref<40x128xf32, #tpu.memory_space<vmem>>, vector<1x16xf32>,
        }
        %scan3A_137 = arith.constant 40 : i32
      } else {
      }
      "tpu.region"() ({
        %run_scoped3A_81 = tpu.sem_alloc : memref<!tpu.dma_semaphore, #tpu.memory_space<semaphore_mem>>
        %dma_start3A_82 = tpu.memref_slice %arg3[%multiple_of3A_64] : memref<320000xi32, #tpu.memory_space<hbm>> -> memref<40xi32, #tpu.memory_space<hbm>>
        %dma_start3A_83 = tpu.memref_slice %arg3[%multiple_of3A_64] : memref<320000xi32, #tpu.memory_space<hbm>> -> memref<40xi32, #tpu.memory_space<hbm>>
        tpu.enqueue_dma source(%dma_start3A_83 : memref<40xi32, #tpu.memory_space<hbm>>) target(%arg11 : memref<40xi32, #tpu.memory_space<vmem>>) target_semaphore(%run_scoped3A_81 : memref<!tpu.dma_semaphore, #tpu.memory_space<semaphore_mem>>)
        %dma_wait3A = tpu.memref_slice %arg3[%multiple_of3A_64] : memref<320000xi32, #tpu.memory_space<hbm>> -> memref<40xi32, #tpu.memory_space<hbm>>
        %dma_wait3A_84 = tpu.memref_slice %arg3[%multiple_of3A_64] : memref<320000xi32, #tpu.memory_space<hbm>> -> memref<40xi32, #tpu.memory_space<hbm>>
        tpu.wait_dma2 semaphore(%run_scoped3A_81 : memref<!tpu.dma_semaphore, #tpu.memory_space<semaphore_mem>>) src(%dma_wait3A_84 : memref<40xi32, #tpu.memory_space<hbm>>) dst(%arg11 : memref<40xi32, #tpu.memory_space<vmem>>)
        tpu.yield
      }) : () -> ()
      "tpu.region"() ({
        %run_scoped3A_81 = tpu.sem_alloc : memref<!tpu.dma_semaphore, #tpu.memory_space<semaphore_mem>>
        %dma_start3A_82 = arith.constant 0 : i32
        %dma_start3A_83 = arith.constant 0 : i32
        %dma_start3A_84 = tpu.memref_slice %arg16[%dma_start3A_82, %dma_start3A_83] : memref<10240x128xf32, #tpu.memory_space<vmem_shared>> -> memref<10240x128xf32, #tpu.memory_space<vmem_shared>>
        tpu.enqueue_indirect_dma source(%arg15 : memref<40x128xf32, #tpu.memory_space<vmem>>) target(%dma_start3A_84 : memref<10240x128xf32, #tpu.memory_space<vmem_shared>>) offsets(%arg11 : memref<40xi32, #tpu.memory_space<vmem>>) semaphore(%run_scoped3A_81 : memref<!tpu.dma_semaphore, #tpu.memory_space<semaphore_mem>>) {add = true}
        %dma_wait3A = arith.constant 0 : i32
        %dma_wait3A_85 = arith.constant 0 : i32
        %dma_wait3A_86 = tpu.memref_slice %arg16[%dma_wait3A, %dma_wait3A_85] : memref<10240x128xf32, #tpu.memory_space<vmem_shared>> -> memref<10240x128xf32, #tpu.memory_space<vmem_shared>>
        tpu.wait_indirect_dma semaphore(%run_scoped3A_81 : memref<!tpu.dma_semaphore, #tpu.memory_space<semaphore_mem>>) src(%arg15 : memref<40x128xf32, #tpu.memory_space<vmem>>) dst(%dma_wait3A_86 : memref<10240x128xf32, #tpu.memory_space<vmem_shared>>)
        tpu.yield
      }) : () -> ()
    }
    %scan3A_47 = arith.constant 250 : i32
    %barrier3A_48 = arith.constant 0 : index
    tpu.barrier barrier_id(%barrier3A_48)
    "tpu.region"() ({
      %run_scoped3A_49 = tpu.sem_alloc : memref<!tpu.dma_semaphore, #tpu.memory_space<semaphore_mem>>
      %dma_start3A_50 = arith.constant 0 : i32
      %dma_start3A_51 = tpu.memref_slice %arg8[%arg0, %multiple_of3A, %dma_start3A_50] : memref<2x10240x128xf32, #tpu.memory_space<hbm>> -> memref<1x640x128xf32, #tpu.memory_space<hbm>>
      %dma_start3A_52 = tpu.memref_squeeze %dma_start3A_51 : memref<1x640x128xf32, #tpu.memory_space<hbm>> -> memref<640x128xf32, #tpu.memory_space<hbm>>
      %dma_start3A_53 = arith.constant 0 : i32
      %dma_start3A_54 = tpu.memref_slice %arg16[%multiple_of3A, %dma_start3A_53] : memref<10240x128xf32, #tpu.memory_space<vmem_shared>> -> memref<640x128xf32, #tpu.memory_space<vmem_shared>>
      tpu.enqueue_dma source(%dma_start3A_54 : memref<640x128xf32, #tpu.memory_space<vmem_shared>>) target(%dma_start3A_52 : memref<640x128xf32, #tpu.memory_space<hbm>>) target_semaphore(%run_scoped3A_49 : memref<!tpu.dma_semaphore, #tpu.memory_space<semaphore_mem>>)
      %dma_wait3A = arith.constant 0 : i32
      %dma_wait3A_55 = tpu.memref_slice %arg8[%arg0, %multiple_of3A, %dma_wait3A] : memref<2x10240x128xf32, #tpu.memory_space<hbm>> -> memref<1x640x128xf32, #tpu.memory_space<hbm>>
      %dma_wait3A_56 = tpu.memref_squeeze %dma_wait3A_55 : memref<1x640x128xf32, #tpu.memory_space<hbm>> -> memref<640x128xf32, #tpu.memory_space<hbm>>
      %dma_wait3A_57 = arith.constant 0 : i32
      %dma_wait3A_58 = tpu.memref_slice %arg16[%multiple_of3A, %dma_wait3A_57] : memref<10240x128xf32, #tpu.memory_space<vmem_shared>> -> memref<640x128xf32, #tpu.memory_space<vmem_shared>>
      tpu.wait_dma2 semaphore(%run_scoped3A_49 : memref<!tpu.dma_semaphore, #tpu.memory_space<semaphore_mem>>) src(%dma_wait3A_58 : memref<640x128xf32, #tpu.memory_space<vmem_shared>>) dst(%dma_wait3A_56 : memref<640x128xf32, #tpu.memory_space<hbm>>)
      tpu.yield
    }) : () -> ()
    return
  }
}

#map = affine_map<(d0, d1) -> (0)>
#map1 = affine_map<(d0, d1) -> (0, 0)>
#map2 = affine_map<(d0, d1) -> (0, 0, 0)>
module attributes {stable_mosaic.version = 14 : i64} {
  func.func @_agg_sc(%arg0: i32, %arg1: i32, %arg2: memref<320000xi32, #tpu.memory_space<hbm>>, %arg3: memref<320000xi32, #tpu.memory_space<hbm>>, %arg4: memref<320000x128xf32, #tpu.memory_space<hbm>>, %arg5: memref<10240x128xf32, #tpu.memory_space<hbm>>, %arg6: memref<10240x128xf32, #tpu.memory_space<hbm>>, %arg7: memref<10240x128xf32, #tpu.memory_space<hbm>>, %arg8: memref<2x10240x128xf32, #tpu.memory_space<hbm>>, %arg9: memref<2x40xi32, #tpu.memory_space<vmem>>, %arg10: memref<2x40xi32, #tpu.memory_space<vmem>>, %arg11: memref<40xi32, #tpu.memory_space<vmem>>, %arg12: memref<2x40x128xf32, #tpu.memory_space<vmem>>, %arg13: memref<2x40x128xf32, #tpu.memory_space<vmem>>, %arg14: memref<2x40x128xf32, #tpu.memory_space<vmem>>, %arg15: memref<40x128xf32, #tpu.memory_space<vmem>>, %arg16: memref<10240x128xf32, #tpu.memory_space<vmem_shared>>, %arg17: memref<!tpu.dma_semaphore, #tpu.memory_space<semaphore_mem>>, %arg18: memref<!tpu.dma_semaphore, #tpu.memory_space<semaphore_mem>>) attributes {dimension_semantics = [#tpu.dimension_semantics<core_parallel>, #tpu.dimension_semantics<subcore_parallel>], iteration_bounds = array<i64: 2, 16>, scalar_prefetch = 0 : i64, scratch_operands = 10 : i64, tpu.core_type = #tpu.core_type<sc_vector_subcore>, window_params = [{transform_indices = #map}, {transform_indices = #map}, {transform_indices = #map1}, {transform_indices = #map1}, {transform_indices = #map1}, {transform_indices = #map1}, {transform_indices = #map2}]} {
    %mul3A = arith.constant 2 : i32
    %mul3A_0 = arith.muli %arg1, %mul3A : i32
    %add3A = arith.addi %mul3A_0, %arg0 : i32
    %mul3A_1 = arith.constant 640 : i32
    %mul3A_2 = arith.muli %arg1, %mul3A_1 : i32
    %multiple_of3A = tpu.assume_multiple %mul3A_2, 8 : i32
    "tpu.region"() ({
      %run_scoped3A_49 = tpu.sem_alloc : memref<!tpu.dma_semaphore, #tpu.memory_space<semaphore_mem>>
      %dma_start3A_50 = arith.constant 0 : i32
      %dma_start3A_51 = tpu.memref_slice %arg16[%multiple_of3A, %dma_start3A_50] : memref<10240x128xf32, #tpu.memory_space<vmem_shared>> -> memref<640x128xf32, #tpu.memory_space<vmem_shared>>
      %dma_start3A_52 = arith.constant 0 : i32
      %dma_start3A_53 = tpu.memref_slice %arg7[%multiple_of3A, %dma_start3A_52] : memref<10240x128xf32, #tpu.memory_space<hbm>> -> memref<640x128xf32, #tpu.memory_space<hbm>>
      tpu.enqueue_dma source(%dma_start3A_53 : memref<640x128xf32, #tpu.memory_space<hbm>>) target(%dma_start3A_51 : memref<640x128xf32, #tpu.memory_space<vmem_shared>>) target_semaphore(%run_scoped3A_49 : memref<!tpu.dma_semaphore, #tpu.memory_space<semaphore_mem>>)
      %dma_wait3A = arith.constant 0 : i32
      %dma_wait3A_54 = tpu.memref_slice %arg16[%multiple_of3A, %dma_wait3A] : memref<10240x128xf32, #tpu.memory_space<vmem_shared>> -> memref<640x128xf32, #tpu.memory_space<vmem_shared>>
      %dma_wait3A_55 = arith.constant 0 : i32
      %dma_wait3A_56 = tpu.memref_slice %arg7[%multiple_of3A, %dma_wait3A_55] : memref<10240x128xf32, #tpu.memory_space<hbm>> -> memref<640x128xf32, #tpu.memory_space<hbm>>
      tpu.wait_dma2 semaphore(%run_scoped3A_49 : memref<!tpu.dma_semaphore, #tpu.memory_space<semaphore_mem>>) src(%dma_wait3A_56 : memref<640x128xf32, #tpu.memory_space<hbm>>) dst(%dma_wait3A_54 : memref<640x128xf32, #tpu.memory_space<vmem_shared>>)
      tpu.yield
    }) : () -> ()
    %barrier3A = arith.constant 0 : index
    tpu.barrier barrier_id(%barrier3A)
    %mul3A_3 = arith.constant 10000 : i32
    %mul3A_4 = arith.muli %add3A, %mul3A_3 : i32
    %multiple_of3A_5 = tpu.assume_multiple %mul3A_4, 8 : i32
    %run_scoped3A = arith.constant 0 : i32
    "tpu.region"() ({
      %run_scoped3A_49 = tpu.sem_alloc : memref<!tpu.dma_semaphore, #tpu.memory_space<semaphore_mem>>
      %dma_start3A_50 = arith.constant 0 : i32
      %dma_start3A_51 = tpu.memref_slice %arg9[%run_scoped3A, %dma_start3A_50] : memref<2x40xi32, #tpu.memory_space<vmem>> -> memref<1x40xi32, #tpu.memory_space<vmem>>
      %dma_start3A_52 = tpu.memref_squeeze %dma_start3A_51 : memref<1x40xi32, #tpu.memory_space<vmem>> -> memref<40xi32, #tpu.memory_space<vmem>>
      %dma_start3A_53 = tpu.memref_slice %arg2[%multiple_of3A_5] : memref<320000xi32, #tpu.memory_space<hbm>> -> memref<40xi32, #tpu.memory_space<hbm>>
      %dma_start3A_54 = arith.constant 0 : i32
      %dma_start3A_55 = tpu.memref_slice %arg9[%run_scoped3A, %dma_start3A_54] : memref<2x40xi32, #tpu.memory_space<vmem>> -> memref<1x40xi32, #tpu.memory_space<vmem>>
      %dma_start3A_56 = tpu.memref_squeeze %dma_start3A_55 : memref<1x40xi32, #tpu.memory_space<vmem>> -> memref<40xi32, #tpu.memory_space<vmem>>
      %dma_start3A_57 = tpu.memref_slice %arg2[%multiple_of3A_5] : memref<320000xi32, #tpu.memory_space<hbm>> -> memref<40xi32, #tpu.memory_space<hbm>>
      tpu.enqueue_dma source(%dma_start3A_57 : memref<40xi32, #tpu.memory_space<hbm>>) target(%dma_start3A_56 : memref<40xi32, #tpu.memory_space<vmem>>) target_semaphore(%run_scoped3A_49 : memref<!tpu.dma_semaphore, #tpu.memory_space<semaphore_mem>>)
      %dma_wait3A = arith.constant 0 : i32
      %dma_wait3A_58 = tpu.memref_slice %arg9[%run_scoped3A, %dma_wait3A] : memref<2x40xi32, #tpu.memory_space<vmem>> -> memref<1x40xi32, #tpu.memory_space<vmem>>
      %dma_wait3A_59 = tpu.memref_squeeze %dma_wait3A_58 : memref<1x40xi32, #tpu.memory_space<vmem>> -> memref<40xi32, #tpu.memory_space<vmem>>
      %dma_wait3A_60 = tpu.memref_slice %arg2[%multiple_of3A_5] : memref<320000xi32, #tpu.memory_space<hbm>> -> memref<40xi32, #tpu.memory_space<hbm>>
      %dma_wait3A_61 = arith.constant 0 : i32
      %dma_wait3A_62 = tpu.memref_slice %arg9[%run_scoped3A, %dma_wait3A_61] : memref<2x40xi32, #tpu.memory_space<vmem>> -> memref<1x40xi32, #tpu.memory_space<vmem>>
      %dma_wait3A_63 = tpu.memref_squeeze %dma_wait3A_62 : memref<1x40xi32, #tpu.memory_space<vmem>> -> memref<40xi32, #tpu.memory_space<vmem>>
      %dma_wait3A_64 = tpu.memref_slice %arg2[%multiple_of3A_5] : memref<320000xi32, #tpu.memory_space<hbm>> -> memref<40xi32, #tpu.memory_space<hbm>>
      tpu.wait_dma2 semaphore(%run_scoped3A_49 : memref<!tpu.dma_semaphore, #tpu.memory_space<semaphore_mem>>) src(%dma_wait3A_64 : memref<40xi32, #tpu.memory_space<hbm>>) dst(%dma_wait3A_63 : memref<40xi32, #tpu.memory_space<vmem>>)
      tpu.yield
    }) : () -> ()
    %run_scoped3A_6 = arith.constant 0 : i32
    "tpu.region"() ({
      %run_scoped3A_49 = tpu.sem_alloc : memref<!tpu.dma_semaphore, #tpu.memory_space<semaphore_mem>>
      %dma_start3A_50 = arith.constant 0 : i32
      %dma_start3A_51 = tpu.memref_slice %arg10[%run_scoped3A_6, %dma_start3A_50] : memref<2x40xi32, #tpu.memory_space<vmem>> -> memref<1x40xi32, #tpu.memory_space<vmem>>
      %dma_start3A_52 = tpu.memref_squeeze %dma_start3A_51 : memref<1x40xi32, #tpu.memory_space<vmem>> -> memref<40xi32, #tpu.memory_space<vmem>>
      %dma_start3A_53 = tpu.memref_slice %arg3[%multiple_of3A_5] : memref<320000xi32, #tpu.memory_space<hbm>> -> memref<40xi32, #tpu.memory_space<hbm>>
      %dma_start3A_54 = arith.constant 0 : i32
      %dma_start3A_55 = tpu.memref_slice %arg10[%run_scoped3A_6, %dma_start3A_54] : memref<2x40xi32, #tpu.memory_space<vmem>> -> memref<1x40xi32, #tpu.memory_space<vmem>>
      %dma_start3A_56 = tpu.memref_squeeze %dma_start3A_55 : memref<1x40xi32, #tpu.memory_space<vmem>> -> memref<40xi32, #tpu.memory_space<vmem>>
      %dma_start3A_57 = tpu.memref_slice %arg3[%multiple_of3A_5] : memref<320000xi32, #tpu.memory_space<hbm>> -> memref<40xi32, #tpu.memory_space<hbm>>
      tpu.enqueue_dma source(%dma_start3A_57 : memref<40xi32, #tpu.memory_space<hbm>>) target(%dma_start3A_56 : memref<40xi32, #tpu.memory_space<vmem>>) target_semaphore(%run_scoped3A_49 : memref<!tpu.dma_semaphore, #tpu.memory_space<semaphore_mem>>)
      %dma_wait3A = arith.constant 0 : i32
      %dma_wait3A_58 = tpu.memref_slice %arg10[%run_scoped3A_6, %dma_wait3A] : memref<2x40xi32, #tpu.memory_space<vmem>> -> memref<1x40xi32, #tpu.memory_space<vmem>>
      %dma_wait3A_59 = tpu.memref_squeeze %dma_wait3A_58 : memref<1x40xi32, #tpu.memory_space<vmem>> -> memref<40xi32, #tpu.memory_space<vmem>>
      %dma_wait3A_60 = tpu.memref_slice %arg3[%multiple_of3A_5] : memref<320000xi32, #tpu.memory_space<hbm>> -> memref<40xi32, #tpu.memory_space<hbm>>
      %dma_wait3A_61 = arith.constant 0 : i32
      %dma_wait3A_62 = tpu.memref_slice %arg10[%run_scoped3A_6, %dma_wait3A_61] : memref<2x40xi32, #tpu.memory_space<vmem>> -> memref<1x40xi32, #tpu.memory_space<vmem>>
      %dma_wait3A_63 = tpu.memref_squeeze %dma_wait3A_62 : memref<1x40xi32, #tpu.memory_space<vmem>> -> memref<40xi32, #tpu.memory_space<vmem>>
      %dma_wait3A_64 = tpu.memref_slice %arg3[%multiple_of3A_5] : memref<320000xi32, #tpu.memory_space<hbm>> -> memref<40xi32, #tpu.memory_space<hbm>>
      tpu.wait_dma2 semaphore(%run_scoped3A_49 : memref<!tpu.dma_semaphore, #tpu.memory_space<semaphore_mem>>) src(%dma_wait3A_64 : memref<40xi32, #tpu.memory_space<hbm>>) dst(%dma_wait3A_63 : memref<40xi32, #tpu.memory_space<vmem>>)
      tpu.yield
    }) : () -> ()
    %dma_start3A = arith.constant 0 : i32
    %dma_start3A_7 = arith.constant 0 : i32
    %dma_start3A_8 = arith.constant 0 : i32
    %dma_start3A_9 = arith.constant 0 : i32
    %dma_start3A_10 = tpu.memref_slice %arg12[%dma_start3A_7, %dma_start3A_8, %dma_start3A_9] : memref<2x40x128xf32, #tpu.memory_space<vmem>> -> memref<1x40x128xf32, #tpu.memory_space<vmem>>
    %dma_start3A_11 = tpu.memref_squeeze %dma_start3A_10 : memref<1x40x128xf32, #tpu.memory_space<vmem>> -> memref<40x128xf32, #tpu.memory_space<vmem>>
    %dma_start3A_12 = arith.constant 0 : i32
    %dma_start3A_13 = tpu.memref_slice %arg10[%dma_start3A, %dma_start3A_12] : memref<2x40xi32, #tpu.memory_space<vmem>> -> memref<1x40xi32, #tpu.memory_space<vmem>>
    %dma_start3A_14 = tpu.memref_squeeze %dma_start3A_13 : memref<1x40xi32, #tpu.memory_space<vmem>> -> memref<40xi32, #tpu.memory_space<vmem>>
    %dma_start3A_15 = arith.constant 0 : i32
    %dma_start3A_16 = arith.constant 0 : i32
    %dma_start3A_17 = tpu.memref_slice %arg5[%dma_start3A_15, %dma_start3A_16] : memref<10240x128xf32, #tpu.memory_space<hbm>> -> memref<10240x128xf32, #tpu.memory_space<hbm>>
    tpu.enqueue_indirect_dma source(%dma_start3A_17 : memref<10240x128xf32, #tpu.memory_space<hbm>>) target(%dma_start3A_11 : memref<40x128xf32, #tpu.memory_space<vmem>>) offsets(%dma_start3A_14 : memref<40xi32, #tpu.memory_space<vmem>>) semaphore(%arg17 : memref<!tpu.dma_semaphore, #tpu.memory_space<semaphore_mem>>)
    %dma_start3A_18 = arith.constant 0 : i32
    %dma_start3A_19 = arith.constant 0 : i32
    %dma_start3A_20 = arith.constant 0 : i32
    %dma_start3A_21 = arith.constant 0 : i32
    %dma_start3A_22 = tpu.memref_slice %arg13[%dma_start3A_19, %dma_start3A_20, %dma_start3A_21] : memref<2x40x128xf32, #tpu.memory_space<vmem>> -> memref<1x40x128xf32, #tpu.memory_space<vmem>>
    %dma_start3A_23 = tpu.memref_squeeze %dma_start3A_22 : memref<1x40x128xf32, #tpu.memory_space<vmem>> -> memref<40x128xf32, #tpu.memory_space<vmem>>
    %dma_start3A_24 = arith.constant 0 : i32
    %dma_start3A_25 = tpu.memref_slice %arg9[%dma_start3A_18, %dma_start3A_24] : memref<2x40xi32, #tpu.memory_space<vmem>> -> memref<1x40xi32, #tpu.memory_space<vmem>>
    %dma_start3A_26 = tpu.memref_squeeze %dma_start3A_25 : memref<1x40xi32, #tpu.memory_space<vmem>> -> memref<40xi32, #tpu.memory_space<vmem>>
    %dma_start3A_27 = arith.constant 0 : i32
    %dma_start3A_28 = arith.constant 0 : i32
    %dma_start3A_29 = tpu.memref_slice %arg6[%dma_start3A_27, %dma_start3A_28] : memref<10240x128xf32, #tpu.memory_space<hbm>> -> memref<10240x128xf32, #tpu.memory_space<hbm>>
    tpu.enqueue_indirect_dma source(%dma_start3A_29 : memref<10240x128xf32, #tpu.memory_space<hbm>>) target(%dma_start3A_23 : memref<40x128xf32, #tpu.memory_space<vmem>>) offsets(%dma_start3A_26 : memref<40xi32, #tpu.memory_space<vmem>>) semaphore(%arg17 : memref<!tpu.dma_semaphore, #tpu.memory_space<semaphore_mem>>)
    %dma_start3A_30 = arith.constant 0 : i32
    %dma_start3A_31 = arith.constant 0 : i32
    %dma_start3A_32 = arith.constant 0 : i32
    %dma_start3A_33 = tpu.memref_slice %arg14[%dma_start3A_30, %dma_start3A_31, %dma_start3A_32] : memref<2x40x128xf32, #tpu.memory_space<vmem>> -> memref<1x40x128xf32, #tpu.memory_space<vmem>>
    %dma_start3A_34 = tpu.memref_squeeze %dma_start3A_33 : memref<1x40x128xf32, #tpu.memory_space<vmem>> -> memref<40x128xf32, #tpu.memory_space<vmem>>
    %dma_start3A_35 = arith.constant 0 : i32
    %dma_start3A_36 = tpu.memref_slice %arg4[%multiple_of3A_5, %dma_start3A_35] : memref<320000x128xf32, #tpu.memory_space<hbm>> -> memref<40x128xf32, #tpu.memory_space<hbm>>
    %dma_start3A_37 = arith.constant 0 : i32
    %dma_start3A_38 = arith.constant 0 : i32
    %dma_start3A_39 = tpu.memref_slice %arg14[%dma_start3A_30, %dma_start3A_37, %dma_start3A_38] : memref<2x40x128xf32, #tpu.memory_space<vmem>> -> memref<1x40x128xf32, #tpu.memory_space<vmem>>
    %dma_start3A_40 = tpu.memref_squeeze %dma_start3A_39 : memref<1x40x128xf32, #tpu.memory_space<vmem>> -> memref<40x128xf32, #tpu.memory_space<vmem>>
    %dma_start3A_41 = arith.constant 0 : i32
    %dma_start3A_42 = tpu.memref_slice %arg4[%multiple_of3A_5, %dma_start3A_41] : memref<320000x128xf32, #tpu.memory_space<hbm>> -> memref<40x128xf32, #tpu.memory_space<hbm>>
    tpu.enqueue_dma source(%dma_start3A_42 : memref<40x128xf32, #tpu.memory_space<hbm>>) target(%dma_start3A_40 : memref<40x128xf32, #tpu.memory_space<vmem>>) target_semaphore(%arg17 : memref<!tpu.dma_semaphore, #tpu.memory_space<semaphore_mem>>)
    %scan3A = arith.constant 0 : i32
    %scan3A_43 = arith.constant 0 : i32
    %scan3A_44 = arith.constant 250 : i32
    %scan3A_45 = arith.addi %scan3A_43, %scan3A_44 : i32
    %scan3A_46 = arith.constant 1 : i32
    scf.for %scan3A_49 = %scan3A_43 to %scan3A_45 step %scan3A_46  : i32 {
      %jit3A = arith.constant 2 : i32
      %eq3A = arith.constant 0 : i32
      %eq3A_50 = arith.cmpi eq, %jit3A, %eq3A : i32
      %jit3A_51 = arith.constant 1 : i32
      %select_n3A = arith.select %eq3A_50, %jit3A_51, %jit3A : i32
      %rem3A = arith.remsi %scan3A_49, %select_n3A : i32
      %ne3A = arith.constant 0 : i32
      %ne3A_52 = arith.cmpi ne, %rem3A, %ne3A : i32
      %lt3A = arith.constant 0 : i32
      %lt3A_53 = arith.cmpi slt, %rem3A, %lt3A : i32
      %lt3A_54 = arith.constant 0 : i32
      %lt3A_55 = arith.cmpi slt, %select_n3A, %lt3A_54 : i32
      %ne3A_56 = arith.xori %lt3A_53, %lt3A_55 : i1
      %and3A = arith.andi %ne3A_56, %ne3A_52 : i1
      %add3A_57 = arith.addi %rem3A, %select_n3A : i32
      %select_n3A_58 = arith.select %and3A, %add3A_57, %rem3A : i32
      %mul3A_59 = arith.constant 10000 : i32
      %mul3A_60 = arith.muli %add3A, %mul3A_59 : i32
      %mul3A_61 = arith.constant 40 : i32
      %mul3A_62 = arith.muli %scan3A_49, %mul3A_61 : i32
      %add3A_63 = arith.addi %mul3A_60, %mul3A_62 : i32
      %multiple_of3A_64 = tpu.assume_multiple %add3A_63, 8 : i32
      %mul3A_65 = arith.constant 10000 : i32
      %mul3A_66 = arith.muli %add3A, %mul3A_65 : i32
      %add3A_67 = arith.constant 1 : i32
      %add3A_68 = arith.addi %scan3A_49, %add3A_67 : i32
      %mul3A_69 = arith.constant 40 : i32
      %mul3A_70 = arith.muli %add3A_68, %mul3A_69 : i32
      %add3A_71 = arith.addi %mul3A_66, %mul3A_70 : i32
      %multiple_of3A_72 = tpu.assume_multiple %add3A_71, 8 : i32
      %eq3A_73 = arith.constant 0 : i32
      %eq3A_74 = arith.cmpi eq, %select_n3A_58, %eq3A_73 : i32
      %convert_element_type3A = arith.extui %eq3A_74 : i1 to i32
      %cond3A = arith.constant 0 : i32
      %cond3A_75 = arith.cmpi ne, %convert_element_type3A, %cond3A : i32
      scf.if %cond3A_75 {
        %dma_wait3A = arith.constant 0 : i32
        %dma_wait3A_81 = arith.constant 0 : i32
        %dma_wait3A_82 = arith.constant 0 : i32
        %dma_wait3A_83 = tpu.memref_slice %arg12[%dma_wait3A, %dma_wait3A_81, %dma_wait3A_82] : memref<2x40x128xf32, #tpu.memory_space<vmem>> -> memref<1x40x128xf32, #tpu.memory_space<vmem>>
        %dma_wait3A_84 = tpu.memref_squeeze %dma_wait3A_83 : memref<1x40x128xf32, #tpu.memory_space<vmem>> -> memref<40x128xf32, #tpu.memory_space<vmem>>
        %dma_wait3A_85 = arith.constant 0 : i32
        %dma_wait3A_86 = arith.constant 0 : i32
        %dma_wait3A_87 = tpu.memref_slice %arg5[%dma_wait3A_85, %dma_wait3A_86] : memref<10240x128xf32, #tpu.memory_space<hbm>> -> memref<40x128xf32, #tpu.memory_space<hbm>>
        %dma_wait3A_88 = arith.constant 0 : i32
        %dma_wait3A_89 = arith.constant 0 : i32
        %dma_wait3A_90 = tpu.memref_slice %arg12[%dma_wait3A, %dma_wait3A_88, %dma_wait3A_89] : memref<2x40x128xf32, #tpu.memory_space<vmem>> -> memref<1x40x128xf32, #tpu.memory_space<vmem>>
        %dma_wait3A_91 = tpu.memref_squeeze %dma_wait3A_90 : memref<1x40x128xf32, #tpu.memory_space<vmem>> -> memref<40x128xf32, #tpu.memory_space<vmem>>
        %dma_wait3A_92 = arith.constant 0 : i32
        %dma_wait3A_93 = arith.constant 0 : i32
        %dma_wait3A_94 = tpu.memref_slice %arg5[%dma_wait3A_92, %dma_wait3A_93] : memref<10240x128xf32, #tpu.memory_space<hbm>> -> memref<40x128xf32, #tpu.memory_space<hbm>>
        tpu.wait_dma2 semaphore(%arg17 : memref<!tpu.dma_semaphore, #tpu.memory_space<semaphore_mem>>) src(%dma_wait3A_94 : memref<40x128xf32, #tpu.memory_space<hbm>>) dst(%dma_wait3A_91 : memref<40x128xf32, #tpu.memory_space<vmem>>)
        %dma_wait3A_95 = arith.constant 0 : i32
        %dma_wait3A_96 = arith.constant 0 : i32
        %dma_wait3A_97 = arith.constant 0 : i32
        %dma_wait3A_98 = tpu.memref_slice %arg13[%dma_wait3A_95, %dma_wait3A_96, %dma_wait3A_97] : memref<2x40x128xf32, #tpu.memory_space<vmem>> -> memref<1x40x128xf32, #tpu.memory_space<vmem>>
        %dma_wait3A_99 = tpu.memref_squeeze %dma_wait3A_98 : memref<1x40x128xf32, #tpu.memory_space<vmem>> -> memref<40x128xf32, #tpu.memory_space<vmem>>
        %dma_wait3A_100 = arith.constant 0 : i32
        %dma_wait3A_101 = arith.constant 0 : i32
        %dma_wait3A_102 = tpu.memref_slice %arg6[%dma_wait3A_100, %dma_wait3A_101] : memref<10240x128xf32, #tpu.memory_space<hbm>> -> memref<40x128xf32, #tpu.memory_space<hbm>>
        %dma_wait3A_103 = arith.constant 0 : i32
        %dma_wait3A_104 = arith.constant 0 : i32
        %dma_wait3A_105 = tpu.memref_slice %arg13[%dma_wait3A_95, %dma_wait3A_103, %dma_wait3A_104] : memref<2x40x128xf32, #tpu.memory_space<vmem>> -> memref<1x40x128xf32, #tpu.memory_space<vmem>>
        %dma_wait3A_106 = tpu.memref_squeeze %dma_wait3A_105 : memref<1x40x128xf32, #tpu.memory_space<vmem>> -> memref<40x128xf32, #tpu.memory_space<vmem>>
        %dma_wait3A_107 = arith.constant 0 : i32
        %dma_wait3A_108 = arith.constant 0 : i32
        %dma_wait3A_109 = tpu.memref_slice %arg6[%dma_wait3A_107, %dma_wait3A_108] : memref<10240x128xf32, #tpu.memory_space<hbm>> -> memref<40x128xf32, #tpu.memory_space<hbm>>
        tpu.wait_dma2 semaphore(%arg17 : memref<!tpu.dma_semaphore, #tpu.memory_space<semaphore_mem>>) src(%dma_wait3A_109 : memref<40x128xf32, #tpu.memory_space<hbm>>) dst(%dma_wait3A_106 : memref<40x128xf32, #tpu.memory_space<vmem>>)
        %dma_wait3A_110 = arith.constant 0 : i32
        %dma_wait3A_111 = arith.constant 0 : i32
        %dma_wait3A_112 = arith.constant 0 : i32
        %dma_wait3A_113 = tpu.memref_slice %arg14[%dma_wait3A_110, %dma_wait3A_111, %dma_wait3A_112] : memref<2x40x128xf32, #tpu.memory_space<vmem>> -> memref<1x40x128xf32, #tpu.memory_space<vmem>>
        %dma_wait3A_114 = tpu.memref_squeeze %dma_wait3A_113 : memref<1x40x128xf32, #tpu.memory_space<vmem>> -> memref<40x128xf32, #tpu.memory_space<vmem>>
        %dma_wait3A_115 = arith.constant 0 : i32
        %dma_wait3A_116 = arith.constant 0 : i32
        %dma_wait3A_117 = tpu.memref_slice %arg4[%dma_wait3A_115, %dma_wait3A_116] : memref<320000x128xf32, #tpu.memory_space<hbm>> -> memref<40x128xf32, #tpu.memory_space<hbm>>
        %dma_wait3A_118 = arith.constant 0 : i32
        %dma_wait3A_119 = arith.constant 0 : i32
        %dma_wait3A_120 = tpu.memref_slice %arg14[%dma_wait3A_110, %dma_wait3A_118, %dma_wait3A_119] : memref<2x40x128xf32, #tpu.memory_space<vmem>> -> memref<1x40x128xf32, #tpu.memory_space<vmem>>
        %dma_wait3A_121 = tpu.memref_squeeze %dma_wait3A_120 : memref<1x40x128xf32, #tpu.memory_space<vmem>> -> memref<40x128xf32, #tpu.memory_space<vmem>>
        %dma_wait3A_122 = arith.constant 0 : i32
        %dma_wait3A_123 = arith.constant 0 : i32
        %dma_wait3A_124 = tpu.memref_slice %arg4[%dma_wait3A_122, %dma_wait3A_123] : memref<320000x128xf32, #tpu.memory_space<hbm>> -> memref<40x128xf32, #tpu.memory_space<hbm>>
        tpu.wait_dma2 semaphore(%arg17 : memref<!tpu.dma_semaphore, #tpu.memory_space<semaphore_mem>>) src(%dma_wait3A_124 : memref<40x128xf32, #tpu.memory_space<hbm>>) dst(%dma_wait3A_121 : memref<40x128xf32, #tpu.memory_space<vmem>>)
        %add3A_125 = arith.constant 1 : i32
        %add3A_126 = arith.addi %scan3A_49, %add3A_125 : i32
        %lt3A_127 = arith.constant 250 : i32
        %lt3A_128 = arith.cmpi slt, %add3A_126, %lt3A_127 : i32
        %convert_element_type3A_129 = arith.extui %lt3A_128 : i1 to i32
        %cond3A_130 = arith.constant 0 : i32
        %cond3A_131 = arith.cmpi ne, %convert_element_type3A_129, %cond3A_130 : i32
        scf.if %cond3A_131 {
          %run_scoped3A_138 = arith.constant 1 : i32
          "tpu.region"() ({
            %run_scoped3A_177 = tpu.sem_alloc : memref<!tpu.dma_semaphore, #tpu.memory_space<semaphore_mem>>
            %dma_start3A_178 = arith.constant 0 : i32
            %dma_start3A_179 = tpu.memref_slice %arg9[%run_scoped3A_138, %dma_start3A_178] : memref<2x40xi32, #tpu.memory_space<vmem>> -> memref<1x40xi32, #tpu.memory_space<vmem>>
            %dma_start3A_180 = tpu.memref_squeeze %dma_start3A_179 : memref<1x40xi32, #tpu.memory_space<vmem>> -> memref<40xi32, #tpu.memory_space<vmem>>
            %dma_start3A_181 = tpu.memref_slice %arg2[%multiple_of3A_72] : memref<320000xi32, #tpu.memory_space<hbm>> -> memref<40xi32, #tpu.memory_space<hbm>>
            %dma_start3A_182 = arith.constant 0 : i32
            %dma_start3A_183 = tpu.memref_slice %arg9[%run_scoped3A_138, %dma_start3A_182] : memref<2x40xi32, #tpu.memory_space<vmem>> -> memref<1x40xi32, #tpu.memory_space<vmem>>
            %dma_start3A_184 = tpu.memref_squeeze %dma_start3A_183 : memref<1x40xi32, #tpu.memory_space<vmem>> -> memref<40xi32, #tpu.memory_space<vmem>>
            %dma_start3A_185 = tpu.memref_slice %arg2[%multiple_of3A_72] : memref<320000xi32, #tpu.memory_space<hbm>> -> memref<40xi32, #tpu.memory_space<hbm>>
            tpu.enqueue_dma source(%dma_start3A_185 : memref<40xi32, #tpu.memory_space<hbm>>) target(%dma_start3A_184 : memref<40xi32, #tpu.memory_space<vmem>>) target_semaphore(%run_scoped3A_177 : memref<!tpu.dma_semaphore, #tpu.memory_space<semaphore_mem>>)
            %dma_wait3A_186 = arith.constant 0 : i32
            %dma_wait3A_187 = tpu.memref_slice %arg9[%run_scoped3A_138, %dma_wait3A_186] : memref<2x40xi32, #tpu.memory_space<vmem>> -> memref<1x40xi32, #tpu.memory_space<vmem>>
            %dma_wait3A_188 = tpu.memref_squeeze %dma_wait3A_187 : memref<1x40xi32, #tpu.memory_space<vmem>> -> memref<40xi32, #tpu.memory_space<vmem>>
            %dma_wait3A_189 = tpu.memref_slice %arg2[%multiple_of3A_72] : memref<320000xi32, #tpu.memory_space<hbm>> -> memref<40xi32, #tpu.memory_space<hbm>>
            %dma_wait3A_190 = arith.constant 0 : i32
            %dma_wait3A_191 = tpu.memref_slice %arg9[%run_scoped3A_138, %dma_wait3A_190] : memref<2x40xi32, #tpu.memory_space<vmem>> -> memref<1x40xi32, #tpu.memory_space<vmem>>
            %dma_wait3A_192 = tpu.memref_squeeze %dma_wait3A_191 : memref<1x40xi32, #tpu.memory_space<vmem>> -> memref<40xi32, #tpu.memory_space<vmem>>
            %dma_wait3A_193 = tpu.memref_slice %arg2[%multiple_of3A_72] : memref<320000xi32, #tpu.memory_space<hbm>> -> memref<40xi32, #tpu.memory_space<hbm>>
            tpu.wait_dma2 semaphore(%run_scoped3A_177 : memref<!tpu.dma_semaphore, #tpu.memory_space<semaphore_mem>>) src(%dma_wait3A_193 : memref<40xi32, #tpu.memory_space<hbm>>) dst(%dma_wait3A_192 : memref<40xi32, #tpu.memory_space<vmem>>)
            tpu.yield
          }) : () -> ()
          %run_scoped3A_139 = arith.constant 1 : i32
          "tpu.region"() ({
            %run_scoped3A_177 = tpu.sem_alloc : memref<!tpu.dma_semaphore, #tpu.memory_space<semaphore_mem>>
            %dma_start3A_178 = arith.constant 0 : i32
            %dma_start3A_179 = tpu.memref_slice %arg10[%run_scoped3A_139, %dma_start3A_178] : memref<2x40xi32, #tpu.memory_space<vmem>> -> memref<1x40xi32, #tpu.memory_space<vmem>>
            %dma_start3A_180 = tpu.memref_squeeze %dma_start3A_179 : memref<1x40xi32, #tpu.memory_space<vmem>> -> memref<40xi32, #tpu.memory_space<vmem>>
            %dma_start3A_181 = tpu.memref_slice %arg3[%multiple_of3A_72] : memref<320000xi32, #tpu.memory_space<hbm>> -> memref<40xi32, #tpu.memory_space<hbm>>
            %dma_start3A_182 = arith.constant 0 : i32
            %dma_start3A_183 = tpu.memref_slice %arg10[%run_scoped3A_139, %dma_start3A_182] : memref<2x40xi32, #tpu.memory_space<vmem>> -> memref<1x40xi32, #tpu.memory_space<vmem>>
            %dma_start3A_184 = tpu.memref_squeeze %dma_start3A_183 : memref<1x40xi32, #tpu.memory_space<vmem>> -> memref<40xi32, #tpu.memory_space<vmem>>
            %dma_start3A_185 = tpu.memref_slice %arg3[%multiple_of3A_72] : memref<320000xi32, #tpu.memory_space<hbm>> -> memref<40xi32, #tpu.memory_space<hbm>>
            tpu.enqueue_dma source(%dma_start3A_185 : memref<40xi32, #tpu.memory_space<hbm>>) target(%dma_start3A_184 : memref<40xi32, #tpu.memory_space<vmem>>) target_semaphore(%run_scoped3A_177 : memref<!tpu.dma_semaphore, #tpu.memory_space<semaphore_mem>>)
            %dma_wait3A_186 = arith.constant 0 : i32
            %dma_wait3A_187 = tpu.memref_slice %arg10[%run_scoped3A_139, %dma_wait3A_186] : memref<2x40xi32, #tpu.memory_space<vmem>> -> memref<1x40xi32, #tpu.memory_space<vmem>>
            %dma_wait3A_188 = tpu.memref_squeeze %dma_wait3A_187 : memref<1x40xi32, #tpu.memory_space<vmem>> -> memref<40xi32, #tpu.memory_space<vmem>>
            %dma_wait3A_189 = tpu.memref_slice %arg3[%multiple_of3A_72] : memref<320000xi32, #tpu.memory_space<hbm>> -> memref<40xi32, #tpu.memory_space<hbm>>
            %dma_wait3A_190 = arith.constant 0 : i32
            %dma_wait3A_191 = tpu.memref_slice %arg10[%run_scoped3A_139, %dma_wait3A_190] : memref<2x40xi32, #tpu.memory_space<vmem>> -> memref<1x40xi32, #tpu.memory_space<vmem>>
            %dma_wait3A_192 = tpu.memref_squeeze %dma_wait3A_191 : memref<1x40xi32, #tpu.memory_space<vmem>> -> memref<40xi32, #tpu.memory_space<vmem>>
            %dma_wait3A_193 = tpu.memref_slice %arg3[%multiple_of3A_72] : memref<320000xi32, #tpu.memory_space<hbm>> -> memref<40xi32, #tpu.memory_space<hbm>>
            tpu.wait_dma2 semaphore(%run_scoped3A_177 : memref<!tpu.dma_semaphore, #tpu.memory_space<semaphore_mem>>) src(%dma_wait3A_193 : memref<40xi32, #tpu.memory_space<hbm>>) dst(%dma_wait3A_192 : memref<40xi32, #tpu.memory_space<vmem>>)
            tpu.yield
          }) : () -> ()
          %dma_start3A_140 = arith.constant 1 : i32
          %dma_start3A_141 = arith.constant 1 : i32
          %dma_start3A_142 = arith.constant 0 : i32
          %dma_start3A_143 = arith.constant 0 : i32
          %dma_start3A_144 = tpu.memref_slice %arg12[%dma_start3A_141, %dma_start3A_142, %dma_start3A_143] : memref<2x40x128xf32, #tpu.memory_space<vmem>> -> memref<1x40x128xf32, #tpu.memory_space<vmem>>
          %dma_start3A_145 = tpu.memref_squeeze %dma_start3A_144 : memref<1x40x128xf32, #tpu.memory_space<vmem>> -> memref<40x128xf32, #tpu.memory_space<vmem>>
          %dma_start3A_146 = arith.constant 0 : i32
          %dma_start3A_147 = tpu.memref_slice %arg10[%dma_start3A_140, %dma_start3A_146] : memref<2x40xi32, #tpu.memory_space<vmem>> -> memref<1x40xi32, #tpu.memory_space<vmem>>
          %dma_start3A_148 = tpu.memref_squeeze %dma_start3A_147 : memref<1x40xi32, #tpu.memory_space<vmem>> -> memref<40xi32, #tpu.memory_space<vmem>>
          %dma_start3A_149 = arith.constant 0 : i32
          %dma_start3A_150 = arith.constant 0 : i32
          %dma_start3A_151 = tpu.memref_slice %arg5[%dma_start3A_149, %dma_start3A_150] : memref<10240x128xf32, #tpu.memory_space<hbm>> -> memref<10240x128xf32, #tpu.memory_space<hbm>>
          tpu.enqueue_indirect_dma source(%dma_start3A_151 : memref<10240x128xf32, #tpu.memory_space<hbm>>) target(%dma_start3A_145 : memref<40x128xf32, #tpu.memory_space<vmem>>) offsets(%dma_start3A_148 : memref<40xi32, #tpu.memory_space<vmem>>) semaphore(%arg18 : memref<!tpu.dma_semaphore, #tpu.memory_space<semaphore_mem>>)
          %dma_start3A_152 = arith.constant 1 : i32
          %dma_start3A_153 = arith.constant 1 : i32
          %dma_start3A_154 = arith.constant 0 : i32
          %dma_start3A_155 = arith.constant 0 : i32
          %dma_start3A_156 = tpu.memref_slice %arg13[%dma_start3A_153, %dma_start3A_154, %dma_start3A_155] : memref<2x40x128xf32, #tpu.memory_space<vmem>> -> memref<1x40x128xf32, #tpu.memory_space<vmem>>
          %dma_start3A_157 = tpu.memref_squeeze %dma_start3A_156 : memref<1x40x128xf32, #tpu.memory_space<vmem>> -> memref<40x128xf32, #tpu.memory_space<vmem>>
          %dma_start3A_158 = arith.constant 0 : i32
          %dma_start3A_159 = tpu.memref_slice %arg9[%dma_start3A_152, %dma_start3A_158] : memref<2x40xi32, #tpu.memory_space<vmem>> -> memref<1x40xi32, #tpu.memory_space<vmem>>
          %dma_start3A_160 = tpu.memref_squeeze %dma_start3A_159 : memref<1x40xi32, #tpu.memory_space<vmem>> -> memref<40xi32, #tpu.memory_space<vmem>>
          %dma_start3A_161 = arith.constant 0 : i32
          %dma_start3A_162 = arith.constant 0 : i32
          %dma_start3A_163 = tpu.memref_slice %arg6[%dma_start3A_161, %dma_start3A_162] : memref<10240x128xf32, #tpu.memory_space<hbm>> -> memref<10240x128xf32, #tpu.memory_space<hbm>>
          tpu.enqueue_indirect_dma source(%dma_start3A_163 : memref<10240x128xf32, #tpu.memory_space<hbm>>) target(%dma_start3A_157 : memref<40x128xf32, #tpu.memory_space<vmem>>) offsets(%dma_start3A_160 : memref<40xi32, #tpu.memory_space<vmem>>) semaphore(%arg18 : memref<!tpu.dma_semaphore, #tpu.memory_space<semaphore_mem>>)
          %dma_start3A_164 = arith.constant 1 : i32
          %dma_start3A_165 = arith.constant 0 : i32
          %dma_start3A_166 = arith.constant 0 : i32
          %dma_start3A_167 = tpu.memref_slice %arg14[%dma_start3A_164, %dma_start3A_165, %dma_start3A_166] : memref<2x40x128xf32, #tpu.memory_space<vmem>> -> memref<1x40x128xf32, #tpu.memory_space<vmem>>
          %dma_start3A_168 = tpu.memref_squeeze %dma_start3A_167 : memref<1x40x128xf32, #tpu.memory_space<vmem>> -> memref<40x128xf32, #tpu.memory_space<vmem>>
          %dma_start3A_169 = arith.constant 0 : i32
          %dma_start3A_170 = tpu.memref_slice %arg4[%multiple_of3A_72, %dma_start3A_169] : memref<320000x128xf32, #tpu.memory_space<hbm>> -> memref<40x128xf32, #tpu.memory_space<hbm>>
          %dma_start3A_171 = arith.constant 0 : i32
          %dma_start3A_172 = arith.constant 0 : i32
          %dma_start3A_173 = tpu.memref_slice %arg14[%dma_start3A_164, %dma_start3A_171, %dma_start3A_172] : memref<2x40x128xf32, #tpu.memory_space<vmem>> -> memref<1x40x128xf32, #tpu.memory_space<vmem>>
          %dma_start3A_174 = tpu.memref_squeeze %dma_start3A_173 : memref<1x40x128xf32, #tpu.memory_space<vmem>> -> memref<40x128xf32, #tpu.memory_space<vmem>>
          %dma_start3A_175 = arith.constant 0 : i32
          %dma_start3A_176 = tpu.memref_slice %arg4[%multiple_of3A_72, %dma_start3A_175] : memref<320000x128xf32, #tpu.memory_space<hbm>> -> memref<40x128xf32, #tpu.memory_space<hbm>>
          tpu.enqueue_dma source(%dma_start3A_176 : memref<40x128xf32, #tpu.memory_space<hbm>>) target(%dma_start3A_174 : memref<40x128xf32, #tpu.memory_space<vmem>>) target_semaphore(%arg18 : memref<!tpu.dma_semaphore, #tpu.memory_space<semaphore_mem>>)
        } else {
        }
        %scan3A_132 = arith.constant 0 : i32
        %scan3A_133 = arith.constant 0 : i32
        %scan3A_134 = arith.constant 40 : i32
        %scan3A_135 = arith.addi %scan3A_133, %scan3A_134 : i32
        %scan3A_136 = arith.constant 1 : i32
        scf.for %scan3A_138 = %scan3A_133 to %scan3A_135 step %scan3A_136  : i32 {
          %get3A = arith.constant 0 : i32
          %get3A_139 = arith.index_cast %get3A : i32 to index
          %get3A_140 = arith.index_cast %scan3A_138 : i32 to index
          %get3A_141 = arith.constant 64 : index
          %get3A_142 = tpu.vector_load %arg12[%get3A_139, %get3A_140, %get3A_141] {strides = array<i32>} : memref<2x40x128xf32, #tpu.memory_space<vmem>>, vector<1x1x16xf32>,
          %get3A_143 = vector.shape_cast %get3A_142 : vector<1x1x16xf32> to vector<16xf32>
          %get3A_144 = arith.constant 0 : i32
          %get3A_145 = arith.index_cast %get3A_144 : i32 to index
          %get3A_146 = arith.index_cast %scan3A_138 : i32 to index
          %get3A_147 = arith.constant 0 : index
          %get3A_148 = tpu.vector_load %arg13[%get3A_145, %get3A_146, %get3A_147] {strides = array<i32>} : memref<2x40x128xf32, #tpu.memory_space<vmem>>, vector<1x1x16xf32>,
          %get3A_149 = vector.shape_cast %get3A_148 : vector<1x1x16xf32> to vector<16xf32>
          %add3A_150 = arith.addf %get3A_143, %get3A_149 : vector<16xf32>
          %get3A_151 = arith.constant 0 : i32
          %get3A_152 = arith.index_cast %get3A_151 : i32 to index
          %get3A_153 = arith.index_cast %scan3A_138 : i32 to index
          %get3A_154 = arith.constant 64 : index
          %get3A_155 = tpu.vector_load %arg14[%get3A_152, %get3A_153, %get3A_154] {strides = array<i32>} : memref<2x40x128xf32, #tpu.memory_space<vmem>>, vector<1x1x16xf32>,
          %get3A_156 = vector.shape_cast %get3A_155 : vector<1x1x16xf32> to vector<16xf32>
          %add3A_157 = arith.addf %add3A_150, %get3A_156 : vector<16xf32>
          %neg3A = arith.constant 0.000000e+00 : f32
          %neg3A_158 = vector.broadcast %neg3A : f32 to vector<16xf32>
          %neg3A_159 = arith.subf %neg3A_158, %add3A_157 : vector<16xf32>
          %exp3A = math.exp %neg3A_159 : vector<16xf32>
          %add3A_160 = arith.constant 1.000000e+00 : f32
          %add3A_161 = vector.broadcast %add3A_160 : f32 to vector<16xf32>
          %add3A_162 = arith.addf %add3A_161, %exp3A : vector<16xf32>
          %div3A = arith.constant 1.000000e+00 : f32
          %div3A_163 = vector.broadcast %div3A : f32 to vector<16xf32>
          %div3A_164 = arith.divf %div3A_163, %add3A_162 : vector<16xf32>
          %get3A_165 = arith.constant 0 : i32
          %get3A_166 = arith.index_cast %get3A_165 : i32 to index
          %get3A_167 = arith.index_cast %scan3A_138 : i32 to index
          %get3A_168 = arith.constant 64 : index
          %get3A_169 = tpu.vector_load %arg13[%get3A_166, %get3A_167, %get3A_168] {strides = array<i32>} : memref<2x40x128xf32, #tpu.memory_space<vmem>>, vector<1x1x16xf32>,
          %get3A_170 = vector.shape_cast %get3A_169 : vector<1x1x16xf32> to vector<16xf32>
          %mul3A_171 = arith.mulf %div3A_164, %get3A_170 : vector<16xf32>
          %swap3A = arith.index_cast %scan3A_138 : i32 to index
          %swap3A_172 = arith.constant 0 : index
          %swap3A_173 = tpu.vector_load %arg15[%swap3A, %swap3A_172] {strides = array<i32>} : memref<40x128xf32, #tpu.memory_space<vmem>>, vector<1x16xf32>,
          %swap3A_174 = vector.shape_cast %swap3A_173 : vector<1x16xf32> to vector<16xf32>
          %swap3A_175 = vector.shape_cast %mul3A_171 : vector<16xf32> to vector<1x16xf32>
          tpu.vector_store %arg15[%swap3A, %swap3A_172], %swap3A_175 {strides = array<i32>} : memref<40x128xf32, #tpu.memory_space<vmem>>, vector<1x16xf32>,
          %swap3A_176 = arith.index_cast %scan3A_138 : i32 to index
          %swap3A_177 = arith.constant 64 : index
          %swap3A_178 = tpu.vector_load %arg15[%swap3A_176, %swap3A_177] {strides = array<i32>} : memref<40x128xf32, #tpu.memory_space<vmem>>, vector<1x16xf32>,
          %swap3A_179 = vector.shape_cast %swap3A_178 : vector<1x16xf32> to vector<16xf32>
          %swap3A_180 = vector.shape_cast %div3A_164 : vector<16xf32> to vector<1x16xf32>
          tpu.vector_store %arg15[%swap3A_176, %swap3A_177], %swap3A_180 {strides = array<i32>} : memref<40x128xf32, #tpu.memory_space<vmem>>, vector<1x16xf32>,
          %get3A_181 = arith.constant 0 : i32
          %get3A_182 = arith.index_cast %get3A_181 : i32 to index
          %get3A_183 = arith.index_cast %scan3A_138 : i32 to index
          %get3A_184 = arith.constant 80 : index
          %get3A_185 = tpu.vector_load %arg12[%get3A_182, %get3A_183, %get3A_184] {strides = array<i32>} : memref<2x40x128xf32, #tpu.memory_space<vmem>>, vector<1x1x16xf32>,
          %get3A_186 = vector.shape_cast %get3A_185 : vector<1x1x16xf32> to vector<16xf32>
          %get3A_187 = arith.constant 0 : i32
          %get3A_188 = arith.index_cast %get3A_187 : i32 to index
          %get3A_189 = arith.index_cast %scan3A_138 : i32 to index
          %get3A_190 = arith.constant 16 : index
          %get3A_191 = tpu.vector_load %arg13[%get3A_188, %get3A_189, %get3A_190] {strides = array<i32>} : memref<2x40x128xf32, #tpu.memory_space<vmem>>, vector<1x1x16xf32>,
          %get3A_192 = vector.shape_cast %get3A_191 : vector<1x1x16xf32> to vector<16xf32>
          %add3A_193 = arith.addf %get3A_186, %get3A_192 : vector<16xf32>
          %get3A_194 = arith.constant 0 : i32
          %get3A_195 = arith.index_cast %get3A_194 : i32 to index
          %get3A_196 = arith.index_cast %scan3A_138 : i32 to index
          %get3A_197 = arith.constant 80 : index
          %get3A_198 = tpu.vector_load %arg14[%get3A_195, %get3A_196, %get3A_197] {strides = array<i32>} : memref<2x40x128xf32, #tpu.memory_space<vmem>>, vector<1x1x16xf32>,
          %get3A_199 = vector.shape_cast %get3A_198 : vector<1x1x16xf32> to vector<16xf32>
          %add3A_200 = arith.addf %add3A_193, %get3A_199 : vector<16xf32>
          %neg3A_201 = arith.constant 0.000000e+00 : f32
          %neg3A_202 = vector.broadcast %neg3A_201 : f32 to vector<16xf32>
          %neg3A_203 = arith.subf %neg3A_202, %add3A_200 : vector<16xf32>
          %exp3A_204 = math.exp %neg3A_203 : vector<16xf32>
          %add3A_205 = arith.constant 1.000000e+00 : f32
          %add3A_206 = vector.broadcast %add3A_205 : f32 to vector<16xf32>
          %add3A_207 = arith.addf %add3A_206, %exp3A_204 : vector<16xf32>
          %div3A_208 = arith.constant 1.000000e+00 : f32
          %div3A_209 = vector.broadcast %div3A_208 : f32 to vector<16xf32>
          %div3A_210 = arith.divf %div3A_209, %add3A_207 : vector<16xf32>
          %get3A_211 = arith.constant 0 : i32
          %get3A_212 = arith.index_cast %get3A_211 : i32 to index
          %get3A_213 = arith.index_cast %scan3A_138 : i32 to index
          %get3A_214 = arith.constant 80 : index
          %get3A_215 = tpu.vector_load %arg13[%get3A_212, %get3A_213, %get3A_214] {strides = array<i32>} : memref<2x40x128xf32, #tpu.memory_space<vmem>>, vector<1x1x16xf32>,
          %get3A_216 = vector.shape_cast %get3A_215 : vector<1x1x16xf32> to vector<16xf32>
          %mul3A_217 = arith.mulf %div3A_210, %get3A_216 : vector<16xf32>
          %swap3A_218 = arith.index_cast %scan3A_138 : i32 to index
          %swap3A_219 = arith.constant 16 : index
          %swap3A_220 = tpu.vector_load %arg15[%swap3A_218, %swap3A_219] {strides = array<i32>} : memref<40x128xf32, #tpu.memory_space<vmem>>, vector<1x16xf32>,
          %swap3A_221 = vector.shape_cast %swap3A_220 : vector<1x16xf32> to vector<16xf32>
          %swap3A_222 = vector.shape_cast %mul3A_217 : vector<16xf32> to vector<1x16xf32>
          tpu.vector_store %arg15[%swap3A_218, %swap3A_219], %swap3A_222 {strides = array<i32>} : memref<40x128xf32, #tpu.memory_space<vmem>>, vector<1x16xf32>,
          %swap3A_223 = arith.index_cast %scan3A_138 : i32 to index
          %swap3A_224 = arith.constant 80 : index
          %swap3A_225 = tpu.vector_load %arg15[%swap3A_223, %swap3A_224] {strides = array<i32>} : memref<40x128xf32, #tpu.memory_space<vmem>>, vector<1x16xf32>,
          %swap3A_226 = vector.shape_cast %swap3A_225 : vector<1x16xf32> to vector<16xf32>
          %swap3A_227 = vector.shape_cast %div3A_210 : vector<16xf32> to vector<1x16xf32>
          tpu.vector_store %arg15[%swap3A_223, %swap3A_224], %swap3A_227 {strides = array<i32>} : memref<40x128xf32, #tpu.memory_space<vmem>>, vector<1x16xf32>,
          %get3A_228 = arith.constant 0 : i32
          %get3A_229 = arith.index_cast %get3A_228 : i32 to index
          %get3A_230 = arith.index_cast %scan3A_138 : i32 to index
          %get3A_231 = arith.constant 96 : index
          %get3A_232 = tpu.vector_load %arg12[%get3A_229, %get3A_230, %get3A_231] {strides = array<i32>} : memref<2x40x128xf32, #tpu.memory_space<vmem>>, vector<1x1x16xf32>,
          %get3A_233 = vector.shape_cast %get3A_232 : vector<1x1x16xf32> to vector<16xf32>
          %get3A_234 = arith.constant 0 : i32
          %get3A_235 = arith.index_cast %get3A_234 : i32 to index
          %get3A_236 = arith.index_cast %scan3A_138 : i32 to index
          %get3A_237 = arith.constant 32 : index
          %get3A_238 = tpu.vector_load %arg13[%get3A_235, %get3A_236, %get3A_237] {strides = array<i32>} : memref<2x40x128xf32, #tpu.memory_space<vmem>>, vector<1x1x16xf32>,
          %get3A_239 = vector.shape_cast %get3A_238 : vector<1x1x16xf32> to vector<16xf32>
          %add3A_240 = arith.addf %get3A_233, %get3A_239 : vector<16xf32>
          %get3A_241 = arith.constant 0 : i32
          %get3A_242 = arith.index_cast %get3A_241 : i32 to index
          %get3A_243 = arith.index_cast %scan3A_138 : i32 to index
          %get3A_244 = arith.constant 96 : index
          %get3A_245 = tpu.vector_load %arg14[%get3A_242, %get3A_243, %get3A_244] {strides = array<i32>} : memref<2x40x128xf32, #tpu.memory_space<vmem>>, vector<1x1x16xf32>,
          %get3A_246 = vector.shape_cast %get3A_245 : vector<1x1x16xf32> to vector<16xf32>
          %add3A_247 = arith.addf %add3A_240, %get3A_246 : vector<16xf32>
          %neg3A_248 = arith.constant 0.000000e+00 : f32
          %neg3A_249 = vector.broadcast %neg3A_248 : f32 to vector<16xf32>
          %neg3A_250 = arith.subf %neg3A_249, %add3A_247 : vector<16xf32>
          %exp3A_251 = math.exp %neg3A_250 : vector<16xf32>
          %add3A_252 = arith.constant 1.000000e+00 : f32
          %add3A_253 = vector.broadcast %add3A_252 : f32 to vector<16xf32>
          %add3A_254 = arith.addf %add3A_253, %exp3A_251 : vector<16xf32>
          %div3A_255 = arith.constant 1.000000e+00 : f32
          %div3A_256 = vector.broadcast %div3A_255 : f32 to vector<16xf32>
          %div3A_257 = arith.divf %div3A_256, %add3A_254 : vector<16xf32>
          %get3A_258 = arith.constant 0 : i32
          %get3A_259 = arith.index_cast %get3A_258 : i32 to index
          %get3A_260 = arith.index_cast %scan3A_138 : i32 to index
          %get3A_261 = arith.constant 96 : index
          %get3A_262 = tpu.vector_load %arg13[%get3A_259, %get3A_260, %get3A_261] {strides = array<i32>} : memref<2x40x128xf32, #tpu.memory_space<vmem>>, vector<1x1x16xf32>,
          %get3A_263 = vector.shape_cast %get3A_262 : vector<1x1x16xf32> to vector<16xf32>
          %mul3A_264 = arith.mulf %div3A_257, %get3A_263 : vector<16xf32>
          %swap3A_265 = arith.index_cast %scan3A_138 : i32 to index
          %swap3A_266 = arith.constant 32 : index
          %swap3A_267 = tpu.vector_load %arg15[%swap3A_265, %swap3A_266] {strides = array<i32>} : memref<40x128xf32, #tpu.memory_space<vmem>>, vector<1x16xf32>,
          %swap3A_268 = vector.shape_cast %swap3A_267 : vector<1x16xf32> to vector<16xf32>
          %swap3A_269 = vector.shape_cast %mul3A_264 : vector<16xf32> to vector<1x16xf32>
          tpu.vector_store %arg15[%swap3A_265, %swap3A_266], %swap3A_269 {strides = array<i32>} : memref<40x128xf32, #tpu.memory_space<vmem>>, vector<1x16xf32>,
          %swap3A_270 = arith.index_cast %scan3A_138 : i32 to index
          %swap3A_271 = arith.constant 96 : index
          %swap3A_272 = tpu.vector_load %arg15[%swap3A_270, %swap3A_271] {strides = array<i32>} : memref<40x128xf32, #tpu.memory_space<vmem>>, vector<1x16xf32>,
          %swap3A_273 = vector.shape_cast %swap3A_272 : vector<1x16xf32> to vector<16xf32>
          %swap3A_274 = vector.shape_cast %div3A_257 : vector<16xf32> to vector<1x16xf32>
          tpu.vector_store %arg15[%swap3A_270, %swap3A_271], %swap3A_274 {strides = array<i32>} : memref<40x128xf32, #tpu.memory_space<vmem>>, vector<1x16xf32>,
          %get3A_275 = arith.constant 0 : i32
          %get3A_276 = arith.index_cast %get3A_275 : i32 to index
          %get3A_277 = arith.index_cast %scan3A_138 : i32 to index
          %get3A_278 = arith.constant 112 : index
          %get3A_279 = tpu.vector_load %arg12[%get3A_276, %get3A_277, %get3A_278] {strides = array<i32>} : memref<2x40x128xf32, #tpu.memory_space<vmem>>, vector<1x1x16xf32>,
          %get3A_280 = vector.shape_cast %get3A_279 : vector<1x1x16xf32> to vector<16xf32>
          %get3A_281 = arith.constant 0 : i32
          %get3A_282 = arith.index_cast %get3A_281 : i32 to index
          %get3A_283 = arith.index_cast %scan3A_138 : i32 to index
          %get3A_284 = arith.constant 48 : index
          %get3A_285 = tpu.vector_load %arg13[%get3A_282, %get3A_283, %get3A_284] {strides = array<i32>} : memref<2x40x128xf32, #tpu.memory_space<vmem>>, vector<1x1x16xf32>,
          %get3A_286 = vector.shape_cast %get3A_285 : vector<1x1x16xf32> to vector<16xf32>
          %add3A_287 = arith.addf %get3A_280, %get3A_286 : vector<16xf32>
          %get3A_288 = arith.constant 0 : i32
          %get3A_289 = arith.index_cast %get3A_288 : i32 to index
          %get3A_290 = arith.index_cast %scan3A_138 : i32 to index
          %get3A_291 = arith.constant 112 : index
          %get3A_292 = tpu.vector_load %arg14[%get3A_289, %get3A_290, %get3A_291] {strides = array<i32>} : memref<2x40x128xf32, #tpu.memory_space<vmem>>, vector<1x1x16xf32>,
          %get3A_293 = vector.shape_cast %get3A_292 : vector<1x1x16xf32> to vector<16xf32>
          %add3A_294 = arith.addf %add3A_287, %get3A_293 : vector<16xf32>
          %neg3A_295 = arith.constant 0.000000e+00 : f32
          %neg3A_296 = vector.broadcast %neg3A_295 : f32 to vector<16xf32>
          %neg3A_297 = arith.subf %neg3A_296, %add3A_294 : vector<16xf32>
          %exp3A_298 = math.exp %neg3A_297 : vector<16xf32>
          %add3A_299 = arith.constant 1.000000e+00 : f32
          %add3A_300 = vector.broadcast %add3A_299 : f32 to vector<16xf32>
          %add3A_301 = arith.addf %add3A_300, %exp3A_298 : vector<16xf32>
          %div3A_302 = arith.constant 1.000000e+00 : f32
          %div3A_303 = vector.broadcast %div3A_302 : f32 to vector<16xf32>
          %div3A_304 = arith.divf %div3A_303, %add3A_301 : vector<16xf32>
          %get3A_305 = arith.constant 0 : i32
          %get3A_306 = arith.index_cast %get3A_305 : i32 to index
          %get3A_307 = arith.index_cast %scan3A_138 : i32 to index
          %get3A_308 = arith.constant 112 : index
          %get3A_309 = tpu.vector_load %arg13[%get3A_306, %get3A_307, %get3A_308] {strides = array<i32>} : memref<2x40x128xf32, #tpu.memory_space<vmem>>, vector<1x1x16xf32>,
          %get3A_310 = vector.shape_cast %get3A_309 : vector<1x1x16xf32> to vector<16xf32>
          %mul3A_311 = arith.mulf %div3A_304, %get3A_310 : vector<16xf32>
          %swap3A_312 = arith.index_cast %scan3A_138 : i32 to index
          %swap3A_313 = arith.constant 48 : index
          %swap3A_314 = tpu.vector_load %arg15[%swap3A_312, %swap3A_313] {strides = array<i32>} : memref<40x128xf32, #tpu.memory_space<vmem>>, vector<1x16xf32>,
          %swap3A_315 = vector.shape_cast %swap3A_314 : vector<1x16xf32> to vector<16xf32>
          %swap3A_316 = vector.shape_cast %mul3A_311 : vector<16xf32> to vector<1x16xf32>
          tpu.vector_store %arg15[%swap3A_312, %swap3A_313], %swap3A_316 {strides = array<i32>} : memref<40x128xf32, #tpu.memory_space<vmem>>, vector<1x16xf32>,
          %swap3A_317 = arith.index_cast %scan3A_138 : i32 to index
          %swap3A_318 = arith.constant 112 : index
          %swap3A_319 = tpu.vector_load %arg15[%swap3A_317, %swap3A_318] {strides = array<i32>} : memref<40x128xf32, #tpu.memory_space<vmem>>, vector<1x16xf32>,
          %swap3A_320 = vector.shape_cast %swap3A_319 : vector<1x16xf32> to vector<16xf32>
          %swap3A_321 = vector.shape_cast %div3A_304 : vector<16xf32> to vector<1x16xf32>
          tpu.vector_store %arg15[%swap3A_317, %swap3A_318], %swap3A_321 {strides = array<i32>} : memref<40x128xf32, #tpu.memory_space<vmem>>, vector<1x16xf32>,
        }
        %scan3A_137 = arith.constant 40 : i32
      } else {
      }
      %eq3A_76 = arith.constant 1 : i32
      %eq3A_77 = arith.cmpi eq, %select_n3A_58, %eq3A_76 : i32
      %convert_element_type3A_78 = arith.extui %eq3A_77 : i1 to i32
      %cond3A_79 = arith.constant 0 : i32
      %cond3A_80 = arith.cmpi ne, %convert_element_type3A_78, %cond3A_79 : i32
      scf.if %cond3A_80 {
        %dma_wait3A = arith.constant 1 : i32
        %dma_wait3A_81 = arith.constant 0 : i32
        %dma_wait3A_82 = arith.constant 0 : i32
        %dma_wait3A_83 = tpu.memref_slice %arg12[%dma_wait3A, %dma_wait3A_81, %dma_wait3A_82] : memref<2x40x128xf32, #tpu.memory_space<vmem>> -> memref<1x40x128xf32, #tpu.memory_space<vmem>>
        %dma_wait3A_84 = tpu.memref_squeeze %dma_wait3A_83 : memref<1x40x128xf32, #tpu.memory_space<vmem>> -> memref<40x128xf32, #tpu.memory_space<vmem>>
        %dma_wait3A_85 = arith.constant 0 : i32
        %dma_wait3A_86 = arith.constant 0 : i32
        %dma_wait3A_87 = tpu.memref_slice %arg5[%dma_wait3A_85, %dma_wait3A_86] : memref<10240x128xf32, #tpu.memory_space<hbm>> -> memref<40x128xf32, #tpu.memory_space<hbm>>
        %dma_wait3A_88 = arith.constant 0 : i32
        %dma_wait3A_89 = arith.constant 0 : i32
        %dma_wait3A_90 = tpu.memref_slice %arg12[%dma_wait3A, %dma_wait3A_88, %dma_wait3A_89] : memref<2x40x128xf32, #tpu.memory_space<vmem>> -> memref<1x40x128xf32, #tpu.memory_space<vmem>>
        %dma_wait3A_91 = tpu.memref_squeeze %dma_wait3A_90 : memref<1x40x128xf32, #tpu.memory_space<vmem>> -> memref<40x128xf32, #tpu.memory_space<vmem>>
        %dma_wait3A_92 = arith.constant 0 : i32
        %dma_wait3A_93 = arith.constant 0 : i32
        %dma_wait3A_94 = tpu.memref_slice %arg5[%dma_wait3A_92, %dma_wait3A_93] : memref<10240x128xf32, #tpu.memory_space<hbm>> -> memref<40x128xf32, #tpu.memory_space<hbm>>
        tpu.wait_dma2 semaphore(%arg18 : memref<!tpu.dma_semaphore, #tpu.memory_space<semaphore_mem>>) src(%dma_wait3A_94 : memref<40x128xf32, #tpu.memory_space<hbm>>) dst(%dma_wait3A_91 : memref<40x128xf32, #tpu.memory_space<vmem>>)
        %dma_wait3A_95 = arith.constant 1 : i32
        %dma_wait3A_96 = arith.constant 0 : i32
        %dma_wait3A_97 = arith.constant 0 : i32
        %dma_wait3A_98 = tpu.memref_slice %arg13[%dma_wait3A_95, %dma_wait3A_96, %dma_wait3A_97] : memref<2x40x128xf32, #tpu.memory_space<vmem>> -> memref<1x40x128xf32, #tpu.memory_space<vmem>>
        %dma_wait3A_99 = tpu.memref_squeeze %dma_wait3A_98 : memref<1x40x128xf32, #tpu.memory_space<vmem>> -> memref<40x128xf32, #tpu.memory_space<vmem>>
        %dma_wait3A_100 = arith.constant 0 : i32
        %dma_wait3A_101 = arith.constant 0 : i32
        %dma_wait3A_102 = tpu.memref_slice %arg6[%dma_wait3A_100, %dma_wait3A_101] : memref<10240x128xf32, #tpu.memory_space<hbm>> -> memref<40x128xf32, #tpu.memory_space<hbm>>
        %dma_wait3A_103 = arith.constant 0 : i32
        %dma_wait3A_104 = arith.constant 0 : i32
        %dma_wait3A_105 = tpu.memref_slice %arg13[%dma_wait3A_95, %dma_wait3A_103, %dma_wait3A_104] : memref<2x40x128xf32, #tpu.memory_space<vmem>> -> memref<1x40x128xf32, #tpu.memory_space<vmem>>
        %dma_wait3A_106 = tpu.memref_squeeze %dma_wait3A_105 : memref<1x40x128xf32, #tpu.memory_space<vmem>> -> memref<40x128xf32, #tpu.memory_space<vmem>>
        %dma_wait3A_107 = arith.constant 0 : i32
        %dma_wait3A_108 = arith.constant 0 : i32
        %dma_wait3A_109 = tpu.memref_slice %arg6[%dma_wait3A_107, %dma_wait3A_108] : memref<10240x128xf32, #tpu.memory_space<hbm>> -> memref<40x128xf32, #tpu.memory_space<hbm>>
        tpu.wait_dma2 semaphore(%arg18 : memref<!tpu.dma_semaphore, #tpu.memory_space<semaphore_mem>>) src(%dma_wait3A_109 : memref<40x128xf32, #tpu.memory_space<hbm>>) dst(%dma_wait3A_106 : memref<40x128xf32, #tpu.memory_space<vmem>>)
        %dma_wait3A_110 = arith.constant 1 : i32
        %dma_wait3A_111 = arith.constant 0 : i32
        %dma_wait3A_112 = arith.constant 0 : i32
        %dma_wait3A_113 = tpu.memref_slice %arg14[%dma_wait3A_110, %dma_wait3A_111, %dma_wait3A_112] : memref<2x40x128xf32, #tpu.memory_space<vmem>> -> memref<1x40x128xf32, #tpu.memory_space<vmem>>
        %dma_wait3A_114 = tpu.memref_squeeze %dma_wait3A_113 : memref<1x40x128xf32, #tpu.memory_space<vmem>> -> memref<40x128xf32, #tpu.memory_space<vmem>>
        %dma_wait3A_115 = arith.constant 0 : i32
        %dma_wait3A_116 = arith.constant 0 : i32
        %dma_wait3A_117 = tpu.memref_slice %arg4[%dma_wait3A_115, %dma_wait3A_116] : memref<320000x128xf32, #tpu.memory_space<hbm>> -> memref<40x128xf32, #tpu.memory_space<hbm>>
        %dma_wait3A_118 = arith.constant 0 : i32
        %dma_wait3A_119 = arith.constant 0 : i32
        %dma_wait3A_120 = tpu.memref_slice %arg14[%dma_wait3A_110, %dma_wait3A_118, %dma_wait3A_119] : memref<2x40x128xf32, #tpu.memory_space<vmem>> -> memref<1x40x128xf32, #tpu.memory_space<vmem>>
        %dma_wait3A_121 = tpu.memref_squeeze %dma_wait3A_120 : memref<1x40x128xf32, #tpu.memory_space<vmem>> -> memref<40x128xf32, #tpu.memory_space<vmem>>
        %dma_wait3A_122 = arith.constant 0 : i32
        %dma_wait3A_123 = arith.constant 0 : i32
        %dma_wait3A_124 = tpu.memref_slice %arg4[%dma_wait3A_122, %dma_wait3A_123] : memref<320000x128xf32, #tpu.memory_space<hbm>> -> memref<40x128xf32, #tpu.memory_space<hbm>>
        tpu.wait_dma2 semaphore(%arg18 : memref<!tpu.dma_semaphore, #tpu.memory_space<semaphore_mem>>) src(%dma_wait3A_124 : memref<40x128xf32, #tpu.memory_space<hbm>>) dst(%dma_wait3A_121 : memref<40x128xf32, #tpu.memory_space<vmem>>)
        %add3A_125 = arith.constant 1 : i32
        %add3A_126 = arith.addi %scan3A_49, %add3A_125 : i32
        %lt3A_127 = arith.constant 250 : i32
        %lt3A_128 = arith.cmpi slt, %add3A_126, %lt3A_127 : i32
        %convert_element_type3A_129 = arith.extui %lt3A_128 : i1 to i32
        %cond3A_130 = arith.constant 0 : i32
        %cond3A_131 = arith.cmpi ne, %convert_element_type3A_129, %cond3A_130 : i32
        scf.if %cond3A_131 {
          %run_scoped3A_138 = arith.constant 0 : i32
          "tpu.region"() ({
            %run_scoped3A_177 = tpu.sem_alloc : memref<!tpu.dma_semaphore, #tpu.memory_space<semaphore_mem>>
            %dma_start3A_178 = arith.constant 0 : i32
            %dma_start3A_179 = tpu.memref_slice %arg9[%run_scoped3A_138, %dma_start3A_178] : memref<2x40xi32, #tpu.memory_space<vmem>> -> memref<1x40xi32, #tpu.memory_space<vmem>>
            %dma_start3A_180 = tpu.memref_squeeze %dma_start3A_179 : memref<1x40xi32, #tpu.memory_space<vmem>> -> memref<40xi32, #tpu.memory_space<vmem>>
            %dma_start3A_181 = tpu.memref_slice %arg2[%multiple_of3A_72] : memref<320000xi32, #tpu.memory_space<hbm>> -> memref<40xi32, #tpu.memory_space<hbm>>
            %dma_start3A_182 = arith.constant 0 : i32
            %dma_start3A_183 = tpu.memref_slice %arg9[%run_scoped3A_138, %dma_start3A_182] : memref<2x40xi32, #tpu.memory_space<vmem>> -> memref<1x40xi32, #tpu.memory_space<vmem>>
            %dma_start3A_184 = tpu.memref_squeeze %dma_start3A_183 : memref<1x40xi32, #tpu.memory_space<vmem>> -> memref<40xi32, #tpu.memory_space<vmem>>
            %dma_start3A_185 = tpu.memref_slice %arg2[%multiple_of3A_72] : memref<320000xi32, #tpu.memory_space<hbm>> -> memref<40xi32, #tpu.memory_space<hbm>>
            tpu.enqueue_dma source(%dma_start3A_185 : memref<40xi32, #tpu.memory_space<hbm>>) target(%dma_start3A_184 : memref<40xi32, #tpu.memory_space<vmem>>) target_semaphore(%run_scoped3A_177 : memref<!tpu.dma_semaphore, #tpu.memory_space<semaphore_mem>>)
            %dma_wait3A_186 = arith.constant 0 : i32
            %dma_wait3A_187 = tpu.memref_slice %arg9[%run_scoped3A_138, %dma_wait3A_186] : memref<2x40xi32, #tpu.memory_space<vmem>> -> memref<1x40xi32, #tpu.memory_space<vmem>>
            %dma_wait3A_188 = tpu.memref_squeeze %dma_wait3A_187 : memref<1x40xi32, #tpu.memory_space<vmem>> -> memref<40xi32, #tpu.memory_space<vmem>>
            %dma_wait3A_189 = tpu.memref_slice %arg2[%multiple_of3A_72] : memref<320000xi32, #tpu.memory_space<hbm>> -> memref<40xi32, #tpu.memory_space<hbm>>
            %dma_wait3A_190 = arith.constant 0 : i32
            %dma_wait3A_191 = tpu.memref_slice %arg9[%run_scoped3A_138, %dma_wait3A_190] : memref<2x40xi32, #tpu.memory_space<vmem>> -> memref<1x40xi32, #tpu.memory_space<vmem>>
            %dma_wait3A_192 = tpu.memref_squeeze %dma_wait3A_191 : memref<1x40xi32, #tpu.memory_space<vmem>> -> memref<40xi32, #tpu.memory_space<vmem>>
            %dma_wait3A_193 = tpu.memref_slice %arg2[%multiple_of3A_72] : memref<320000xi32, #tpu.memory_space<hbm>> -> memref<40xi32, #tpu.memory_space<hbm>>
            tpu.wait_dma2 semaphore(%run_scoped3A_177 : memref<!tpu.dma_semaphore, #tpu.memory_space<semaphore_mem>>) src(%dma_wait3A_193 : memref<40xi32, #tpu.memory_space<hbm>>) dst(%dma_wait3A_192 : memref<40xi32, #tpu.memory_space<vmem>>)
            tpu.yield
          }) : () -> ()
          %run_scoped3A_139 = arith.constant 0 : i32
          "tpu.region"() ({
            %run_scoped3A_177 = tpu.sem_alloc : memref<!tpu.dma_semaphore, #tpu.memory_space<semaphore_mem>>
            %dma_start3A_178 = arith.constant 0 : i32
            %dma_start3A_179 = tpu.memref_slice %arg10[%run_scoped3A_139, %dma_start3A_178] : memref<2x40xi32, #tpu.memory_space<vmem>> -> memref<1x40xi32, #tpu.memory_space<vmem>>
            %dma_start3A_180 = tpu.memref_squeeze %dma_start3A_179 : memref<1x40xi32, #tpu.memory_space<vmem>> -> memref<40xi32, #tpu.memory_space<vmem>>
            %dma_start3A_181 = tpu.memref_slice %arg3[%multiple_of3A_72] : memref<320000xi32, #tpu.memory_space<hbm>> -> memref<40xi32, #tpu.memory_space<hbm>>
            %dma_start3A_182 = arith.constant 0 : i32
            %dma_start3A_183 = tpu.memref_slice %arg10[%run_scoped3A_139, %dma_start3A_182] : memref<2x40xi32, #tpu.memory_space<vmem>> -> memref<1x40xi32, #tpu.memory_space<vmem>>
            %dma_start3A_184 = tpu.memref_squeeze %dma_start3A_183 : memref<1x40xi32, #tpu.memory_space<vmem>> -> memref<40xi32, #tpu.memory_space<vmem>>
            %dma_start3A_185 = tpu.memref_slice %arg3[%multiple_of3A_72] : memref<320000xi32, #tpu.memory_space<hbm>> -> memref<40xi32, #tpu.memory_space<hbm>>
            tpu.enqueue_dma source(%dma_start3A_185 : memref<40xi32, #tpu.memory_space<hbm>>) target(%dma_start3A_184 : memref<40xi32, #tpu.memory_space<vmem>>) target_semaphore(%run_scoped3A_177 : memref<!tpu.dma_semaphore, #tpu.memory_space<semaphore_mem>>)
            %dma_wait3A_186 = arith.constant 0 : i32
            %dma_wait3A_187 = tpu.memref_slice %arg10[%run_scoped3A_139, %dma_wait3A_186] : memref<2x40xi32, #tpu.memory_space<vmem>> -> memref<1x40xi32, #tpu.memory_space<vmem>>
            %dma_wait3A_188 = tpu.memref_squeeze %dma_wait3A_187 : memref<1x40xi32, #tpu.memory_space<vmem>> -> memref<40xi32, #tpu.memory_space<vmem>>
            %dma_wait3A_189 = tpu.memref_slice %arg3[%multiple_of3A_72] : memref<320000xi32, #tpu.memory_space<hbm>> -> memref<40xi32, #tpu.memory_space<hbm>>
            %dma_wait3A_190 = arith.constant 0 : i32
            %dma_wait3A_191 = tpu.memref_slice %arg10[%run_scoped3A_139, %dma_wait3A_190] : memref<2x40xi32, #tpu.memory_space<vmem>> -> memref<1x40xi32, #tpu.memory_space<vmem>>
            %dma_wait3A_192 = tpu.memref_squeeze %dma_wait3A_191 : memref<1x40xi32, #tpu.memory_space<vmem>> -> memref<40xi32, #tpu.memory_space<vmem>>
            %dma_wait3A_193 = tpu.memref_slice %arg3[%multiple_of3A_72] : memref<320000xi32, #tpu.memory_space<hbm>> -> memref<40xi32, #tpu.memory_space<hbm>>
            tpu.wait_dma2 semaphore(%run_scoped3A_177 : memref<!tpu.dma_semaphore, #tpu.memory_space<semaphore_mem>>) src(%dma_wait3A_193 : memref<40xi32, #tpu.memory_space<hbm>>) dst(%dma_wait3A_192 : memref<40xi32, #tpu.memory_space<vmem>>)
            tpu.yield
          }) : () -> ()
          %dma_start3A_140 = arith.constant 0 : i32
          %dma_start3A_141 = arith.constant 0 : i32
          %dma_start3A_142 = arith.constant 0 : i32
          %dma_start3A_143 = arith.constant 0 : i32
          %dma_start3A_144 = tpu.memref_slice %arg12[%dma_start3A_141, %dma_start3A_142, %dma_start3A_143] : memref<2x40x128xf32, #tpu.memory_space<vmem>> -> memref<1x40x128xf32, #tpu.memory_space<vmem>>
          %dma_start3A_145 = tpu.memref_squeeze %dma_start3A_144 : memref<1x40x128xf32, #tpu.memory_space<vmem>> -> memref<40x128xf32, #tpu.memory_space<vmem>>
          %dma_start3A_146 = arith.constant 0 : i32
          %dma_start3A_147 = tpu.memref_slice %arg10[%dma_start3A_140, %dma_start3A_146] : memref<2x40xi32, #tpu.memory_space<vmem>> -> memref<1x40xi32, #tpu.memory_space<vmem>>
          %dma_start3A_148 = tpu.memref_squeeze %dma_start3A_147 : memref<1x40xi32, #tpu.memory_space<vmem>> -> memref<40xi32, #tpu.memory_space<vmem>>
          %dma_start3A_149 = arith.constant 0 : i32
          %dma_start3A_150 = arith.constant 0 : i32
          %dma_start3A_151 = tpu.memref_slice %arg5[%dma_start3A_149, %dma_start3A_150] : memref<10240x128xf32, #tpu.memory_space<hbm>> -> memref<10240x128xf32, #tpu.memory_space<hbm>>
          tpu.enqueue_indirect_dma source(%dma_start3A_151 : memref<10240x128xf32, #tpu.memory_space<hbm>>) target(%dma_start3A_145 : memref<40x128xf32, #tpu.memory_space<vmem>>) offsets(%dma_start3A_148 : memref<40xi32, #tpu.memory_space<vmem>>) semaphore(%arg17 : memref<!tpu.dma_semaphore, #tpu.memory_space<semaphore_mem>>)
          %dma_start3A_152 = arith.constant 0 : i32
          %dma_start3A_153 = arith.constant 0 : i32
          %dma_start3A_154 = arith.constant 0 : i32
          %dma_start3A_155 = arith.constant 0 : i32
          %dma_start3A_156 = tpu.memref_slice %arg13[%dma_start3A_153, %dma_start3A_154, %dma_start3A_155] : memref<2x40x128xf32, #tpu.memory_space<vmem>> -> memref<1x40x128xf32, #tpu.memory_space<vmem>>
          %dma_start3A_157 = tpu.memref_squeeze %dma_start3A_156 : memref<1x40x128xf32, #tpu.memory_space<vmem>> -> memref<40x128xf32, #tpu.memory_space<vmem>>
          %dma_start3A_158 = arith.constant 0 : i32
          %dma_start3A_159 = tpu.memref_slice %arg9[%dma_start3A_152, %dma_start3A_158] : memref<2x40xi32, #tpu.memory_space<vmem>> -> memref<1x40xi32, #tpu.memory_space<vmem>>
          %dma_start3A_160 = tpu.memref_squeeze %dma_start3A_159 : memref<1x40xi32, #tpu.memory_space<vmem>> -> memref<40xi32, #tpu.memory_space<vmem>>
          %dma_start3A_161 = arith.constant 0 : i32
          %dma_start3A_162 = arith.constant 0 : i32
          %dma_start3A_163 = tpu.memref_slice %arg6[%dma_start3A_161, %dma_start3A_162] : memref<10240x128xf32, #tpu.memory_space<hbm>> -> memref<10240x128xf32, #tpu.memory_space<hbm>>
          tpu.enqueue_indirect_dma source(%dma_start3A_163 : memref<10240x128xf32, #tpu.memory_space<hbm>>) target(%dma_start3A_157 : memref<40x128xf32, #tpu.memory_space<vmem>>) offsets(%dma_start3A_160 : memref<40xi32, #tpu.memory_space<vmem>>) semaphore(%arg17 : memref<!tpu.dma_semaphore, #tpu.memory_space<semaphore_mem>>)
          %dma_start3A_164 = arith.constant 0 : i32
          %dma_start3A_165 = arith.constant 0 : i32
          %dma_start3A_166 = arith.constant 0 : i32
          %dma_start3A_167 = tpu.memref_slice %arg14[%dma_start3A_164, %dma_start3A_165, %dma_start3A_166] : memref<2x40x128xf32, #tpu.memory_space<vmem>> -> memref<1x40x128xf32, #tpu.memory_space<vmem>>
          %dma_start3A_168 = tpu.memref_squeeze %dma_start3A_167 : memref<1x40x128xf32, #tpu.memory_space<vmem>> -> memref<40x128xf32, #tpu.memory_space<vmem>>
          %dma_start3A_169 = arith.constant 0 : i32
          %dma_start3A_170 = tpu.memref_slice %arg4[%multiple_of3A_72, %dma_start3A_169] : memref<320000x128xf32, #tpu.memory_space<hbm>> -> memref<40x128xf32, #tpu.memory_space<hbm>>
          %dma_start3A_171 = arith.constant 0 : i32
          %dma_start3A_172 = arith.constant 0 : i32
          %dma_start3A_173 = tpu.memref_slice %arg14[%dma_start3A_164, %dma_start3A_171, %dma_start3A_172] : memref<2x40x128xf32, #tpu.memory_space<vmem>> -> memref<1x40x128xf32, #tpu.memory_space<vmem>>
          %dma_start3A_174 = tpu.memref_squeeze %dma_start3A_173 : memref<1x40x128xf32, #tpu.memory_space<vmem>> -> memref<40x128xf32, #tpu.memory_space<vmem>>
          %dma_start3A_175 = arith.constant 0 : i32
          %dma_start3A_176 = tpu.memref_slice %arg4[%multiple_of3A_72, %dma_start3A_175] : memref<320000x128xf32, #tpu.memory_space<hbm>> -> memref<40x128xf32, #tpu.memory_space<hbm>>
          tpu.enqueue_dma source(%dma_start3A_176 : memref<40x128xf32, #tpu.memory_space<hbm>>) target(%dma_start3A_174 : memref<40x128xf32, #tpu.memory_space<vmem>>) target_semaphore(%arg17 : memref<!tpu.dma_semaphore, #tpu.memory_space<semaphore_mem>>)
        } else {
        }
        %scan3A_132 = arith.constant 0 : i32
        %scan3A_133 = arith.constant 0 : i32
        %scan3A_134 = arith.constant 40 : i32
        %scan3A_135 = arith.addi %scan3A_133, %scan3A_134 : i32
        %scan3A_136 = arith.constant 1 : i32
        scf.for %scan3A_138 = %scan3A_133 to %scan3A_135 step %scan3A_136  : i32 {
          %get3A = arith.constant 1 : i32
          %get3A_139 = arith.index_cast %get3A : i32 to index
          %get3A_140 = arith.index_cast %scan3A_138 : i32 to index
          %get3A_141 = arith.constant 64 : index
          %get3A_142 = tpu.vector_load %arg12[%get3A_139, %get3A_140, %get3A_141] {strides = array<i32>} : memref<2x40x128xf32, #tpu.memory_space<vmem>>, vector<1x1x16xf32>,
          %get3A_143 = vector.shape_cast %get3A_142 : vector<1x1x16xf32> to vector<16xf32>
          %get3A_144 = arith.constant 1 : i32
          %get3A_145 = arith.index_cast %get3A_144 : i32 to index
          %get3A_146 = arith.index_cast %scan3A_138 : i32 to index
          %get3A_147 = arith.constant 0 : index
          %get3A_148 = tpu.vector_load %arg13[%get3A_145, %get3A_146, %get3A_147] {strides = array<i32>} : memref<2x40x128xf32, #tpu.memory_space<vmem>>, vector<1x1x16xf32>,
          %get3A_149 = vector.shape_cast %get3A_148 : vector<1x1x16xf32> to vector<16xf32>
          %add3A_150 = arith.addf %get3A_143, %get3A_149 : vector<16xf32>
          %get3A_151 = arith.constant 1 : i32
          %get3A_152 = arith.index_cast %get3A_151 : i32 to index
          %get3A_153 = arith.index_cast %scan3A_138 : i32 to index
          %get3A_154 = arith.constant 64 : index
          %get3A_155 = tpu.vector_load %arg14[%get3A_152, %get3A_153, %get3A_154] {strides = array<i32>} : memref<2x40x128xf32, #tpu.memory_space<vmem>>, vector<1x1x16xf32>,
          %get3A_156 = vector.shape_cast %get3A_155 : vector<1x1x16xf32> to vector<16xf32>
          %add3A_157 = arith.addf %add3A_150, %get3A_156 : vector<16xf32>
          %neg3A = arith.constant 0.000000e+00 : f32
          %neg3A_158 = vector.broadcast %neg3A : f32 to vector<16xf32>
          %neg3A_159 = arith.subf %neg3A_158, %add3A_157 : vector<16xf32>
          %exp3A = math.exp %neg3A_159 : vector<16xf32>
          %add3A_160 = arith.constant 1.000000e+00 : f32
          %add3A_161 = vector.broadcast %add3A_160 : f32 to vector<16xf32>
          %add3A_162 = arith.addf %add3A_161, %exp3A : vector<16xf32>
          %div3A = arith.constant 1.000000e+00 : f32
          %div3A_163 = vector.broadcast %div3A : f32 to vector<16xf32>
          %div3A_164 = arith.divf %div3A_163, %add3A_162 : vector<16xf32>
          %get3A_165 = arith.constant 1 : i32
          %get3A_166 = arith.index_cast %get3A_165 : i32 to index
          %get3A_167 = arith.index_cast %scan3A_138 : i32 to index
          %get3A_168 = arith.constant 64 : index
          %get3A_169 = tpu.vector_load %arg13[%get3A_166, %get3A_167, %get3A_168] {strides = array<i32>} : memref<2x40x128xf32, #tpu.memory_space<vmem>>, vector<1x1x16xf32>,
          %get3A_170 = vector.shape_cast %get3A_169 : vector<1x1x16xf32> to vector<16xf32>
          %mul3A_171 = arith.mulf %div3A_164, %get3A_170 : vector<16xf32>
          %swap3A = arith.index_cast %scan3A_138 : i32 to index
          %swap3A_172 = arith.constant 0 : index
          %swap3A_173 = tpu.vector_load %arg15[%swap3A, %swap3A_172] {strides = array<i32>} : memref<40x128xf32, #tpu.memory_space<vmem>>, vector<1x16xf32>,
          %swap3A_174 = vector.shape_cast %swap3A_173 : vector<1x16xf32> to vector<16xf32>
          %swap3A_175 = vector.shape_cast %mul3A_171 : vector<16xf32> to vector<1x16xf32>
          tpu.vector_store %arg15[%swap3A, %swap3A_172], %swap3A_175 {strides = array<i32>} : memref<40x128xf32, #tpu.memory_space<vmem>>, vector<1x16xf32>,
          %swap3A_176 = arith.index_cast %scan3A_138 : i32 to index
          %swap3A_177 = arith.constant 64 : index
          %swap3A_178 = tpu.vector_load %arg15[%swap3A_176, %swap3A_177] {strides = array<i32>} : memref<40x128xf32, #tpu.memory_space<vmem>>, vector<1x16xf32>,
          %swap3A_179 = vector.shape_cast %swap3A_178 : vector<1x16xf32> to vector<16xf32>
          %swap3A_180 = vector.shape_cast %div3A_164 : vector<16xf32> to vector<1x16xf32>
          tpu.vector_store %arg15[%swap3A_176, %swap3A_177], %swap3A_180 {strides = array<i32>} : memref<40x128xf32, #tpu.memory_space<vmem>>, vector<1x16xf32>,
          %get3A_181 = arith.constant 1 : i32
          %get3A_182 = arith.index_cast %get3A_181 : i32 to index
          %get3A_183 = arith.index_cast %scan3A_138 : i32 to index
          %get3A_184 = arith.constant 80 : index
          %get3A_185 = tpu.vector_load %arg12[%get3A_182, %get3A_183, %get3A_184] {strides = array<i32>} : memref<2x40x128xf32, #tpu.memory_space<vmem>>, vector<1x1x16xf32>,
          %get3A_186 = vector.shape_cast %get3A_185 : vector<1x1x16xf32> to vector<16xf32>
          %get3A_187 = arith.constant 1 : i32
          %get3A_188 = arith.index_cast %get3A_187 : i32 to index
          %get3A_189 = arith.index_cast %scan3A_138 : i32 to index
          %get3A_190 = arith.constant 16 : index
          %get3A_191 = tpu.vector_load %arg13[%get3A_188, %get3A_189, %get3A_190] {strides = array<i32>} : memref<2x40x128xf32, #tpu.memory_space<vmem>>, vector<1x1x16xf32>,
          %get3A_192 = vector.shape_cast %get3A_191 : vector<1x1x16xf32> to vector<16xf32>
          %add3A_193 = arith.addf %get3A_186, %get3A_192 : vector<16xf32>
          %get3A_194 = arith.constant 1 : i32
          %get3A_195 = arith.index_cast %get3A_194 : i32 to index
          %get3A_196 = arith.index_cast %scan3A_138 : i32 to index
          %get3A_197 = arith.constant 80 : index
          %get3A_198 = tpu.vector_load %arg14[%get3A_195, %get3A_196, %get3A_197] {strides = array<i32>} : memref<2x40x128xf32, #tpu.memory_space<vmem>>, vector<1x1x16xf32>,
          %get3A_199 = vector.shape_cast %get3A_198 : vector<1x1x16xf32> to vector<16xf32>
          %add3A_200 = arith.addf %add3A_193, %get3A_199 : vector<16xf32>
          %neg3A_201 = arith.constant 0.000000e+00 : f32
          %neg3A_202 = vector.broadcast %neg3A_201 : f32 to vector<16xf32>
          %neg3A_203 = arith.subf %neg3A_202, %add3A_200 : vector<16xf32>
          %exp3A_204 = math.exp %neg3A_203 : vector<16xf32>
          %add3A_205 = arith.constant 1.000000e+00 : f32
          %add3A_206 = vector.broadcast %add3A_205 : f32 to vector<16xf32>
          %add3A_207 = arith.addf %add3A_206, %exp3A_204 : vector<16xf32>
          %div3A_208 = arith.constant 1.000000e+00 : f32
          %div3A_209 = vector.broadcast %div3A_208 : f32 to vector<16xf32>
          %div3A_210 = arith.divf %div3A_209, %add3A_207 : vector<16xf32>
          %get3A_211 = arith.constant 1 : i32
          %get3A_212 = arith.index_cast %get3A_211 : i32 to index
          %get3A_213 = arith.index_cast %scan3A_138 : i32 to index
          %get3A_214 = arith.constant 80 : index
          %get3A_215 = tpu.vector_load %arg13[%get3A_212, %get3A_213, %get3A_214] {strides = array<i32>} : memref<2x40x128xf32, #tpu.memory_space<vmem>>, vector<1x1x16xf32>,
          %get3A_216 = vector.shape_cast %get3A_215 : vector<1x1x16xf32> to vector<16xf32>
          %mul3A_217 = arith.mulf %div3A_210, %get3A_216 : vector<16xf32>
          %swap3A_218 = arith.index_cast %scan3A_138 : i32 to index
          %swap3A_219 = arith.constant 16 : index
          %swap3A_220 = tpu.vector_load %arg15[%swap3A_218, %swap3A_219] {strides = array<i32>} : memref<40x128xf32, #tpu.memory_space<vmem>>, vector<1x16xf32>,
          %swap3A_221 = vector.shape_cast %swap3A_220 : vector<1x16xf32> to vector<16xf32>
          %swap3A_222 = vector.shape_cast %mul3A_217 : vector<16xf32> to vector<1x16xf32>
          tpu.vector_store %arg15[%swap3A_218, %swap3A_219], %swap3A_222 {strides = array<i32>} : memref<40x128xf32, #tpu.memory_space<vmem>>, vector<1x16xf32>,
          %swap3A_223 = arith.index_cast %scan3A_138 : i32 to index
          %swap3A_224 = arith.constant 80 : index
          %swap3A_225 = tpu.vector_load %arg15[%swap3A_223, %swap3A_224] {strides = array<i32>} : memref<40x128xf32, #tpu.memory_space<vmem>>, vector<1x16xf32>,
          %swap3A_226 = vector.shape_cast %swap3A_225 : vector<1x16xf32> to vector<16xf32>
          %swap3A_227 = vector.shape_cast %div3A_210 : vector<16xf32> to vector<1x16xf32>
          tpu.vector_store %arg15[%swap3A_223, %swap3A_224], %swap3A_227 {strides = array<i32>} : memref<40x128xf32, #tpu.memory_space<vmem>>, vector<1x16xf32>,
          %get3A_228 = arith.constant 1 : i32
          %get3A_229 = arith.index_cast %get3A_228 : i32 to index
          %get3A_230 = arith.index_cast %scan3A_138 : i32 to index
          %get3A_231 = arith.constant 96 : index
          %get3A_232 = tpu.vector_load %arg12[%get3A_229, %get3A_230, %get3A_231] {strides = array<i32>} : memref<2x40x128xf32, #tpu.memory_space<vmem>>, vector<1x1x16xf32>,
          %get3A_233 = vector.shape_cast %get3A_232 : vector<1x1x16xf32> to vector<16xf32>
          %get3A_234 = arith.constant 1 : i32
          %get3A_235 = arith.index_cast %get3A_234 : i32 to index
          %get3A_236 = arith.index_cast %scan3A_138 : i32 to index
          %get3A_237 = arith.constant 32 : index
          %get3A_238 = tpu.vector_load %arg13[%get3A_235, %get3A_236, %get3A_237] {strides = array<i32>} : memref<2x40x128xf32, #tpu.memory_space<vmem>>, vector<1x1x16xf32>,
          %get3A_239 = vector.shape_cast %get3A_238 : vector<1x1x16xf32> to vector<16xf32>
          %add3A_240 = arith.addf %get3A_233, %get3A_239 : vector<16xf32>
          %get3A_241 = arith.constant 1 : i32
          %get3A_242 = arith.index_cast %get3A_241 : i32 to index
          %get3A_243 = arith.index_cast %scan3A_138 : i32 to index
          %get3A_244 = arith.constant 96 : index
          %get3A_245 = tpu.vector_load %arg14[%get3A_242, %get3A_243, %get3A_244] {strides = array<i32>} : memref<2x40x128xf32, #tpu.memory_space<vmem>>, vector<1x1x16xf32>,
          %get3A_246 = vector.shape_cast %get3A_245 : vector<1x1x16xf32> to vector<16xf32>
          %add3A_247 = arith.addf %add3A_240, %get3A_246 : vector<16xf32>
          %neg3A_248 = arith.constant 0.000000e+00 : f32
          %neg3A_249 = vector.broadcast %neg3A_248 : f32 to vector<16xf32>
          %neg3A_250 = arith.subf %neg3A_249, %add3A_247 : vector<16xf32>
          %exp3A_251 = math.exp %neg3A_250 : vector<16xf32>
          %add3A_252 = arith.constant 1.000000e+00 : f32
          %add3A_253 = vector.broadcast %add3A_252 : f32 to vector<16xf32>
          %add3A_254 = arith.addf %add3A_253, %exp3A_251 : vector<16xf32>
          %div3A_255 = arith.constant 1.000000e+00 : f32
          %div3A_256 = vector.broadcast %div3A_255 : f32 to vector<16xf32>
          %div3A_257 = arith.divf %div3A_256, %add3A_254 : vector<16xf32>
          %get3A_258 = arith.constant 1 : i32
          %get3A_259 = arith.index_cast %get3A_258 : i32 to index
          %get3A_260 = arith.index_cast %scan3A_138 : i32 to index
          %get3A_261 = arith.constant 96 : index
          %get3A_262 = tpu.vector_load %arg13[%get3A_259, %get3A_260, %get3A_261] {strides = array<i32>} : memref<2x40x128xf32, #tpu.memory_space<vmem>>, vector<1x1x16xf32>,
          %get3A_263 = vector.shape_cast %get3A_262 : vector<1x1x16xf32> to vector<16xf32>
          %mul3A_264 = arith.mulf %div3A_257, %get3A_263 : vector<16xf32>
          %swap3A_265 = arith.index_cast %scan3A_138 : i32 to index
          %swap3A_266 = arith.constant 32 : index
          %swap3A_267 = tpu.vector_load %arg15[%swap3A_265, %swap3A_266] {strides = array<i32>} : memref<40x128xf32, #tpu.memory_space<vmem>>, vector<1x16xf32>,
          %swap3A_268 = vector.shape_cast %swap3A_267 : vector<1x16xf32> to vector<16xf32>
          %swap3A_269 = vector.shape_cast %mul3A_264 : vector<16xf32> to vector<1x16xf32>
          tpu.vector_store %arg15[%swap3A_265, %swap3A_266], %swap3A_269 {strides = array<i32>} : memref<40x128xf32, #tpu.memory_space<vmem>>, vector<1x16xf32>,
          %swap3A_270 = arith.index_cast %scan3A_138 : i32 to index
          %swap3A_271 = arith.constant 96 : index
          %swap3A_272 = tpu.vector_load %arg15[%swap3A_270, %swap3A_271] {strides = array<i32>} : memref<40x128xf32, #tpu.memory_space<vmem>>, vector<1x16xf32>,
          %swap3A_273 = vector.shape_cast %swap3A_272 : vector<1x16xf32> to vector<16xf32>
          %swap3A_274 = vector.shape_cast %div3A_257 : vector<16xf32> to vector<1x16xf32>
          tpu.vector_store %arg15[%swap3A_270, %swap3A_271], %swap3A_274 {strides = array<i32>} : memref<40x128xf32, #tpu.memory_space<vmem>>, vector<1x16xf32>,
          %get3A_275 = arith.constant 1 : i32
          %get3A_276 = arith.index_cast %get3A_275 : i32 to index
          %get3A_277 = arith.index_cast %scan3A_138 : i32 to index
          %get3A_278 = arith.constant 112 : index
          %get3A_279 = tpu.vector_load %arg12[%get3A_276, %get3A_277, %get3A_278] {strides = array<i32>} : memref<2x40x128xf32, #tpu.memory_space<vmem>>, vector<1x1x16xf32>,
          %get3A_280 = vector.shape_cast %get3A_279 : vector<1x1x16xf32> to vector<16xf32>
          %get3A_281 = arith.constant 1 : i32
          %get3A_282 = arith.index_cast %get3A_281 : i32 to index
          %get3A_283 = arith.index_cast %scan3A_138 : i32 to index
          %get3A_284 = arith.constant 48 : index
          %get3A_285 = tpu.vector_load %arg13[%get3A_282, %get3A_283, %get3A_284] {strides = array<i32>} : memref<2x40x128xf32, #tpu.memory_space<vmem>>, vector<1x1x16xf32>,
          %get3A_286 = vector.shape_cast %get3A_285 : vector<1x1x16xf32> to vector<16xf32>
          %add3A_287 = arith.addf %get3A_280, %get3A_286 : vector<16xf32>
          %get3A_288 = arith.constant 1 : i32
          %get3A_289 = arith.index_cast %get3A_288 : i32 to index
          %get3A_290 = arith.index_cast %scan3A_138 : i32 to index
          %get3A_291 = arith.constant 112 : index
          %get3A_292 = tpu.vector_load %arg14[%get3A_289, %get3A_290, %get3A_291] {strides = array<i32>} : memref<2x40x128xf32, #tpu.memory_space<vmem>>, vector<1x1x16xf32>,
          %get3A_293 = vector.shape_cast %get3A_292 : vector<1x1x16xf32> to vector<16xf32>
          %add3A_294 = arith.addf %add3A_287, %get3A_293 : vector<16xf32>
          %neg3A_295 = arith.constant 0.000000e+00 : f32
          %neg3A_296 = vector.broadcast %neg3A_295 : f32 to vector<16xf32>
          %neg3A_297 = arith.subf %neg3A_296, %add3A_294 : vector<16xf32>
          %exp3A_298 = math.exp %neg3A_297 : vector<16xf32>
          %add3A_299 = arith.constant 1.000000e+00 : f32
          %add3A_300 = vector.broadcast %add3A_299 : f32 to vector<16xf32>
          %add3A_301 = arith.addf %add3A_300, %exp3A_298 : vector<16xf32>
          %div3A_302 = arith.constant 1.000000e+00 : f32
          %div3A_303 = vector.broadcast %div3A_302 : f32 to vector<16xf32>
          %div3A_304 = arith.divf %div3A_303, %add3A_301 : vector<16xf32>
          %get3A_305 = arith.constant 1 : i32
          %get3A_306 = arith.index_cast %get3A_305 : i32 to index
          %get3A_307 = arith.index_cast %scan3A_138 : i32 to index
          %get3A_308 = arith.constant 112 : index
          %get3A_309 = tpu.vector_load %arg13[%get3A_306, %get3A_307, %get3A_308] {strides = array<i32>} : memref<2x40x128xf32, #tpu.memory_space<vmem>>, vector<1x1x16xf32>,
          %get3A_310 = vector.shape_cast %get3A_309 : vector<1x1x16xf32> to vector<16xf32>
          %mul3A_311 = arith.mulf %div3A_304, %get3A_310 : vector<16xf32>
          %swap3A_312 = arith.index_cast %scan3A_138 : i32 to index
          %swap3A_313 = arith.constant 48 : index
          %swap3A_314 = tpu.vector_load %arg15[%swap3A_312, %swap3A_313] {strides = array<i32>} : memref<40x128xf32, #tpu.memory_space<vmem>>, vector<1x16xf32>,
          %swap3A_315 = vector.shape_cast %swap3A_314 : vector<1x16xf32> to vector<16xf32>
          %swap3A_316 = vector.shape_cast %mul3A_311 : vector<16xf32> to vector<1x16xf32>
          tpu.vector_store %arg15[%swap3A_312, %swap3A_313], %swap3A_316 {strides = array<i32>} : memref<40x128xf32, #tpu.memory_space<vmem>>, vector<1x16xf32>,
          %swap3A_317 = arith.index_cast %scan3A_138 : i32 to index
          %swap3A_318 = arith.constant 112 : index
          %swap3A_319 = tpu.vector_load %arg15[%swap3A_317, %swap3A_318] {strides = array<i32>} : memref<40x128xf32, #tpu.memory_space<vmem>>, vector<1x16xf32>,
          %swap3A_320 = vector.shape_cast %swap3A_319 : vector<1x16xf32> to vector<16xf32>
          %swap3A_321 = vector.shape_cast %div3A_304 : vector<16xf32> to vector<1x16xf32>
          tpu.vector_store %arg15[%swap3A_317, %swap3A_318], %swap3A_321 {strides = array<i32>} : memref<40x128xf32, #tpu.memory_space<vmem>>, vector<1x16xf32>,
        }
        %scan3A_137 = arith.constant 40 : i32
      } else {
      }
      "tpu.region"() ({
        %run_scoped3A_81 = tpu.sem_alloc : memref<!tpu.dma_semaphore, #tpu.memory_space<semaphore_mem>>
        %dma_start3A_82 = tpu.memref_slice %arg3[%multiple_of3A_64] : memref<320000xi32, #tpu.memory_space<hbm>> -> memref<40xi32, #tpu.memory_space<hbm>>
        %dma_start3A_83 = tpu.memref_slice %arg3[%multiple_of3A_64] : memref<320000xi32, #tpu.memory_space<hbm>> -> memref<40xi32, #tpu.memory_space<hbm>>
        tpu.enqueue_dma source(%dma_start3A_83 : memref<40xi32, #tpu.memory_space<hbm>>) target(%arg11 : memref<40xi32, #tpu.memory_space<vmem>>) target_semaphore(%run_scoped3A_81 : memref<!tpu.dma_semaphore, #tpu.memory_space<semaphore_mem>>)
        %dma_wait3A = tpu.memref_slice %arg3[%multiple_of3A_64] : memref<320000xi32, #tpu.memory_space<hbm>> -> memref<40xi32, #tpu.memory_space<hbm>>
        %dma_wait3A_84 = tpu.memref_slice %arg3[%multiple_of3A_64] : memref<320000xi32, #tpu.memory_space<hbm>> -> memref<40xi32, #tpu.memory_space<hbm>>
        tpu.wait_dma2 semaphore(%run_scoped3A_81 : memref<!tpu.dma_semaphore, #tpu.memory_space<semaphore_mem>>) src(%dma_wait3A_84 : memref<40xi32, #tpu.memory_space<hbm>>) dst(%arg11 : memref<40xi32, #tpu.memory_space<vmem>>)
        tpu.yield
      }) : () -> ()
      "tpu.region"() ({
        %run_scoped3A_81 = tpu.sem_alloc : memref<!tpu.dma_semaphore, #tpu.memory_space<semaphore_mem>>
        %dma_start3A_82 = arith.constant 0 : i32
        %dma_start3A_83 = arith.constant 0 : i32
        %dma_start3A_84 = tpu.memref_slice %arg16[%dma_start3A_82, %dma_start3A_83] : memref<10240x128xf32, #tpu.memory_space<vmem_shared>> -> memref<10240x128xf32, #tpu.memory_space<vmem_shared>>
        tpu.enqueue_indirect_dma source(%arg15 : memref<40x128xf32, #tpu.memory_space<vmem>>) target(%dma_start3A_84 : memref<10240x128xf32, #tpu.memory_space<vmem_shared>>) offsets(%arg11 : memref<40xi32, #tpu.memory_space<vmem>>) semaphore(%run_scoped3A_81 : memref<!tpu.dma_semaphore, #tpu.memory_space<semaphore_mem>>) {add = true}
        %dma_wait3A = arith.constant 0 : i32
        %dma_wait3A_85 = arith.constant 0 : i32
        %dma_wait3A_86 = tpu.memref_slice %arg16[%dma_wait3A, %dma_wait3A_85] : memref<10240x128xf32, #tpu.memory_space<vmem_shared>> -> memref<10240x128xf32, #tpu.memory_space<vmem_shared>>
        tpu.wait_indirect_dma semaphore(%run_scoped3A_81 : memref<!tpu.dma_semaphore, #tpu.memory_space<semaphore_mem>>) src(%arg15 : memref<40x128xf32, #tpu.memory_space<vmem>>) dst(%dma_wait3A_86 : memref<10240x128xf32, #tpu.memory_space<vmem_shared>>)
        tpu.yield
      }) : () -> ()
    }
    %scan3A_47 = arith.constant 250 : i32
    %barrier3A_48 = arith.constant 0 : index
    tpu.barrier barrier_id(%barrier3A_48)
    "tpu.region"() ({
      %run_scoped3A_49 = tpu.sem_alloc : memref<!tpu.dma_semaphore, #tpu.memory_space<semaphore_mem>>
      %dma_start3A_50 = arith.constant 0 : i32
      %dma_start3A_51 = tpu.memref_slice %arg8[%arg0, %multiple_of3A, %dma_start3A_50] : memref<2x10240x128xf32, #tpu.memory_space<hbm>> -> memref<1x640x128xf32, #tpu.memory_space<hbm>>
      %dma_start3A_52 = tpu.memref_squeeze %dma_start3A_51 : memref<1x640x128xf32, #tpu.memory_space<hbm>> -> memref<640x128xf32, #tpu.memory_space<hbm>>
      %dma_start3A_53 = arith.constant 0 : i32
      %dma_start3A_54 = tpu.memref_slice %arg16[%multiple_of3A, %dma_start3A_53] : memref<10240x128xf32, #tpu.memory_space<vmem_shared>> -> memref<640x128xf32, #tpu.memory_space<vmem_shared>>
      tpu.enqueue_dma source(%dma_start3A_54 : memref<640x128xf32, #tpu.memory_space<vmem_shared>>) target(%dma_start3A_52 : memref<640x128xf32, #tpu.memory_space<hbm>>) target_semaphore(%run_scoped3A_49 : memref<!tpu.dma_semaphore, #tpu.memory_space<semaphore_mem>>)
      %dma_wait3A = arith.constant 0 : i32
      %dma_wait3A_55 = tpu.memref_slice %arg8[%arg0, %multiple_of3A, %dma_wait3A] : memref<2x10240x128xf32, #tpu.memory_space<hbm>> -> memref<1x640x128xf32, #tpu.memory_space<hbm>>
      %dma_wait3A_56 = tpu.memref_squeeze %dma_wait3A_55 : memref<1x640x128xf32, #tpu.memory_space<hbm>> -> memref<640x128xf32, #tpu.memory_space<hbm>>
      %dma_wait3A_57 = arith.constant 0 : i32
      %dma_wait3A_58 = tpu.memref_slice %arg16[%multiple_of3A, %dma_wait3A_57] : memref<10240x128xf32, #tpu.memory_space<vmem_shared>> -> memref<640x128xf32, #tpu.memory_space<vmem_shared>>
      tpu.wait_dma2 semaphore(%run_scoped3A_49 : memref<!tpu.dma_semaphore, #tpu.memory_space<semaphore_mem>>) src(%dma_wait3A_58 : memref<640x128xf32, #tpu.memory_space<vmem_shared>>) dst(%dma_wait3A_56 : memref<640x128xf32, #tpu.memory_space<hbm>>)
      tpu.yield
    }) : () -> ()
    return
  }
}

module attributes {stable_mosaic.version = 14 : i64} {
  func.func @_edge_dense_body(%arg0: i32, %arg1: memref<2000x8xf32, #tpu.memory_space<vmem>>, %arg2: memref<8x128xf32, #tpu.memory_space<vmem>>, %arg3: memref<1x128xf32, #tpu.memory_space<vmem>>, %arg4: memref<1x128xf32, #tpu.memory_space<vmem>>, %arg5: memref<1x128xf32, #tpu.memory_space<vmem>>, %arg6: memref<128x128xf32, #tpu.memory_space<vmem>>, %arg7: memref<8x128xf32, #tpu.memory_space<vmem>>, %arg8: memref<1x128xf32, #tpu.memory_space<vmem>>, %arg9: memref<2000x128xf32, #tpu.memory_space<vmem>>, %arg10: memref<2000x128xf32, #tpu.memory_space<vmem>>) attributes {dimension_semantics = [#tpu.dimension_semantics<arbitrary>], iteration_bounds = array<i64: 160>, scalar_prefetch = 0 : i64, scratch_operands = 0 : i64, tpu.core_type = #tpu.core_type<tc>, window_params = [{transform_indices = @transform_0, window_bounds = array<i64: 2000, 8>}, {pipeline_mode = #tpu.pipeline_mode<synchronous>, transform_indices = @transform_1, window_bounds = array<i64: 8, 128>}, {pipeline_mode = #tpu.pipeline_mode<synchronous>, transform_indices = @transform_2, window_bounds = array<i64: 1, 128>}, {pipeline_mode = #tpu.pipeline_mode<synchronous>, transform_indices = @transform_3, window_bounds = array<i64: 1, 128>}, {pipeline_mode = #tpu.pipeline_mode<synchronous>, transform_indices = @transform_4, window_bounds = array<i64: 1, 128>}, {pipeline_mode = #tpu.pipeline_mode<synchronous>, transform_indices = @transform_5, window_bounds = array<i64: 128, 128>}, {pipeline_mode = #tpu.pipeline_mode<synchronous>, transform_indices = @transform_6, window_bounds = array<i64: 8, 128>}, {pipeline_mode = #tpu.pipeline_mode<synchronous>, transform_indices = @transform_7, window_bounds = array<i64: 1, 128>}, {transform_indices = @transform_8, window_bounds = array<i64: 2000, 128>}, {transform_indices = @transform_9, window_bounds = array<i64: 2000, 128>}]} {
    %get3A = arith.constant 0 : index
    %get3A_0 = arith.constant 0 : index
    %get3A_1 = vector.load %arg1[%get3A, %get3A_0] : memref<2000x8xf32, #tpu.memory_space<vmem>>, vector<2000x8xf32>
    %get3A_2 = arith.constant 0 : index
    %get3A_3 = arith.constant 0 : index
    %get3A_4 = vector.load %arg2[%get3A_2, %get3A_3] : memref<8x128xf32, #tpu.memory_space<vmem>>, vector<8x128xf32>
    %dot_general3A = arith.constant dense<0.000000e+00> : vector<2000x128xf32>
    %dot_general3A_5 = tpu.matmul %get3A_1, %get3A_4, %dot_general3A {dimension_numbers = #tpu.dot_dimension_numbers<[1], [0], [0], [1], [0, 0, 1, 1], [], []>, transpose_lhs_hint = false} : vector<2000x8xf32>, vector<8x128xf32>, vector<2000x128xf32> -> vector<2000x128xf32>
    %get3A_6 = arith.constant 0 : index
    %get3A_7 = arith.constant 0 : index
    %get3A_8 = vector.load %arg3[%get3A_6, %get3A_7] : memref<1x128xf32, #tpu.memory_space<vmem>>, vector<1x128xf32>
    %add3A = vector.broadcast %get3A_8 : vector<1x128xf32> to vector<2000x128xf32>
    %add3A_9 = arith.addf %dot_general3A_5, %add3A : vector<2000x128xf32>
    %neg3A = arith.constant 0.000000e+00 : f32
    %neg3A_10 = vector.broadcast %neg3A : f32 to vector<2000x128xf32>
    %neg3A_11 = arith.subf %neg3A_10, %add3A_9 : vector<2000x128xf32>
    %exp3A = math.exp %neg3A_11 : vector<2000x128xf32>
    %add3A_12 = arith.constant 1.000000e+00 : f32
    %add3A_13 = vector.broadcast %add3A_12 : f32 to vector<2000x128xf32>
    %add3A_14 = arith.addf %add3A_13, %exp3A : vector<2000x128xf32>
    %div3A = arith.constant 1.000000e+00 : f32
    %div3A_15 = vector.broadcast %div3A : f32 to vector<2000x128xf32>
    %div3A_16 = arith.divf %div3A_15, %add3A_14 : vector<2000x128xf32>
    %swap3A = arith.constant 0 : index
    %swap3A_17 = arith.constant 0 : index
    %swap3A_18 = vector.load %arg9[%swap3A, %swap3A_17] : memref<2000x128xf32, #tpu.memory_space<vmem>>, vector<2000x128xf32>
    tpu.vector_store %arg9[%swap3A, %swap3A_17], %div3A_16 {strides = array<i32>} : memref<2000x128xf32, #tpu.memory_space<vmem>>, vector<2000x128xf32>,
    %get3A_19 = arith.constant 0 : index
    %get3A_20 = arith.constant 0 : index
    %get3A_21 = vector.load %arg4[%get3A_19, %get3A_20] : memref<1x128xf32, #tpu.memory_space<vmem>>, vector<1x128xf32>
    %mul3A = vector.broadcast %get3A_21 : vector<1x128xf32> to vector<2000x128xf32>
    %mul3A_22 = arith.mulf %mul3A, %add3A_9 : vector<2000x128xf32>
    %get3A_23 = arith.constant 0 : index
    %get3A_24 = arith.constant 0 : index
    %get3A_25 = vector.load %arg5[%get3A_23, %get3A_24] : memref<1x128xf32, #tpu.memory_space<vmem>>, vector<1x128xf32>
    %add3A_26 = vector.broadcast %get3A_25 : vector<1x128xf32> to vector<2000x128xf32>
    %add3A_27 = arith.addf %mul3A_22, %add3A_26 : vector<2000x128xf32>
    %max3A = arith.constant 0.000000e+00 : f32
    %max3A_28 = vector.broadcast %max3A : f32 to vector<2000x128xf32>
    %max3A_29 = arith.maximumf %add3A_27, %max3A_28 : vector<2000x128xf32>
    %get3A_30 = arith.constant 0 : index
    %get3A_31 = arith.constant 0 : index
    %get3A_32 = vector.load %arg6[%get3A_30, %get3A_31] : memref<128x128xf32, #tpu.memory_space<vmem>>, vector<128x128xf32>
    %dot_general3A_33 = arith.constant dense<0.000000e+00> : vector<2000x128xf32>
    %dot_general3A_34 = tpu.matmul %max3A_29, %get3A_32, %dot_general3A_33 {dimension_numbers = #tpu.dot_dimension_numbers<[1], [0], [0], [1], [0, 0, 1, 1], [], []>, transpose_lhs_hint = false} : vector<2000x128xf32>, vector<128x128xf32>, vector<2000x128xf32> -> vector<2000x128xf32>
    %get3A_35 = arith.constant 0 : index
    %get3A_36 = arith.constant 0 : index
    %get3A_37 = vector.load %arg7[%get3A_35, %get3A_36] : memref<8x128xf32, #tpu.memory_space<vmem>>, vector<8x128xf32>
    %dot_general3A_38 = arith.constant dense<0.000000e+00> : vector<2000x128xf32>
    %dot_general3A_39 = tpu.matmul %get3A_1, %get3A_37, %dot_general3A_38 {dimension_numbers = #tpu.dot_dimension_numbers<[1], [0], [0], [1], [0, 0, 1, 1], [], []>, transpose_lhs_hint = false} : vector<2000x8xf32>, vector<8x128xf32>, vector<2000x128xf32> -> vector<2000x128xf32>
    %add3A_40 = arith.addf %dot_general3A_34, %dot_general3A_39 : vector<2000x128xf32>
    %get3A_41 = arith.constant 0 : index
    %get3A_42 = arith.constant 0 : index
    %get3A_43 = vector.load %arg8[%get3A_41, %get3A_42] : memref<1x128xf32, #tpu.memory_space<vmem>>, vector<1x128xf32>
    %add3A_44 = vector.broadcast %get3A_43 : vector<1x128xf32> to vector<2000x128xf32>
    %add3A_45 = arith.addf %add3A_40, %add3A_44 : vector<2000x128xf32>
    %swap3A_46 = arith.constant 0 : index
    %swap3A_47 = arith.constant 0 : index
    %swap3A_48 = vector.load %arg10[%swap3A_46, %swap3A_47] : memref<2000x128xf32, #tpu.memory_space<vmem>>, vector<2000x128xf32>
    tpu.vector_store %arg10[%swap3A_46, %swap3A_47], %add3A_45 {strides = array<i32>} : memref<2000x128xf32, #tpu.memory_space<vmem>>, vector<2000x128xf32>,
    return
  }
  func.func @transform_0(%arg0: i32) -> (i32, i32) {
    %c0_i32 = arith.constant 0 : i32
    %c0_i32_0 = arith.constant 0 : i32
    return %arg0, %c0_i32 : i32, i32
  }
  func.func @transform_1(%arg0: i32) -> (i32, i32) {
    %c0_i32 = arith.constant 0 : i32
    %c0_i32_0 = arith.constant 0 : i32
    %c0_i32_1 = arith.constant 0 : i32
    return %c0_i32, %c0_i32_0 : i32, i32
  }
  func.func @transform_2(%arg0: i32) -> (i32, i32) {
    %c0_i32 = arith.constant 0 : i32
    %c0_i32_0 = arith.constant 0 : i32
    %c0_i32_1 = arith.constant 0 : i32
    return %c0_i32, %c0_i32_0 : i32, i32
  }
  func.func @transform_3(%arg0: i32) -> (i32, i32) {
    %c0_i32 = arith.constant 0 : i32
    %c0_i32_0 = arith.constant 0 : i32
    %c0_i32_1 = arith.constant 0 : i32
    return %c0_i32, %c0_i32_0 : i32, i32
  }
  func.func @transform_4(%arg0: i32) -> (i32, i32) {
    %c0_i32 = arith.constant 0 : i32
    %c0_i32_0 = arith.constant 0 : i32
    %c0_i32_1 = arith.constant 0 : i32
    return %c0_i32, %c0_i32_0 : i32, i32
  }
  func.func @transform_5(%arg0: i32) -> (i32, i32) {
    %c0_i32 = arith.constant 0 : i32
    %c0_i32_0 = arith.constant 0 : i32
    %c0_i32_1 = arith.constant 0 : i32
    return %c0_i32, %c0_i32_0 : i32, i32
  }
  func.func @transform_6(%arg0: i32) -> (i32, i32) {
    %c0_i32 = arith.constant 0 : i32
    %c0_i32_0 = arith.constant 0 : i32
    %c0_i32_1 = arith.constant 0 : i32
    return %c0_i32, %c0_i32_0 : i32, i32
  }
  func.func @transform_7(%arg0: i32) -> (i32, i32) {
    %c0_i32 = arith.constant 0 : i32
    %c0_i32_0 = arith.constant 0 : i32
    %c0_i32_1 = arith.constant 0 : i32
    return %c0_i32, %c0_i32_0 : i32, i32
  }
  func.func @transform_8(%arg0: i32) -> (i32, i32) {
    %c0_i32 = arith.constant 0 : i32
    %c0_i32_0 = arith.constant 0 : i32
    return %arg0, %c0_i32 : i32, i32
  }
  func.func @transform_9(%arg0: i32) -> (i32, i32) {
    %c0_i32 = arith.constant 0 : i32
    %c0_i32_0 = arith.constant 0 : i32
    return %arg0, %c0_i32 : i32, i32
  }
}

module attributes {stable_mosaic.version = 14 : i64} {
  func.func @_node_dense_body(%arg0: i32, %arg1: memref<2x1000x128xf32, #tpu.memory_space<vmem>>, %arg2: memref<1x128xf32, #tpu.memory_space<vmem>>, %arg3: memref<1x128xf32, #tpu.memory_space<vmem>>, %arg4: memref<1x128xf32, #tpu.memory_space<vmem>>, %arg5: memref<1x128xf32, #tpu.memory_space<vmem>>, %arg6: memref<1x128xf32, #tpu.memory_space<vmem>>, %arg7: memref<128x128xf32, #tpu.memory_space<vmem>>, %arg8: memref<1x128xf32, #tpu.memory_space<vmem>>, %arg9: memref<128x128xf32, #tpu.memory_space<vmem>>, %arg10: memref<1x128xf32, #tpu.memory_space<vmem>>, %arg11: memref<128x128xf32, #tpu.memory_space<vmem>>, %arg12: memref<1x128xf32, #tpu.memory_space<vmem>>, %arg13: memref<128x128xf32, #tpu.memory_space<vmem>>, %arg14: memref<1x128xf32, #tpu.memory_space<vmem>>, %arg15: memref<1000x128xf32, #tpu.memory_space<vmem>>, %arg16: memref<1000x128xf32, #tpu.memory_space<vmem>>, %arg17: memref<1000x128xf32, #tpu.memory_space<vmem>>, %arg18: memref<1000x128xf32, #tpu.memory_space<vmem>>, %arg19: memref<1000x128xf32, #tpu.memory_space<vmem>>) attributes {dimension_semantics = [#tpu.dimension_semantics<arbitrary>], iteration_bounds = array<i64: 10>, scalar_prefetch = 0 : i64, scratch_operands = 0 : i64, tpu.core_type = #tpu.core_type<tc>, window_params = [{transform_indices = @transform_0, window_bounds = array<i64: 2, 1000, 128>}, {pipeline_mode = #tpu.pipeline_mode<synchronous>, transform_indices = @transform_1, window_bounds = array<i64: 1, 128>}, {pipeline_mode = #tpu.pipeline_mode<synchronous>, transform_indices = @transform_2, window_bounds = array<i64: 1, 128>}, {pipeline_mode = #tpu.pipeline_mode<synchronous>, transform_indices = @transform_3, window_bounds = array<i64: 1, 128>}, {pipeline_mode = #tpu.pipeline_mode<synchronous>, transform_indices = @transform_4, window_bounds = array<i64: 1, 128>}, {pipeline_mode = #tpu.pipeline_mode<synchronous>, transform_indices = @transform_5, window_bounds = array<i64: 1, 128>}, {pipeline_mode = #tpu.pipeline_mode<synchronous>, transform_indices = @transform_6, window_bounds = array<i64: 128, 128>}, {pipeline_mode = #tpu.pipeline_mode<synchronous>, transform_indices = @transform_7, window_bounds = array<i64: 1, 128>}, {pipeline_mode = #tpu.pipeline_mode<synchronous>, transform_indices = @transform_8, window_bounds = array<i64: 128, 128>}, {pipeline_mode = #tpu.pipeline_mode<synchronous>, transform_indices = @transform_9, window_bounds = array<i64: 1, 128>}, {pipeline_mode = #tpu.pipeline_mode<synchronous>, transform_indices = @transform_10, window_bounds = array<i64: 128, 128>}, {pipeline_mode = #tpu.pipeline_mode<synchronous>, transform_indices = @transform_11, window_bounds = array<i64: 1, 128>}, {pipeline_mode = #tpu.pipeline_mode<synchronous>, transform_indices = @transform_12, window_bounds = array<i64: 128, 128>}, {pipeline_mode = #tpu.pipeline_mode<synchronous>, transform_indices = @transform_13, window_bounds = array<i64: 1, 128>}, {transform_indices = @transform_14, window_bounds = array<i64: 1000, 128>}, {transform_indices = @transform_15, window_bounds = array<i64: 1000, 128>}, {transform_indices = @transform_16, window_bounds = array<i64: 1000, 128>}, {transform_indices = @transform_17, window_bounds = array<i64: 1000, 128>}, {transform_indices = @transform_18, window_bounds = array<i64: 1000, 128>}]} {
    %get3A = arith.constant 0 : index
    %get3A_0 = arith.constant 0 : index
    %get3A_1 = arith.constant 0 : index
    %get3A_2 = vector.load %arg1[%get3A, %get3A_0, %get3A_1] : memref<2x1000x128xf32, #tpu.memory_space<vmem>>, vector<1x1000x128xf32>
    %get3A_3 = vector.shape_cast %get3A_2 : vector<1x1000x128xf32> to vector<1000x128xf32>
    %get3A_4 = arith.constant 1 : index
    %get3A_5 = arith.constant 0 : index
    %get3A_6 = arith.constant 0 : index
    %get3A_7 = vector.load %arg1[%get3A_4, %get3A_5, %get3A_6] : memref<2x1000x128xf32, #tpu.memory_space<vmem>>, vector<1x1000x128xf32>
    %get3A_8 = vector.shape_cast %get3A_7 : vector<1x1000x128xf32> to vector<1000x128xf32>
    %add3A = arith.addf %get3A_3, %get3A_8 : vector<1000x128xf32>
    %add3A_9 = arith.constant 9.99999997E-7 : f32
    %add3A_10 = vector.broadcast %add3A_9 : f32 to vector<1000x128xf32>
    %add3A_11 = arith.addf %add3A, %add3A_10 : vector<1000x128xf32>
    %div3A = arith.divf %add3A, %add3A_11 : vector<1000x128xf32>
    %get3A_12 = arith.constant 0 : index
    %get3A_13 = arith.constant 0 : index
    %get3A_14 = vector.load %arg2[%get3A_12, %get3A_13] : memref<1x128xf32, #tpu.memory_space<vmem>>, vector<1x128xf32>
    %get3A_15 = arith.constant 0 : index
    %get3A_16 = arith.constant 0 : index
    %get3A_17 = vector.load %arg5[%get3A_15, %get3A_16] : memref<1x128xf32, #tpu.memory_space<vmem>>, vector<1x128xf32>
    %get3A_18 = arith.constant 0 : index
    %get3A_19 = arith.constant 0 : index
    %get3A_20 = vector.load %arg3[%get3A_18, %get3A_19] : memref<1x128xf32, #tpu.memory_space<vmem>>, vector<1x128xf32>
    %get3A_21 = arith.constant 0 : index
    %get3A_22 = arith.constant 0 : index
    %get3A_23 = vector.load %arg4[%get3A_21, %get3A_22] : memref<1x128xf32, #tpu.memory_space<vmem>>, vector<1x128xf32>
    %mul3A = vector.broadcast %get3A_23 : vector<1x128xf32> to vector<1000x128xf32>
    %mul3A_24 = arith.mulf %mul3A, %div3A : vector<1000x128xf32>
    %add3A_25 = vector.broadcast %get3A_20 : vector<1x128xf32> to vector<1000x128xf32>
    %add3A_26 = arith.addf %add3A_25, %mul3A_24 : vector<1000x128xf32>
    %mul3A_27 = vector.broadcast %get3A_17 : vector<1x128xf32> to vector<1000x128xf32>
    %mul3A_28 = arith.mulf %mul3A_27, %add3A_26 : vector<1000x128xf32>
    %get3A_29 = arith.constant 0 : index
    %get3A_30 = arith.constant 0 : index
    %get3A_31 = vector.load %arg6[%get3A_29, %get3A_30] : memref<1x128xf32, #tpu.memory_space<vmem>>, vector<1x128xf32>
    %add3A_32 = vector.broadcast %get3A_31 : vector<1x128xf32> to vector<1000x128xf32>
    %add3A_33 = arith.addf %mul3A_28, %add3A_32 : vector<1000x128xf32>
    %max3A = arith.constant 0.000000e+00 : f32
    %max3A_34 = vector.broadcast %max3A : f32 to vector<1000x128xf32>
    %max3A_35 = arith.maximumf %add3A_33, %max3A_34 : vector<1000x128xf32>
    %add3A_36 = vector.broadcast %get3A_14 : vector<1x128xf32> to vector<1000x128xf32>
    %add3A_37 = arith.addf %add3A_36, %max3A_35 : vector<1000x128xf32>
    %swap3A = arith.constant 0 : index
    %swap3A_38 = arith.constant 0 : index
    %swap3A_39 = vector.load %arg15[%swap3A, %swap3A_38] : memref<1000x128xf32, #tpu.memory_space<vmem>>, vector<1000x128xf32>
    tpu.vector_store %arg15[%swap3A, %swap3A_38], %add3A_37 {strides = array<i32>} : memref<1000x128xf32, #tpu.memory_space<vmem>>, vector<1000x128xf32>,
    %get3A_40 = arith.constant 0 : index
    %get3A_41 = arith.constant 0 : index
    %get3A_42 = vector.load %arg7[%get3A_40, %get3A_41] : memref<128x128xf32, #tpu.memory_space<vmem>>, vector<128x128xf32>
    %dot_general3A = arith.constant dense<0.000000e+00> : vector<1000x128xf32>
    %dot_general3A_43 = tpu.matmul %add3A_37, %get3A_42, %dot_general3A {dimension_numbers = #tpu.dot_dimension_numbers<[1], [0], [0], [1], [0, 0, 1, 1], [], []>, transpose_lhs_hint = false} : vector<1000x128xf32>, vector<128x128xf32>, vector<1000x128xf32> -> vector<1000x128xf32>
    %get3A_44 = arith.constant 0 : index
    %get3A_45 = arith.constant 0 : index
    %get3A_46 = vector.load %arg8[%get3A_44, %get3A_45] : memref<1x128xf32, #tpu.memory_space<vmem>>, vector<1x128xf32>
    %add3A_47 = vector.broadcast %get3A_46 : vector<1x128xf32> to vector<1000x128xf32>
    %add3A_48 = arith.addf %dot_general3A_43, %add3A_47 : vector<1000x128xf32>
    %swap3A_49 = arith.constant 0 : index
    %swap3A_50 = arith.constant 0 : index
    %swap3A_51 = vector.load %arg16[%swap3A_49, %swap3A_50] : memref<1000x128xf32, #tpu.memory_space<vmem>>, vector<1000x128xf32>
    tpu.vector_store %arg16[%swap3A_49, %swap3A_50], %add3A_48 {strides = array<i32>} : memref<1000x128xf32, #tpu.memory_space<vmem>>, vector<1000x128xf32>,
    %get3A_52 = arith.constant 0 : index
    %get3A_53 = arith.constant 0 : index
    %get3A_54 = vector.load %arg11[%get3A_52, %get3A_53] : memref<128x128xf32, #tpu.memory_space<vmem>>, vector<128x128xf32>
    %dot_general3A_55 = arith.constant dense<0.000000e+00> : vector<1000x128xf32>
    %dot_general3A_56 = tpu.matmul %add3A_37, %get3A_54, %dot_general3A_55 {dimension_numbers = #tpu.dot_dimension_numbers<[1], [0], [0], [1], [0, 0, 1, 1], [], []>, transpose_lhs_hint = false} : vector<1000x128xf32>, vector<128x128xf32>, vector<1000x128xf32> -> vector<1000x128xf32>
    %get3A_57 = arith.constant 0 : index
    %get3A_58 = arith.constant 0 : index
    %get3A_59 = vector.load %arg12[%get3A_57, %get3A_58] : memref<1x128xf32, #tpu.memory_space<vmem>>, vector<1x128xf32>
    %add3A_60 = vector.broadcast %get3A_59 : vector<1x128xf32> to vector<1000x128xf32>
    %add3A_61 = arith.addf %dot_general3A_56, %add3A_60 : vector<1000x128xf32>
    %swap3A_62 = arith.constant 0 : index
    %swap3A_63 = arith.constant 0 : index
    %swap3A_64 = vector.load %arg17[%swap3A_62, %swap3A_63] : memref<1000x128xf32, #tpu.memory_space<vmem>>, vector<1000x128xf32>
    tpu.vector_store %arg17[%swap3A_62, %swap3A_63], %add3A_61 {strides = array<i32>} : memref<1000x128xf32, #tpu.memory_space<vmem>>, vector<1000x128xf32>,
    %get3A_65 = arith.constant 0 : index
    %get3A_66 = arith.constant 0 : index
    %get3A_67 = vector.load %arg13[%get3A_65, %get3A_66] : memref<128x128xf32, #tpu.memory_space<vmem>>, vector<128x128xf32>
    %dot_general3A_68 = arith.constant dense<0.000000e+00> : vector<1000x128xf32>
    %dot_general3A_69 = tpu.matmul %add3A_37, %get3A_67, %dot_general3A_68 {dimension_numbers = #tpu.dot_dimension_numbers<[1], [0], [0], [1], [0, 0, 1, 1], [], []>, transpose_lhs_hint = false} : vector<1000x128xf32>, vector<128x128xf32>, vector<1000x128xf32> -> vector<1000x128xf32>
    %get3A_70 = arith.constant 0 : index
    %get3A_71 = arith.constant 0 : index
    %get3A_72 = vector.load %arg14[%get3A_70, %get3A_71] : memref<1x128xf32, #tpu.memory_space<vmem>>, vector<1x128xf32>
    %add3A_73 = vector.broadcast %get3A_72 : vector<1x128xf32> to vector<1000x128xf32>
    %add3A_74 = arith.addf %dot_general3A_69, %add3A_73 : vector<1000x128xf32>
    %get3A_75 = arith.constant 0 : index
    %get3A_76 = arith.constant 0 : index
    %get3A_77 = vector.load %arg9[%get3A_75, %get3A_76] : memref<128x128xf32, #tpu.memory_space<vmem>>, vector<128x128xf32>
    %dot_general3A_78 = arith.constant dense<0.000000e+00> : vector<1000x128xf32>
    %dot_general3A_79 = tpu.matmul %add3A_37, %get3A_77, %dot_general3A_78 {dimension_numbers = #tpu.dot_dimension_numbers<[1], [0], [0], [1], [0, 0, 1, 1], [], []>, transpose_lhs_hint = false} : vector<1000x128xf32>, vector<128x128xf32>, vector<1000x128xf32> -> vector<1000x128xf32>
    %get3A_80 = arith.constant 0 : index
    %get3A_81 = arith.constant 0 : index
    %get3A_82 = vector.load %arg10[%get3A_80, %get3A_81] : memref<1x128xf32, #tpu.memory_space<vmem>>, vector<1x128xf32>
    %add3A_83 = vector.broadcast %get3A_82 : vector<1x128xf32> to vector<1000x128xf32>
    %add3A_84 = arith.addf %dot_general3A_79, %add3A_83 : vector<1000x128xf32>
    %slice3A = vector.extract_strided_slice %add3A_74 {offsets = [0, 0], sizes = [1000, 64], strides = [1, 1]} : vector<1000x128xf32> to vector<1000x64xf32>
    %slice3A_85 = vector.extract_strided_slice %add3A_84 {offsets = [0, 0], sizes = [1000, 64], strides = [1, 1]} : vector<1000x128xf32> to vector<1000x64xf32>
    %concatenate3A = tpu.concatenate %slice3A, %slice3A_85 in 1 : vector<1000x64xf32>, vector<1000x64xf32> -> vector<1000x128xf32>
    %swap3A_86 = arith.constant 0 : index
    %swap3A_87 = arith.constant 0 : index
    %swap3A_88 = vector.load %arg18[%swap3A_86, %swap3A_87] : memref<1000x128xf32, #tpu.memory_space<vmem>>, vector<1000x128xf32>
    tpu.vector_store %arg18[%swap3A_86, %swap3A_87], %concatenate3A {strides = array<i32>} : memref<1000x128xf32, #tpu.memory_space<vmem>>, vector<1000x128xf32>,
    %slice3A_89 = vector.extract_strided_slice %add3A_74 {offsets = [0, 64], sizes = [1000, 64], strides = [1, 1]} : vector<1000x128xf32> to vector<1000x64xf32>
    %slice3A_90 = vector.extract_strided_slice %add3A_84 {offsets = [0, 64], sizes = [1000, 64], strides = [1, 1]} : vector<1000x128xf32> to vector<1000x64xf32>
    %concatenate3A_91 = tpu.concatenate %slice3A_89, %slice3A_90 in 1 : vector<1000x64xf32>, vector<1000x64xf32> -> vector<1000x128xf32>
    %swap3A_92 = arith.constant 0 : index
    %swap3A_93 = arith.constant 0 : index
    %swap3A_94 = vector.load %arg19[%swap3A_92, %swap3A_93] : memref<1000x128xf32, #tpu.memory_space<vmem>>, vector<1000x128xf32>
    tpu.vector_store %arg19[%swap3A_92, %swap3A_93], %concatenate3A_91 {strides = array<i32>} : memref<1000x128xf32, #tpu.memory_space<vmem>>, vector<1000x128xf32>,
    return
  }
  func.func @transform_0(%arg0: i32) -> (i32, i32, i32) {
    %c0_i32 = arith.constant 0 : i32
    %c0_i32_0 = arith.constant 0 : i32
    %c0_i32_1 = arith.constant 0 : i32
    return %c0_i32, %arg0, %c0_i32_0 : i32, i32, i32
  }
  func.func @transform_1(%arg0: i32) -> (i32, i32) {
    %c0_i32 = arith.constant 0 : i32
    %c0_i32_0 = arith.constant 0 : i32
    %c0_i32_1 = arith.constant 0 : i32
    return %c0_i32, %c0_i32_0 : i32, i32
  }
  func.func @transform_2(%arg0: i32) -> (i32, i32) {
    %c0_i32 = arith.constant 0 : i32
    %c0_i32_0 = arith.constant 0 : i32
    %c0_i32_1 = arith.constant 0 : i32
    return %c0_i32, %c0_i32_0 : i32, i32
  }
  func.func @transform_3(%arg0: i32) -> (i32, i32) {
    %c0_i32 = arith.constant 0 : i32
    %c0_i32_0 = arith.constant 0 : i32
    %c0_i32_1 = arith.constant 0 : i32
    return %c0_i32, %c0_i32_0 : i32, i32
  }
  func.func @transform_4(%arg0: i32) -> (i32, i32) {
    %c0_i32 = arith.constant 0 : i32
    %c0_i32_0 = arith.constant 0 : i32
    %c0_i32_1 = arith.constant 0 : i32
    return %c0_i32, %c0_i32_0 : i32, i32
  }
  func.func @transform_5(%arg0: i32) -> (i32, i32) {
    %c0_i32 = arith.constant 0 : i32
    %c0_i32_0 = arith.constant 0 : i32
    %c0_i32_1 = arith.constant 0 : i32
    return %c0_i32, %c0_i32_0 : i32, i32
  }
  func.func @transform_6(%arg0: i32) -> (i32, i32) {
    %c0_i32 = arith.constant 0 : i32
    %c0_i32_0 = arith.constant 0 : i32
    %c0_i32_1 = arith.constant 0 : i32
    return %c0_i32, %c0_i32_0 : i32, i32
  }
  func.func @transform_7(%arg0: i32) -> (i32, i32) {
    %c0_i32 = arith.constant 0 : i32
    %c0_i32_0 = arith.constant 0 : i32
    %c0_i32_1 = arith.constant 0 : i32
    return %c0_i32, %c0_i32_0 : i32, i32
  }
  func.func @transform_8(%arg0: i32) -> (i32, i32) {
    %c0_i32 = arith.constant 0 : i32
    %c0_i32_0 = arith.constant 0 : i32
    %c0_i32_1 = arith.constant 0 : i32
    return %c0_i32, %c0_i32_0 : i32, i32
  }
  func.func @transform_9(%arg0: i32) -> (i32, i32) {
    %c0_i32 = arith.constant 0 : i32
    %c0_i32_0 = arith.constant 0 : i32
    %c0_i32_1 = arith.constant 0 : i32
    return %c0_i32, %c0_i32_0 : i32, i32
  }
  func.func @transform_10(%arg0: i32) -> (i32, i32) {
    %c0_i32 = arith.constant 0 : i32
    %c0_i32_0 = arith.constant 0 : i32
    %c0_i32_1 = arith.constant 0 : i32
    return %c0_i32, %c0_i32_0 : i32, i32
  }
  func.func @transform_11(%arg0: i32) -> (i32, i32) {
    %c0_i32 = arith.constant 0 : i32
    %c0_i32_0 = arith.constant 0 : i32
    %c0_i32_1 = arith.constant 0 : i32
    return %c0_i32, %c0_i32_0 : i32, i32
  }
  func.func @transform_12(%arg0: i32) -> (i32, i32) {
    %c0_i32 = arith.constant 0 : i32
    %c0_i32_0 = arith.constant 0 : i32
    %c0_i32_1 = arith.constant 0 : i32
    return %c0_i32, %c0_i32_0 : i32, i32
  }
  func.func @transform_13(%arg0: i32) -> (i32, i32) {
    %c0_i32 = arith.constant 0 : i32
    %c0_i32_0 = arith.constant 0 : i32
    %c0_i32_1 = arith.constant 0 : i32
    return %c0_i32, %c0_i32_0 : i32, i32
  }
  func.func @transform_14(%arg0: i32) -> (i32, i32) {
    %c0_i32 = arith.constant 0 : i32
    %c0_i32_0 = arith.constant 0 : i32
    return %arg0, %c0_i32 : i32, i32
  }
  func.func @transform_15(%arg0: i32) -> (i32, i32) {
    %c0_i32 = arith.constant 0 : i32
    %c0_i32_0 = arith.constant 0 : i32
    return %arg0, %c0_i32 : i32, i32
  }
  func.func @transform_16(%arg0: i32) -> (i32, i32) {
    %c0_i32 = arith.constant 0 : i32
    %c0_i32_0 = arith.constant 0 : i32
    return %arg0, %c0_i32 : i32, i32
  }
  func.func @transform_17(%arg0: i32) -> (i32, i32) {
    %c0_i32 = arith.constant 0 : i32
    %c0_i32_0 = arith.constant 0 : i32
    return %arg0, %c0_i32 : i32, i32
  }
  func.func @transform_18(%arg0: i32) -> (i32, i32) {
    %c0_i32 = arith.constant 0 : i32
    %c0_i32_0 = arith.constant 0 : i32
    return %arg0, %c0_i32 : i32, i32
  }
}

module attributes {stable_mosaic.version = 14 : i64} {
  func.func @_final_body(%arg0: i32, %arg1: memref<1000x128xf32, #tpu.memory_space<vmem>>, %arg2: memref<1000x128xf32, #tpu.memory_space<vmem>>, %arg3: memref<2x1000x128xf32, #tpu.memory_space<vmem>>, %arg4: memref<2x1000x128xf32, #tpu.memory_space<vmem>>, %arg5: memref<1x128xf32, #tpu.memory_space<vmem>>, %arg6: memref<1x128xf32, #tpu.memory_space<vmem>>, %arg7: memref<1000x128xf32, #tpu.memory_space<vmem>>) attributes {dimension_semantics = [#tpu.dimension_semantics<arbitrary>], iteration_bounds = array<i64: 10>, scalar_prefetch = 0 : i64, scratch_operands = 0 : i64, tpu.core_type = #tpu.core_type<tc>, window_params = [{transform_indices = @transform_0, window_bounds = array<i64: 1000, 128>}, {transform_indices = @transform_1, window_bounds = array<i64: 1000, 128>}, {transform_indices = @transform_2, window_bounds = array<i64: 2, 1000, 128>}, {transform_indices = @transform_3, window_bounds = array<i64: 2, 1000, 128>}, {pipeline_mode = #tpu.pipeline_mode<synchronous>, transform_indices = @transform_4, window_bounds = array<i64: 1, 128>}, {pipeline_mode = #tpu.pipeline_mode<synchronous>, transform_indices = @transform_5, window_bounds = array<i64: 1, 128>}, {transform_indices = @transform_6, window_bounds = array<i64: 1000, 128>}]} {
    %get3A = arith.constant 0 : index
    %get3A_0 = arith.constant 0 : index
    %get3A_1 = arith.constant 0 : index
    %get3A_2 = vector.load %arg3[%get3A, %get3A_0, %get3A_1] : memref<2x1000x128xf32, #tpu.memory_space<vmem>>, vector<1x1000x64xf32>
    %get3A_3 = vector.shape_cast %get3A_2 : vector<1x1000x64xf32> to vector<1000x64xf32>
    %get3A_4 = arith.constant 1 : index
    %get3A_5 = arith.constant 0 : index
    %get3A_6 = arith.constant 0 : index
    %get3A_7 = vector.load %arg3[%get3A_4, %get3A_5, %get3A_6] : memref<2x1000x128xf32, #tpu.memory_space<vmem>>, vector<1x1000x64xf32>
    %get3A_8 = vector.shape_cast %get3A_7 : vector<1x1000x64xf32> to vector<1000x64xf32>
    %add3A = arith.addf %get3A_3, %get3A_8 : vector<1000x64xf32>
    %get3A_9 = arith.constant 0 : index
    %get3A_10 = arith.constant 0 : index
    %get3A_11 = arith.constant 0 : index
    %get3A_12 = vector.load %arg4[%get3A_9, %get3A_10, %get3A_11] : memref<2x1000x128xf32, #tpu.memory_space<vmem>>, vector<1x1000x64xf32>
    %get3A_13 = vector.shape_cast %get3A_12 : vector<1x1000x64xf32> to vector<1000x64xf32>
    %get3A_14 = arith.constant 1 : index
    %get3A_15 = arith.constant 0 : index
    %get3A_16 = arith.constant 0 : index
    %get3A_17 = vector.load %arg4[%get3A_14, %get3A_15, %get3A_16] : memref<2x1000x128xf32, #tpu.memory_space<vmem>>, vector<1x1000x64xf32>
    %get3A_18 = vector.shape_cast %get3A_17 : vector<1x1000x64xf32> to vector<1000x64xf32>
    %add3A_19 = arith.addf %get3A_13, %get3A_18 : vector<1000x64xf32>
    %concatenate3A = tpu.concatenate %add3A, %add3A_19 in 1 : vector<1000x64xf32>, vector<1000x64xf32> -> vector<1000x128xf32>
    %get3A_20 = arith.constant 0 : index
    %get3A_21 = arith.constant 0 : index
    %get3A_22 = arith.constant 64 : index
    %get3A_23 = vector.load %arg3[%get3A_20, %get3A_21, %get3A_22] : memref<2x1000x128xf32, #tpu.memory_space<vmem>>, vector<1x1000x64xf32>
    %get3A_24 = vector.shape_cast %get3A_23 : vector<1x1000x64xf32> to vector<1000x64xf32>
    %get3A_25 = arith.constant 1 : index
    %get3A_26 = arith.constant 0 : index
    %get3A_27 = arith.constant 64 : index
    %get3A_28 = vector.load %arg3[%get3A_25, %get3A_26, %get3A_27] : memref<2x1000x128xf32, #tpu.memory_space<vmem>>, vector<1x1000x64xf32>
    %get3A_29 = vector.shape_cast %get3A_28 : vector<1x1000x64xf32> to vector<1000x64xf32>
    %add3A_30 = arith.addf %get3A_24, %get3A_29 : vector<1000x64xf32>
    %get3A_31 = arith.constant 0 : index
    %get3A_32 = arith.constant 0 : index
    %get3A_33 = arith.constant 64 : index
    %get3A_34 = vector.load %arg4[%get3A_31, %get3A_32, %get3A_33] : memref<2x1000x128xf32, #tpu.memory_space<vmem>>, vector<1x1000x64xf32>
    %get3A_35 = vector.shape_cast %get3A_34 : vector<1x1000x64xf32> to vector<1000x64xf32>
    %get3A_36 = arith.constant 1 : index
    %get3A_37 = arith.constant 0 : index
    %get3A_38 = arith.constant 64 : index
    %get3A_39 = vector.load %arg4[%get3A_36, %get3A_37, %get3A_38] : memref<2x1000x128xf32, #tpu.memory_space<vmem>>, vector<1x1000x64xf32>
    %get3A_40 = vector.shape_cast %get3A_39 : vector<1x1000x64xf32> to vector<1000x64xf32>
    %add3A_41 = arith.addf %get3A_35, %get3A_40 : vector<1000x64xf32>
    %concatenate3A_42 = tpu.concatenate %add3A_30, %add3A_41 in 1 : vector<1000x64xf32>, vector<1000x64xf32> -> vector<1000x128xf32>
    %get3A_43 = arith.constant 0 : index
    %get3A_44 = arith.constant 0 : index
    %get3A_45 = vector.load %arg1[%get3A_43, %get3A_44] : memref<1000x128xf32, #tpu.memory_space<vmem>>, vector<1000x128xf32>
    %get3A_46 = arith.constant 0 : index
    %get3A_47 = arith.constant 0 : index
    %get3A_48 = vector.load %arg5[%get3A_46, %get3A_47] : memref<1x128xf32, #tpu.memory_space<vmem>>, vector<1x128xf32>
    %get3A_49 = arith.constant 0 : index
    %get3A_50 = arith.constant 0 : index
    %get3A_51 = vector.load %arg2[%get3A_49, %get3A_50] : memref<1000x128xf32, #tpu.memory_space<vmem>>, vector<1000x128xf32>
    %add3A_52 = arith.constant 9.99999997E-7 : f32
    %add3A_53 = vector.broadcast %add3A_52 : f32 to vector<1000x128xf32>
    %add3A_54 = arith.addf %concatenate3A_42, %add3A_53 : vector<1000x128xf32>
    %div3A = arith.divf %concatenate3A, %add3A_54 : vector<1000x128xf32>
    %add3A_55 = arith.addf %get3A_51, %div3A : vector<1000x128xf32>
    %mul3A = vector.broadcast %get3A_48 : vector<1x128xf32> to vector<1000x128xf32>
    %mul3A_56 = arith.mulf %mul3A, %add3A_55 : vector<1000x128xf32>
    %get3A_57 = arith.constant 0 : index
    %get3A_58 = arith.constant 0 : index
    %get3A_59 = vector.load %arg6[%get3A_57, %get3A_58] : memref<1x128xf32, #tpu.memory_space<vmem>>, vector<1x128xf32>
    %add3A_60 = vector.broadcast %get3A_59 : vector<1x128xf32> to vector<1000x128xf32>
    %add3A_61 = arith.addf %mul3A_56, %add3A_60 : vector<1000x128xf32>
    %max3A = arith.constant 0.000000e+00 : f32
    %max3A_62 = vector.broadcast %max3A : f32 to vector<1000x128xf32>
    %max3A_63 = arith.maximumf %add3A_61, %max3A_62 : vector<1000x128xf32>
    %add3A_64 = arith.addf %get3A_45, %max3A_63 : vector<1000x128xf32>
    %swap3A = arith.constant 0 : index
    %swap3A_65 = arith.constant 0 : index
    %swap3A_66 = vector.load %arg7[%swap3A, %swap3A_65] : memref<1000x128xf32, #tpu.memory_space<vmem>>, vector<1000x128xf32>
    tpu.vector_store %arg7[%swap3A, %swap3A_65], %add3A_64 {strides = array<i32>} : memref<1000x128xf32, #tpu.memory_space<vmem>>, vector<1000x128xf32>,
    return
  }
  func.func @transform_0(%arg0: i32) -> (i32, i32) {
    %c0_i32 = arith.constant 0 : i32
    %c0_i32_0 = arith.constant 0 : i32
    return %arg0, %c0_i32 : i32, i32
  }
  func.func @transform_1(%arg0: i32) -> (i32, i32) {
    %c0_i32 = arith.constant 0 : i32
    %c0_i32_0 = arith.constant 0 : i32
    return %arg0, %c0_i32 : i32, i32
  }
  func.func @transform_2(%arg0: i32) -> (i32, i32, i32) {
    %c0_i32 = arith.constant 0 : i32
    %c0_i32_0 = arith.constant 0 : i32
    %c0_i32_1 = arith.constant 0 : i32
    return %c0_i32, %arg0, %c0_i32_0 : i32, i32, i32
  }
  func.func @transform_3(%arg0: i32) -> (i32, i32, i32) {
    %c0_i32 = arith.constant 0 : i32
    %c0_i32_0 = arith.constant 0 : i32
    %c0_i32_1 = arith.constant 0 : i32
    return %c0_i32, %arg0, %c0_i32_0 : i32, i32, i32
  }
  func.func @transform_4(%arg0: i32) -> (i32, i32) {
    %c0_i32 = arith.constant 0 : i32
    %c0_i32_0 = arith.constant 0 : i32
    %c0_i32_1 = arith.constant 0 : i32
    return %c0_i32, %c0_i32_0 : i32, i32
  }
  func.func @transform_5(%arg0: i32) -> (i32, i32) {
    %c0_i32 = arith.constant 0 : i32
    %c0_i32_0 = arith.constant 0 : i32
    %c0_i32_1 = arith.constant 0 : i32
    return %c0_i32, %c0_i32_0 : i32, i32
  }
  func.func @transform_6(%arg0: i32) -> (i32, i32) {
    %c0_i32 = arith.constant 0 : i32
    %c0_i32_0 = arith.constant 0 : i32
    return %arg0, %c0_i32 : i32, i32
  }
}

</mosaic_0001>

<sc_bundles>
// kernel: kernel.11.cloned.1.call-start
scs
__scs_entry_jumppad:
0x0: {  	(pc) =	sbr.rel $0x88, $3  }
0x1: {  	(tag) =	ssettag $0x0;
	lr =	simm.s32 $0x1  }
0x2: {  	[smem:$0x3F8D] =	sst lr;
	_ =	strace $0xD0000000  }
0x3: {  	_ = 	snop  }
0x4: {  	_ = 	snop  }
0x5: {  	_ = 	snop  }
0x6: {  	_ = 	snop  }
0x7: {  	_ = 	snop  }
__scs_overlays_trampoline_lowered:
0x8: {  	[smem:$0x3F9C] =	sst s0  }
0x9: {  	[smem:$0x3F9D] =	sst s1  }
0xa: {  	[smem:$0x3F9E] =	sst s2  }
0xb: {  	[smem:$0x3F9F] =	sst s3  }
0xc: {  	[smem:$0x3FA0] =	sst s4  }
0xd: {  	[smem:$0x3FA1] =	sst s5  }
0xe: {  	[smem:$0x3FA2] =	sst s6  }
0xf: {  	[smem:$0x3FA3] =	sst s7  }
0x10: {  	[smem:$0x3FA4] =	sst s8  }
0x11: {  	[smem:$0x3FA5] =	sst s9;
	s0 =	simm.s32 @!p0 $0x0  }
0x12: {  	s1 =	sld [smem:$0x3F8B];
	s0 =	simm.s32 @p0 $0x1  }
0x13: {  	[smem:$0x3FA6] =	sst s0;
	s0 =	simm.s32 @!p1 $0x0  }
0x14: {  	s2 =	sld [smem:$0x3F8A];
	s0 =	simm.s32 @p1 $0x1  }
0x15: {  	[smem:$0x3FA7] =	sst s0;
	s0 =	simm.s32 @!p2 $0x0  }
0x16: {  	s3 =	sld [smem:$0x3FDB];
	s0 =	simm.s32 @p2 $0x1  }
0x17: {  	s4 =	simm.s32 $0x1BF5;
	[smem:$0x3FA9] =	sst s0  }
0x18: {  	s0 =	sld [smem:$0x3F8C];
	_ =	swait.ge [sflag:s4], $0x0  }
0x19: {  	s7 =	sld [smem:$0x3F8D]  }
0x1a: {  	s8 =	sadd.s32 $0xFFFFE003, lr  }
0x1b: {  	s9 =	sadd.s32 $0xFFFFFEF7, lr;
	s5 =	simm.s32 $0xFFFFFFFF;
	p2 =	slt.u32 s8, $0xFFFFF086  }
0x1c: {  	p1 =	slt.u32 s9, $0xF7A;
	s5 =	simm.s32 @!p2 $0x0  }
0x1d: {  	s5 =	simm.s32 @p1 $0x1;
	p0 =	seq.s32 s7, s2  }
0x1e: {  	s7 =	smul.u32 @!p0 $0xF7A, s2;
	p2 =	seq.s32 @!p0 s5, $0x0  }
0x1f: {  	s9 =	smul.u32 $0xF7A, s1;
	s8 =	simm.s32 @!p0 $0x1BF5;
	p2 =	por !p2, p0  }
0x20: {  	[sflag:s8] =	ssyncset.s32 @!p0 $0xFFFFF086;
	s6 =	sadd.s32 @!p0 s3, s7;
	s7 =	simm.s32 @!p0 $0x108  }
0x21: {  	s3 =	sadd.s32 s3, s9;
	s6 =	sadd.s32 @!p0 $0x88, s6;
	s7 =	simm.s32 @p2 $0x1082  }
0x22: {  	[simem:s7], [sflag:s8] =	dma.local @!p0 [hbm:s6], $0xF7A  }
0x23: {  	s9 =	sor.u32 $0xD0000000, s2;
	s6 =	simm.s32 $0x108;
	_ =	swait.ge @!p0 [sflag:s8], $0x0  }
0x24: {  	s3 =	sadd.s32 $0x88, s3;
	s6 =	simm.s32 @!p1 $0x1082;
	[sflag:s4] =	ssyncset.s32 $0xFFFFF086  }
0x25: {  	[simem:s6], [sflag:s4] =	dma.local [hbm:s3], $0xF7A  }
0x26: {  	[smem:$0x3F8D] =	sst s1;
	(tag) =	ssettag s2;
	_ =	strace s9  }
0x27: {  	s1 =	sld [smem:$0x3F9D]  }
0x28: {  	s2 =	sld [smem:$0x3F9E]  }
0x29: {  	s4 =	sld [smem:$0x3FA0]  }
0x2a: {  	p0 =	seq.s32 s5, $0x0;
	s5 =	sld [smem:$0x3FA1]  }
0x2b: {  	s6 =	sld [smem:$0x3FA2]  }
0x2c: {  	s7 =	sld [smem:$0x3FA3]  }
0x2d: {  	s3 =	simm.s32 $0x108;
	s8 =	sld [smem:$0x3FA4]  }
0x2e: {  	s3 =	simm.s32 @!p0 $0x1082;
	s9 =	sld [smem:$0x3FA5]  }
0x2f: {  	lr =	sadd.s32 s0, s3;
	s0 =	sld [smem:$0x3F9C]  }
0x30: {  	s3 =	sld [smem:$0x3F9F]  }
0x31: {  	[smem:$0x3FA8] =	sst s10  }
0x32: {  	s10 =	sld [smem:$0x3FA6];
	_ =	sdelay $0x3  }
0x33: {  	p0 =	seq.s32 s10, $0x1;
	s10 =	sld [smem:$0x3FA8];
	_ =	sdelay $0x3  }
0x34: {  	[smem:$0x3FA8] =	sst s10  }
0x35: {  	s10 =	sld [smem:$0x3FA7];
	_ =	sdelay $0x3  }
0x36: {  	p1 =	seq.s32 s10, $0x1;
	s10 =	sld [smem:$0x3FA8];
	_ =	sdelay $0x3  }
0x37: {  	[smem:$0x3FA8] =	sst s10  }
0x38: {  	s10 =	sld [smem:$0x3FA9]  }
0x39: {  	_ = 	snop;
	(pc) =	sbr.ind lr, $3  }
0x3a: {  	_ = 	snop  }
0x3b: {  	_ = 	snop  }
0x3c: {  	p2 =	seq.s32 s10, $0x1;
	s10 =	sld [smem:$0x3FA8]  }
0x3d: {  	_ =	shalt  }
0x3e: {  	_ =	shalt  }
0x3f: {  	_ =	shalt  }
0x40: {  	_ =	shalt  }
0x41: {  	_ =	shalt  }
0x42: {  	_ =	shalt  }
0x43: {  	_ =	shalt  }
0x44: {  	_ =	shalt  }
0x45: {  	_ =	shalt  }
0x46: {  	_ =	shalt  }
0x47: {  	_ =	shalt  }
0x48: {  	_ =	shalt  }
0x49: {  	_ =	shalt  }
0x4a: {  	_ =	shalt  }
0x4b: {  	_ =	shalt  }
0x4c: {  	_ =	shalt  }
0x4d: {  	_ =	shalt  }
0x4e: {  	_ =	shalt  }
0x4f: {  	_ =	shalt  }
0x50: {  	_ =	shalt  }
0x51: {  	_ =	shalt  }
0x52: {  	_ =	shalt  }
0x53: {  	_ =	shalt  }
0x54: {  	_ =	shalt  }
0x55: {  	_ =	shalt  }
0x56: {  	_ =	shalt  }
0x57: {  	_ =	shalt  }
0x58: {  	_ =	shalt  }
0x59: {  	_ =	shalt  }
0x5a: {  	_ =	shalt  }
0x5b: {  	_ =	shalt  }
0x5c: {  	_ =	shalt  }
0x5d: {  	_ =	shalt  }
0x5e: {  	_ =	shalt  }
0x5f: {  	_ =	shalt  }
0x60: {  	_ =	shalt  }
0x61: {  	_ =	shalt  }
0x62: {  	_ =	shalt  }
0x63: {  	_ =	shalt  }
0x64: {  	_ =	shalt  }
0x65: {  	_ =	shalt  }
0x66: {  	_ =	shalt  }
0x67: {  	_ =	shalt  }
0x68: {  	_ =	shalt  }
0x69: {  	_ =	shalt  }
0x6a: {  	_ =	shalt  }
0x6b: {  	_ =	shalt  }
0x6c: {  	_ =	shalt  }
0x6d: {  	_ =	shalt  }
0x6e: {  	_ =	shalt  }
0x6f: {  	_ =	shalt  }
0x70: {  	_ =	shalt  }
0x71: {  	_ =	shalt  }
0x72: {  	_ =	shalt  }
0x73: {  	_ =	shalt  }
0x74: {  	_ =	shalt  }
0x75: {  	_ =	shalt  }
0x76: {  	_ =	shalt  }
0x77: {  	_ =	shalt  }
0x78: {  	_ =	shalt  }
0x79: {  	_ =	shalt  }
0x7a: {  	_ =	shalt  }
0x7b: {  	_ =	shalt  }
0x7c: {  	_ =	shalt  }
0x7d: {  	_ =	shalt  }
0x7e: {  	_ =	shalt  }
0x7f: {  	_ =	shalt  }
0x80: {  	_ =	shalt  }
0x81: {  	_ =	shalt  }
0x82: {  	_ =	shalt  }
0x83: {  	_ =	shalt  }
0x84: {  	_ =	shalt  }
0x85: {  	_ =	shalt  }
0x86: {  	_ =	shalt  }
0x87: {  	_ =	shalt  }
.Lfunc_end0:
.L_simem_size_0:
called_computation.1_lowered:
.L_overlay_start_0:
0x88: {  	s2 =	sld [smem:$0x3FD9]  }
0x89: {  	s3 =	sld [smem:$0x3FFE];
	_ =	sdelay $0x1  }
0x8a: {  	s1 =	srdreg.scid  }
0x8b: {  	s0 =	sand.u32 $0x1, s1  }
0x8c: {  	s17 =	sshll.u32 s0, $0xA;
	s2 =	sadd.s32 s3, s2  }
0x8d: {  	s2 =	sadd.s32 s2, s17  }
0x8e: {  	[smem:$0x3FB4] =	sst s2  }
0x8f: {  	_ = 	snop  }
0x90: {  	(tm) =	ssettm $0x1  }
0x91: {  	s18 =	sld [smem:$0x3FFB];
	_ =	sdelay $0x3  }
0x92: {  	_ =	strace s18  }
0x93: {  	s2 =	sld [smem:$0x3FFC];
	_ =	sdelay $0x3  }
0x94: {  	_ =	strace s2  }
0x95: {  	s2 =	sld [smem:$0x3FFD];
	_ =	sdelay $0x3  }
0x96: {  	_ =	strace s2  }
0x97: {  	_ =	strace $0x8FFFFFFF  }
0x98: {  	s19 =	sld [smem:$0x3FDB];
	_ =	sdelay $0x1  }
0x99: {  	s20 =	simm.s32 $_scs_section_size  }
0x9a: {  	s4 =	simm.s32 $_size__tile_overlayer_lowered;
	s5 =	simm.s32 $_tile_overlayer_lowered  }
0x9b: {  	s6 =	simm.s32 $0x1BFF;
	s21 =	sshll.u32 s5, $0x1;
	s3 =	sadd.s32 s20, s19  }
0x9c: {  	s22 =	simm.s32 $0x0;
	s4 =	sshll.u32 s4, $0x1;
	s5 =	sadd.s32 s21, s3  }
0x9d: {  	[timem:s22], [sflag:s6] =	dma.local [hbm:s5], s4  }
0x9e: {  	_ =	swait.ge [sflag:s6], s4  }
0x9f: {  	s4 =	ssub.s32 $0x0, s4;
	[sflag:s6] =	ssyncset.done $0x0  }
0xa0: {  	[sflag:s6] =	ssyncadd.s32 s4;
	_ =	sdelay $0x1  }
0xa1: {  	s23 =	simm.s32 $0x1B8B  }
0xa2: {  	_ =	swait.ge [sflag:s23], $0x1  }
0xa3: {  	[sflag:s23] =	ssyncset.done $0x0  }
0xa4: {  	[sflag:s23] =	ssyncadd.s32 $0xFFFFFFFF  }
0xa5: {  	s4 =	sld [smem:$0x0]  }
0xa6: {  	s5 =	sand.u32 $0xFFFFFFFE, s1  }
0xa7: {  	p0 =	sne.s32 s1, s5  }
0xa8: {  	s5 =	sshll.u32 @p0 s5, $0xE  }
0xa9: {  	s5 =	sadd.s32 @p0 $0x11B8D, s5;
	s6 =	sshll.u32 @p0 s4, $0x11  }
0xaa: {  	s5 =	sor.u32 @p0 s6, s5  }
0xab: {  	[sflag:s5] =	ssyncadd.remote.s32 @p0 $0x1;
	_ =	sdelay $0x1  }
0xac: {  	s5 =	simm.s32 @p0 $0x1B8D  }
0xad: {  	_ =	swait.eq @p0 [sflag:s5], $0x1  }
0xae: {  	[sflag:s5] =	ssyncadd.s32 @p0 $0xFFFFFFFF  }
0xaf: {  	s6 =	sshll.u32 @!p0 s1, $0xE  }
0xb0: {  	s6 =	sor.u32 @!p0 $0x4000, s6;
	s5 =	simm.s32 @!p0 $0x1B8D  }
0xb1: {  	s4 =	sshll.u32 @!p0 s4, $0x11;
	s6 =	sadd.s32 @!p0 $0x11B8D, s6;
	_ =	swait.eq @!p0 [sflag:s5], $0x1  }
0xb2: {  	s4 =	sor.u32 @!p0 s4, s6;
	[sflag:s5] =	ssyncadd.s32 @!p0 $0xFFFFFFFF  }
0xb3: {  	s25 =	simm.s32 $0x1B8E;
	s24 =	sld [smem:$0x3FFE];
	[sflag:s4] =	ssyncadd.remote.s32 @!p0 $0x1  }
0xb4: {  	s26 =	simm.s32 $execute0_lowered;
	[smem:$0x3FD2] =	sst s25  }
0xb5: {  	s5 =	sshll.u32 s26, $0x1;
	_ =	strace $0x8000004C;
	[dreg:$0x1] =	wrdreg $0xFFFFFFFF  }
0xb6: {  	s28 =	simm.s32 $_size_execute0_lowered;
	s3 =	sadd.s32 s3, s5;
	[dreg:$0x0] =	wrdreg $0x0  }
0xb7: {  	s5 =	sshll.u32 s28, $0x1;
	[dreg:$0x2] =	wrdreg s3  }
0xb8: {  	[dreg:$0x3] =	wrdreg s5  }
0xb9: {  	[dreg:$0x4] =	wrdreg $0xC0  }
0xba: {  	_ =	task [dreg:s22], $0x5FFFF  }
0xbb: {  	[dreg:$0x1] =	wrdreg $0xFFFFFFFF  }
0xbc: {  	[dreg:$0x0] =	wrdreg $0x60  }
0xbd: {  	[dreg:$0x2] =	wrdreg s24  }
0xbe: {  	[dreg:$0x3] =	wrdreg $0x8E800  }
0xbf: {  	[dreg:$0x4] =	wrdreg $0x9  }
0xc0: {  	_ =	task.clear_ibuf [dreg:s22], $0x5FFFF;
	_ =	strace $0x9000004C  }
0xc1: {  	s29 =	simm.s32 $0x9;
	_ =	strace $0x8000004E  }
0xc2: {  	_ =	swait.ge [sflag:s29], $0x1  }
0xc3: {  	[sflag:s29] =	ssyncadd.s32 $0xFFFFFFFF  }
0xc4: {  	_ =	strace $0x9000004E  }
0xc5: {  	_ =	sfence  }
0xc6: {  	s30 =	sld [smem:$0x0];
	_ =	sdelay $0x2  }
0xc7: {  	s31 =	sshll.u32 s1, $0xD;
	s1 =	sshrl.u32 s1, $0x2  }
0xc8: {  	s4 =	sand.u32 $0x4000, s31;
	s1 =	sadd.s32 s1, s30  }
0xc9: {  	s0 =	sor.u32 s4, s0;
	s1 =	sshll.u32 s1, $0x11  }
0xca: {  	s0 =	sor.u32 s1, s0  }
0xcb: {  	s0 =	sadd.s32 $0x8F2B, s0  }
0xcc: {  	[sflag:s0] =	ssyncadd.remote.s32 $0x1  }
0xcd: {  	_ =	sfence.sel $0xFFFF  }
0xce: {  	[dreg:$0x0] =	wrdreg $0xFFFFFFFF;
	(pc) =	sbr.abs _section_cstart, $3  }
0xcf: {  	[dreg:$0x1] =	wrdreg $0xFFFFFFFF  }
0xd0: {  	_ =	task.clear_ibuf [dreg:s22], $0x2FFFF;
	_ =	strace $0x9FFFFFFF  }
0xd1: {  	(tm) =	ssettm $0x7FFFFFFF  }
tec
execute0_lowered:
.L_overlay_start_1:
0x0: {  	(tag) =	ssettag $0x1  }
0x1: {  	s0 =	rddreg [dreg:$0x0]  }
0x2: {  	s2 =	rddreg [dreg:$0x1]  }
0x3: {  	s3 =	simm.s32 $0x0;
	s15 =	stileid.u32;
	s6 =	srdreg.scid  }
0x4: {  	s28 =	simm.s32 $0x1;
	s29 =	simm.s32 $0x80;
	s30 =	simm.s32 $0x180  }
0x5: {  	s31 =	simm.s32 $0x1680;
	[smem:$0x7FF] =	sst s3;
	s1 =	smul.u32 $0x14000, s15  }
0x6: {  	s4 =	sadd.s32 $0x4E5600, s0;
	s5 =	sadd.s32 $0x4EF400, s0;
	s9 =	sand.u32 $0x1, s6  }
0x7: {  	s6 =	sadd.s32 $0x9DBA00, s0;
	s7 =	sadd.s32 $0x2B600, s0;
	s8 =	sadd.s32 $0x53600, s0  }
0x8: {  	s18 =	sshll.u32 s15, $0x1;
	s12 =	smul.u32 $0x50000, s15;
	s20 =	sshll.u32 s15, $0x6  }
0x9: {  	_ =	strace $0x8000004D;
	s11 =	smul.u32 $0x140000, s9;
	s13 =	ssub.s32 $0x2, s9  }
0xa: {  	s10 =	sshrl.u32 s1, $0x3;
	s14 =	sshrl.u32 s13, $0x1;
	s12 =	sshrl.u32 s12, $0x2  }
0xb: {  	s10 =	sadd.s32 s10, s0;
	s1 =	sadd.s32 s1, s11;
	s11 =	sor.u32 s9, s18  }
0xc: {  	s19 =	ssub.s32 s13, s14;
	s12 =	sadd.s32 s12, s2;
	s9 =	smul.u32 $0x2710, s11  }
0xd: {  	s18 =	simm.s32 $0x3;
	s1 =	sshrl.u32 s1, $0x3;
	s22 =	smul.u32 $0x27100, s11  }
0xe: {  	s10 =	sadd.s32 $0x3600, s10;
	s11 =	sor.u32 $0x1C03, s20;
	s26 =	smax.u32 s19, $0x1  }
0xf: {  	s17 =	sshrl.u32 s12, $0x3;
	s20 =	simm.s32 $0x28;
	[dreg:$0x3] =	wrdreg s10  }
0x10: {  	s0 =	sadd.s32 s1, s0;
	[dreg:$0x8] =	wrdreg s26;
	s26 =	simm.s32 $0x7A80  }
.Ltmp0:
0x11: {  	s1 =	simm.s32 $0x6680;
	s25 =	sadd.s32 s6, s22;
	(pc) =	sbr.rel .LBB2_1-.Ltmp0, $4  }
0x12: {  	s21 =	sshrl.u32 s9, $0x3;
	s0 =	sadd.s32 $0x11AC00, s0;
	[dreg:$0x6] =	wrdreg s25  }
0x13: {  	s23 =	sadd.s32 s4, s21;
	s24 =	sadd.s32 s5, s21;
	[dreg:$0x7] =	wrdreg s0  }
0x14: {  	s25 =	simm.s32 $0x200;
	s0 =	simm.s32 $0x3E80;
	[dreg:$0x4] =	wrdreg s23  }
0x15: {  	s21 =	simm.s32 $0x0;
	[dreg:$0x5] =	wrdreg s24;
	s24 =	simm.s32 $0x2  }
.LBB2_10:
0x16: {  	[bflag:$0x0] =	sbarrier.arrive $0xFFFF  }
0x17: {  	s10 =	rddreg [dreg:$0x7]  }
0x18: {  	[hbm:s10], [sflag:s11] =	dma.local [spmem:s17], $0x2800  }
0x19: {  	_ =	swait.ge [sflag:s18], $0x2800  }
0x1a: {  	s21 =	sadd.s32 $0x1, s21;
	s23 =	rddreg [dreg:$0x8]  }
0x1b: {  	p0 =	sne.s32 s21, s23  }
.Ltmp1:
0x1c: {  	_ = 	snop;
	(pc) =	sbr.rel @!p0 .LBB2_11-.Ltmp1, $3  }
0x1d: {  	_ =	sdelay $0x1  }
0x1e: {  	[sflag:s18] =	ssyncset.done $0x0  }
0x1f: {  	[sflag:s18] =	ssyncadd.s32 $0xFFFFD800  }
.LBB2_1:
0x20: {  	s10 =	rddreg [dreg:$0x3]  }
0x21: {  	[spmem:s17], [sflag:s11] =	dma.local [hbm:s10], $0x2800  }
0x22: {  	_ =	swait.ge [sflag:s18], $0x2800  }
0x23: {  	[sflag:s18] =	ssyncset.done $0x0  }
0x24: {  	[sflag:s18] =	ssyncadd.s32 $0xFFFFD800  }
0x25: {  	[bflag:$0x0] =	sbarrier.arrive $0xFFFF  }
0x26: {  	s14 =	rddreg [dreg:$0x4]  }
0x27: {  	[tilespmem:s3], [sflag:$0x3] =	stream.linear.gather [hbm4b:s14+s3], $0x28, $0x38;
	[tilespmem:$0x1CE80] =	vst v63  }
0x28: {  	_ =	swait.ge [sflag:s18], $0x28  }
0x29: {  	[sflag:s18] =	ssyncset.done $0x0  }
0x2a: {  	s12 =	simm.s32 $0x100;
	s15 =	rddreg [dreg:$0x5];
	[sflag:s18] =	ssyncadd.s32 $0xFFFFFFD8  }
0x2b: {  	[tilespmem:s12], [sflag:$0x3] =	stream.linear.gather [hbm4b:s15+s3], $0x28, $0x38;
	[tilespmem:$0x1CE80] =	vst v63  }
0x2c: {  	_ =	swait.ge [sflag:s18], $0x28  }
0x2d: {  	[sflag:s18] =	ssyncset.done $0x0  }
0x2e: {  	s16 =	simm.s32 $0x280;
	[sflag:s18] =	ssyncadd.s32 $0xFFFFFFD8  }
0x2f: {  	[tilespmem:s16], [sflag:$0x1] =	stream.indirect.gather [hbm4b:s7+s20], $0x80, s12, s20, $0xb8;
	[tilespmem:$0x1CE80] =	vst v63  }
.Ltmp2:
0x30: {  	s19 =	simm.s32 $0x2A80;
	(pc) =	sbr.rel .LBB2_2-.Ltmp2, $4  }
0x31: {  	[tilespmem:s19], [sflag:$0x1] =	stream.indirect.gather [hbm4b:s8+s20], $0x80, s3, s20, $0xb8;
	[tilespmem:$0x1CE80] =	vst v63  }
0x32: {  	s23 =	simm.s32 $0x5280;
	s22 =	rddreg [dreg:$0x6]  }
0x33: {  	[tilespmem:s23], [sflag:$0x1] =	stream.linear.gather [hbm4b:s22+s3], $0x1400, $0x38;
	[tilespmem:$0x1CE80] =	vst v63  }
0x34: {  	s22 =	simm.s32 $0x0  }
.LBB2_9:
0x35: {  	s10 =	sshrl.u32 s23, $0x3  }
0x36: {  	s10 =	sadd.s32 s5, s10  }
0x37: {  	[tilespmem:s25], [sflag:$0x3] =	stream.linear.gather [hbm4b:s10+s3], $0x28, $0x38;
	[tilespmem:$0x1CE80] =	vst v63  }
0x38: {  	s22 =	sadd.s32 $0x1, s22;
	_ =	swait.ge [sflag:s18], $0x28  }
0x39: {  	p0 =	sne.s32 s22, $0xFA;
	[sflag:s18] =	ssyncset.done $0x0  }
.Ltmp3:
0x3a: {  	[sflag:s18] =	ssyncadd.s32 $0xFFFFFFD8;
	(pc) =	sbr.rel @!p0 .LBB2_10-.Ltmp3, $4  }
0x3b: {  	[spmem:s2] =	stream.indirect.scatter.add.f32 [tilespmem:s26], [sflag:$0x3], $0x80, s25, s20, $0xb8;
	[tilespmem:$0x1CE80] =	vst v63  }
0x3c: {  	_ =	swait.ge [sflag:s18], $0x1400  }
0x3d: {  	[sflag:s18] =	ssyncset.done $0x0  }
0x3e: {  	[sflag:s18] =	ssyncadd.s32 $0xFFFFEC00  }
.LBB2_2:
0x3f: {  	s10 =	sand.u32 $0x1, s22  }
0x40: {  	p0 =	seq.s32 s10, $0x1  }
.Ltmp4:
0x41: {  	_ = 	snop;
	(pc) =	sbr.rel @p0 .LBB2_6-.Ltmp4, $3  }
0x42: {  	s12 =	smul.u32 $0x28, s22;
	_ =	sdelay $0x1  }
0x43: {  	s23 =	sadd.s32 s9, s12  }
0x44: {  	s19 =	sadd.s32 $0x28, s23  }
0x45: {  	_ =	swait.ge [sflag:s28], $0x1400  }
0x46: {  	[sflag:s28] =	ssyncset.done $0x0  }
0x47: {  	[sflag:s28] =	ssyncadd.s32 $0xFFFFEC00  }
0x48: {  	_ =	swait.ge [sflag:s28], $0x1400  }
0x49: {  	[sflag:s28] =	ssyncset.done $0x0  }
0x4a: {  	[sflag:s28] =	ssyncadd.s32 $0xFFFFEC00  }
0x4b: {  	_ =	swait.ge [sflag:s28], $0x1400  }
0x4c: {  	s12 =	sshrl.u32 s19, $0x3;
	[sflag:s28] =	ssyncset.done $0x0  }
0x4d: {  	s14 =	simm.s32 $0x0;
	s13 =	sadd.s32 s4, s12;
	[sflag:s28] =	ssyncadd.s32 $0xFFFFEC00  }
0x4e: {  	[tilespmem:s29], [sflag:$0x3] =	stream.linear.gather [hbm4b:s13+s14], $0x28, $0x38;
	[tilespmem:$0x1CE80] =	vst v63  }
0x4f: {  	_ =	swait.ge [sflag:s18], $0x28  }
0x50: {  	[sflag:s18] =	ssyncset.done $0x0  }
0x51: {  	s12 =	sadd.s32 s5, s12;
	[sflag:s18] =	ssyncadd.s32 $0xFFFFFFD8  }
0x52: {  	[tilespmem:s30], [sflag:$0x3] =	stream.linear.gather [hbm4b:s12+s14], $0x28, $0x38;
	[tilespmem:$0x1CE80] =	vst v63  }
0x53: {  	_ =	swait.ge [sflag:s18], $0x28  }
0x54: {  	[sflag:s18] =	ssyncset.done $0x0  }
0x55: {  	[sflag:s18] =	ssyncadd.s32 $0xFFFFFFD8  }
0x56: {  	[tilespmem:s31], [sflag:$0x2] =	stream.indirect.gather [hbm4b:s7+s20], $0x80, s30, s20, $0xb8;
	[tilespmem:$0x1CE80] =	vst v63  }
0x57: {  	s16 =	sshll.u32 s19, $0x4  }
0x58: {  	[tilespmem:s0], [sflag:$0x2] =	stream.indirect.gather [hbm4b:s8+s20], $0x80, s29, s20, $0xb8;
	[tilespmem:$0x1CE80] =	vst v63  }
0x59: {  	s12 =	sadd.s32 s6, s16  }
0x5a: {  	[tilespmem:s1], [sflag:$0x2] =	stream.linear.gather [hbm4b:s12+s14], $0x1400, $0x38;
	[tilespmem:$0x1CE80] =	vst v63  }
0x5b: {  	s14 =	simm.s32 $0x0  }
0x5c: {  	v0 =	vld [tilespmem:s14+$0x2B0]  }
0x5d: {  	v1 =	vld [tilespmem:s14+$0x2AB0];
	_ =	sdelay $0x1  }
0x5e: {  	v2 =	vld [tilespmem:s14+$0x52B0];
	_ =	sdelay $0x1  }
0x5f: {  	v3 =	vld [tilespmem:s14+$0x280]  }
0x60: {  	v4 =	vld [tilespmem:s14+$0x2A80];
	v0 =	vadd.f32 v1, v0  }
0x61: {  	v5 =	vld [tilespmem:s14+$0x290]  }
0x62: {  	v6 =	vld [tilespmem:s14+$0x2A90];
	v0 =	vadd.f32 v2, v0  }
0x63: {  	v7 =	vld [tilespmem:s14+$0x2AA0]  }
0x64: {  	v8 =	vld [tilespmem:s14+$0x5280];
	v0 =	vsub.f32 $0.0e+00, v0  }
0x65: {  	v1 =	vld [tilespmem:s14+$0x2A0]  }
0x66: {  	v9 =	vld [tilespmem:s14+$0x5290];
	v0 =	vmul.f32 $1.442695020e+00, v0  }
0x67: {  	v10 =	vld [tilespmem:s14+$0x52A0]  }
0x68: {  	(erf) = vpow2.f32 v0;
	v0 =	vadd.f32 v4, v3  }
0x69: {  	v4 =	vadd.f32 v6, v5  }
0x6a: {  	v1 =	vadd.f32 v7, v1;
	v0 =	vadd.f32 v8, v0  }
0x6b: {  	s12 =	simm.s32 $0x80;
	v11 =	vld [tilespmem:s14+$0x2AC0];
	v4 =	vadd.f32 v9, v4  }
0x6c: {  	v1 =	vadd.f32 v10, v1;
	v3 =	vld [tilespmem:s12+$0x2B0];
	v0 =	vsub.f32 $0.0e+00, v0  }
0x6d: {  	v5 =	vld [tilespmem:s12+$0x2AB0];
	v4 =	vsub.f32 $0.0e+00, v4  }
0x6e: {  	v12 =	vld [tilespmem:s14+$0x2AD0];
	v1 =	vsub.f32 $0.0e+00, v1;
	v0 =	vmul.f32 $1.442695020e+00, v0  }
0x6f: {  	v7 =	vld [tilespmem:s12+$0x52B0];
	v4 =	vmul.f32 $1.442695020e+00, v4  }
0x70: {  	v13 =	vld [tilespmem:s12+$0x2A0];
	v1 =	vmul.f32 $1.442695020e+00, v1;
	(erf) = vpow2.f32 v0  }
0x71: {  	v14 =	vld [tilespmem:s12+$0x2AA0];
	(erf) = vpow2.f32 v4  }
0x72: {  	v15 =	vld [tilespmem:s12+$0x5280];
	(erf) = vpow2.f32 v1;
	v1 =	vadd.f32 v5, v3  }
0x73: {  	v10 =	vld [tilespmem:s12+$0x2A90]  }
0x74: {  	v6 =	vld [tilespmem:s12+$0x280];
	v0 =	vpop (erf);
	v5 =	vadd.f32 v7, v1  }
0x75: {  	v9 =	vld [tilespmem:s12+$0x290];
	v0 =	vadd.f32 $1.000000000e+00, v0  }
0x76: {  	v8 =	vld [tilespmem:s12+$0x2A80];
	v5 =	vsub.f32 $0.0e+00, v5  }
0x77: {  	v3 =	vld [tilespmem:s12+$0x52A0];
	(erf) = vrcp.f32 v0  }
0x78: {  	s13 =	simm.s32 $0x100;
	v16 =	vld [tilespmem:s12+$0x5290];
	v5 =	vmul.f32 $1.442695020e+00, v5  }
0x79: {  	v17 =	vld [tilespmem:s13+$0x2B0]  }
0x7a: {  	v19 =	vld [tilespmem:s13+$0x2AB0];
	v18 =	vpop (erf);
	(erf) = vpow2.f32 v5;
	v5 =	vadd.f32 v10, v9;
	v10 =	vadd.f32 v14, v13  }
0x7b: {  	v20 =	vld [tilespmem:s13+$0x280];
	v6 =	vadd.f32 v8, v6;
	v8 =	vadd.f32 $1.000000000e+00, v18;
	v58 =	vpop (erf)  }
0x7c: {  	v7 =	vld [tilespmem:s14+$0x2AF0];
	v3 =	vadd.f32 v3, v10;
	v10 =	vadd.f32 $1.000000000e+00, v58  }
0x7d: {  	v22 =	vld [tilespmem:s13+$0x52B0];
	(erf) = vrcp.f32 v8  }
0x7e: {  	v4 =	vld [tilespmem:s12+$0x2AC0];
	v6 =	vadd.f32 v15, v6;
	v21 =	vpop (erf);
	(erf) = vrcp.f32 v10  }
0x7f: {  	v1 =	vld [tilespmem:s12+$0x2AD0];
	v5 =	vadd.f32 v16, v5  }
0x80: {  	v6 =	vsub.f32 $0.0e+00, v6;
	v0 =	vld [tilespmem:s12+$0x2AE0];
	v8 =	vpop (erf);
	v3 =	vsub.f32 $0.0e+00, v3  }
0x81: {  	v9 =	vld [tilespmem:s13+$0x2A80];
	v5 =	vsub.f32 $0.0e+00, v5;
	[tilespmem:s14+$0x7AF0] =	vst v8;
	v7 =	vmul.f32 v8, v7  }
0x82: {  	v6 =	vmul.f32 $1.442695020e+00, v6;
	v8 =	vld [tilespmem:s13+$0x290];
	v3 =	vmul.f32 $1.442695020e+00, v3  }
0x83: {  	v13 =	vld [tilespmem:s13+$0x2A90];
	v5 =	vmul.f32 $1.442695020e+00, v5;
	[tilespmem:s14+$0x7AB0] =	vst v7  }
0x84: {  	(erf) = vpow2.f32 v6;
	v7 =	vld [tilespmem:s13+$0x2A0]  }
0x85: {  	v61 =	vadd.f32 $1.000000000e+00, v21;
	v6 =	vadd.f32 v19, v17;
	v10 =	vld [tilespmem:s13+$0x2AA0];
	(erf) = vpow2.f32 v5;
	v15 =	vpop (erf)  }
0x86: {  	v14 =	vld [tilespmem:s13+$0x5280];
	(erf) = vpow2.f32 v3;
	v3 =	vpop (erf)  }
0x87: {  	v6 =	vadd.f32 v22, v6;
	v59 =	vld [tilespmem:s13+$0x5290];
	(erf) = vrcp.f32 v61;
	v62 =	vpop (erf)  }
0x88: {  	v60 =	vld [tilespmem:s13+$0x52A0];
	[tilespmem:s14+$0x7AC0] =	vst v3;
	v11 =	vmul.f32 v3, v11;
	v63 =	vmul.f32 v62, v12;
	v12 =	vadd.f32 $1.000000000e+00, v15  }
0x89: {  	v5 =	vld [tilespmem:s13+$0x2AC0]  }
0x8a: {  	v9 =	vadd.f32 v9, v20;
	v3 =	vld [tilespmem:s13+$0x2AD0];
	[tilespmem:s14+$0x7A80] =	vst v11;
	v11 =	vsub.f32 $0.0e+00, v6;
	(erf) = vrcp.f32 v12;
	_ =	sdelay $0x1  }
0x8b: {  	v9 =	vadd.f32 v14, v9;
	v15 =	vmul.f32 $1.442695020e+00, v11  }
0x8c: {  	v2 =	vld [tilespmem:s14+$0x2AE0];
	v13 =	vadd.f32 v13, v8  }
0x8d: {  	v10 =	vadd.f32 v10, v7;
	v7 =	vpop (erf);
	v6 =	vld [tilespmem:s13+$0x2AE0];
	[tilespmem:s14+$0x7AD0] =	vst v62;
	(erf) = vpow2.f32 v15  }
0x8e: {  	s15 =	simm.s32 $0x180;
	v8 =	vld [tilespmem:s12+$0x2AF0];
	v11 =	vadd.f32 v59, v13;
	v12 =	vadd.f32 $1.000000000e+00, v7;
	[tilespmem:s14+$0x7A90] =	vst v63;
	v14 =	vpop (erf)  }
0x8f: {  	s16 =	simm.s32 $0x800;
	v10 =	vadd.f32 v60, v10;
	v13 =	vsub.f32 $0.0e+00, v9;
	v7 =	vld [tilespmem:s15+$0x2B0];
	v9 =	vpop (erf)  }
.LBB2_4:
0x90: {  	p0 =	sne.s32 s16, $0x4E00;
	v15 =	vld [tilespmem:s15+$0x2AB0];
	v11 =	vsub.f32 $0.0e+00, v11;
	v18 =	vadd.f32 $1.000000000e+00, v14;
	(erf) = vrcp.f32 v12;
	v12 =	vpop (erf)  }
0x91: {  	v9 =	vadd.f32 $1.000000000e+00, v9;
	v16 =	vld [tilespmem:s15+$0x280];
	v13 =	vmul.f32 $1.442695020e+00, v13;
	v10 =	vsub.f32 $0.0e+00, v10;
	[tilespmem:s14+$0x7AE0] =	vst v12  }
0x92: {  	v17 =	vld [tilespmem:s15+$0x52B0];
	v11 =	vmul.f32 $1.442695020e+00, v11;
	(erf) = vrcp.f32 v18;
	v14 =	vpop (erf)  }
0x93: {  	v18 =	vld [tilespmem:s15+$0x2A80];
	v19 =	vmul.f32 $1.442695020e+00, v10;
	v8 =	vmul.f32 v14, v8;
	[tilespmem:s12+$0x7AF0] =	vst v14  }
0x94: {  	v12 =	vmul.f32 v12, v2;
	v2 =	vmovc v0;
	v0 =	vmov v6;
	v14 =	vld [tilespmem:s15+$0x290];
	(erf) = vpow2.f32 v13  }
0x95: {  	v6 =	vld [tilespmem:s15+$0x2A90];
	v7 =	vadd.f32 v15, v7;
	(erf) = vpow2.f32 v11;
	[tilespmem:s12+$0x7AB0] =	vst v8  }
0x96: {  	v8 =	vld [tilespmem:s15+$0x2A0];
	(erf) = vpow2.f32 v19;
	v10 =	vpop (erf);
	[tilespmem:s14+$0x7AA0] =	vst v12;
	s14 =	smov.u32 s12;
	s12 =	smov.u32 s13;
	s13 =	smov.u32 s15  }
0x97: {  	v11 =	vld [tilespmem:s13+$0x2AA0];
	v7 =	vadd.f32 v17, v7;
	v15 =	vadd.f32 $1.000000000e+00, v10;
	(erf) = vrcp.f32 v9  }
0x98: {  	v9 =	vadd.f32 v18, v16;
	v12 =	vld [tilespmem:s13+$0x5280]  }
0x99: {  	v13 =	vld [tilespmem:s13+$0x5290];
	v7 =	vsub.f32 $0.0e+00, v7;
	(erf) = vrcp.f32 v15;
	v10 =	vpop (erf)  }
0x9a: {  	v14 =	vadd.f32 v6, v14;
	v15 =	vld [tilespmem:s13+$0x52A0];
	v6 =	vmul.f32 v10, v4;
	[tilespmem:s14+$0x7AC0] =	vst v10;
	v4 =	vmov v5  }
.Ltmp5:
0x9b: {  	v5 =	vld [tilespmem:s13+$0x2AC0];
	v18 =	vmul.f32 $1.442695020e+00, v7;
	v10 =	vpop (erf);
	(pc) =	sbr.rel @p0 .LBB2_4-.Ltmp5, $4  }
0x9c: {  	v16 =	vadd.f32 v11, v8;
	[tilespmem:s14+$0x7A80] =	vst v6;
	v17 =	vmul.f32 v10, v1;
	v1 =	vmov v3;
	v3 =	vld [tilespmem:s13+$0x2AD0]  }
0x9d: {  	v19 =	vadd.f32 v12, v9;
	v6 =	vld [tilespmem:s13+$0x2AE0];
	(erf) = vpow2.f32 v18;
	v7 =	vpop (erf);
	[tilespmem:s14+$0x7AD0] =	vst v10  }
0x9e: {  	s15 =	sshra.s32 s16, $0x2;
	v11 =	vadd.f32 v13, v14;
	v12 =	vadd.f32 $1.000000000e+00, v7;
	v8 =	vld [tilespmem:s12+$0x2AF0];
	v14 =	vpop (erf);
	[tilespmem:s14+$0x7A90] =	vst v17  }
0x9f: {  	s16 =	sadd.s32 $0x200, s16;
	v7 =	vld [tilespmem:s15+$0x2B0];
	v13 =	vsub.f32 $0.0e+00, v19;
	v10 =	vadd.f32 v15, v16;
	v9 =	vpop (erf)  }
0xa0: {  	v15 =	vld [tilespmem:s15+$0x2AB0];
	v16 =	vpop (erf)  }
0xa1: {  	v17 =	vld [tilespmem:s15+$0x280];
	v14 =	vadd.f32 $1.000000000e+00, v14;
	(erf) = vrcp.f32 v12;
	[tilespmem:s14+$0x7AE0] =	vst v16  }
0xa2: {  	v11 =	vsub.f32 $0.0e+00, v11;
	v13 =	vmul.f32 $1.442695020e+00, v13;
	v2 =	vmul.f32 v16, v2;
	v18 =	vld [tilespmem:s15+$0x52B0];
	v19 =	vpop (erf)  }
0xa3: {  	v20 =	vld [tilespmem:s15+$0x2A80];
	(erf) = vrcp.f32 v14;
	[tilespmem:s12+$0x7AF0] =	vst v19;
	v8 =	vmul.f32 v19, v8  }
0xa4: {  	v11 =	vmul.f32 $1.442695020e+00, v11;
	(erf) = vpow2.f32 v13;
	v62 =	vld [tilespmem:s15+$0x290]  }
0xa5: {  	v63 =	vld [tilespmem:s15+$0x2A90];
	[tilespmem:s12+$0x7AB0] =	vst v8  }
0xa6: {  	(erf) = vpow2.f32 v11;
	v8 =	vld [tilespmem:s15+$0x2A0];
	[tilespmem:s14+$0x7AA0] =	vst v2  }
0xa7: {  	v19 =	vsub.f32 $0.0e+00, v10;
	v7 =	vadd.f32 v15, v7;
	v21 =	vld [tilespmem:s15+$0x2AA0]  }
0xa8: {  	v22 =	vld [tilespmem:s15+$0x5280]  }
0xa9: {  	v2 =	vmul.f32 $1.442695020e+00, v19;
	v23 =	vld [tilespmem:s15+$0x5290];
	v7 =	vadd.f32 v18, v7  }
0xaa: {  	v9 =	vadd.f32 $1.000000000e+00, v9;
	v24 =	vpop (erf);
	v27 =	vld [tilespmem:s15+$0x52A0]  }
0xab: {  	v26 =	vadd.f32 v20, v17;
	(erf) = vpow2.f32 v2;
	v7 =	vsub.f32 $0.0e+00, v7;
	v28 =	vpop (erf)  }
0xac: {  	v25 =	vadd.f32 $1.000000000e+00, v24;
	(erf) = vrcp.f32 v9;
	v12 =	vadd.f32 v63, v62;
	v29 =	vpop (erf)  }
0xad: {  	v7 =	vmul.f32 $1.442695020e+00, v7;
	v11 =	vadd.f32 v22, v26;
	v8 =	vadd.f32 v21, v8;
	v30 =	vpop (erf)  }
0xae: {  	(erf) = vrcp.f32 v25;
	v12 =	vadd.f32 v23, v12;
	v31 =	vadd.f32 $1.000000000e+00, v30  }
0xaf: {  	v32 =	vpop (erf);
	(erf) = vpow2.f32 v7;
	v11 =	vsub.f32 $0.0e+00, v11;
	v34 =	vadd.f32 v27, v8  }
0xb0: {  	v4 =	vmul.f32 v28, v4;
	[tilespmem:s12+$0x7AC0] =	vst v28;
	v35 =	vadd.f32 $1.000000000e+00, v32;
	v12 =	vsub.f32 $0.0e+00, v12  }
0xb1: {  	v33 =	vld [tilespmem:s15+$0x2AC0];
	(erf) = vrcp.f32 v31;
	v37 =	vmul.f32 $1.442695020e+00, v11  }
0xb2: {  	v36 =	vld [tilespmem:s15+$0x2AD0];
	[tilespmem:s12+$0x7A80] =	vst v4;
	(erf) = vrcp.f32 v35;
	v7 =	vsub.f32 $0.0e+00, v34;
	v38 =	vmul.f32 $1.442695020e+00, v12  }
0xb3: {  	v4 =	vld [tilespmem:s15+$0x2AE0];
	[tilespmem:s12+$0x7AD0] =	vst v29;
	(erf) = vpow2.f32 v37  }
0xb4: {  	v39 =	vld [tilespmem:s13+$0x2AF0];
	v7 =	vmul.f32 $1.442695020e+00, v7;
	(erf) = vpow2.f32 v38  }
0xb5: {  	v40 =	vpop (erf)  }
0xb6: {  	v1 =	vmul.f32 v29, v1;
	v41 =	vpop (erf);
	(erf) = vpow2.f32 v7  }
0xb7: {  	v42 =	vpop (erf)  }
0xb8: {  	[tilespmem:s12+$0x7A90] =	vst v1;
	v43 =	vadd.f32 $1.000000000e+00, v40;
	v44 =	vpop (erf)  }
0xb9: {  	[tilespmem:s12+$0x7AE0] =	vst v41;
	v9 =	vmul.f32 v42, v39;
	v8 =	vadd.f32 $1.000000000e+00, v44  }
0xba: {  	v0 =	vmul.f32 v41, v0;
	[tilespmem:s13+$0x7AF0] =	vst v42;
	(erf) = vrcp.f32 v43;
	v45 =	vpop (erf)  }
0xbb: {  	[tilespmem:s13+$0x7AB0] =	vst v9;
	v46 =	vpop (erf);
	(erf) = vrcp.f32 v8  }
0xbc: {  	[tilespmem:s12+$0x7AA0] =	vst v0;
	v47 =	vpop (erf)  }
0xbd: {  	v48 =	vmul.f32 v45, v5;
	[tilespmem:s13+$0x7AC0] =	vst v45;
	v2 =	vadd.f32 $1.000000000e+00, v47;
	v49 =	vpop (erf)  }
0xbe: {  	[tilespmem:s13+$0x7AD0] =	vst v46;
	v50 =	vadd.f32 $1.000000000e+00, v49  }
0xbf: {  	[tilespmem:s13+$0x7A80] =	vst v48;
	v51 =	vpop (erf);
	(erf) = vrcp.f32 v2  }
0xc0: {  	v52 =	vld [tilespmem:s15+$0x2AF0];
	v2 =	vadd.f32 $1.000000000e+00, v51;
	(erf) = vrcp.f32 v50;
	_ =	sdelay $0x1  }
0xc1: {  	v53 =	vmul.f32 v46, v3;
	(erf) = vrcp.f32 v2  }
0xc2: {  	v54 =	vpop (erf)  }
0xc3: {  	[tilespmem:s13+$0x7A90] =	vst v53;
	v55 =	vpop (erf)  }
0xc4: {  	[tilespmem:s13+$0x7AE0] =	vst v54;
	v56 =	vmul.f32 v55, v52  }
0xc5: {  	v57 =	vmul.f32 v54, v6;
	[tilespmem:s15+$0x7AF0] =	vst v55  }
0xc6: {  	[tilespmem:s15+$0x7AB0] =	vst v56  }
0xc7: {  	[tilespmem:s13+$0x7AA0] =	vst v57;
	v58 =	vpop (erf)  }
0xc8: {  	p0 =	seq.s32 s10, $0x0;
	v59 =	vmul.f32 v58, v33;
	[tilespmem:s15+$0x7AC0] =	vst v58;
	v60 =	vpop (erf)  }
.Ltmp6:
0xc9: {  	[tilespmem:s15+$0x7AD0] =	vst v60;
	(pc) =	sbr.rel @p0 .LBB2_9-.Ltmp6, $4  }
0xca: {  	v61 =	vmul.f32 v60, v36;
	v62 =	vpop (erf);
	[tilespmem:s15+$0x7A80] =	vst v59  }
0xcb: {  	v63 =	vmul.f32 v62, v4;
	[tilespmem:s15+$0x7AE0] =	vst v62  }
0xcc: {  	[tilespmem:s15+$0x7A90] =	vst v61  }
0xcd: {  	[tilespmem:s15+$0x7AA0] =	vst v63  }
.LBB2_6:
0xce: {  	_ =	swait.ge [sflag:s24], $0x1400  }
0xcf: {  	[sflag:s24] =	ssyncset.done $0x0  }
0xd0: {  	[sflag:s24] =	ssyncadd.s32 $0xFFFFEC00  }
0xd1: {  	_ =	swait.ge [sflag:s24], $0x1400  }
0xd2: {  	[sflag:s24] =	ssyncset.done $0x0  }
0xd3: {  	[sflag:s24] =	ssyncadd.s32 $0xFFFFEC00  }
0xd4: {  	p0 =	seq.s32 s22, $0xF9;
	_ =	swait.ge [sflag:s24], $0x1400  }
0xd5: {  	s10 =	sshrl.u32 @!p0 s19, $0x3;
	[sflag:s24] =	ssyncset.done $0x0  }
0xd6: {  	s13 =	simm.s32 @!p0 $0x0;
	s12 =	sadd.s32 @!p0 s4, s10;
	[sflag:s24] =	ssyncadd.s32 $0xFFFFEC00  }
0xd7: {  	[tilespmem:s13], [sflag:$0x3] =	stream.linear.gather @!p0 [hbm4b:s12+s13], $0x28, $0x38;
	[tilespmem:$0x1CE80] =	vst v63  }
0xd8: {  	s12 =	simm.s32 @!p0 $0x3  }
0xd9: {  	_ =	swait.ge @!p0 [sflag:s12], $0x28  }
0xda: {  	[sflag:s12] =	ssyncset.done @!p0 $0x0  }
0xdb: {  	s14 =	simm.s32 @!p0 $0x100;
	s10 =	sadd.s32 @!p0 s5, s10;
	[sflag:s12] =	ssyncadd.s32 @!p0 $0xFFFFFFD8  }
0xdc: {  	[tilespmem:s14], [sflag:$0x3] =	stream.linear.gather @!p0 [hbm4b:s10+s13], $0x28, $0x38;
	[tilespmem:$0x1CE80] =	vst v63  }
0xdd: {  	_ =	swait.ge @!p0 [sflag:s12], $0x28  }
0xde: {  	[sflag:s12] =	ssyncset.done @!p0 $0x0  }
0xdf: {  	s10 =	simm.s32 @!p0 $0x28;
	[sflag:s12] =	ssyncadd.s32 @!p0 $0xFFFFFFD8;
	s12 =	simm.s32 @!p0 $0x280  }
0xe0: {  	[tilespmem:s12], [sflag:$0x1] =	stream.indirect.gather @!p0 [hbm4b:s7+s10], $0x80, s14, s10, $0xb8;
	[tilespmem:$0x1CE80] =	vst v63  }
0xe1: {  	s12 =	simm.s32 @!p0 $0x2A80  }
0xe2: {  	[tilespmem:s12], [sflag:$0x1] =	stream.indirect.gather @!p0 [hbm4b:s8+s10], $0x80, s13, s10, $0xb8;
	[tilespmem:$0x1CE80] =	vst v63  }
0xe3: {  	s10 =	sshll.u32 @!p0 s19, $0x4  }
0xe4: {  	s12 =	simm.s32 @!p0 $0x5280;
	s10 =	sadd.s32 @!p0 s6, s10  }
0xe5: {  	[tilespmem:s12], [sflag:$0x1] =	stream.linear.gather @!p0 [hbm4b:s10+s13], $0x1400, $0x38;
	[tilespmem:$0x1CE80] =	vst v63  }
0xe6: {  	s13 =	simm.s32 $0x0  }
0xe7: {  	v0 =	vld [tilespmem:s13+$0x16B0]  }
0xe8: {  	v1 =	vld [tilespmem:s13+$0x3EB0];
	_ =	sdelay $0x1  }
0xe9: {  	v2 =	vld [tilespmem:s13+$0x66B0];
	_ =	sdelay $0x1  }
0xea: {  	v3 =	vld [tilespmem:s13+$0x1680]  }
0xeb: {  	v4 =	vld [tilespmem:s13+$0x3E80];
	v0 =	vadd.f32 v1, v0  }
0xec: {  	v5 =	vld [tilespmem:s13+$0x1690]  }
0xed: {  	v6 =	vld [tilespmem:s13+$0x3E90];
	v0 =	vadd.f32 v2, v0  }
0xee: {  	v7 =	vld [tilespmem:s13+$0x3EA0]  }
0xef: {  	v8 =	vld [tilespmem:s13+$0x6680];
	v0 =	vsub.f32 $0.0e+00, v0  }
0xf0: {  	v1 =	vld [tilespmem:s13+$0x16A0]  }
0xf1: {  	v9 =	vld [tilespmem:s13+$0x6690];
	v0 =	vmul.f32 $1.442695020e+00, v0  }
0xf2: {  	v10 =	vld [tilespmem:s13+$0x66A0]  }
0xf3: {  	(erf) = vpow2.f32 v0;
	v0 =	vadd.f32 v4, v3  }
0xf4: {  	v4 =	vadd.f32 v6, v5  }
0xf5: {  	v1 =	vadd.f32 v7, v1;
	v0 =	vadd.f32 v8, v0  }
0xf6: {  	s10 =	simm.s32 $0x80;
	v11 =	vld [tilespmem:s13+$0x3EC0];
	v4 =	vadd.f32 v9, v4  }
0xf7: {  	v1 =	vadd.f32 v10, v1;
	v3 =	vld [tilespmem:s10+$0x16B0];
	v0 =	vsub.f32 $0.0e+00, v0  }
0xf8: {  	v5 =	vld [tilespmem:s10+$0x3EB0];
	v4 =	vsub.f32 $0.0e+00, v4  }
0xf9: {  	v12 =	vld [tilespmem:s13+$0x3ED0];
	v1 =	vsub.f32 $0.0e+00, v1;
	v0 =	vmul.f32 $1.442695020e+00, v0  }
0xfa: {  	v7 =	vld [tilespmem:s10+$0x66B0];
	v4 =	vmul.f32 $1.442695020e+00, v4  }
0xfb: {  	v13 =	vld [tilespmem:s10+$0x16A0];
	v1 =	vmul.f32 $1.442695020e+00, v1;
	(erf) = vpow2.f32 v0  }
0xfc: {  	v14 =	vld [tilespmem:s10+$0x3EA0];
	(erf) = vpow2.f32 v4  }
0xfd: {  	v15 =	vld [tilespmem:s10+$0x6680];
	(erf) = vpow2.f32 v1;
	v1 =	vadd.f32 v5, v3  }
0xfe: {  	v10 =	vld [tilespmem:s10+$0x3E90]  }
0xff: {  	v6 =	vld [tilespmem:s10+$0x1680];
	v0 =	vpop (erf);
	v5 =	vadd.f32 v7, v1  }
0x100: {  	v9 =	vld [tilespmem:s10+$0x1690];
	v0 =	vadd.f32 $1.000000000e+00, v0  }
0x101: {  	v8 =	vld [tilespmem:s10+$0x3E80];
	v5 =	vsub.f32 $0.0e+00, v5  }
0x102: {  	v3 =	vld [tilespmem:s10+$0x66A0];
	(erf) = vrcp.f32 v0  }
0x103: {  	s12 =	simm.s32 $0x100;
	v16 =	vld [tilespmem:s10+$0x6690];
	v5 =	vmul.f32 $1.442695020e+00, v5  }
0x104: {  	v17 =	vld [tilespmem:s12+$0x16B0]  }
0x105: {  	v19 =	vld [tilespmem:s12+$0x3EB0];
	v18 =	vpop (erf);
	(erf) = vpow2.f32 v5;
	v5 =	vadd.f32 v10, v9;
	v10 =	vadd.f32 v14, v13  }
0x106: {  	v20 =	vld [tilespmem:s12+$0x1680];
	v6 =	vadd.f32 v8, v6;
	v8 =	vadd.f32 $1.000000000e+00, v18;
	v58 =	vpop (erf)  }
0x107: {  	v7 =	vld [tilespmem:s13+$0x3EF0];
	v3 =	vadd.f32 v3, v10;
	v10 =	vadd.f32 $1.000000000e+00, v58  }
0x108: {  	v22 =	vld [tilespmem:s12+$0x66B0];
	(erf) = vrcp.f32 v8  }
0x109: {  	v4 =	vld [tilespmem:s10+$0x3EC0];
	v6 =	vadd.f32 v15, v6;
	v21 =	vpop (erf);
	(erf) = vrcp.f32 v10  }
0x10a: {  	v1 =	vld [tilespmem:s10+$0x3ED0];
	v5 =	vadd.f32 v16, v5  }
0x10b: {  	v6 =	vsub.f32 $0.0e+00, v6;
	v0 =	vld [tilespmem:s10+$0x3EE0];
	v8 =	vpop (erf);
	v3 =	vsub.f32 $0.0e+00, v3  }
0x10c: {  	v9 =	vld [tilespmem:s12+$0x3E80];
	v5 =	vsub.f32 $0.0e+00, v5;
	[tilespmem:s13+$0x7AF0] =	vst v8;
	v7 =	vmul.f32 v8, v7  }
0x10d: {  	v6 =	vmul.f32 $1.442695020e+00, v6;
	v8 =	vld [tilespmem:s12+$0x1690];
	v3 =	vmul.f32 $1.442695020e+00, v3  }
0x10e: {  	v13 =	vld [tilespmem:s12+$0x3E90];
	v5 =	vmul.f32 $1.442695020e+00, v5;
	[tilespmem:s13+$0x7AB0] =	vst v7  }
0x10f: {  	(erf) = vpow2.f32 v6;
	v7 =	vld [tilespmem:s12+$0x16A0]  }
0x110: {  	v61 =	vadd.f32 $1.000000000e+00, v21;
	v6 =	vadd.f32 v19, v17;
	v10 =	vld [tilespmem:s12+$0x3EA0];
	(erf) = vpow2.f32 v5;
	v15 =	vpop (erf)  }
0x111: {  	v14 =	vld [tilespmem:s12+$0x6680];
	(erf) = vpow2.f32 v3;
	v3 =	vpop (erf)  }
0x112: {  	v6 =	vadd.f32 v22, v6;
	v59 =	vld [tilespmem:s12+$0x6690];
	(erf) = vrcp.f32 v61;
	v62 =	vpop (erf)  }
0x113: {  	v60 =	vld [tilespmem:s12+$0x66A0];
	[tilespmem:s13+$0x7AC0] =	vst v3;
	v11 =	vmul.f32 v3, v11;
	v63 =	vmul.f32 v62, v12;
	v12 =	vadd.f32 $1.000000000e+00, v15  }
0x114: {  	v5 =	vld [tilespmem:s12+$0x3EC0]  }
0x115: {  	v9 =	vadd.f32 v9, v20;
	v3 =	vld [tilespmem:s12+$0x3ED0];
	[tilespmem:s13+$0x7A80] =	vst v11;
	v11 =	vsub.f32 $0.0e+00, v6;
	(erf) = vrcp.f32 v12;
	_ =	sdelay $0x1  }
0x116: {  	v9 =	vadd.f32 v14, v9;
	v15 =	vmul.f32 $1.442695020e+00, v11  }
0x117: {  	v2 =	vld [tilespmem:s13+$0x3EE0];
	v13 =	vadd.f32 v13, v8  }
0x118: {  	v10 =	vadd.f32 v10, v7;
	v7 =	vpop (erf);
	v6 =	vld [tilespmem:s12+$0x3EE0];
	[tilespmem:s13+$0x7AD0] =	vst v62;
	(erf) = vpow2.f32 v15  }
0x119: {  	s14 =	simm.s32 $0x180;
	v8 =	vld [tilespmem:s10+$0x3EF0];
	v11 =	vadd.f32 v59, v13;
	v12 =	vadd.f32 $1.000000000e+00, v7;
	[tilespmem:s13+$0x7A90] =	vst v63;
	v14 =	vpop (erf)  }
0x11a: {  	s15 =	simm.s32 $0x800;
	v10 =	vadd.f32 v60, v10;
	v13 =	vsub.f32 $0.0e+00, v9;
	v7 =	vld [tilespmem:s14+$0x16B0];
	v9 =	vpop (erf)  }
.LBB2_7:
0x11b: {  	p0 =	sne.s32 s15, $0x4E00;
	v15 =	vld [tilespmem:s14+$0x3EB0];
	v11 =	vsub.f32 $0.0e+00, v11;
	v18 =	vadd.f32 $1.000000000e+00, v14;
	(erf) = vrcp.f32 v12;
	v12 =	vpop (erf)  }
0x11c: {  	v9 =	vadd.f32 $1.000000000e+00, v9;
	v16 =	vld [tilespmem:s14+$0x1680];
	v13 =	vmul.f32 $1.442695020e+00, v13;
	v10 =	vsub.f32 $0.0e+00, v10;
	[tilespmem:s13+$0x7AE0] =	vst v12  }
0x11d: {  	v17 =	vld [tilespmem:s14+$0x66B0];
	v11 =	vmul.f32 $1.442695020e+00, v11;
	(erf) = vrcp.f32 v18;
	v14 =	vpop (erf)  }
0x11e: {  	v18 =	vld [tilespmem:s14+$0x3E80];
	v19 =	vmul.f32 $1.442695020e+00, v10;
	v8 =	vmul.f32 v14, v8;
	[tilespmem:s10+$0x7AF0] =	vst v14  }
0x11f: {  	v12 =	vmul.f32 v12, v2;
	v2 =	vmovc v0;
	v0 =	vmov v6;
	v14 =	vld [tilespmem:s14+$0x1690];
	(erf) = vpow2.f32 v13  }
0x120: {  	v6 =	vld [tilespmem:s14+$0x3E90];
	v7 =	vadd.f32 v15, v7;
	(erf) = vpow2.f32 v11;
	[tilespmem:s10+$0x7AB0] =	vst v8  }
0x121: {  	v8 =	vld [tilespmem:s14+$0x16A0];
	(erf) = vpow2.f32 v19;
	v10 =	vpop (erf);
	[tilespmem:s13+$0x7AA0] =	vst v12;
	s13 =	smov.u32 s10;
	s10 =	smov.u32 s12;
	s12 =	smov.u32 s14  }
0x122: {  	v11 =	vld [tilespmem:s12+$0x3EA0];
	v7 =	vadd.f32 v17, v7;
	v15 =	vadd.f32 $1.000000000e+00, v10;
	(erf) = vrcp.f32 v9  }
0x123: {  	v9 =	vadd.f32 v18, v16;
	v12 =	vld [tilespmem:s12+$0x6680]  }
0x124: {  	v13 =	vld [tilespmem:s12+$0x6690];
	v7 =	vsub.f32 $0.0e+00, v7;
	(erf) = vrcp.f32 v15;
	v10 =	vpop (erf)  }
0x125: {  	v14 =	vadd.f32 v6, v14;
	v15 =	vld [tilespmem:s12+$0x66A0];
	v6 =	vmul.f32 v10, v4;
	[tilespmem:s13+$0x7AC0] =	vst v10;
	v4 =	vmov v5  }
.Ltmp7:
0x126: {  	v5 =	vld [tilespmem:s12+$0x3EC0];
	v18 =	vmul.f32 $1.442695020e+00, v7;
	v10 =	vpop (erf);
	(pc) =	sbr.rel @p0 .LBB2_7-.Ltmp7, $4  }
0x127: {  	v16 =	vadd.f32 v11, v8;
	[tilespmem:s13+$0x7A80] =	vst v6;
	v17 =	vmul.f32 v10, v1;
	v1 =	vmov v3;
	v3 =	vld [tilespmem:s12+$0x3ED0]  }
0x128: {  	v19 =	vadd.f32 v12, v9;
	v6 =	vld [tilespmem:s12+$0x3EE0];
	(erf) = vpow2.f32 v18;
	v7 =	vpop (erf);
	[tilespmem:s13+$0x7AD0] =	vst v10  }
0x129: {  	s14 =	sshra.s32 s15, $0x2;
	v11 =	vadd.f32 v13, v14;
	v12 =	vadd.f32 $1.000000000e+00, v7;
	v8 =	vld [tilespmem:s10+$0x3EF0];
	v14 =	vpop (erf);
	[tilespmem:s13+$0x7A90] =	vst v17  }
0x12a: {  	s15 =	sadd.s32 $0x200, s15;
	v7 =	vld [tilespmem:s14+$0x16B0];
	v13 =	vsub.f32 $0.0e+00, v19;
	v10 =	vadd.f32 v15, v16;
	v9 =	vpop (erf)  }
0x12b: {  	v15 =	vld [tilespmem:s14+$0x3EB0];
	v16 =	vpop (erf)  }
0x12c: {  	v17 =	vld [tilespmem:s14+$0x1680];
	v14 =	vadd.f32 $1.000000000e+00, v14;
	(erf) = vrcp.f32 v12;
	[tilespmem:s13+$0x7AE0] =	vst v16  }
0x12d: {  	v11 =	vsub.f32 $0.0e+00, v11;
	v13 =	vmul.f32 $1.442695020e+00, v13;
	v2 =	vmul.f32 v16, v2;
	v18 =	vld [tilespmem:s14+$0x66B0];
	v19 =	vpop (erf)  }
0x12e: {  	v20 =	vld [tilespmem:s14+$0x3E80];
	(erf) = vrcp.f32 v14;
	[tilespmem:s10+$0x7AF0] =	vst v19;
	v8 =	vmul.f32 v19, v8  }
0x12f: {  	v11 =	vmul.f32 $1.442695020e+00, v11;
	(erf) = vpow2.f32 v13;
	v62 =	vld [tilespmem:s14+$0x1690]  }
0x130: {  	v63 =	vld [tilespmem:s14+$0x3E90];
	[tilespmem:s10+$0x7AB0] =	vst v8  }
0x131: {  	(erf) = vpow2.f32 v11;
	v8 =	vld [tilespmem:s14+$0x16A0];
	[tilespmem:s13+$0x7AA0] =	vst v2  }
0x132: {  	v19 =	vsub.f32 $0.0e+00, v10;
	v7 =	vadd.f32 v15, v7;
	v21 =	vld [tilespmem:s14+$0x3EA0]  }
0x133: {  	v22 =	vld [tilespmem:s14+$0x6680]  }
0x134: {  	v2 =	vmul.f32 $1.442695020e+00, v19;
	v23 =	vld [tilespmem:s14+$0x6690];
	v7 =	vadd.f32 v18, v7  }
0x135: {  	v9 =	vadd.f32 $1.000000000e+00, v9;
	v24 =	vpop (erf);
	v27 =	vld [tilespmem:s14+$0x66A0]  }
0x136: {  	v26 =	vadd.f32 v20, v17;
	(erf) = vpow2.f32 v2;
	v7 =	vsub.f32 $0.0e+00, v7;
	v28 =	vpop (erf)  }
0x137: {  	v25 =	vadd.f32 $1.000000000e+00, v24;
	(erf) = vrcp.f32 v9;
	v12 =	vadd.f32 v63, v62;
	v29 =	vpop (erf)  }
0x138: {  	v7 =	vmul.f32 $1.442695020e+00, v7;
	v11 =	vadd.f32 v22, v26;
	v8 =	vadd.f32 v21, v8;
	v30 =	vpop (erf)  }
0x139: {  	(erf) = vrcp.f32 v25;
	v12 =	vadd.f32 v23, v12;
	v31 =	vadd.f32 $1.000000000e+00, v30  }
0x13a: {  	v32 =	vpop (erf);
	(erf) = vpow2.f32 v7;
	v11 =	vsub.f32 $0.0e+00, v11;
	v34 =	vadd.f32 v27, v8  }
0x13b: {  	v4 =	vmul.f32 v28, v4;
	[tilespmem:s10+$0x7AC0] =	vst v28;
	v35 =	vadd.f32 $1.000000000e+00, v32;
	v12 =	vsub.f32 $0.0e+00, v12  }
0x13c: {  	v33 =	vld [tilespmem:s14+$0x3EC0];
	(erf) = vrcp.f32 v31;
	v37 =	vmul.f32 $1.442695020e+00, v11  }
0x13d: {  	v36 =	vld [tilespmem:s14+$0x3ED0];
	[tilespmem:s10+$0x7A80] =	vst v4;
	(erf) = vrcp.f32 v35;
	v7 =	vsub.f32 $0.0e+00, v34;
	v38 =	vmul.f32 $1.442695020e+00, v12  }
0x13e: {  	v4 =	vld [tilespmem:s14+$0x3EE0];
	[tilespmem:s10+$0x7AD0] =	vst v29;
	(erf) = vpow2.f32 v37  }
0x13f: {  	v39 =	vld [tilespmem:s12+$0x3EF0];
	v7 =	vmul.f32 $1.442695020e+00, v7;
	(erf) = vpow2.f32 v38  }
0x140: {  	v40 =	vpop (erf)  }
0x141: {  	v1 =	vmul.f32 v29, v1;
	v41 =	vpop (erf);
	(erf) = vpow2.f32 v7  }
0x142: {  	v42 =	vpop (erf)  }
0x143: {  	[tilespmem:s10+$0x7A90] =	vst v1;
	v43 =	vadd.f32 $1.000000000e+00, v40;
	v44 =	vpop (erf)  }
0x144: {  	[tilespmem:s10+$0x7AE0] =	vst v41;
	v9 =	vmul.f32 v42, v39;
	v8 =	vadd.f32 $1.000000000e+00, v44  }
0x145: {  	v0 =	vmul.f32 v41, v0;
	[tilespmem:s12+$0x7AF0] =	vst v42;
	(erf) = vrcp.f32 v43;
	v45 =	vpop (erf)  }
0x146: {  	[tilespmem:s12+$0x7AB0] =	vst v9;
	v46 =	vpop (erf);
	(erf) = vrcp.f32 v8  }
0x147: {  	[tilespmem:s10+$0x7AA0] =	vst v0;
	v47 =	vpop (erf)  }
0x148: {  	v48 =	vmul.f32 v45, v5;
	[tilespmem:s12+$0x7AC0] =	vst v45;
	v2 =	vadd.f32 $1.000000000e+00, v47;
	v49 =	vpop (erf)  }
0x149: {  	[tilespmem:s12+$0x7AD0] =	vst v46;
	v50 =	vadd.f32 $1.000000000e+00, v49  }
0x14a: {  	[tilespmem:s12+$0x7A80] =	vst v48;
	v51 =	vpop (erf);
	(erf) = vrcp.f32 v2  }
0x14b: {  	v52 =	vld [tilespmem:s14+$0x3EF0];
	v2 =	vadd.f32 $1.000000000e+00, v51;
	(erf) = vrcp.f32 v50;
	_ =	sdelay $0x1  }
0x14c: {  	v53 =	vmul.f32 v46, v3;
	(erf) = vrcp.f32 v2  }
0x14d: {  	v54 =	vpop (erf)  }
0x14e: {  	[tilespmem:s12+$0x7A90] =	vst v53;
	v55 =	vpop (erf)  }
0x14f: {  	[tilespmem:s12+$0x7AE0] =	vst v54;
	v56 =	vmul.f32 v55, v52  }
0x150: {  	v57 =	vmul.f32 v54, v6;
	[tilespmem:s14+$0x7AF0] =	vst v55  }
0x151: {  	[tilespmem:s14+$0x7AB0] =	vst v56  }
0x152: {  	[tilespmem:s12+$0x7AA0] =	vst v57;
	v58 =	vpop (erf)  }
0x153: {  	v59 =	vmul.f32 v58, v33;
	[tilespmem:s14+$0x7AC0] =	vst v58;
	v60 =	vpop (erf)  }
.Ltmp8:
0x154: {  	[tilespmem:s14+$0x7AD0] =	vst v60;
	(pc) =	sbr.rel .LBB2_9-.Ltmp8, $4  }
0x155: {  	v61 =	vmul.f32 v60, v36;
	v62 =	vpop (erf);
	[tilespmem:s14+$0x7A80] =	vst v59  }
0x156: {  	v63 =	vmul.f32 v62, v4;
	[tilespmem:s14+$0x7AE0] =	vst v62  }
0x157: {  	[tilespmem:s14+$0x7A90] =	vst v61  }
0x158: {  	[tilespmem:s14+$0x7AA0] =	vst v63  }
.LBB2_11:
0x159: {  	_ =	sfence.sel $0x180000  }
0x15a: {  	[bflag:$0x0] =	sbarrier.arrive $0xFFFF  }
0x15b: {  	_ =	strace $0x9000004D  }
0x15c: {  	s0 =	stileid.u32;
	[bflag:$0x2] =	sbarrier.arrive $0xFFFF  }
0x15d: {  	p0 =	sne.s32 s0, $0x0;
	s0 =	rddreg [dreg:$0x2]  }
0x15e: {  	s0 =	sadd.s32 @!p0 $0x100000, s0  }
0x15f: {  	[sflag:s0] =	ssyncadd.tile.s32 @!p0 $0x1;
	_ =	shalt  }
.Lfunc_end2:
_tile_overlayer_lowered:
.L_overlay_start_2:
0x160: {  	(tag) =	ssettag $0x2  }
0x161: {  	s0 =	rddreg [dreg:$0x0];
	s2 =	stileid.u32  }
0x162: {  	s1 =	rddreg [dreg:$0x1];
	p0 =	sne.s32 s2, $0x0  }
0x163: {  	s3 =	rddreg [dreg:$0x2];
	[bflag:$0x3] =	sbarrier.arrive $0xFFFF;
	s2 =	simm.s32 @!p0 $0x1C03  }
0x164: {  	[timem:s3], [sflag:s2] =	dma.local @!p0 [hbm:s0], s1  }
0x165: {  	s0 =	simm.s32 @!p0 $0x3  }
0x166: {  	_ =	swait.ge @!p0 [sflag:s0], s1  }
0x167: {  	s1 =	ssub.s32 @!p0 $0x0, s1;
	[sflag:s0] =	ssyncset.done @!p0 $0x0  }
0x168: {  	[sflag:s0] =	ssyncadd.s32 @!p0 s1  }
0x169: {  	[bflag:$0x3] =	sbarrier.arrive $0xFFFF  }
0x16a: {  	_ =	shalt  }

// kernel: kernel.14.cloned.1.call-start
scs
__scs_entry_jumppad:
0x0: {  	(pc) =	sbr.rel $0x88, $3  }
0x1: {  	(tag) =	ssettag $0x0;
	lr =	simm.s32 $0x1  }
0x2: {  	[smem:$0x3F8D] =	sst lr;
	_ =	strace $0xD0000000  }
0x3: {  	_ = 	snop  }
0x4: {  	_ = 	snop  }
0x5: {  	_ = 	snop  }
0x6: {  	_ = 	snop  }
0x7: {  	_ = 	snop  }
__scs_overlays_trampoline_lowered:
0x8: {  	[smem:$0x3F9C] =	sst s0  }
0x9: {  	[smem:$0x3F9D] =	sst s1  }
0xa: {  	[smem:$0x3F9E] =	sst s2  }
0xb: {  	[smem:$0x3F9F] =	sst s3  }
0xc: {  	[smem:$0x3FA0] =	sst s4  }
0xd: {  	[smem:$0x3FA1] =	sst s5  }
0xe: {  	[smem:$0x3FA2] =	sst s6  }
0xf: {  	[smem:$0x3FA3] =	sst s7  }
0x10: {  	[smem:$0x3FA4] =	sst s8  }
0x11: {  	[smem:$0x3FA5] =	sst s9;
	s0 =	simm.s32 @!p0 $0x0  }
0x12: {  	s1 =	sld [smem:$0x3F8B];
	s0 =	simm.s32 @p0 $0x1  }
0x13: {  	[smem:$0x3FA6] =	sst s0;
	s0 =	simm.s32 @!p1 $0x0  }
0x14: {  	s2 =	sld [smem:$0x3F8A];
	s0 =	simm.s32 @p1 $0x1  }
0x15: {  	[smem:$0x3FA7] =	sst s0;
	s0 =	simm.s32 @!p2 $0x0  }
0x16: {  	s3 =	sld [smem:$0x3FDB];
	s0 =	simm.s32 @p2 $0x1  }
0x17: {  	s4 =	simm.s32 $0x1BF5;
	[smem:$0x3FA9] =	sst s0  }
0x18: {  	s0 =	sld [smem:$0x3F8C];
	_ =	swait.ge [sflag:s4], $0x0  }
0x19: {  	s7 =	sld [smem:$0x3F8D]  }
0x1a: {  	s8 =	sadd.s32 $0xFFFFE003, lr  }
0x1b: {  	s9 =	sadd.s32 $0xFFFFFEF7, lr;
	s5 =	simm.s32 $0xFFFFFFFF;
	p2 =	slt.u32 s8, $0xFFFFF086  }
0x1c: {  	p1 =	slt.u32 s9, $0xF7A;
	s5 =	simm.s32 @!p2 $0x0  }
0x1d: {  	s5 =	simm.s32 @p1 $0x1;
	p0 =	seq.s32 s7, s2  }
0x1e: {  	s7 =	smul.u32 @!p0 $0xF7A, s2;
	p2 =	seq.s32 @!p0 s5, $0x0  }
0x1f: {  	s9 =	smul.u32 $0xF7A, s1;
	s8 =	simm.s32 @!p0 $0x1BF5;
	p2 =	por !p2, p0  }
0x20: {  	[sflag:s8] =	ssyncset.s32 @!p0 $0xFFFFF086;
	s6 =	sadd.s32 @!p0 s3, s7;
	s7 =	simm.s32 @!p0 $0x108  }
0x21: {  	s3 =	sadd.s32 s3, s9;
	s6 =	sadd.s32 @!p0 $0x88, s6;
	s7 =	simm.s32 @p2 $0x1082  }
0x22: {  	[simem:s7], [sflag:s8] =	dma.local @!p0 [hbm:s6], $0xF7A  }
0x23: {  	s9 =	sor.u32 $0xD0000000, s2;
	s6 =	simm.s32 $0x108;
	_ =	swait.ge @!p0 [sflag:s8], $0x0  }
0x24: {  	s3 =	sadd.s32 $0x88, s3;
	s6 =	simm.s32 @!p1 $0x1082;
	[sflag:s4] =	ssyncset.s32 $0xFFFFF086  }
0x25: {  	[simem:s6], [sflag:s4] =	dma.local [hbm:s3], $0xF7A  }
0x26: {  	[smem:$0x3F8D] =	sst s1;
	(tag) =	ssettag s2;
	_ =	strace s9  }
0x27: {  	s1 =	sld [smem:$0x3F9D]  }
0x28: {  	s2 =	sld [smem:$0x3F9E]  }
0x29: {  	s4 =	sld [smem:$0x3FA0]  }
0x2a: {  	p0 =	seq.s32 s5, $0x0;
	s5 =	sld [smem:$0x3FA1]  }
0x2b: {  	s6 =	sld [smem:$0x3FA2]  }
0x2c: {  	s7 =	sld [smem:$0x3FA3]  }
0x2d: {  	s3 =	simm.s32 $0x108;
	s8 =	sld [smem:$0x3FA4]  }
0x2e: {  	s3 =	simm.s32 @!p0 $0x1082;
	s9 =	sld [smem:$0x3FA5]  }
0x2f: {  	lr =	sadd.s32 s0, s3;
	s0 =	sld [smem:$0x3F9C]  }
0x30: {  	s3 =	sld [smem:$0x3F9F]  }
0x31: {  	[smem:$0x3FA8] =	sst s10  }
0x32: {  	s10 =	sld [smem:$0x3FA6];
	_ =	sdelay $0x3  }
0x33: {  	p0 =	seq.s32 s10, $0x1;
	s10 =	sld [smem:$0x3FA8];
	_ =	sdelay $0x3  }
0x34: {  	[smem:$0x3FA8] =	sst s10  }
0x35: {  	s10 =	sld [smem:$0x3FA7];
	_ =	sdelay $0x3  }
0x36: {  	p1 =	seq.s32 s10, $0x1;
	s10 =	sld [smem:$0x3FA8];
	_ =	sdelay $0x3  }
0x37: {  	[smem:$0x3FA8] =	sst s10  }
0x38: {  	s10 =	sld [smem:$0x3FA9]  }
0x39: {  	_ = 	snop;
	(pc) =	sbr.ind lr, $3  }
0x3a: {  	_ = 	snop  }
0x3b: {  	_ = 	snop  }
0x3c: {  	p2 =	seq.s32 s10, $0x1;
	s10 =	sld [smem:$0x3FA8]  }
0x3d: {  	_ =	shalt  }
0x3e: {  	_ =	shalt  }
0x3f: {  	_ =	shalt  }
0x40: {  	_ =	shalt  }
0x41: {  	_ =	shalt  }
0x42: {  	_ =	shalt  }
0x43: {  	_ =	shalt  }
0x44: {  	_ =	shalt  }
0x45: {  	_ =	shalt  }
0x46: {  	_ =	shalt  }
0x47: {  	_ =	shalt  }
0x48: {  	_ =	shalt  }
0x49: {  	_ =	shalt  }
0x4a: {  	_ =	shalt  }
0x4b: {  	_ =	shalt  }
0x4c: {  	_ =	shalt  }
0x4d: {  	_ =	shalt  }
0x4e: {  	_ =	shalt  }
0x4f: {  	_ =	shalt  }
0x50: {  	_ =	shalt  }
0x51: {  	_ =	shalt  }
0x52: {  	_ =	shalt  }
0x53: {  	_ =	shalt  }
0x54: {  	_ =	shalt  }
0x55: {  	_ =	shalt  }
0x56: {  	_ =	shalt  }
0x57: {  	_ =	shalt  }
0x58: {  	_ =	shalt  }
0x59: {  	_ =	shalt  }
0x5a: {  	_ =	shalt  }
0x5b: {  	_ =	shalt  }
0x5c: {  	_ =	shalt  }
0x5d: {  	_ =	shalt  }
0x5e: {  	_ =	shalt  }
0x5f: {  	_ =	shalt  }
0x60: {  	_ =	shalt  }
0x61: {  	_ =	shalt  }
0x62: {  	_ =	shalt  }
0x63: {  	_ =	shalt  }
0x64: {  	_ =	shalt  }
0x65: {  	_ =	shalt  }
0x66: {  	_ =	shalt  }
0x67: {  	_ =	shalt  }
0x68: {  	_ =	shalt  }
0x69: {  	_ =	shalt  }
0x6a: {  	_ =	shalt  }
0x6b: {  	_ =	shalt  }
0x6c: {  	_ =	shalt  }
0x6d: {  	_ =	shalt  }
0x6e: {  	_ =	shalt  }
0x6f: {  	_ =	shalt  }
0x70: {  	_ =	shalt  }
0x71: {  	_ =	shalt  }
0x72: {  	_ =	shalt  }
0x73: {  	_ =	shalt  }
0x74: {  	_ =	shalt  }
0x75: {  	_ =	shalt  }
0x76: {  	_ =	shalt  }
0x77: {  	_ =	shalt  }
0x78: {  	_ =	shalt  }
0x79: {  	_ =	shalt  }
0x7a: {  	_ =	shalt  }
0x7b: {  	_ =	shalt  }
0x7c: {  	_ =	shalt  }
0x7d: {  	_ =	shalt  }
0x7e: {  	_ =	shalt  }
0x7f: {  	_ =	shalt  }
0x80: {  	_ =	shalt  }
0x81: {  	_ =	shalt  }
0x82: {  	_ =	shalt  }
0x83: {  	_ =	shalt  }
0x84: {  	_ =	shalt  }
0x85: {  	_ =	shalt  }
0x86: {  	_ =	shalt  }
0x87: {  	_ =	shalt  }
.Lfunc_end0:
.L_simem_size_0:
called_computation.2_lowered:
.L_overlay_start_0:
0x88: {  	s2 =	sld [smem:$0x3FD9]  }
0x89: {  	s3 =	sld [smem:$0x3FFE];
	_ =	sdelay $0x1  }
0x8a: {  	s1 =	srdreg.scid  }
0x8b: {  	s0 =	sand.u32 $0x1, s1  }
0x8c: {  	s16 =	sshll.u32 s0, $0xA;
	s2 =	sadd.s32 s3, s2  }
0x8d: {  	s2 =	sadd.s32 s2, s16  }
0x8e: {  	[smem:$0x3FB4] =	sst s2  }
0x8f: {  	_ = 	snop  }
0x90: {  	(tm) =	ssettm $0x1  }
0x91: {  	s17 =	sld [smem:$0x3FFB];
	_ =	sdelay $0x3  }
0x92: {  	_ =	strace s17  }
0x93: {  	s2 =	sld [smem:$0x3FFC];
	_ =	sdelay $0x3  }
0x94: {  	_ =	strace s2  }
0x95: {  	s2 =	sld [smem:$0x3FFD];
	_ =	sdelay $0x3  }
0x96: {  	_ =	strace s2  }
0x97: {  	_ =	strace $0x8FFFFFFF  }
0x98: {  	s18 =	sld [smem:$0x3FDB];
	_ =	sdelay $0x1  }
0x99: {  	s19 =	simm.s32 $_scs_section_size  }
0x9a: {  	s4 =	simm.s32 $_size__tile_overlayer_lowered;
	s5 =	simm.s32 $_tile_overlayer_lowered  }
0x9b: {  	s22 =	simm.s32 $0x1BFF;
	s21 =	sshll.u32 s5, $0x1;
	s2 =	sadd.s32 s19, s18  }
0x9c: {  	s6 =	simm.s32 $0x0;
	s20 =	sshll.u32 s4, $0x1;
	s4 =	sadd.s32 s21, s2  }
0x9d: {  	[timem:s6], [sflag:s22] =	dma.local [hbm:s4], s20  }
0x9e: {  	_ =	swait.ge [sflag:s22], s20  }
0x9f: {  	s3 =	ssub.s32 $0x0, s20;
	[sflag:s22] =	ssyncset.done $0x0  }
0xa0: {  	[sflag:s22] =	ssyncadd.s32 s3;
	_ =	sdelay $0x1  }
0xa1: {  	s23 =	simm.s32 $0x1B8B  }
0xa2: {  	_ =	swait.ge [sflag:s23], $0x1  }
0xa3: {  	[sflag:s23] =	ssyncset.done $0x0  }
0xa4: {  	s25 =	simm.s32 $0x1B8E;
	s24 =	sld [smem:$0x3FFE];
	[sflag:s23] =	ssyncadd.s32 $0xFFFFFFFF  }
0xa5: {  	s26 =	simm.s32 $execute0_lowered;
	[smem:$0x3FD2] =	sst s25  }
0xa6: {  	s4 =	sshll.u32 s26, $0x1;
	_ =	strace $0x80000049;
	[dreg:$0x1] =	wrdreg $0xFFFFFFFF  }
0xa7: {  	s28 =	simm.s32 $_size_execute0_lowered;
	s2 =	sadd.s32 s2, s4;
	[dreg:$0x0] =	wrdreg $0x0  }
0xa8: {  	s4 =	sshll.u32 s28, $0x1;
	[dreg:$0x2] =	wrdreg s2  }
0xa9: {  	[dreg:$0x3] =	wrdreg s4  }
0xaa: {  	[dreg:$0x4] =	wrdreg $0xC0  }
0xab: {  	_ =	task [dreg:s6], $0x5FFFF  }
0xac: {  	[dreg:$0x1] =	wrdreg $0xFFFFFFFF  }
0xad: {  	[dreg:$0x0] =	wrdreg $0x60  }
0xae: {  	[dreg:$0x2] =	wrdreg s24  }
0xaf: {  	[dreg:$0x3] =	wrdreg $0x8E800  }
0xb0: {  	[dreg:$0x4] =	wrdreg $0xA  }
0xb1: {  	_ =	task.clear_ibuf [dreg:s6], $0x5FFFF;
	_ =	strace $0x90000049  }
0xb2: {  	s29 =	simm.s32 $0xA;
	_ =	strace $0x8000004B  }
0xb3: {  	_ =	swait.ge [sflag:s29], $0x1  }
0xb4: {  	[sflag:s29] =	ssyncadd.s32 $0xFFFFFFFF  }
0xb5: {  	_ =	strace $0x9000004B  }
0xb6: {  	_ =	sfence  }
0xb7: {  	s30 =	sld [smem:$0x0];
	_ =	sdelay $0x2  }
0xb8: {  	s31 =	sshll.u32 s1, $0xD;
	s1 =	sshrl.u32 s1, $0x2  }
0xb9: {  	s3 =	sand.u32 $0x4000, s31;
	s1 =	sadd.s32 s1, s30  }
0xba: {  	s0 =	sor.u32 s3, s0;
	s1 =	sshll.u32 s1, $0x11  }
0xbb: {  	s0 =	sor.u32 s1, s0  }
0xbc: {  	s0 =	sadd.s32 $0x8F2B, s0  }
0xbd: {  	[sflag:s0] =	ssyncadd.remote.s32 $0x1  }
0xbe: {  	_ =	sfence.sel $0xFFFF  }
0xbf: {  	[dreg:$0x0] =	wrdreg $0xFFFFFFFF;
	(pc) =	sbr.abs _section_cstart, $3  }
0xc0: {  	[dreg:$0x1] =	wrdreg $0xFFFFFFFF  }
0xc1: {  	_ =	task.clear_ibuf [dreg:s6], $0x2FFFF;
	_ =	strace $0x9FFFFFFF  }
0xc2: {  	(tm) =	ssettm $0x7FFFFFFF  }
0xc3: {  	_ =	shalt  }
tec
execute0_lowered:
.L_overlay_start_1:
0x0: {  	(tag) =	ssettag $0x1  }
0x1: {  	s0 =	rddreg [dreg:$0x0]  }
0x2: {  	s2 =	rddreg [dreg:$0x1]  }
0x3: {  	s3 =	simm.s32 $0x0;
	s15 =	stileid.u32;
	s6 =	srdreg.scid  }
0x4: {  	s28 =	simm.s32 $0x1;
	s29 =	simm.s32 $0x80;
	s30 =	simm.s32 $0x180  }
0x5: {  	s31 =	simm.s32 $0x1680;
	[smem:$0x7FF] =	sst s3;
	s1 =	smul.u32 $0x14000, s15  }
0x6: {  	s4 =	sadd.s32 $0x4E5600, s0;
	s5 =	sadd.s32 $0x4EF400, s0;
	s9 =	sand.u32 $0x1, s6  }
0x7: {  	s6 =	sadd.s32 $0x9DBA00, s0;
	s7 =	sadd.s32 $0x2B600, s0;
	s8 =	sadd.s32 $0x7BA00, s0  }
0x8: {  	s18 =	sshll.u32 s15, $0x1;
	s12 =	smul.u32 $0x50000, s15;
	s20 =	sshll.u32 s15, $0x6  }
0x9: {  	_ =	strace $0x8000004A;
	s11 =	smul.u32 $0x140000, s9;
	s13 =	ssub.s32 $0x2, s9  }
0xa: {  	s10 =	sshrl.u32 s1, $0x3;
	s14 =	sshrl.u32 s13, $0x1;
	s12 =	sshrl.u32 s12, $0x2  }
0xb: {  	s10 =	sadd.s32 s10, s0;
	s1 =	sadd.s32 s1, s11;
	s11 =	sor.u32 s9, s18  }
0xc: {  	s19 =	ssub.s32 s13, s14;
	s12 =	sadd.s32 s12, s2;
	s9 =	smul.u32 $0x2710, s11  }
0xd: {  	s18 =	simm.s32 $0x3;
	s1 =	sshrl.u32 s1, $0x3;
	s22 =	smul.u32 $0x27100, s11  }
0xe: {  	s10 =	sadd.s32 $0x3600, s10;
	s11 =	sor.u32 $0x1C03, s20;
	s26 =	smax.u32 s19, $0x1  }
0xf: {  	s17 =	sshrl.u32 s12, $0x3;
	s20 =	simm.s32 $0x28;
	[dreg:$0x3] =	wrdreg s10  }
0x10: {  	s0 =	sadd.s32 s1, s0;
	[dreg:$0x8] =	wrdreg s26;
	s26 =	simm.s32 $0x7A80  }
.Ltmp0:
0x11: {  	s1 =	simm.s32 $0x6680;
	s25 =	sadd.s32 s6, s22;
	(pc) =	sbr.rel .LBB2_1-.Ltmp0, $4  }
0x12: {  	s21 =	sshrl.u32 s9, $0x3;
	s0 =	sadd.s32 $0xCAC00, s0;
	[dreg:$0x6] =	wrdreg s25  }
0x13: {  	s23 =	sadd.s32 s4, s21;
	s24 =	sadd.s32 s5, s21;
	[dreg:$0x7] =	wrdreg s0  }
0x14: {  	s25 =	simm.s32 $0x200;
	s0 =	simm.s32 $0x3E80;
	[dreg:$0x4] =	wrdreg s23  }
0x15: {  	s21 =	simm.s32 $0x0;
	[dreg:$0x5] =	wrdreg s24;
	s24 =	simm.s32 $0x2  }
.LBB2_10:
0x16: {  	[bflag:$0x0] =	sbarrier.arrive $0xFFFF  }
0x17: {  	s10 =	rddreg [dreg:$0x7]  }
0x18: {  	[hbm:s10], [sflag:s11] =	dma.local [spmem:s17], $0x2800  }
0x19: {  	_ =	swait.ge [sflag:s18], $0x2800  }
0x1a: {  	s21 =	sadd.s32 $0x1, s21;
	s23 =	rddreg [dreg:$0x8]  }
0x1b: {  	p0 =	sne.s32 s21, s23  }
.Ltmp1:
0x1c: {  	_ = 	snop;
	(pc) =	sbr.rel @!p0 .LBB2_11-.Ltmp1, $3  }
0x1d: {  	_ =	sdelay $0x1  }
0x1e: {  	[sflag:s18] =	ssyncset.done $0x0  }
0x1f: {  	[sflag:s18] =	ssyncadd.s32 $0xFFFFD800  }
.LBB2_1:
0x20: {  	s10 =	rddreg [dreg:$0x3]  }
0x21: {  	[spmem:s17], [sflag:s11] =	dma.local [hbm:s10], $0x2800  }
0x22: {  	_ =	swait.ge [sflag:s18], $0x2800  }
0x23: {  	[sflag:s18] =	ssyncset.done $0x0  }
0x24: {  	[sflag:s18] =	ssyncadd.s32 $0xFFFFD800  }
0x25: {  	[bflag:$0x0] =	sbarrier.arrive $0xFFFF  }
0x26: {  	s14 =	rddreg [dreg:$0x4]  }
0x27: {  	[tilespmem:s3], [sflag:$0x3] =	stream.linear.gather [hbm4b:s14+s3], $0x28, $0x38;
	[tilespmem:$0x1CE80] =	vst v63  }
0x28: {  	_ =	swait.ge [sflag:s18], $0x28  }
0x29: {  	[sflag:s18] =	ssyncset.done $0x0  }
0x2a: {  	s12 =	simm.s32 $0x100;
	s15 =	rddreg [dreg:$0x5];
	[sflag:s18] =	ssyncadd.s32 $0xFFFFFFD8  }
0x2b: {  	[tilespmem:s12], [sflag:$0x3] =	stream.linear.gather [hbm4b:s15+s3], $0x28, $0x38;
	[tilespmem:$0x1CE80] =	vst v63  }
0x2c: {  	_ =	swait.ge [sflag:s18], $0x28  }
0x2d: {  	[sflag:s18] =	ssyncset.done $0x0  }
0x2e: {  	s16 =	simm.s32 $0x280;
	[sflag:s18] =	ssyncadd.s32 $0xFFFFFFD8  }
0x2f: {  	[tilespmem:s16], [sflag:$0x1] =	stream.indirect.gather [hbm4b:s7+s20], $0x80, s12, s20, $0xb8;
	[tilespmem:$0x1CE80] =	vst v63  }
.Ltmp2:
0x30: {  	s19 =	simm.s32 $0x2A80;
	(pc) =	sbr.rel .LBB2_2-.Ltmp2, $4  }
0x31: {  	[tilespmem:s19], [sflag:$0x1] =	stream.indirect.gather [hbm4b:s8+s20], $0x80, s3, s20, $0xb8;
	[tilespmem:$0x1CE80] =	vst v63  }
0x32: {  	s23 =	simm.s32 $0x5280;
	s22 =	rddreg [dreg:$0x6]  }
0x33: {  	[tilespmem:s23], [sflag:$0x1] =	stream.linear.gather [hbm4b:s22+s3], $0x1400, $0x38;
	[tilespmem:$0x1CE80] =	vst v63  }
0x34: {  	s22 =	simm.s32 $0x0  }
.LBB2_9:
0x35: {  	s10 =	sshrl.u32 s23, $0x3  }
0x36: {  	s10 =	sadd.s32 s5, s10  }
0x37: {  	[tilespmem:s25], [sflag:$0x3] =	stream.linear.gather [hbm4b:s10+s3], $0x28, $0x38;
	[tilespmem:$0x1CE80] =	vst v63  }
0x38: {  	s22 =	sadd.s32 $0x1, s22;
	_ =	swait.ge [sflag:s18], $0x28  }
0x39: {  	p0 =	sne.s32 s22, $0xFA;
	[sflag:s18] =	ssyncset.done $0x0  }
.Ltmp3:
0x3a: {  	[sflag:s18] =	ssyncadd.s32 $0xFFFFFFD8;
	(pc) =	sbr.rel @!p0 .LBB2_10-.Ltmp3, $4  }
0x3b: {  	[spmem:s2] =	stream.indirect.scatter.add.f32 [tilespmem:s26], [sflag:$0x3], $0x80, s25, s20, $0xb8;
	[tilespmem:$0x1CE80] =	vst v63  }
0x3c: {  	_ =	swait.ge [sflag:s18], $0x1400  }
0x3d: {  	[sflag:s18] =	ssyncset.done $0x0  }
0x3e: {  	[sflag:s18] =	ssyncadd.s32 $0xFFFFEC00  }
.LBB2_2:
0x3f: {  	s10 =	sand.u32 $0x1, s22  }
0x40: {  	p0 =	seq.s32 s10, $0x1  }
.Ltmp4:
0x41: {  	_ = 	snop;
	(pc) =	sbr.rel @p0 .LBB2_6-.Ltmp4, $3  }
0x42: {  	s12 =	smul.u32 $0x28, s22;
	_ =	sdelay $0x1  }
0x43: {  	s23 =	sadd.s32 s9, s12  }
0x44: {  	s19 =	sadd.s32 $0x28, s23  }
0x45: {  	_ =	swait.ge [sflag:s28], $0x1400  }
0x46: {  	[sflag:s28] =	ssyncset.done $0x0  }
0x47: {  	[sflag:s28] =	ssyncadd.s32 $0xFFFFEC00  }
0x48: {  	_ =	swait.ge [sflag:s28], $0x1400  }
0x49: {  	[sflag:s28] =	ssyncset.done $0x0  }
0x4a: {  	[sflag:s28] =	ssyncadd.s32 $0xFFFFEC00  }
0x4b: {  	_ =	swait.ge [sflag:s28], $0x1400  }
0x4c: {  	s12 =	sshrl.u32 s19, $0x3;
	[sflag:s28] =	ssyncset.done $0x0  }
0x4d: {  	s13 =	sadd.s32 s4, s12;
	[sflag:s28] =	ssyncadd.s32 $0xFFFFEC00  }
0x4e: {  	[tilespmem:s29], [sflag:$0x3] =	stream.linear.gather [hbm4b:s13+s3], $0x28, $0x38;
	[tilespmem:$0x1CE80] =	vst v63  }
0x4f: {  	_ =	swait.ge [sflag:s18], $0x28  }
0x50: {  	[sflag:s18] =	ssyncset.done $0x0  }
0x51: {  	s12 =	sadd.s32 s5, s12;
	[sflag:s18] =	ssyncadd.s32 $0xFFFFFFD8  }
0x52: {  	[tilespmem:s30], [sflag:$0x3] =	stream.linear.gather [hbm4b:s12+s3], $0x28, $0x38;
	[tilespmem:$0x1CE80] =	vst v63  }
0x53: {  	_ =	swait.ge [sflag:s18], $0x28  }
0x54: {  	[sflag:s18] =	ssyncset.done $0x0  }
0x55: {  	[sflag:s18] =	ssyncadd.s32 $0xFFFFFFD8  }
0x56: {  	[tilespmem:s31], [sflag:$0x2] =	stream.indirect.gather [hbm4b:s7+s20], $0x80, s30, s20, $0xb8;
	[tilespmem:$0x1CE80] =	vst v63  }
0x57: {  	s16 =	sshll.u32 s19, $0x4  }
0x58: {  	[tilespmem:s0], [sflag:$0x2] =	stream.indirect.gather [hbm4b:s8+s20], $0x80, s29, s20, $0xb8;
	[tilespmem:$0x1CE80] =	vst v63  }
0x59: {  	s14 =	simm.s32 $0x70;
	s12 =	sadd.s32 s6, s16  }
0x5a: {  	[tilespmem:s1], [sflag:$0x2] =	stream.linear.gather [hbm4b:s12+s3], $0x1400, $0x38;
	[tilespmem:$0x1CE80] =	vst v63  }
0x5b: {  	v0 =	vld [tilespmem:s14+$0x280]  }
0x5c: {  	v1 =	vld [tilespmem:s14+$0x2A40];
	_ =	sdelay $0x1  }
0x5d: {  	v2 =	vld [tilespmem:s14+$0x5280];
	_ =	sdelay $0x1  }
0x5e: {  	v3 =	vld [tilespmem:s14+$0x250]  }
0x5f: {  	v4 =	vld [tilespmem:s14+$0x2A10];
	v0 =	vadd.f32 v1, v0  }
0x60: {  	v5 =	vld [tilespmem:s14+$0x260]  }
0x61: {  	v6 =	vld [tilespmem:s14+$0x2A20];
	v0 =	vadd.f32 v2, v0  }
0x62: {  	v7 =	vld [tilespmem:s14+$0x2A30]  }
0x63: {  	v8 =	vld [tilespmem:s14+$0x5250];
	v0 =	vsub.f32 $0.0e+00, v0  }
0x64: {  	v1 =	vld [tilespmem:s14+$0x270]  }
0x65: {  	v9 =	vld [tilespmem:s14+$0x5260];
	v0 =	vmul.f32 $1.442695020e+00, v0  }
0x66: {  	v10 =	vld [tilespmem:s14+$0x5270]  }
0x67: {  	(erf) = vpow2.f32 v0;
	v0 =	vadd.f32 v4, v3  }
0x68: {  	v4 =	vadd.f32 v6, v5  }
0x69: {  	v1 =	vadd.f32 v7, v1;
	v0 =	vadd.f32 v8, v0  }
0x6a: {  	s12 =	simm.s32 $0xF0;
	v11 =	vld [tilespmem:s14+$0x2A50];
	v4 =	vadd.f32 v9, v4  }
0x6b: {  	v1 =	vadd.f32 v10, v1;
	v3 =	vld [tilespmem:s12+$0x280];
	v0 =	vsub.f32 $0.0e+00, v0  }
0x6c: {  	v5 =	vld [tilespmem:s12+$0x2A40];
	v4 =	vsub.f32 $0.0e+00, v4  }
0x6d: {  	v12 =	vld [tilespmem:s14+$0x2A60];
	v1 =	vsub.f32 $0.0e+00, v1;
	v0 =	vmul.f32 $1.442695020e+00, v0  }
0x6e: {  	v7 =	vld [tilespmem:s12+$0x5280];
	v4 =	vmul.f32 $1.442695020e+00, v4  }
0x6f: {  	v13 =	vld [tilespmem:s12+$0x270];
	v1 =	vmul.f32 $1.442695020e+00, v1;
	(erf) = vpow2.f32 v0  }
0x70: {  	v14 =	vld [tilespmem:s12+$0x2A30];
	(erf) = vpow2.f32 v4  }
0x71: {  	v15 =	vld [tilespmem:s12+$0x5250];
	(erf) = vpow2.f32 v1;
	v1 =	vadd.f32 v5, v3  }
0x72: {  	v10 =	vld [tilespmem:s12+$0x2A20]  }
0x73: {  	v6 =	vld [tilespmem:s12+$0x250];
	v0 =	vpop (erf);
	v5 =	vadd.f32 v7, v1  }
0x74: {  	v9 =	vld [tilespmem:s12+$0x260];
	v0 =	vadd.f32 $1.000000000e+00, v0  }
0x75: {  	v8 =	vld [tilespmem:s12+$0x2A10];
	v5 =	vsub.f32 $0.0e+00, v5  }
0x76: {  	v3 =	vld [tilespmem:s12+$0x5270];
	(erf) = vrcp.f32 v0  }
0x77: {  	s13 =	simm.s32 $0x170;
	v16 =	vld [tilespmem:s12+$0x5260];
	v5 =	vmul.f32 $1.442695020e+00, v5  }
0x78: {  	v17 =	vld [tilespmem:s13+$0x280]  }
0x79: {  	v19 =	vld [tilespmem:s13+$0x2A40];
	v18 =	vpop (erf);
	(erf) = vpow2.f32 v5;
	v5 =	vadd.f32 v10, v9;
	v10 =	vadd.f32 v14, v13  }
0x7a: {  	v20 =	vld [tilespmem:s13+$0x250];
	v6 =	vadd.f32 v8, v6;
	v8 =	vadd.f32 $1.000000000e+00, v18;
	v58 =	vpop (erf)  }
0x7b: {  	v7 =	vld [tilespmem:s14+$0x2A80];
	v3 =	vadd.f32 v3, v10;
	v10 =	vadd.f32 $1.000000000e+00, v58  }
0x7c: {  	v22 =	vld [tilespmem:s13+$0x5280];
	(erf) = vrcp.f32 v8  }
0x7d: {  	v4 =	vld [tilespmem:s12+$0x2A50];
	v6 =	vadd.f32 v15, v6;
	v21 =	vpop (erf);
	(erf) = vrcp.f32 v10  }
0x7e: {  	v1 =	vld [tilespmem:s12+$0x2A60];
	v5 =	vadd.f32 v16, v5  }
0x7f: {  	v6 =	vsub.f32 $0.0e+00, v6;
	v0 =	vld [tilespmem:s12+$0x2A70];
	v8 =	vpop (erf);
	v3 =	vsub.f32 $0.0e+00, v3  }
0x80: {  	v9 =	vld [tilespmem:s13+$0x2A10];
	v5 =	vsub.f32 $0.0e+00, v5;
	[tilespmem:s14+$0x7A80] =	vst v8;
	v7 =	vmul.f32 v8, v7  }
0x81: {  	v6 =	vmul.f32 $1.442695020e+00, v6;
	v8 =	vld [tilespmem:s13+$0x260];
	v3 =	vmul.f32 $1.442695020e+00, v3  }
0x82: {  	v13 =	vld [tilespmem:s13+$0x2A20];
	v5 =	vmul.f32 $1.442695020e+00, v5;
	[tilespmem:s14+$0x7A40] =	vst v7  }
0x83: {  	(erf) = vpow2.f32 v6;
	v7 =	vld [tilespmem:s13+$0x270]  }
0x84: {  	v61 =	vadd.f32 $1.000000000e+00, v21;
	v6 =	vadd.f32 v19, v17;
	v10 =	vld [tilespmem:s13+$0x2A30];
	(erf) = vpow2.f32 v5;
	v15 =	vpop (erf)  }
0x85: {  	v14 =	vld [tilespmem:s13+$0x5250];
	(erf) = vpow2.f32 v3;
	v3 =	vpop (erf)  }
0x86: {  	v6 =	vadd.f32 v22, v6;
	v59 =	vld [tilespmem:s13+$0x5260];
	(erf) = vrcp.f32 v61;
	v62 =	vpop (erf)  }
0x87: {  	v60 =	vld [tilespmem:s13+$0x5270];
	[tilespmem:s14+$0x7A50] =	vst v3;
	v11 =	vmul.f32 v3, v11;
	v63 =	vmul.f32 v62, v12;
	v12 =	vadd.f32 $1.000000000e+00, v15  }
0x88: {  	v5 =	vld [tilespmem:s13+$0x2A50]  }
0x89: {  	v9 =	vadd.f32 v9, v20;
	v3 =	vld [tilespmem:s13+$0x2A60];
	[tilespmem:s14+$0x7A10] =	vst v11;
	v11 =	vsub.f32 $0.0e+00, v6;
	(erf) = vrcp.f32 v12;
	_ =	sdelay $0x1  }
0x8a: {  	v9 =	vadd.f32 v14, v9;
	v15 =	vmul.f32 $1.442695020e+00, v11  }
0x8b: {  	v2 =	vld [tilespmem:s14+$0x2A70];
	v13 =	vadd.f32 v13, v8  }
0x8c: {  	v10 =	vadd.f32 v10, v7;
	v7 =	vpop (erf);
	v6 =	vld [tilespmem:s13+$0x2A70];
	[tilespmem:s14+$0x7A60] =	vst v62;
	(erf) = vpow2.f32 v15  }
0x8d: {  	s15 =	simm.s32 $0x1F0;
	v8 =	vld [tilespmem:s12+$0x2A80];
	v11 =	vadd.f32 v59, v13;
	v12 =	vadd.f32 $1.000000000e+00, v7;
	[tilespmem:s14+$0x7A20] =	vst v63;
	v14 =	vpop (erf)  }
0x8e: {  	s16 =	simm.s32 $0x9C0;
	v10 =	vadd.f32 v60, v10;
	v13 =	vsub.f32 $0.0e+00, v9;
	v7 =	vld [tilespmem:s15+$0x280];
	v9 =	vpop (erf)  }
.LBB2_4:
0x8f: {  	p0 =	sne.s32 s16, $0x4FC0;
	v15 =	vld [tilespmem:s15+$0x2A40];
	v11 =	vsub.f32 $0.0e+00, v11;
	v18 =	vadd.f32 $1.000000000e+00, v14;
	(erf) = vrcp.f32 v12;
	v12 =	vpop (erf)  }
0x90: {  	v9 =	vadd.f32 $1.000000000e+00, v9;
	v16 =	vld [tilespmem:s15+$0x250];
	v13 =	vmul.f32 $1.442695020e+00, v13;
	v10 =	vsub.f32 $0.0e+00, v10;
	[tilespmem:s14+$0x7A70] =	vst v12  }
0x91: {  	v17 =	vld [tilespmem:s15+$0x5280];
	v11 =	vmul.f32 $1.442695020e+00, v11;
	(erf) = vrcp.f32 v18;
	v14 =	vpop (erf)  }
0x92: {  	v18 =	vld [tilespmem:s15+$0x2A10];
	v19 =	vmul.f32 $1.442695020e+00, v10;
	v8 =	vmul.f32 v14, v8;
	[tilespmem:s12+$0x7A80] =	vst v14  }
0x93: {  	v12 =	vmul.f32 v12, v2;
	v2 =	vmovc v0;
	v0 =	vmov v6;
	v14 =	vld [tilespmem:s15+$0x260];
	(erf) = vpow2.f32 v13  }
0x94: {  	v6 =	vld [tilespmem:s15+$0x2A20];
	v7 =	vadd.f32 v15, v7;
	(erf) = vpow2.f32 v11;
	[tilespmem:s12+$0x7A40] =	vst v8  }
0x95: {  	v8 =	vld [tilespmem:s15+$0x270];
	(erf) = vpow2.f32 v19;
	v10 =	vpop (erf);
	[tilespmem:s14+$0x7A30] =	vst v12;
	s14 =	smov.u32 s12;
	s12 =	smov.u32 s13;
	s13 =	smov.u32 s15  }
0x96: {  	v11 =	vld [tilespmem:s13+$0x2A30];
	v7 =	vadd.f32 v17, v7;
	v15 =	vadd.f32 $1.000000000e+00, v10;
	(erf) = vrcp.f32 v9  }
0x97: {  	v9 =	vadd.f32 v18, v16;
	v12 =	vld [tilespmem:s13+$0x5250]  }
0x98: {  	v13 =	vld [tilespmem:s13+$0x5260];
	v7 =	vsub.f32 $0.0e+00, v7;
	(erf) = vrcp.f32 v15;
	v10 =	vpop (erf)  }
0x99: {  	v14 =	vadd.f32 v6, v14;
	v15 =	vld [tilespmem:s13+$0x5270];
	v6 =	vmul.f32 v10, v4;
	[tilespmem:s14+$0x7A50] =	vst v10;
	v4 =	vmov v5  }
.Ltmp5:
0x9a: {  	v5 =	vld [tilespmem:s13+$0x2A50];
	v18 =	vmul.f32 $1.442695020e+00, v7;
	v10 =	vpop (erf);
	(pc) =	sbr.rel @p0 .LBB2_4-.Ltmp5, $4  }
0x9b: {  	v16 =	vadd.f32 v11, v8;
	[tilespmem:s14+$0x7A10] =	vst v6;
	v17 =	vmul.f32 v10, v1;
	v1 =	vmov v3;
	v3 =	vld [tilespmem:s13+$0x2A60]  }
0x9c: {  	v19 =	vadd.f32 v12, v9;
	v6 =	vld [tilespmem:s13+$0x2A70];
	(erf) = vpow2.f32 v18;
	v7 =	vpop (erf);
	[tilespmem:s14+$0x7A60] =	vst v10  }
0x9d: {  	s15 =	sshra.s32 s16, $0x2;
	v11 =	vadd.f32 v13, v14;
	v12 =	vadd.f32 $1.000000000e+00, v7;
	v8 =	vld [tilespmem:s12+$0x2A80];
	v14 =	vpop (erf);
	[tilespmem:s14+$0x7A20] =	vst v17  }
0x9e: {  	s16 =	sadd.s32 $0x200, s16;
	v7 =	vld [tilespmem:s15+$0x280];
	v13 =	vsub.f32 $0.0e+00, v19;
	v10 =	vadd.f32 v15, v16;
	v9 =	vpop (erf)  }
0x9f: {  	v15 =	vld [tilespmem:s15+$0x2A40];
	v16 =	vpop (erf)  }
0xa0: {  	v17 =	vld [tilespmem:s15+$0x250];
	v14 =	vadd.f32 $1.000000000e+00, v14;
	(erf) = vrcp.f32 v12;
	[tilespmem:s14+$0x7A70] =	vst v16  }
0xa1: {  	v11 =	vsub.f32 $0.0e+00, v11;
	v13 =	vmul.f32 $1.442695020e+00, v13;
	v2 =	vmul.f32 v16, v2;
	v18 =	vld [tilespmem:s15+$0x5280];
	v19 =	vpop (erf)  }
0xa2: {  	v20 =	vld [tilespmem:s15+$0x2A10];
	(erf) = vrcp.f32 v14;
	[tilespmem:s12+$0x7A80] =	vst v19;
	v8 =	vmul.f32 v19, v8  }
0xa3: {  	v11 =	vmul.f32 $1.442695020e+00, v11;
	(erf) = vpow2.f32 v13;
	v62 =	vld [tilespmem:s15+$0x260]  }
0xa4: {  	v63 =	vld [tilespmem:s15+$0x2A20];
	[tilespmem:s12+$0x7A40] =	vst v8  }
0xa5: {  	(erf) = vpow2.f32 v11;
	v8 =	vld [tilespmem:s15+$0x270];
	[tilespmem:s14+$0x7A30] =	vst v2  }
0xa6: {  	v19 =	vsub.f32 $0.0e+00, v10;
	v7 =	vadd.f32 v15, v7;
	v21 =	vld [tilespmem:s15+$0x2A30]  }
0xa7: {  	v22 =	vld [tilespmem:s15+$0x5250]  }
0xa8: {  	v2 =	vmul.f32 $1.442695020e+00, v19;
	v23 =	vld [tilespmem:s15+$0x5260];
	v7 =	vadd.f32 v18, v7  }
0xa9: {  	v9 =	vadd.f32 $1.000000000e+00, v9;
	v24 =	vpop (erf);
	v27 =	vld [tilespmem:s15+$0x5270]  }
0xaa: {  	v26 =	vadd.f32 v20, v17;
	(erf) = vpow2.f32 v2;
	v7 =	vsub.f32 $0.0e+00, v7;
	v28 =	vpop (erf)  }
0xab: {  	v25 =	vadd.f32 $1.000000000e+00, v24;
	(erf) = vrcp.f32 v9;
	v12 =	vadd.f32 v63, v62;
	v29 =	vpop (erf)  }
0xac: {  	v7 =	vmul.f32 $1.442695020e+00, v7;
	v11 =	vadd.f32 v22, v26;
	v8 =	vadd.f32 v21, v8;
	v30 =	vpop (erf)  }
0xad: {  	(erf) = vrcp.f32 v25;
	v12 =	vadd.f32 v23, v12;
	v31 =	vadd.f32 $1.000000000e+00, v30  }
0xae: {  	v32 =	vpop (erf);
	(erf) = vpow2.f32 v7;
	v11 =	vsub.f32 $0.0e+00, v11;
	v34 =	vadd.f32 v27, v8  }
0xaf: {  	v4 =	vmul.f32 v28, v4;
	[tilespmem:s12+$0x7A50] =	vst v28;
	v35 =	vadd.f32 $1.000000000e+00, v32;
	v12 =	vsub.f32 $0.0e+00, v12  }
0xb0: {  	v33 =	vld [tilespmem:s15+$0x2A50];
	(erf) = vrcp.f32 v31;
	v37 =	vmul.f32 $1.442695020e+00, v11  }
0xb1: {  	v36 =	vld [tilespmem:s15+$0x2A60];
	[tilespmem:s12+$0x7A10] =	vst v4;
	(erf) = vrcp.f32 v35;
	v7 =	vsub.f32 $0.0e+00, v34;
	v38 =	vmul.f32 $1.442695020e+00, v12  }
0xb2: {  	v4 =	vld [tilespmem:s15+$0x2A70];
	[tilespmem:s12+$0x7A60] =	vst v29;
	(erf) = vpow2.f32 v37  }
0xb3: {  	v39 =	vld [tilespmem:s13+$0x2A80];
	v7 =	vmul.f32 $1.442695020e+00, v7;
	(erf) = vpow2.f32 v38  }
0xb4: {  	v40 =	vpop (erf)  }
0xb5: {  	v1 =	vmul.f32 v29, v1;
	v41 =	vpop (erf);
	(erf) = vpow2.f32 v7  }
0xb6: {  	v42 =	vpop (erf)  }
0xb7: {  	[tilespmem:s12+$0x7A20] =	vst v1;
	v43 =	vadd.f32 $1.000000000e+00, v40;
	v44 =	vpop (erf)  }
0xb8: {  	[tilespmem:s12+$0x7A70] =	vst v41;
	v9 =	vmul.f32 v42, v39;
	v8 =	vadd.f32 $1.000000000e+00, v44  }
0xb9: {  	v0 =	vmul.f32 v41, v0;
	[tilespmem:s13+$0x7A80] =	vst v42;
	(erf) = vrcp.f32 v43;
	v45 =	vpop (erf)  }
0xba: {  	[tilespmem:s13+$0x7A40] =	vst v9;
	v46 =	vpop (erf);
	(erf) = vrcp.f32 v8  }
0xbb: {  	[tilespmem:s12+$0x7A30] =	vst v0;
	v47 =	vpop (erf)  }
0xbc: {  	v48 =	vmul.f32 v45, v5;
	[tilespmem:s13+$0x7A50] =	vst v45;
	v2 =	vadd.f32 $1.000000000e+00, v47;
	v49 =	vpop (erf)  }
0xbd: {  	[tilespmem:s13+$0x7A60] =	vst v46;
	v50 =	vadd.f32 $1.000000000e+00, v49  }
0xbe: {  	[tilespmem:s13+$0x7A10] =	vst v48;
	v51 =	vpop (erf);
	(erf) = vrcp.f32 v2  }
0xbf: {  	v52 =	vld [tilespmem:s15+$0x2A80];
	v2 =	vadd.f32 $1.000000000e+00, v51;
	(erf) = vrcp.f32 v50;
	_ =	sdelay $0x1  }
0xc0: {  	v53 =	vmul.f32 v46, v3;
	(erf) = vrcp.f32 v2  }
0xc1: {  	v54 =	vpop (erf)  }
0xc2: {  	[tilespmem:s13+$0x7A20] =	vst v53;
	v55 =	vpop (erf)  }
0xc3: {  	[tilespmem:s13+$0x7A70] =	vst v54;
	v56 =	vmul.f32 v55, v52  }
0xc4: {  	v57 =	vmul.f32 v54, v6;
	[tilespmem:s15+$0x7A80] =	vst v55  }
0xc5: {  	[tilespmem:s15+$0x7A40] =	vst v56  }
0xc6: {  	[tilespmem:s13+$0x7A30] =	vst v57;
	v58 =	vpop (erf)  }
0xc7: {  	p0 =	seq.s32 s10, $0x0;
	v59 =	vmul.f32 v58, v33;
	[tilespmem:s15+$0x7A50] =	vst v58;
	v60 =	vpop (erf)  }
.Ltmp6:
0xc8: {  	[tilespmem:s15+$0x7A60] =	vst v60;
	(pc) =	sbr.rel @p0 .LBB2_9-.Ltmp6, $4  }
0xc9: {  	v61 =	vmul.f32 v60, v36;
	v62 =	vpop (erf);
	[tilespmem:s15+$0x7A10] =	vst v59  }
0xca: {  	v63 =	vmul.f32 v62, v4;
	[tilespmem:s15+$0x7A70] =	vst v62  }
0xcb: {  	[tilespmem:s15+$0x7A20] =	vst v61  }
0xcc: {  	[tilespmem:s15+$0x7A30] =	vst v63  }
.LBB2_6:
0xcd: {  	_ =	swait.ge [sflag:s24], $0x1400  }
0xce: {  	[sflag:s24] =	ssyncset.done $0x0  }
0xcf: {  	[sflag:s24] =	ssyncadd.s32 $0xFFFFEC00  }
0xd0: {  	_ =	swait.ge [sflag:s24], $0x1400  }
0xd1: {  	[sflag:s24] =	ssyncset.done $0x0  }
0xd2: {  	[sflag:s24] =	ssyncadd.s32 $0xFFFFEC00  }
0xd3: {  	p0 =	seq.s32 s22, $0xF9;
	_ =	swait.ge [sflag:s24], $0x1400  }
0xd4: {  	s10 =	sshrl.u32 @!p0 s19, $0x3;
	[sflag:s24] =	ssyncset.done $0x0  }
0xd5: {  	s13 =	simm.s32 @!p0 $0x0;
	s12 =	sadd.s32 @!p0 s4, s10;
	[sflag:s24] =	ssyncadd.s32 $0xFFFFEC00  }
0xd6: {  	[tilespmem:s13], [sflag:$0x3] =	stream.linear.gather @!p0 [hbm4b:s12+s13], $0x28, $0x38;
	[tilespmem:$0x1CE80] =	vst v63  }
0xd7: {  	s12 =	simm.s32 @!p0 $0x3  }
0xd8: {  	_ =	swait.ge @!p0 [sflag:s12], $0x28  }
0xd9: {  	[sflag:s12] =	ssyncset.done @!p0 $0x0  }
0xda: {  	s14 =	simm.s32 @!p0 $0x100;
	s10 =	sadd.s32 @!p0 s5, s10;
	[sflag:s12] =	ssyncadd.s32 @!p0 $0xFFFFFFD8  }
0xdb: {  	[tilespmem:s14], [sflag:$0x3] =	stream.linear.gather @!p0 [hbm4b:s10+s13], $0x28, $0x38;
	[tilespmem:$0x1CE80] =	vst v63  }
0xdc: {  	_ =	swait.ge @!p0 [sflag:s12], $0x28  }
0xdd: {  	[sflag:s12] =	ssyncset.done @!p0 $0x0  }
0xde: {  	s10 =	simm.s32 @!p0 $0x28;
	[sflag:s12] =	ssyncadd.s32 @!p0 $0xFFFFFFD8;
	s12 =	simm.s32 @!p0 $0x280  }
0xdf: {  	[tilespmem:s12], [sflag:$0x1] =	stream.indirect.gather @!p0 [hbm4b:s7+s10], $0x80, s14, s10, $0xb8;
	[tilespmem:$0x1CE80] =	vst v63  }
0xe0: {  	s12 =	simm.s32 @!p0 $0x2A80  }
0xe1: {  	[tilespmem:s12], [sflag:$0x1] =	stream.indirect.gather @!p0 [hbm4b:s8+s10], $0x80, s13, s10, $0xb8;
	[tilespmem:$0x1CE80] =	vst v63  }
0xe2: {  	s10 =	sshll.u32 @!p0 s19, $0x4  }
0xe3: {  	s12 =	simm.s32 @!p0 $0x5280;
	s10 =	sadd.s32 @!p0 s6, s10  }
0xe4: {  	[tilespmem:s12], [sflag:$0x1] =	stream.linear.gather @!p0 [hbm4b:s10+s13], $0x1400, $0x38;
	[tilespmem:$0x1CE80] =	vst v63  }
0xe5: {  	s13 =	simm.s32 $0x0  }
0xe6: {  	v0 =	vld [tilespmem:s13+$0x16F0]  }
0xe7: {  	v1 =	vld [tilespmem:s13+$0x3EB0];
	_ =	sdelay $0x1  }
0xe8: {  	v2 =	vld [tilespmem:s13+$0x66F0];
	_ =	sdelay $0x1  }
0xe9: {  	v3 =	vld [tilespmem:s13+$0x16C0]  }
0xea: {  	v4 =	vld [tilespmem:s13+$0x3E80];
	v0 =	vadd.f32 v1, v0  }
0xeb: {  	v5 =	vld [tilespmem:s13+$0x16D0]  }
0xec: {  	v6 =	vld [tilespmem:s13+$0x3E90];
	v0 =	vadd.f32 v2, v0  }
0xed: {  	v7 =	vld [tilespmem:s13+$0x3EA0]  }
0xee: {  	v8 =	vld [tilespmem:s13+$0x66C0];
	v0 =	vsub.f32 $0.0e+00, v0  }
0xef: {  	v1 =	vld [tilespmem:s13+$0x16E0]  }
0xf0: {  	v9 =	vld [tilespmem:s13+$0x66D0];
	v0 =	vmul.f32 $1.442695020e+00, v0  }
0xf1: {  	v10 =	vld [tilespmem:s13+$0x66E0]  }
0xf2: {  	(erf) = vpow2.f32 v0;
	v0 =	vadd.f32 v4, v3  }
0xf3: {  	v4 =	vadd.f32 v6, v5  }
0xf4: {  	v1 =	vadd.f32 v7, v1;
	v0 =	vadd.f32 v8, v0  }
0xf5: {  	s10 =	simm.s32 $0x80;
	v11 =	vld [tilespmem:s13+$0x3EC0];
	v4 =	vadd.f32 v9, v4  }
0xf6: {  	v1 =	vadd.f32 v10, v1;
	v3 =	vld [tilespmem:s10+$0x16F0];
	v0 =	vsub.f32 $0.0e+00, v0  }
0xf7: {  	v5 =	vld [tilespmem:s10+$0x3EB0];
	v4 =	vsub.f32 $0.0e+00, v4  }
0xf8: {  	v12 =	vld [tilespmem:s13+$0x3ED0];
	v1 =	vsub.f32 $0.0e+00, v1;
	v0 =	vmul.f32 $1.442695020e+00, v0  }
0xf9: {  	v7 =	vld [tilespmem:s10+$0x66F0];
	v4 =	vmul.f32 $1.442695020e+00, v4  }
0xfa: {  	v13 =	vld [tilespmem:s10+$0x16E0];
	v1 =	vmul.f32 $1.442695020e+00, v1;
	(erf) = vpow2.f32 v0  }
0xfb: {  	v14 =	vld [tilespmem:s10+$0x3EA0];
	(erf) = vpow2.f32 v4  }
0xfc: {  	v15 =	vld [tilespmem:s10+$0x66C0];
	(erf) = vpow2.f32 v1;
	v1 =	vadd.f32 v5, v3  }
0xfd: {  	v10 =	vld [tilespmem:s10+$0x3E90]  }
0xfe: {  	v6 =	vld [tilespmem:s10+$0x16C0];
	v0 =	vpop (erf);
	v5 =	vadd.f32 v7, v1  }
0xff: {  	v9 =	vld [tilespmem:s10+$0x16D0];
	v0 =	vadd.f32 $1.000000000e+00, v0  }
0x100: {  	v8 =	vld [tilespmem:s10+$0x3E80];
	v5 =	vsub.f32 $0.0e+00, v5  }
0x101: {  	v3 =	vld [tilespmem:s10+$0x66E0];
	(erf) = vrcp.f32 v0  }
0x102: {  	s12 =	simm.s32 $0x100;
	v16 =	vld [tilespmem:s10+$0x66D0];
	v5 =	vmul.f32 $1.442695020e+00, v5  }
0x103: {  	v17 =	vld [tilespmem:s12+$0x16F0]  }
0x104: {  	v19 =	vld [tilespmem:s12+$0x3EB0];
	v18 =	vpop (erf);
	(erf) = vpow2.f32 v5;
	v5 =	vadd.f32 v10, v9;
	v10 =	vadd.f32 v14, v13  }
0x105: {  	v20 =	vld [tilespmem:s12+$0x16C0];
	v6 =	vadd.f32 v8, v6;
	v8 =	vadd.f32 $1.000000000e+00, v18;
	v58 =	vpop (erf)  }
0x106: {  	v7 =	vld [tilespmem:s13+$0x3EF0];
	v3 =	vadd.f32 v3, v10;
	v10 =	vadd.f32 $1.000000000e+00, v58  }
0x107: {  	v22 =	vld [tilespmem:s12+$0x66F0];
	(erf) = vrcp.f32 v8  }
0x108: {  	v4 =	vld [tilespmem:s10+$0x3EC0];
	v6 =	vadd.f32 v15, v6;
	v21 =	vpop (erf);
	(erf) = vrcp.f32 v10  }
0x109: {  	v1 =	vld [tilespmem:s10+$0x3ED0];
	v5 =	vadd.f32 v16, v5  }
0x10a: {  	v6 =	vsub.f32 $0.0e+00, v6;
	v0 =	vld [tilespmem:s10+$0x3EE0];
	v8 =	vpop (erf);
	v3 =	vsub.f32 $0.0e+00, v3  }
0x10b: {  	v9 =	vld [tilespmem:s12+$0x3E80];
	v5 =	vsub.f32 $0.0e+00, v5;
	[tilespmem:s13+$0x7AF0] =	vst v8;
	v7 =	vmul.f32 v8, v7  }
0x10c: {  	v6 =	vmul.f32 $1.442695020e+00, v6;
	v8 =	vld [tilespmem:s12+$0x16D0];
	v3 =	vmul.f32 $1.442695020e+00, v3  }
0x10d: {  	v13 =	vld [tilespmem:s12+$0x3E90];
	v5 =	vmul.f32 $1.442695020e+00, v5;
	[tilespmem:s13+$0x7AB0] =	vst v7  }
0x10e: {  	(erf) = vpow2.f32 v6;
	v7 =	vld [tilespmem:s12+$0x16E0]  }
0x10f: {  	v61 =	vadd.f32 $1.000000000e+00, v21;
	v6 =	vadd.f32 v19, v17;
	v10 =	vld [tilespmem:s12+$0x3EA0];
	(erf) = vpow2.f32 v5;
	v15 =	vpop (erf)  }
0x110: {  	v14 =	vld [tilespmem:s12+$0x66C0];
	(erf) = vpow2.f32 v3;
	v3 =	vpop (erf)  }
0x111: {  	v6 =	vadd.f32 v22, v6;
	v59 =	vld [tilespmem:s12+$0x66D0];
	(erf) = vrcp.f32 v61;
	v62 =	vpop (erf)  }
0x112: {  	v60 =	vld [tilespmem:s12+$0x66E0];
	[tilespmem:s13+$0x7AC0] =	vst v3;
	v11 =	vmul.f32 v3, v11;
	v63 =	vmul.f32 v62, v12;
	v12 =	vadd.f32 $1.000000000e+00, v15  }
0x113: {  	v5 =	vld [tilespmem:s12+$0x3EC0]  }
0x114: {  	v9 =	vadd.f32 v9, v20;
	v3 =	vld [tilespmem:s12+$0x3ED0];
	[tilespmem:s13+$0x7A80] =	vst v11;
	v11 =	vsub.f32 $0.0e+00, v6;
	(erf) = vrcp.f32 v12;
	_ =	sdelay $0x1  }
0x115: {  	v9 =	vadd.f32 v14, v9;
	v15 =	vmul.f32 $1.442695020e+00, v11  }
0x116: {  	v2 =	vld [tilespmem:s13+$0x3EE0];
	v13 =	vadd.f32 v13, v8  }
0x117: {  	v10 =	vadd.f32 v10, v7;
	v7 =	vpop (erf);
	v6 =	vld [tilespmem:s12+$0x3EE0];
	[tilespmem:s13+$0x7AD0] =	vst v62;
	(erf) = vpow2.f32 v15  }
0x118: {  	s14 =	simm.s32 $0x180;
	v8 =	vld [tilespmem:s10+$0x3EF0];
	v11 =	vadd.f32 v59, v13;
	v12 =	vadd.f32 $1.000000000e+00, v7;
	[tilespmem:s13+$0x7A90] =	vst v63;
	v14 =	vpop (erf)  }
0x119: {  	s15 =	simm.s32 $0x800;
	v10 =	vadd.f32 v60, v10;
	v13 =	vsub.f32 $0.0e+00, v9;
	v7 =	vld [tilespmem:s14+$0x16F0];
	v9 =	vpop (erf)  }
.LBB2_7:
0x11a: {  	p0 =	sne.s32 s15, $0x4E00;
	v15 =	vld [tilespmem:s14+$0x3EB0];
	v11 =	vsub.f32 $0.0e+00, v11;
	v18 =	vadd.f32 $1.000000000e+00, v14;
	(erf) = vrcp.f32 v12;
	v12 =	vpop (erf)  }
0x11b: {  	v9 =	vadd.f32 $1.000000000e+00, v9;
	v16 =	vld [tilespmem:s14+$0x16C0];
	v13 =	vmul.f32 $1.442695020e+00, v13;
	v10 =	vsub.f32 $0.0e+00, v10;
	[tilespmem:s13+$0x7AE0] =	vst v12  }
0x11c: {  	v17 =	vld [tilespmem:s14+$0x66F0];
	v11 =	vmul.f32 $1.442695020e+00, v11;
	(erf) = vrcp.f32 v18;
	v14 =	vpop (erf)  }
0x11d: {  	v18 =	vld [tilespmem:s14+$0x3E80];
	v19 =	vmul.f32 $1.442695020e+00, v10;
	v8 =	vmul.f32 v14, v8;
	[tilespmem:s10+$0x7AF0] =	vst v14  }
0x11e: {  	v12 =	vmul.f32 v12, v2;
	v2 =	vmovc v0;
	v0 =	vmov v6;
	v14 =	vld [tilespmem:s14+$0x16D0];
	(erf) = vpow2.f32 v13  }
0x11f: {  	v6 =	vld [tilespmem:s14+$0x3E90];
	v7 =	vadd.f32 v15, v7;
	(erf) = vpow2.f32 v11;
	[tilespmem:s10+$0x7AB0] =	vst v8  }
0x120: {  	v8 =	vld [tilespmem:s14+$0x16E0];
	(erf) = vpow2.f32 v19;
	v10 =	vpop (erf);
	[tilespmem:s13+$0x7AA0] =	vst v12;
	s13 =	smov.u32 s10;
	s10 =	smov.u32 s12;
	s12 =	smov.u32 s14  }
0x121: {  	v11 =	vld [tilespmem:s12+$0x3EA0];
	v7 =	vadd.f32 v17, v7;
	v15 =	vadd.f32 $1.000000000e+00, v10;
	(erf) = vrcp.f32 v9  }
0x122: {  	v9 =	vadd.f32 v18, v16;
	v12 =	vld [tilespmem:s12+$0x66C0]  }
0x123: {  	v13 =	vld [tilespmem:s12+$0x66D0];
	v7 =	vsub.f32 $0.0e+00, v7;
	(erf) = vrcp.f32 v15;
	v10 =	vpop (erf)  }
0x124: {  	v14 =	vadd.f32 v6, v14;
	v15 =	vld [tilespmem:s12+$0x66E0];
	v6 =	vmul.f32 v10, v4;
	[tilespmem:s13+$0x7AC0] =	vst v10;
	v4 =	vmov v5  }
.Ltmp7:
0x125: {  	v5 =	vld [tilespmem:s12+$0x3EC0];
	v18 =	vmul.f32 $1.442695020e+00, v7;
	v10 =	vpop (erf);
	(pc) =	sbr.rel @p0 .LBB2_7-.Ltmp7, $4  }
0x126: {  	v16 =	vadd.f32 v11, v8;
	[tilespmem:s13+$0x7A80] =	vst v6;
	v17 =	vmul.f32 v10, v1;
	v1 =	vmov v3;
	v3 =	vld [tilespmem:s12+$0x3ED0]  }
0x127: {  	v19 =	vadd.f32 v12, v9;
	v6 =	vld [tilespmem:s12+$0x3EE0];
	(erf) = vpow2.f32 v18;
	v7 =	vpop (erf);
	[tilespmem:s13+$0x7AD0] =	vst v10  }
0x128: {  	s14 =	sshra.s32 s15, $0x2;
	v11 =	vadd.f32 v13, v14;
	v12 =	vadd.f32 $1.000000000e+00, v7;
	v8 =	vld [tilespmem:s10+$0x3EF0];
	v14 =	vpop (erf);
	[tilespmem:s13+$0x7A90] =	vst v17  }
0x129: {  	s15 =	sadd.s32 $0x200, s15;
	v7 =	vld [tilespmem:s14+$0x16F0];
	v13 =	vsub.f32 $0.0e+00, v19;
	v10 =	vadd.f32 v15, v16;
	v9 =	vpop (erf)  }
0x12a: {  	v15 =	vld [tilespmem:s14+$0x3EB0];
	v16 =	vpop (erf)  }
0x12b: {  	v17 =	vld [tilespmem:s14+$0x16C0];
	v14 =	vadd.f32 $1.000000000e+00, v14;
	(erf) = vrcp.f32 v12;
	[tilespmem:s13+$0x7AE0] =	vst v16  }
0x12c: {  	v11 =	vsub.f32 $0.0e+00, v11;
	v13 =	vmul.f32 $1.442695020e+00, v13;
	v2 =	vmul.f32 v16, v2;
	v18 =	vld [tilespmem:s14+$0x66F0];
	v19 =	vpop (erf)  }
0x12d: {  	v20 =	vld [tilespmem:s14+$0x3E80];
	(erf) = vrcp.f32 v14;
	[tilespmem:s10+$0x7AF0] =	vst v19;
	v8 =	vmul.f32 v19, v8  }
0x12e: {  	v11 =	vmul.f32 $1.442695020e+00, v11;
	(erf) = vpow2.f32 v13;
	v62 =	vld [tilespmem:s14+$0x16D0]  }
0x12f: {  	v63 =	vld [tilespmem:s14+$0x3E90];
	[tilespmem:s10+$0x7AB0] =	vst v8  }
0x130: {  	(erf) = vpow2.f32 v11;
	v8 =	vld [tilespmem:s14+$0x16E0];
	[tilespmem:s13+$0x7AA0] =	vst v2  }
0x131: {  	v19 =	vsub.f32 $0.0e+00, v10;
	v7 =	vadd.f32 v15, v7;
	v21 =	vld [tilespmem:s14+$0x3EA0]  }
0x132: {  	v22 =	vld [tilespmem:s14+$0x66C0]  }
0x133: {  	v2 =	vmul.f32 $1.442695020e+00, v19;
	v23 =	vld [tilespmem:s14+$0x66D0];
	v7 =	vadd.f32 v18, v7  }
0x134: {  	v9 =	vadd.f32 $1.000000000e+00, v9;
	v24 =	vpop (erf);
	v27 =	vld [tilespmem:s14+$0x66E0]  }
0x135: {  	v26 =	vadd.f32 v20, v17;
	(erf) = vpow2.f32 v2;
	v7 =	vsub.f32 $0.0e+00, v7;
	v28 =	vpop (erf)  }
0x136: {  	v25 =	vadd.f32 $1.000000000e+00, v24;
	(erf) = vrcp.f32 v9;
	v12 =	vadd.f32 v63, v62;
	v29 =	vpop (erf)  }
0x137: {  	v7 =	vmul.f32 $1.442695020e+00, v7;
	v11 =	vadd.f32 v22, v26;
	v8 =	vadd.f32 v21, v8;
	v30 =	vpop (erf)  }
0x138: {  	(erf) = vrcp.f32 v25;
	v12 =	vadd.f32 v23, v12;
	v31 =	vadd.f32 $1.000000000e+00, v30  }
0x139: {  	v32 =	vpop (erf);
	(erf) = vpow2.f32 v7;
	v11 =	vsub.f32 $0.0e+00, v11;
	v34 =	vadd.f32 v27, v8  }
0x13a: {  	v4 =	vmul.f32 v28, v4;
	[tilespmem:s10+$0x7AC0] =	vst v28;
	v35 =	vadd.f32 $1.000000000e+00, v32;
	v12 =	vsub.f32 $0.0e+00, v12  }
0x13b: {  	v33 =	vld [tilespmem:s14+$0x3EC0];
	(erf) = vrcp.f32 v31;
	v37 =	vmul.f32 $1.442695020e+00, v11  }
0x13c: {  	v36 =	vld [tilespmem:s14+$0x3ED0];
	[tilespmem:s10+$0x7A80] =	vst v4;
	(erf) = vrcp.f32 v35;
	v7 =	vsub.f32 $0.0e+00, v34;
	v38 =	vmul.f32 $1.442695020e+00, v12  }
0x13d: {  	v4 =	vld [tilespmem:s14+$0x3EE0];
	[tilespmem:s10+$0x7AD0] =	vst v29;
	(erf) = vpow2.f32 v37  }
0x13e: {  	v39 =	vld [tilespmem:s12+$0x3EF0];
	v7 =	vmul.f32 $1.442695020e+00, v7;
	(erf) = vpow2.f32 v38  }
0x13f: {  	v40 =	vpop (erf)  }
0x140: {  	v1 =	vmul.f32 v29, v1;
	v41 =	vpop (erf);
	(erf) = vpow2.f32 v7  }
0x141: {  	v42 =	vpop (erf)  }
0x142: {  	[tilespmem:s10+$0x7A90] =	vst v1;
	v43 =	vadd.f32 $1.000000000e+00, v40;
	v44 =	vpop (erf)  }
0x143: {  	[tilespmem:s10+$0x7AE0] =	vst v41;
	v9 =	vmul.f32 v42, v39;
	v8 =	vadd.f32 $1.000000000e+00, v44  }
0x144: {  	v0 =	vmul.f32 v41, v0;
	[tilespmem:s12+$0x7AF0] =	vst v42;
	(erf) = vrcp.f32 v43;
	v45 =	vpop (erf)  }
0x145: {  	[tilespmem:s12+$0x7AB0] =	vst v9;
	v46 =	vpop (erf);
	(erf) = vrcp.f32 v8  }
0x146: {  	[tilespmem:s10+$0x7AA0] =	vst v0;
	v47 =	vpop (erf)  }
0x147: {  	v48 =	vmul.f32 v45, v5;
	[tilespmem:s12+$0x7AC0] =	vst v45;
	v2 =	vadd.f32 $1.000000000e+00, v47;
	v49 =	vpop (erf)  }
0x148: {  	[tilespmem:s12+$0x7AD0] =	vst v46;
	v50 =	vadd.f32 $1.000000000e+00, v49  }
0x149: {  	[tilespmem:s12+$0x7A80] =	vst v48;
	v51 =	vpop (erf);
	(erf) = vrcp.f32 v2  }
0x14a: {  	v52 =	vld [tilespmem:s14+$0x3EF0];
	v2 =	vadd.f32 $1.000000000e+00, v51;
	(erf) = vrcp.f32 v50;
	_ =	sdelay $0x1  }
0x14b: {  	v53 =	vmul.f32 v46, v3;
	(erf) = vrcp.f32 v2  }
0x14c: {  	v54 =	vpop (erf)  }
0x14d: {  	[tilespmem:s12+$0x7A90] =	vst v53;
	v55 =	vpop (erf)  }
0x14e: {  	[tilespmem:s12+$0x7AE0] =	vst v54;
	v56 =	vmul.f32 v55, v52  }
0x14f: {  	v57 =	vmul.f32 v54, v6;
	[tilespmem:s14+$0x7AF0] =	vst v55  }
0x150: {  	[tilespmem:s14+$0x7AB0] =	vst v56  }
0x151: {  	[tilespmem:s12+$0x7AA0] =	vst v57;
	v58 =	vpop (erf)  }
0x152: {  	v59 =	vmul.f32 v58, v33;
	[tilespmem:s14+$0x7AC0] =	vst v58;
	v60 =	vpop (erf)  }
.Ltmp8:
0x153: {  	[tilespmem:s14+$0x7AD0] =	vst v60;
	(pc) =	sbr.rel .LBB2_9-.Ltmp8, $4  }
0x154: {  	v61 =	vmul.f32 v60, v36;
	v62 =	vpop (erf);
	[tilespmem:s14+$0x7A80] =	vst v59  }
0x155: {  	v63 =	vmul.f32 v62, v4;
	[tilespmem:s14+$0x7AE0] =	vst v62  }
0x156: {  	[tilespmem:s14+$0x7A90] =	vst v61  }
0x157: {  	[tilespmem:s14+$0x7AA0] =	vst v63  }
.LBB2_11:
0x158: {  	_ =	sfence.sel $0x180000  }
0x159: {  	[bflag:$0x0] =	sbarrier.arrive $0xFFFF  }
0x15a: {  	_ =	strace $0x9000004A  }
0x15b: {  	s0 =	stileid.u32;
	[bflag:$0x2] =	sbarrier.arrive $0xFFFF  }
0x15c: {  	p0 =	sne.s32 s0, $0x0;
	s0 =	rddreg [dreg:$0x2]  }
0x15d: {  	s0 =	sadd.s32 @!p0 $0x100000, s0  }
0x15e: {  	[sflag:s0] =	ssyncadd.tile.s32 @!p0 $0x1;
	_ =	shalt  }
.Lfunc_end2:
_tile_overlayer_lowered:
.L_overlay_start_2:
0x15f: {  	(tag) =	ssettag $0x2  }
0x160: {  	s0 =	rddreg [dreg:$0x0];
	s2 =	stileid.u32  }
0x161: {  	s1 =	rddreg [dreg:$0x1];
	p0 =	sne.s32 s2, $0x0  }
0x162: {  	s3 =	rddreg [dreg:$0x2];
	[bflag:$0x3] =	sbarrier.arrive $0xFFFF;
	s2 =	simm.s32 @!p0 $0x1C03  }
0x163: {  	[timem:s3], [sflag:s2] =	dma.local @!p0 [hbm:s0], s1  }
0x164: {  	s0 =	simm.s32 @!p0 $0x3  }
0x165: {  	_ =	swait.ge @!p0 [sflag:s0], s1  }
0x166: {  	s1 =	ssub.s32 @!p0 $0x0, s1;
	[sflag:s0] =	ssyncset.done @!p0 $0x0  }
0x167: {  	[sflag:s0] =	ssyncadd.s32 @!p0 s1  }
0x168: {  	[bflag:$0x3] =	sbarrier.arrive $0xFFFF  }
0x169: {  	_ =	shalt  }

// kernel: kernel.8.cloned.1.call-start
scs
__scs_entry_jumppad:
0x0: {  	(pc) =	sbr.rel $0x88, $3  }
0x1: {  	(tag) =	ssettag $0x0;
	lr =	simm.s32 $0x1  }
0x2: {  	[smem:$0x3F8D] =	sst lr;
	_ =	strace $0xD0000000  }
0x3: {  	_ = 	snop  }
0x4: {  	_ = 	snop  }
0x5: {  	_ = 	snop  }
0x6: {  	_ = 	snop  }
0x7: {  	_ = 	snop  }
__scs_overlays_trampoline_lowered:
0x8: {  	[smem:$0x3F9C] =	sst s0  }
0x9: {  	[smem:$0x3F9D] =	sst s1  }
0xa: {  	[smem:$0x3F9E] =	sst s2  }
0xb: {  	[smem:$0x3F9F] =	sst s3  }
0xc: {  	[smem:$0x3FA0] =	sst s4  }
0xd: {  	[smem:$0x3FA1] =	sst s5  }
0xe: {  	[smem:$0x3FA2] =	sst s6  }
0xf: {  	[smem:$0x3FA3] =	sst s7  }
0x10: {  	[smem:$0x3FA4] =	sst s8  }
0x11: {  	[smem:$0x3FA5] =	sst s9;
	s0 =	simm.s32 @!p0 $0x0  }
0x12: {  	s1 =	sld [smem:$0x3F8B];
	s0 =	simm.s32 @p0 $0x1  }
0x13: {  	[smem:$0x3FA6] =	sst s0;
	s0 =	simm.s32 @!p1 $0x0  }
0x14: {  	s2 =	sld [smem:$0x3F8A];
	s0 =	simm.s32 @p1 $0x1  }
0x15: {  	[smem:$0x3FA7] =	sst s0;
	s0 =	simm.s32 @!p2 $0x0  }
0x16: {  	s3 =	sld [smem:$0x3FDB];
	s0 =	simm.s32 @p2 $0x1  }
0x17: {  	s4 =	simm.s32 $0x1BF5;
	[smem:$0x3FA9] =	sst s0  }
0x18: {  	s0 =	sld [smem:$0x3F8C];
	_ =	swait.ge [sflag:s4], $0x0  }
0x19: {  	s7 =	sld [smem:$0x3F8D]  }
0x1a: {  	s8 =	sadd.s32 $0xFFFFE003, lr  }
0x1b: {  	s9 =	sadd.s32 $0xFFFFFEF7, lr;
	s5 =	simm.s32 $0xFFFFFFFF;
	p2 =	slt.u32 s8, $0xFFFFF086  }
0x1c: {  	p1 =	slt.u32 s9, $0xF7A;
	s5 =	simm.s32 @!p2 $0x0  }
0x1d: {  	s5 =	simm.s32 @p1 $0x1;
	p0 =	seq.s32 s7, s2  }
0x1e: {  	s7 =	smul.u32 @!p0 $0xF7A, s2;
	p2 =	seq.s32 @!p0 s5, $0x0  }
0x1f: {  	s9 =	smul.u32 $0xF7A, s1;
	s8 =	simm.s32 @!p0 $0x1BF5;
	p2 =	por !p2, p0  }
0x20: {  	[sflag:s8] =	ssyncset.s32 @!p0 $0xFFFFF086;
	s6 =	sadd.s32 @!p0 s3, s7;
	s7 =	simm.s32 @!p0 $0x108  }
0x21: {  	s3 =	sadd.s32 s3, s9;
	s6 =	sadd.s32 @!p0 $0x88, s6;
	s7 =	simm.s32 @p2 $0x1082  }
0x22: {  	[simem:s7], [sflag:s8] =	dma.local @!p0 [hbm:s6], $0xF7A  }
0x23: {  	s9 =	sor.u32 $0xD0000000, s2;
	s6 =	simm.s32 $0x108;
	_ =	swait.ge @!p0 [sflag:s8], $0x0  }
0x24: {  	s3 =	sadd.s32 $0x88, s3;
	s6 =	simm.s32 @!p1 $0x1082;
	[sflag:s4] =	ssyncset.s32 $0xFFFFF086  }
0x25: {  	[simem:s6], [sflag:s4] =	dma.local [hbm:s3], $0xF7A  }
0x26: {  	[smem:$0x3F8D] =	sst s1;
	(tag) =	ssettag s2;
	_ =	strace s9  }
0x27: {  	s1 =	sld [smem:$0x3F9D]  }
0x28: {  	s2 =	sld [smem:$0x3F9E]  }
0x29: {  	s4 =	sld [smem:$0x3FA0]  }
0x2a: {  	p0 =	seq.s32 s5, $0x0;
	s5 =	sld [smem:$0x3FA1]  }
0x2b: {  	s6 =	sld [smem:$0x3FA2]  }
0x2c: {  	s7 =	sld [smem:$0x3FA3]  }
0x2d: {  	s3 =	simm.s32 $0x108;
	s8 =	sld [smem:$0x3FA4]  }
0x2e: {  	s3 =	simm.s32 @!p0 $0x1082;
	s9 =	sld [smem:$0x3FA5]  }
0x2f: {  	lr =	sadd.s32 s0, s3;
	s0 =	sld [smem:$0x3F9C]  }
0x30: {  	s3 =	sld [smem:$0x3F9F]  }
0x31: {  	[smem:$0x3FA8] =	sst s10  }
0x32: {  	s10 =	sld [smem:$0x3FA6];
	_ =	sdelay $0x3  }
0x33: {  	p0 =	seq.s32 s10, $0x1;
	s10 =	sld [smem:$0x3FA8];
	_ =	sdelay $0x3  }
0x34: {  	[smem:$0x3FA8] =	sst s10  }
0x35: {  	s10 =	sld [smem:$0x3FA7];
	_ =	sdelay $0x3  }
0x36: {  	p1 =	seq.s32 s10, $0x1;
	s10 =	sld [smem:$0x3FA8];
	_ =	sdelay $0x3  }
0x37: {  	[smem:$0x3FA8] =	sst s10  }
0x38: {  	s10 =	sld [smem:$0x3FA9]  }
0x39: {  	_ = 	snop;
	(pc) =	sbr.ind lr, $3  }
0x3a: {  	_ = 	snop  }
0x3b: {  	_ = 	snop  }
0x3c: {  	p2 =	seq.s32 s10, $0x1;
	s10 =	sld [smem:$0x3FA8]  }
0x3d: {  	_ =	shalt  }
0x3e: {  	_ =	shalt  }
0x3f: {  	_ =	shalt  }
0x40: {  	_ =	shalt  }
0x41: {  	_ =	shalt  }
0x42: {  	_ =	shalt  }
0x43: {  	_ =	shalt  }
0x44: {  	_ =	shalt  }
0x45: {  	_ =	shalt  }
0x46: {  	_ =	shalt  }
0x47: {  	_ =	shalt  }
0x48: {  	_ =	shalt  }
0x49: {  	_ =	shalt  }
0x4a: {  	_ =	shalt  }
0x4b: {  	_ =	shalt  }
0x4c: {  	_ =	shalt  }
0x4d: {  	_ =	shalt  }
0x4e: {  	_ =	shalt  }
0x4f: {  	_ =	shalt  }
0x50: {  	_ =	shalt  }
0x51: {  	_ =	shalt  }
0x52: {  	_ =	shalt  }
0x53: {  	_ =	shalt  }
0x54: {  	_ =	shalt  }
0x55: {  	_ =	shalt  }
0x56: {  	_ =	shalt  }
0x57: {  	_ =	shalt  }
0x58: {  	_ =	shalt  }
0x59: {  	_ =	shalt  }
0x5a: {  	_ =	shalt  }
0x5b: {  	_ =	shalt  }
0x5c: {  	_ =	shalt  }
0x5d: {  	_ =	shalt  }
0x5e: {  	_ =	shalt  }
0x5f: {  	_ =	shalt  }
0x60: {  	_ =	shalt  }
0x61: {  	_ =	shalt  }
0x62: {  	_ =	shalt  }
0x63: {  	_ =	shalt  }
0x64: {  	_ =	shalt  }
0x65: {  	_ =	shalt  }
0x66: {  	_ =	shalt  }
0x67: {  	_ =	shalt  }
0x68: {  	_ =	shalt  }
0x69: {  	_ =	shalt  }
0x6a: {  	_ =	shalt  }
0x6b: {  	_ =	shalt  }
0x6c: {  	_ =	shalt  }
0x6d: {  	_ =	shalt  }
0x6e: {  	_ =	shalt  }
0x6f: {  	_ =	shalt  }
0x70: {  	_ =	shalt  }
0x71: {  	_ =	shalt  }
0x72: {  	_ =	shalt  }
0x73: {  	_ =	shalt  }
0x74: {  	_ =	shalt  }
0x75: {  	_ =	shalt  }
0x76: {  	_ =	shalt  }
0x77: {  	_ =	shalt  }
0x78: {  	_ =	shalt  }
0x79: {  	_ =	shalt  }
0x7a: {  	_ =	shalt  }
0x7b: {  	_ =	shalt  }
0x7c: {  	_ =	shalt  }
0x7d: {  	_ =	shalt  }
0x7e: {  	_ =	shalt  }
0x7f: {  	_ =	shalt  }
0x80: {  	_ =	shalt  }
0x81: {  	_ =	shalt  }
0x82: {  	_ =	shalt  }
0x83: {  	_ =	shalt  }
0x84: {  	_ =	shalt  }
0x85: {  	_ =	shalt  }
0x86: {  	_ =	shalt  }
0x87: {  	_ =	shalt  }
.Lfunc_end0:
.L_simem_size_0:
called_computation_lowered:
.L_overlay_start_0:
0x88: {  	s2 =	sld [smem:$0x3FD9]  }
0x89: {  	s3 =	sld [smem:$0x3FFE];
	_ =	sdelay $0x1  }
0x8a: {  	s1 =	srdreg.scid  }
0x8b: {  	s0 =	sand.u32 $0x1, s1  }
0x8c: {  	s16 =	sshll.u32 s0, $0xA;
	s2 =	sadd.s32 s3, s2  }
0x8d: {  	s2 =	sadd.s32 s2, s16  }
0x8e: {  	[smem:$0x3FB4] =	sst s2  }
0x8f: {  	_ = 	snop  }
0x90: {  	(tm) =	ssettm $0x1  }
0x91: {  	s17 =	sld [smem:$0x3FFB];
	_ =	sdelay $0x3  }
0x92: {  	_ =	strace s17  }
0x93: {  	s2 =	sld [smem:$0x3FFC];
	_ =	sdelay $0x3  }
0x94: {  	_ =	strace s2  }
0x95: {  	s2 =	sld [smem:$0x3FFD];
	_ =	sdelay $0x3  }
0x96: {  	_ =	strace s2  }
0x97: {  	_ =	strace $0x8FFFFFFF  }
0x98: {  	s18 =	sld [smem:$0x3FDB];
	_ =	sdelay $0x1  }
0x99: {  	s19 =	simm.s32 $_scs_section_size  }
0x9a: {  	s4 =	simm.s32 $_size__tile_overlayer_lowered;
	s5 =	simm.s32 $_tile_overlayer_lowered  }
0x9b: {  	s22 =	simm.s32 $0x1BFF;
	s21 =	sshll.u32 s5, $0x1;
	s2 =	sadd.s32 s19, s18  }
0x9c: {  	s6 =	simm.s32 $0x0;
	s20 =	sshll.u32 s4, $0x1;
	s4 =	sadd.s32 s21, s2  }
0x9d: {  	[timem:s6], [sflag:s22] =	dma.local [hbm:s4], s20  }
0x9e: {  	_ =	swait.ge [sflag:s22], s20  }
0x9f: {  	s3 =	ssub.s32 $0x0, s20;
	[sflag:s22] =	ssyncset.done $0x0  }
0xa0: {  	[sflag:s22] =	ssyncadd.s32 s3;
	_ =	sdelay $0x1  }
0xa1: {  	s23 =	simm.s32 $0x1B8B  }
0xa2: {  	_ =	swait.ge [sflag:s23], $0x1  }
0xa3: {  	[sflag:s23] =	ssyncset.done $0x0  }
0xa4: {  	s25 =	simm.s32 $0x1B8E;
	s24 =	sld [smem:$0x3FFE];
	[sflag:s23] =	ssyncadd.s32 $0xFFFFFFFF  }
0xa5: {  	s26 =	simm.s32 $execute0_lowered;
	[smem:$0x3FD2] =	sst s25  }
0xa6: {  	s4 =	sshll.u32 s26, $0x1;
	_ =	strace $0x80000046;
	[dreg:$0x1] =	wrdreg $0xFFFFFFFF  }
0xa7: {  	s28 =	simm.s32 $_size_execute0_lowered;
	s2 =	sadd.s32 s2, s4;
	[dreg:$0x0] =	wrdreg $0x0  }
0xa8: {  	s4 =	sshll.u32 s28, $0x1;
	[dreg:$0x2] =	wrdreg s2  }
0xa9: {  	[dreg:$0x3] =	wrdreg s4  }
0xaa: {  	[dreg:$0x4] =	wrdreg $0xC0  }
0xab: {  	_ =	task [dreg:s6], $0x5FFFF  }
0xac: {  	[dreg:$0x1] =	wrdreg $0xFFFFFFFF  }
0xad: {  	[dreg:$0x0] =	wrdreg $0x60  }
0xae: {  	[dreg:$0x2] =	wrdreg s24  }
0xaf: {  	[dreg:$0x3] =	wrdreg $0x28800  }
0xb0: {  	[dreg:$0x4] =	wrdreg $0x9  }
0xb1: {  	_ =	task.clear_ibuf [dreg:s6], $0x5FFFF;
	_ =	strace $0x90000046  }
0xb2: {  	s29 =	simm.s32 $0x9;
	_ =	strace $0x80000048  }
0xb3: {  	_ =	swait.ge [sflag:s29], $0x1  }
0xb4: {  	[sflag:s29] =	ssyncadd.s32 $0xFFFFFFFF  }
0xb5: {  	_ =	strace $0x90000048  }
0xb6: {  	_ =	sfence  }
0xb7: {  	s30 =	sld [smem:$0x0];
	_ =	sdelay $0x2  }
0xb8: {  	s31 =	sshll.u32 s1, $0xD;
	s1 =	sshrl.u32 s1, $0x2  }
0xb9: {  	s3 =	sand.u32 $0x4000, s31;
	s1 =	sadd.s32 s1, s30  }
0xba: {  	s0 =	sor.u32 s3, s0;
	s1 =	sshll.u32 s1, $0x11  }
0xbb: {  	s0 =	sor.u32 s1, s0  }
0xbc: {  	s0 =	sadd.s32 $0x8F2B, s0  }
0xbd: {  	[sflag:s0] =	ssyncadd.remote.s32 $0x1  }
0xbe: {  	_ =	sfence.sel $0xFFFF  }
0xbf: {  	[dreg:$0x0] =	wrdreg $0xFFFFFFFF;
	(pc) =	sbr.abs _section_cstart, $3  }
0xc0: {  	[dreg:$0x1] =	wrdreg $0xFFFFFFFF  }
0xc1: {  	_ =	task.clear_ibuf [dreg:s6], $0x2FFFF;
	_ =	strace $0x9FFFFFFF  }
0xc2: {  	(tm) =	ssettm $0x7FFFFFFF  }
0xc3: {  	_ =	shalt  }
tec
execute0_lowered:
.L_overlay_start_1:
0x0: {  	(tag) =	ssettag $0x1  }
0x1: {  	s4 =	rddreg [dreg:$0x0]  }
0x2: {  	s2 =	rddreg [dreg:$0x1]  }
0x3: {  	s0 =	rddreg [dreg:$0x2];
	s1 =	stileid.u32  }
0x4: {  	s5 =	srdreg.scid;
	s6 =	smul.u32 $0x14000, s1  }
0x5: {  	s3 =	simm.s32 $0x0;
	s18 =	simm.s32 $0x0;
	s12 =	smul.u32 $0x50000, s1  }
0x6: {  	s9 =	sand.u32 $0x1, s5;
	s11 =	sadd.s32 $0x4EF400, s4;
	s15 =	smul.u32 $0x4E200, s1  }
0x7: {  	[smem:$0x7FF] =	sst s3;
	s10 =	sadd.s32 $0x4F9A00, s4;
	s16 =	smul.u32 $0x4E20, s1  }
0x8: {  	s25 =	sshll.u32 s1, $0x1;
	s29 =	sshll.u32 s1, $0x6;
	s5 =	smul.u32 $0x140000, s9  }
0x9: {  	_ =	strace $0x80000047;
	s8 =	ssub.s32 $0x2, s9;
	s30 =	smul.u32 $0x2710, s9  }
0xa: {  	s17 =	smul.u32 $0x27100, s9;
	s7 =	sshrl.u32 s6, $0x3;
	s26 =	sshrl.u32 s8, $0x1  }
0xb: {  	s28 =	sshrl.u32 s12, $0x2;
	s24 =	sadd.s32 s7, s4;
	s7 =	sor.u32 s9, s25  }
0xc: {  	s5 =	sadd.s32 s6, s5;
	s8 =	ssub.s32 s8, s26;
	s14 =	smul.u32 $0x2710, s7  }
0xd: {  	s12 =	sadd.s32 s28, s2;
	s5 =	sshrl.u32 s5, $0x3;
	s7 =	smul.u32 $0x27100, s7  }
0xe: {  	s8 =	smax.u32 s8, $0x1;
	s12 =	sshrl.u32 s12, $0x3;
	s13 =	sadd.s32 s5, s4  }
0xf: {  	s4 =	sadd.s32 $0x3600, s24;
	s5 =	sor.u32 $0x1C03, s29;
	s6 =	sadd.s32 s10, s7  }
0x10: {  	s7 =	sadd.s32 $0x2B600, s13;
	s14 =	sadd.s32 $0x26E8, s14;
	s10 =	sadd.s32 s15, s10  }
0x11: {  	s13 =	sadd.s32 s30, s16;
	s15 =	simm.s32 $0x28;
	s16 =	simm.s32 $0x2  }
0x12: {  	s31 =	sshrl.u32 s14, $0x3;
	s10 =	sadd.s32 s17, s10;
	s13 =	sshrl.u32 s13, $0x3  }
0x13: {  	s14 =	simm.s32 $0x80;
	s17 =	simm.s32 $0x1480;
	s9 =	sadd.s32 s11, s31  }
0x14: {  	s10 =	sadd.s32 $0x280, s10;
	s11 =	sadd.s32 s13, s11;
	s13 =	simm.s32 $0x3  }
.LBB2_1:
0x15: {  	[spmem:s12], [sflag:s5] =	dma.local [hbm:s4], $0x2800  }
0x16: {  	_ =	swait.ge [sflag:s13], $0x2800  }
0x17: {  	[sflag:s13] =	ssyncset.done $0x0  }
0x18: {  	s19 =	smov.u32 s11;
	[sflag:s13] =	ssyncadd.s32 $0xFFFFD800  }
0x19: {  	s20 =	smov.u32 s10;
	s21 =	simm.s32 $0x0;
	[bflag:$0x0] =	sbarrier.arrive $0xFFFF  }
0x1a: {  	[tilespmem:s14], [sflag:$0x1] =	stream.linear.gather [hbm4b:s6+s3], $0x1400, $0x38;
	[tilespmem:$0x16880] =	vst v63  }
.LBB2_2:
0x1b: {  	s22 =	sand.u32 $0x1, s21  }
0x1c: {  	p0 =	seq.s32 s22, $0x1  }
0x1d: {  	s23 =	simm.s32 @!p0 $0x1  }
0x1e: {  	_ =	swait.ge @!p0 [sflag:s23], $0x1400  }
0x1f: {  	s24 =	simm.s32 @!p0 $0x1480;
	[sflag:s23] =	ssyncset.done @!p0 $0x0  }
0x20: {  	p1 =	seq.s32 @!p0 s22, $0x0;
	[sflag:s23] =	ssyncadd.s32 @!p0 $0xFFFFEC00;
	s23 =	simm.s32 @!p0 $0x0  }
0x21: {  	[tilespmem:s24], [sflag:$0x2] =	stream.linear.gather @!p0 [hbm4b:s20+s23], $0x1400, $0x38;
	[tilespmem:$0x16880] =	vst v63  }
0x22: {  	p0 =	por p0, !p1  }
0x23: {  	_ =	swait.ge @p0 [sflag:s16], $0x1400  }
0x24: {  	[sflag:s16] =	ssyncset.done @p0 $0x0  }
0x25: {  	[sflag:s16] =	ssyncadd.s32 @p0 $0xFFFFEC00  }
0x26: {  	[tilespmem:s14], [sflag:$0x1] =	stream.linear.gather @p0 [hbm4b:s20+s3], $0x1400, $0x38;
	[tilespmem:$0x16880] =	vst v63  }
0x27: {  	s22 =	smul.u32 $0x5000, s22  }
0x28: {  	[tilespmem:s3], [sflag:$0x3] =	stream.linear.gather [hbm4b:s19+s3], $0x28, $0x38;
	[tilespmem:$0x16880] =	vst v63  }
0x29: {  	s21 =	sadd.s32 $0x1, s21;
	_ =	swait.ge [sflag:s13], $0x28  }
0x2a: {  	s22 =	sshrl.u32 s22, $0x2;
	p0 =	sne.s32 s21, $0xF9;
	[sflag:s13] =	ssyncset.done $0x0  }
.Ltmp0:
0x2b: {  	s22 =	sor.u32 $0x80, s22;
	[sflag:s13] =	ssyncadd.s32 $0xFFFFFFD8;
	(pc) =	sbr.rel @p0 .LBB2_2-.Ltmp0, $4  }
0x2c: {  	[spmem:s2] =	stream.indirect.scatter.add.f32 [tilespmem:s22], [sflag:$0x3], $0x80, s3, s15, $0xb8;
	[tilespmem:$0x16880] =	vst v63  }
0x2d: {  	_ =	swait.ge [sflag:s13], $0x1400  }
0x2e: {  	[sflag:s13] =	ssyncset.done $0x0  }
0x2f: {  	s20 =	sadd.s32 $0x280, s20;
	s19 =	sadd.s32 $0x5, s19;
	[sflag:s13] =	ssyncadd.s32 $0xFFFFEC00  }
0x30: {  	_ =	swait.ge [sflag:s16], $0x1400  }
0x31: {  	[sflag:s16] =	ssyncset.done $0x0  }
0x32: {  	[sflag:s16] =	ssyncadd.s32 $0xFFFFEC00  }
0x33: {  	[tilespmem:s3], [sflag:$0x3] =	stream.linear.gather [hbm4b:s9+s3], $0x28, $0x38;
	[tilespmem:$0x16880] =	vst v63  }
0x34: {  	_ =	swait.ge [sflag:s13], $0x28  }
0x35: {  	[sflag:s13] =	ssyncset.done $0x0  }
0x36: {  	[sflag:s13] =	ssyncadd.s32 $0xFFFFFFD8  }
0x37: {  	[spmem:s2] =	stream.indirect.scatter.add.f32 [tilespmem:s17], [sflag:$0x3], $0x80, s3, s15, $0xb8;
	[tilespmem:$0x16880] =	vst v63  }
0x38: {  	_ =	swait.ge [sflag:s13], $0x1400  }
0x39: {  	s18 =	sadd.s32 $0x1, s18;
	[sflag:s13] =	ssyncset.done $0x0  }
0x3a: {  	p0 =	sne.s32 s18, s8;
	[sflag:s13] =	ssyncadd.s32 $0xFFFFEC00  }
.Ltmp1:
0x3b: {  	[bflag:$0x0] =	sbarrier.arrive $0xFFFF;
	(pc) =	sbr.rel @p0 .LBB2_1-.Ltmp1, $4  }
0x3c: {  	[hbm:s7], [sflag:s5] =	dma.local [spmem:s12], $0x2800  }
0x3d: {  	_ =	swait.ge [sflag:s13], $0x2800  }
0x3e: {  	[sflag:s13] =	ssyncset.done $0x0  }
0x3f: {  	[sflag:s13] =	ssyncadd.s32 $0xFFFFD800  }
0x40: {  	_ =	sfence.sel $0x180000  }
0x41: {  	[bflag:$0x0] =	sbarrier.arrive $0xFFFF  }
0x42: {  	p0 =	sne.s32 s1, $0x0;
	_ =	strace $0x90000047  }
0x43: {  	s0 =	sadd.s32 @!p0 $0x100000, s0;
	[bflag:$0x2] =	sbarrier.arrive $0xFFFF  }
0x44: {  	[sflag:s0] =	ssyncadd.tile.s32 @!p0 $0x1;
	_ =	shalt  }
.Lfunc_end2:
_tile_overlayer_lowered:
.L_overlay_start_2:
0x45: {  	(tag) =	ssettag $0x2  }
0x46: {  	s0 =	rddreg [dreg:$0x0];
	s2 =	stileid.u32  }
0x47: {  	s1 =	rddreg [dreg:$0x1];
	p0 =	sne.s32 s2, $0x0  }
0x48: {  	s3 =	rddreg [dreg:$0x2];
	[bflag:$0x3] =	sbarrier.arrive $0xFFFF;
	s2 =	simm.s32 @!p0 $0x1C03  }
0x49: {  	[timem:s3], [sflag:s2] =	dma.local @!p0 [hbm:s0], s1  }
0x4a: {  	s0 =	simm.s32 @!p0 $0x3  }
0x4b: {  	_ =	swait.ge @!p0 [sflag:s0], s1  }
0x4c: {  	s1 =	ssub.s32 @!p0 $0x0, s1;
	[sflag:s0] =	ssyncset.done @!p0 $0x0  }
0x4d: {  	[sflag:s0] =	ssyncadd.s32 @!p0 s1  }
0x4e: {  	[bflag:$0x3] =	sbarrier.arrive $0xFFFF  }
0x4f: {  	_ =	shalt  }

</sc_bundles>
